<compile_context>
chip_gen: v7x
topology: tpu7x:2x2x1
jax: 0.10.2.dev20260603
libtpu: 0.0.44.dev20260713+nightly
codegen_flags: <defaults>
</compile_context>

<pallas_src>
import jax
import jax.numpy as jnp
from jax import lax
from jax.experimental import pallas as pl
from jax.experimental.pallas import tpu as pltpu
from jax.experimental.pallas import tpu_sc as plsc

N = 10000
E = 320000
D = 128
H = 32

NC = 2
NS = 16
NW = NC * NS
EW = E // NW
IB = 250
NB = EW // IB
NBUF = 8
RPT = N // NS
R = 2000
GRID = N // R

_mesh = plsc.VectorSubcoreMesh(core_axis_name="c", subcore_axis_name="s")


def _deg_body(dst_hbm, out_hbm, idx_v, hist_v):
    c = lax.axis_index("c")
    s = lax.axis_index("s")
    wid = s * NC + c
    ones = jnp.full((16,), 1.0, jnp.float32)
    zeros = jnp.zeros((16,), jnp.float32)

    def zero_chunk(gi):
        @plsc.parallel_loop(0, R // 16, unroll=8)
        def _(i):
            hist_v[gi, pl.ds(i * 16, 16)] = zeros

    for t in range(2):
        for gi in range(GRID):
            zero_chunk(gi)
        pltpu.sync_copy(dst_hbm.at[t, wid], idx_v)

        @plsc.parallel_loop(0, EW // 16, unroll=8)
        def _(i):
            iv = idx_v[pl.ds(i * 16, 16)]
            row = (
                (iv >= R).astype(jnp.int32)
                + (iv >= 2 * R).astype(jnp.int32)
                + (iv >= 3 * R).astype(jnp.int32)
                + (iv >= 4 * R).astype(jnp.int32)
            )
            col = iv - row * R
            plsc.addupdate_scatter(hist_v, [row, col], ones)

        for gi in range(GRID):
            pltpu.sync_copy(hist_v.at[pl.ds(gi, 1)],
                            out_hbm.at[t, gi, pl.ds(wid, 1)])


_deg_call = pl.kernel(
    _deg_body,
    out_type=jax.ShapeDtypeStruct((2, GRID, NW, R), jnp.float32),
    mesh=_mesh,
    compiler_params=pltpu.CompilerParams(needs_layout_passes=False),
    scratch_types=[
        pltpu.VMEM((EW,), jnp.int32),
        pltpu.VMEM((GRID, R), jnp.float32),
    ],
)


def _agg_body(gn_hbm, gr_hbm, src_hbm, dst_hbm, sp_hbm,
              an_sh, ar_sh, src_v, dst_v, rows_v, gsem, ssem):
    c = lax.axis_index("c")
    s = lax.axis_index("s")
    wid = s * NC + c
    r0 = s * 1000

    @pl.when(s < 10)
    def _():
        pltpu.sync_copy(gn_hbm.at[pl.ds(r0, 1000)], an_sh.at[pl.ds(r0, 1000)])
        pltpu.sync_copy(gr_hbm.at[pl.ds(r0, 1000)], ar_sh.at[pl.ds(r0, 1000)])
    plsc.subcore_barrier()
    for t, (g_hbm, a_sh) in enumerate(((gn_hbm, an_sh), (gr_hbm, ar_sh))):
        pltpu.sync_copy(src_hbm.at[t, wid], src_v)
        pltpu.sync_copy(dst_hbm.at[t, wid], dst_v)

        for b in range(NBUF // 2):
            pltpu.async_copy(g_hbm.at[src_v.at[b]], rows_v.at[b], gsem.at[b])

        def step(j, b, bn):
            pltpu.make_async_copy(
                g_hbm.at[src_v.at[j]], rows_v.at[b], gsem.at[b]).wait()
            pltpu.async_copy(rows_v.at[b], a_sh.at[dst_v.at[j]], ssem.at[b],
                             add=True)
            jn = j + NBUF // 2

            @pl.when(jn < NB)
            def _():
                @pl.when(jn >= NBUF)
                def _():
                    pltpu.make_async_copy(
                        rows_v.at[bn], a_sh.at[dst_v.at[jn - NBUF]],
                        ssem.at[bn]).wait()
                pltpu.async_copy(
                    g_hbm.at[src_v.at[jn]], rows_v.at[bn], gsem.at[bn])

        def outer(o, carry):
            for b in range(NBUF):
                j = o * NBUF + b
                step(j, b, (b + NBUF // 2) % NBUF)
            return carry
        lax.fori_loop(0, NB // NBUF, outer, 0)

        for b in range(NBUF):
            j_last = NB - NBUF + b
            pltpu.make_async_copy(
                rows_v.at[b], a_sh.at[dst_v.at[j_last]], ssem.at[b]).wait()
    plsc.subcore_barrier()

    @pl.when(s < 10)
    def _():
        for t, a_sh in enumerate((an_sh, ar_sh)):
            pltpu.sync_copy(a_sh.at[pl.ds(r0, 1000)],
                            sp_hbm.at[c, t, pl.ds(r0, 1000)])


_agg_call = pl.kernel(
    _agg_body,
    out_type=jax.ShapeDtypeStruct((NC, 2, N, H), jnp.float32),
    mesh=_mesh,
    compiler_params=pltpu.CompilerParams(use_tc_tiling_on_sc=False),
    scratch_types=[
        pltpu.VMEM_SHARED((N, H), jnp.float32),
        pltpu.VMEM_SHARED((N, H), jnp.float32),
        pltpu.VMEM((NB, IB), jnp.int32),
        pltpu.VMEM((NB, IB), jnp.int32),
        pltpu.VMEM((NBUF, IB, H), jnp.float32),
        pltpu.SemaphoreType.DMA((NBUF,)),
        pltpu.SemaphoreType.DMA((NBUF,)),
    ],
)


def _mm_body(x_ref, w2_ref, hist_ref, gn_ref, gr_ref):
    deg = 1.0 + jnp.sum(hist_ref[...], axis=2)[:, 0, :]
    dinv = lax.rsqrt(deg)
    h = jnp.dot(x_ref[...], w2_ref[...], preferred_element_type=jnp.float32)
    gn_ref[...] = h[:, :H] * dinv[0][:, None]
    gr_ref[...] = h[:, H:] * dinv[1][:, None]


def _mm_call(x, w2, hist):
    return pl.pallas_call(
        _mm_body,
        grid=(GRID,),
        in_specs=[
            pl.BlockSpec((R, D), lambda i: (i, 0)),
            pl.BlockSpec((D, 2 * H), lambda i: (0, 0)),
            pl.BlockSpec((2, 1, NW, R), lambda i: (0, i, 0, 0)),
        ],
        out_specs=[
            pl.BlockSpec((R, H), lambda i: (i, 0)),
            pl.BlockSpec((R, H), lambda i: (i, 0)),
        ],
        out_shape=[
            jax.ShapeDtypeStruct((N, H), jnp.float32),
            jax.ShapeDtypeStruct((N, H), jnp.float32),
        ],
    )(x, w2, hist)


def _fin_body(sp_ref, gn_ref, gr_ref, hist_ref, bb_ref, lw_ref, lb_ref, out_ref):
    deg = 1.0 + jnp.sum(hist_ref[...], axis=2)[:, 0, :]
    dinv = lax.rsqrt(deg)
    sp = sp_ref[...]
    yn = (sp[0, 0] + sp[1, 0] - gn_ref[...]) * dinv[0][:, None]
    yr = (sp[0, 1] + sp[1, 1] - gr_ref[...]) * dinv[1][:, None]
    y = yn + yr + (bb_ref[0] + bb_ref[1])[None, :]
    r = jnp.maximum(y, 0.0)
    out_ref[...] = (
        jnp.dot(r, lw_ref[...], preferred_element_type=jnp.float32) + lb_ref[0, 0]
    )


def _fin_call(sp, gn, gr, hist, bb, lw, lb):
    return pl.pallas_call(
        _fin_body,
        grid=(GRID,),
        in_specs=[
            pl.BlockSpec((NC, 2, R, H), lambda i: (0, 0, i, 0)),
            pl.BlockSpec((R, H), lambda i: (i, 0)),
            pl.BlockSpec((R, H), lambda i: (i, 0)),
            pl.BlockSpec((2, 1, NW, R), lambda i: (0, i, 0, 0)),
            pl.BlockSpec((2, H), lambda i: (0, 0)),
            pl.BlockSpec((H, 1), lambda i: (0, 0)),
            pl.BlockSpec((1, 1), lambda i: (0, 0)),
        ],
        out_specs=pl.BlockSpec((R, 1), lambda i: (i, 0)),
        out_shape=jax.ShapeDtypeStruct((N, 1), jnp.float32),
    )(sp, gn, gr, hist, bb, lw, lb)


def kernel(x_house, edge_index_near, edge_index_road,
           W_near, b_near, W_road, b_road, lin_W, lin_b):
    dst2 = jnp.stack([edge_index_near[1], edge_index_road[1]]).reshape(2, NW, EW)
    hist = _deg_call(dst2)
    w2 = jnp.concatenate([W_near, W_road], axis=1)
    gn, gr = _mm_call(x_house, w2, hist)
    src4 = jnp.stack([edge_index_near[0], edge_index_road[0]]).reshape(2, NW, NB, IB)
    dst4 = dst2.reshape(2, NW, NB, IB)
    sp = _agg_call(gn, gr, src4, dst4)
    bb = jnp.stack([b_near, b_road])
    out = _fin_call(sp, gn, gr, hist, bb, lin_W, lin_b.reshape(1, 1))
    return out[:, 0]

# --- scband reference (transcript-rebuilt; emitter-appended) ---
"""Pipeline reference for scband-hetero-gnn-43645457662174 (READ-ONLY COPY).

The authoritative reference and input builder live on the scoring server;
editing this copy changes nothing except your own understanding.
"""

import jax, jax.numpy as jnp
import numpy as np

N = 10000  # house nodes
E = 320000  # edges per edge type
D = 128  # input feature dim (GCNConv lazy in_channels inferred)
H = 32   # hidden_channels


def setup_inputs(seed: int = 0) -> dict:
    key = jax.random.key(seed)
    ks = jax.random.split(key, 10)
    x_house = jax.random.normal(ks[0], (N, D), dtype=jnp.float32)
    edge_index_near = jax.random.randint(ks[1], (2, E), 0, N, dtype=jnp.int32)
    edge_index_road = jax.random.randint(ks[2], (2, E), 0, N, dtype=jnp.int32)
    # GCNConv weights per edge type (glorot-ish scale)
    W_near = jax.random.normal(ks[3], (D, H), dtype=jnp.float32) * (1.0 / np.sqrt(D))
    b_near = jnp.zeros((H,), dtype=jnp.float32)
    W_road = jax.random.normal(ks[4], (D, H), dtype=jnp.float32) * (1.0 / np.sqrt(D))
    b_road = jnp.zeros((H,), dtype=jnp.float32)
    # final Linear(hidden_channels, 1)
    lin_W = jax.random.normal(ks[5], (H, 1), dtype=jnp.float32) * (1.0 / np.sqrt(H))
    lin_b = jnp.zeros((1,), dtype=jnp.float32)
    return {
        "x_house": x_house,
        "edge_index_near": edge_index_near,
        "edge_index_road": edge_index_road,
        "W_near": W_near,
        "b_near": b_near,
        "W_road": W_road,
        "b_road": b_road,
        "lin_W": lin_W,
        "lin_b": lin_b,
    }


def _gcn_conv(x, edge_index, W, b):
    # Faithful GCNConv: add self-loops, symmetric degree normalization,
    # linear transform, scatter-add aggregation at dst, bias.
    src = edge_index[0]
    dst = edge_index[1]
    loop = jnp.arange(N, dtype=src.dtype)
    src = jnp.concatenate([src, loop])
    dst = jnp.concatenate([dst, loop])
    deg = jnp.zeros((N,), dtype=jnp.float32).at[dst].add(1.0)
    dinv = jnp.where(deg > 0, jax.lax.rsqrt(jnp.maximum(deg, 1e-12)), 0.0)
    norm = dinv[src] * dinv[dst]
    h = x @ W  # [N, H]
    msg = h[src] * norm[:, None]  # gather
    out = jnp.zeros((N, W.shape[1]), dtype=jnp.float32).at[dst].add(msg)  # scatter-add
    return out + b


def reference(x_house, edge_index_near, edge_index_road, W_near, b_near, W_road, b_road, lin_W, lin_b):
    # HeteroConv with aggr='sum' over the two ('house', *, 'house') edge types
    h = _gcn_conv(x_house, edge_index_near, W_near, b_near) \
        + _gcn_conv(x_house, edge_index_road, W_road, b_road)
    h = jax.nn.relu(h)
    # dropout is identity in eval mode (training=False)
    out = h @ lin_W + lin_b
    return out.squeeze(-1)

if __name__ == "__main__":
    import jax
    _d = setup_inputs()
    print(jax.jit(kernel)(*tuple(_d.values())))

</pallas_src>

<mosaic_0001>
#map = affine_map<(d0, d1) -> (0, 0)>
#map1 = affine_map<(d0, d1) -> (0, 0, 0, 0)>
module attributes {stable_mosaic.version = 14 : i64} {
  func.func @_agg_body(%arg0: i32, %arg1: i32, %arg2: memref<10000x32xf32, #tpu.memory_space<hbm>>, %arg3: memref<10000x32xf32, #tpu.memory_space<hbm>>, %arg4: memref<2x32x40x250xi32, #tpu.memory_space<hbm>>, %arg5: memref<2x32x40x250xi32, #tpu.memory_space<hbm>>, %arg6: memref<2x2x10000x32xf32, #tpu.memory_space<hbm>>, %arg7: memref<10000x32xf32, #tpu.memory_space<vmem_shared>>, %arg8: memref<10000x32xf32, #tpu.memory_space<vmem_shared>>, %arg9: memref<40x250xi32, #tpu.memory_space<vmem>>, %arg10: memref<40x250xi32, #tpu.memory_space<vmem>>, %arg11: memref<8x250x32xf32, #tpu.memory_space<vmem>>, %arg12: memref<8x!tpu.dma_semaphore, #tpu.memory_space<semaphore_mem>>, %arg13: memref<8x!tpu.dma_semaphore, #tpu.memory_space<semaphore_mem>>) attributes {dimension_semantics = [#tpu.dimension_semantics<core_parallel>, #tpu.dimension_semantics<subcore_parallel>], iteration_bounds = array<i64: 2, 16>, scalar_prefetch = 0 : i64, scratch_operands = 7 : i64, tpu.core_type = #tpu.core_type<sc_vector_subcore>, window_params = [{transform_indices = #map}, {transform_indices = #map}, {transform_indices = #map1}, {transform_indices = #map1}, {transform_indices = #map1}]} {
    %mul3A = arith.constant 2 : i32
    %mul3A_0 = arith.muli %arg1, %mul3A : i32
    %add3A = arith.addi %mul3A_0, %arg0 : i32
    %mul3A_1 = arith.constant 1000 : i32
    %mul3A_2 = arith.muli %arg1, %mul3A_1 : i32
    %lt3A = arith.constant 10 : i32
    %lt3A_3 = arith.cmpi slt, %arg1, %lt3A : i32
    %convert_element_type3A = arith.extui %lt3A_3 : i1 to i32
    %cond3A = arith.constant 0 : i32
    %cond3A_4 = arith.cmpi ne, %convert_element_type3A, %cond3A : i32
    scf.if %cond3A_4 {
      "tpu.region"() ({
        %run_scoped3A_383 = tpu.sem_alloc : memref<!tpu.dma_semaphore, #tpu.memory_space<semaphore_mem>>
        %dma_start3A_384 = arith.constant 0 : i32
        %dma_start3A_385 = tpu.memref_slice %arg7[%mul3A_2, %dma_start3A_384] : memref<10000x32xf32, #tpu.memory_space<vmem_shared>> -> memref<1000x32xf32, #tpu.memory_space<vmem_shared>>
        %dma_start3A_386 = arith.constant 0 : i32
        %dma_start3A_387 = tpu.memref_slice %arg2[%mul3A_2, %dma_start3A_386] : memref<10000x32xf32, #tpu.memory_space<hbm>> -> memref<1000x32xf32, #tpu.memory_space<hbm>>
        tpu.enqueue_dma source(%dma_start3A_387 : memref<1000x32xf32, #tpu.memory_space<hbm>>) target(%dma_start3A_385 : memref<1000x32xf32, #tpu.memory_space<vmem_shared>>) target_semaphore(%run_scoped3A_383 : memref<!tpu.dma_semaphore, #tpu.memory_space<semaphore_mem>>)
        %dma_wait3A_388 = arith.constant 0 : i32
        %dma_wait3A_389 = tpu.memref_slice %arg7[%mul3A_2, %dma_wait3A_388] : memref<10000x32xf32, #tpu.memory_space<vmem_shared>> -> memref<1000x32xf32, #tpu.memory_space<vmem_shared>>
        %dma_wait3A_390 = arith.constant 0 : i32
        %dma_wait3A_391 = tpu.memref_slice %arg2[%mul3A_2, %dma_wait3A_390] : memref<10000x32xf32, #tpu.memory_space<hbm>> -> memref<1000x32xf32, #tpu.memory_space<hbm>>
        tpu.wait_dma2 semaphore(%run_scoped3A_383 : memref<!tpu.dma_semaphore, #tpu.memory_space<semaphore_mem>>) src(%dma_wait3A_391 : memref<1000x32xf32, #tpu.memory_space<hbm>>) dst(%dma_wait3A_389 : memref<1000x32xf32, #tpu.memory_space<vmem_shared>>)
        tpu.yield
      }) : () -> ()
      "tpu.region"() ({
        %run_scoped3A_383 = tpu.sem_alloc : memref<!tpu.dma_semaphore, #tpu.memory_space<semaphore_mem>>
        %dma_start3A_384 = arith.constant 0 : i32
        %dma_start3A_385 = tpu.memref_slice %arg8[%mul3A_2, %dma_start3A_384] : memref<10000x32xf32, #tpu.memory_space<vmem_shared>> -> memref<1000x32xf32, #tpu.memory_space<vmem_shared>>
        %dma_start3A_386 = arith.constant 0 : i32
        %dma_start3A_387 = tpu.memref_slice %arg3[%mul3A_2, %dma_start3A_386] : memref<10000x32xf32, #tpu.memory_space<hbm>> -> memref<1000x32xf32, #tpu.memory_space<hbm>>
        tpu.enqueue_dma source(%dma_start3A_387 : memref<1000x32xf32, #tpu.memory_space<hbm>>) target(%dma_start3A_385 : memref<1000x32xf32, #tpu.memory_space<vmem_shared>>) target_semaphore(%run_scoped3A_383 : memref<!tpu.dma_semaphore, #tpu.memory_space<semaphore_mem>>)
        %dma_wait3A_388 = arith.constant 0 : i32
        %dma_wait3A_389 = tpu.memref_slice %arg8[%mul3A_2, %dma_wait3A_388] : memref<10000x32xf32, #tpu.memory_space<vmem_shared>> -> memref<1000x32xf32, #tpu.memory_space<vmem_shared>>
        %dma_wait3A_390 = arith.constant 0 : i32
        %dma_wait3A_391 = tpu.memref_slice %arg3[%mul3A_2, %dma_wait3A_390] : memref<10000x32xf32, #tpu.memory_space<hbm>> -> memref<1000x32xf32, #tpu.memory_space<hbm>>
        tpu.wait_dma2 semaphore(%run_scoped3A_383 : memref<!tpu.dma_semaphore, #tpu.memory_space<semaphore_mem>>) src(%dma_wait3A_391 : memref<1000x32xf32, #tpu.memory_space<hbm>>) dst(%dma_wait3A_389 : memref<1000x32xf32, #tpu.memory_space<vmem_shared>>)
        tpu.yield
      }) : () -> ()
    } else {
    }
    %barrier3A = arith.constant 0 : index
    tpu.barrier barrier_id(%barrier3A)
    %run_scoped3A = arith.constant 0 : i32
    "tpu.region"() ({
      %run_scoped3A_383 = tpu.sem_alloc : memref<!tpu.dma_semaphore, #tpu.memory_space<semaphore_mem>>
      %dma_start3A_384 = arith.constant 0 : i32
      %dma_start3A_385 = arith.constant 0 : i32
      %dma_start3A_386 = tpu.memref_slice %arg4[%run_scoped3A, %add3A, %dma_start3A_384, %dma_start3A_385] : memref<2x32x40x250xi32, #tpu.memory_space<hbm>> -> memref<1x1x40x250xi32, #tpu.memory_space<hbm>>
      %dma_start3A_387 = tpu.memref_squeeze %dma_start3A_386 : memref<1x1x40x250xi32, #tpu.memory_space<hbm>> -> memref<40x250xi32, #tpu.memory_space<hbm>>
      %dma_start3A_388 = arith.constant 0 : i32
      %dma_start3A_389 = arith.constant 0 : i32
      %dma_start3A_390 = tpu.memref_slice %arg4[%run_scoped3A, %add3A, %dma_start3A_388, %dma_start3A_389] : memref<2x32x40x250xi32, #tpu.memory_space<hbm>> -> memref<1x1x40x250xi32, #tpu.memory_space<hbm>>
      %dma_start3A_391 = tpu.memref_squeeze %dma_start3A_390 : memref<1x1x40x250xi32, #tpu.memory_space<hbm>> -> memref<40x250xi32, #tpu.memory_space<hbm>>
      tpu.enqueue_dma source(%dma_start3A_391 : memref<40x250xi32, #tpu.memory_space<hbm>>) target(%arg9 : memref<40x250xi32, #tpu.memory_space<vmem>>) target_semaphore(%run_scoped3A_383 : memref<!tpu.dma_semaphore, #tpu.memory_space<semaphore_mem>>)
      %dma_wait3A_392 = arith.constant 0 : i32
      %dma_wait3A_393 = arith.constant 0 : i32
      %dma_wait3A_394 = tpu.memref_slice %arg4[%run_scoped3A, %add3A, %dma_wait3A_392, %dma_wait3A_393] : memref<2x32x40x250xi32, #tpu.memory_space<hbm>> -> memref<1x1x40x250xi32, #tpu.memory_space<hbm>>
      %dma_wait3A_395 = tpu.memref_squeeze %dma_wait3A_394 : memref<1x1x40x250xi32, #tpu.memory_space<hbm>> -> memref<40x250xi32, #tpu.memory_space<hbm>>
      %dma_wait3A_396 = arith.constant 0 : i32
      %dma_wait3A_397 = arith.constant 0 : i32
      %dma_wait3A_398 = tpu.memref_slice %arg4[%run_scoped3A, %add3A, %dma_wait3A_396, %dma_wait3A_397] : memref<2x32x40x250xi32, #tpu.memory_space<hbm>> -> memref<1x1x40x250xi32, #tpu.memory_space<hbm>>
      %dma_wait3A_399 = tpu.memref_squeeze %dma_wait3A_398 : memref<1x1x40x250xi32, #tpu.memory_space<hbm>> -> memref<40x250xi32, #tpu.memory_space<hbm>>
      tpu.wait_dma2 semaphore(%run_scoped3A_383 : memref<!tpu.dma_semaphore, #tpu.memory_space<semaphore_mem>>) src(%dma_wait3A_399 : memref<40x250xi32, #tpu.memory_space<hbm>>) dst(%arg9 : memref<40x250xi32, #tpu.memory_space<vmem>>)
      tpu.yield
    }) : () -> ()
    %run_scoped3A_5 = arith.constant 0 : i32
    "tpu.region"() ({
      %run_scoped3A_383 = tpu.sem_alloc : memref<!tpu.dma_semaphore, #tpu.memory_space<semaphore_mem>>
      %dma_start3A_384 = arith.constant 0 : i32
      %dma_start3A_385 = arith.constant 0 : i32
      %dma_start3A_386 = tpu.memref_slice %arg5[%run_scoped3A_5, %add3A, %dma_start3A_384, %dma_start3A_385] : memref<2x32x40x250xi32, #tpu.memory_space<hbm>> -> memref<1x1x40x250xi32, #tpu.memory_space<hbm>>
      %dma_start3A_387 = tpu.memref_squeeze %dma_start3A_386 : memref<1x1x40x250xi32, #tpu.memory_space<hbm>> -> memref<40x250xi32, #tpu.memory_space<hbm>>
      %dma_start3A_388 = arith.constant 0 : i32
      %dma_start3A_389 = arith.constant 0 : i32
      %dma_start3A_390 = tpu.memref_slice %arg5[%run_scoped3A_5, %add3A, %dma_start3A_388, %dma_start3A_389] : memref<2x32x40x250xi32, #tpu.memory_space<hbm>> -> memref<1x1x40x250xi32, #tpu.memory_space<hbm>>
      %dma_start3A_391 = tpu.memref_squeeze %dma_start3A_390 : memref<1x1x40x250xi32, #tpu.memory_space<hbm>> -> memref<40x250xi32, #tpu.memory_space<hbm>>
      tpu.enqueue_dma source(%dma_start3A_391 : memref<40x250xi32, #tpu.memory_space<hbm>>) target(%arg10 : memref<40x250xi32, #tpu.memory_space<vmem>>) target_semaphore(%run_scoped3A_383 : memref<!tpu.dma_semaphore, #tpu.memory_space<semaphore_mem>>)
      %dma_wait3A_392 = arith.constant 0 : i32
      %dma_wait3A_393 = arith.constant 0 : i32
      %dma_wait3A_394 = tpu.memref_slice %arg5[%run_scoped3A_5, %add3A, %dma_wait3A_392, %dma_wait3A_393] : memref<2x32x40x250xi32, #tpu.memory_space<hbm>> -> memref<1x1x40x250xi32, #tpu.memory_space<hbm>>
      %dma_wait3A_395 = tpu.memref_squeeze %dma_wait3A_394 : memref<1x1x40x250xi32, #tpu.memory_space<hbm>> -> memref<40x250xi32, #tpu.memory_space<hbm>>
      %dma_wait3A_396 = arith.constant 0 : i32
      %dma_wait3A_397 = arith.constant 0 : i32
      %dma_wait3A_398 = tpu.memref_slice %arg5[%run_scoped3A_5, %add3A, %dma_wait3A_396, %dma_wait3A_397] : memref<2x32x40x250xi32, #tpu.memory_space<hbm>> -> memref<1x1x40x250xi32, #tpu.memory_space<hbm>>
      %dma_wait3A_399 = tpu.memref_squeeze %dma_wait3A_398 : memref<1x1x40x250xi32, #tpu.memory_space<hbm>> -> memref<40x250xi32, #tpu.memory_space<hbm>>
      tpu.wait_dma2 semaphore(%run_scoped3A_383 : memref<!tpu.dma_semaphore, #tpu.memory_space<semaphore_mem>>) src(%dma_wait3A_399 : memref<40x250xi32, #tpu.memory_space<hbm>>) dst(%arg10 : memref<40x250xi32, #tpu.memory_space<vmem>>)
      tpu.yield
    }) : () -> ()
    %dma_start3A = arith.constant 0 : i32
    %dma_start3A_6 = arith.constant 0 : i32
    %dma_start3A_7 = arith.constant 0 : i32
    %dma_start3A_8 = arith.constant 0 : i32
    %dma_start3A_9 = arith.constant 0 : i32
    %dma_start3A_10 = tpu.memref_slice %arg11[%dma_start3A_6, %dma_start3A_8, %dma_start3A_9] : memref<8x250x32xf32, #tpu.memory_space<vmem>> -> memref<1x250x32xf32, #tpu.memory_space<vmem>>
    %dma_start3A_11 = tpu.memref_squeeze %dma_start3A_10 : memref<1x250x32xf32, #tpu.memory_space<vmem>> -> memref<250x32xf32, #tpu.memory_space<vmem>>
    %dma_start3A_12 = arith.constant 0 : i32
    %dma_start3A_13 = tpu.memref_slice %arg9[%dma_start3A, %dma_start3A_12] : memref<40x250xi32, #tpu.memory_space<vmem>> -> memref<1x250xi32, #tpu.memory_space<vmem>>
    %dma_start3A_14 = tpu.memref_squeeze %dma_start3A_13 : memref<1x250xi32, #tpu.memory_space<vmem>> -> memref<250xi32, #tpu.memory_space<vmem>>
    %dma_start3A_15 = arith.constant 0 : i32
    %dma_start3A_16 = arith.constant 0 : i32
    %dma_start3A_17 = tpu.memref_slice %arg2[%dma_start3A_15, %dma_start3A_16] : memref<10000x32xf32, #tpu.memory_space<hbm>> -> memref<10000x32xf32, #tpu.memory_space<hbm>>
    %dma_start3A_18 = tpu.memref_slice %arg12[%dma_start3A_7] : memref<8x!tpu.dma_semaphore, #tpu.memory_space<semaphore_mem>> -> memref<1x!tpu.dma_semaphore, #tpu.memory_space<semaphore_mem>>
    %dma_start3A_19 = tpu.memref_squeeze %dma_start3A_18 : memref<1x!tpu.dma_semaphore, #tpu.memory_space<semaphore_mem>> -> memref<!tpu.dma_semaphore, #tpu.memory_space<semaphore_mem>>
    tpu.enqueue_indirect_dma source(%dma_start3A_17 : memref<10000x32xf32, #tpu.memory_space<hbm>>) target(%dma_start3A_11 : memref<250x32xf32, #tpu.memory_space<vmem>>) offsets(%dma_start3A_14 : memref<250xi32, #tpu.memory_space<vmem>>) semaphore(%dma_start3A_19 : memref<!tpu.dma_semaphore, #tpu.memory_space<semaphore_mem>>)
    %dma_start3A_20 = arith.constant 1 : i32
    %dma_start3A_21 = arith.constant 1 : i32
    %dma_start3A_22 = arith.constant 1 : i32
    %dma_start3A_23 = arith.constant 0 : i32
    %dma_start3A_24 = arith.constant 0 : i32
    %dma_start3A_25 = tpu.memref_slice %arg11[%dma_start3A_21, %dma_start3A_23, %dma_start3A_24] : memref<8x250x32xf32, #tpu.memory_space<vmem>> -> memref<1x250x32xf32, #tpu.memory_space<vmem>>
    %dma_start3A_26 = tpu.memref_squeeze %dma_start3A_25 : memref<1x250x32xf32, #tpu.memory_space<vmem>> -> memref<250x32xf32, #tpu.memory_space<vmem>>
    %dma_start3A_27 = arith.constant 0 : i32
    %dma_start3A_28 = tpu.memref_slice %arg9[%dma_start3A_20, %dma_start3A_27] : memref<40x250xi32, #tpu.memory_space<vmem>> -> memref<1x250xi32, #tpu.memory_space<vmem>>
    %dma_start3A_29 = tpu.memref_squeeze %dma_start3A_28 : memref<1x250xi32, #tpu.memory_space<vmem>> -> memref<250xi32, #tpu.memory_space<vmem>>
    %dma_start3A_30 = arith.constant 0 : i32
    %dma_start3A_31 = arith.constant 0 : i32
    %dma_start3A_32 = tpu.memref_slice %arg2[%dma_start3A_30, %dma_start3A_31] : memref<10000x32xf32, #tpu.memory_space<hbm>> -> memref<10000x32xf32, #tpu.memory_space<hbm>>
    %dma_start3A_33 = tpu.memref_slice %arg12[%dma_start3A_22] : memref<8x!tpu.dma_semaphore, #tpu.memory_space<semaphore_mem>> -> memref<1x!tpu.dma_semaphore, #tpu.memory_space<semaphore_mem>>
    %dma_start3A_34 = tpu.memref_squeeze %dma_start3A_33 : memref<1x!tpu.dma_semaphore, #tpu.memory_space<semaphore_mem>> -> memref<!tpu.dma_semaphore, #tpu.memory_space<semaphore_mem>>
    tpu.enqueue_indirect_dma source(%dma_start3A_32 : memref<10000x32xf32, #tpu.memory_space<hbm>>) target(%dma_start3A_26 : memref<250x32xf32, #tpu.memory_space<vmem>>) offsets(%dma_start3A_29 : memref<250xi32, #tpu.memory_space<vmem>>) semaphore(%dma_start3A_34 : memref<!tpu.dma_semaphore, #tpu.memory_space<semaphore_mem>>)
    %dma_start3A_35 = arith.constant 2 : i32
    %dma_start3A_36 = arith.constant 2 : i32
    %dma_start3A_37 = arith.constant 2 : i32
    %dma_start3A_38 = arith.constant 0 : i32
    %dma_start3A_39 = arith.constant 0 : i32
    %dma_start3A_40 = tpu.memref_slice %arg11[%dma_start3A_36, %dma_start3A_38, %dma_start3A_39] : memref<8x250x32xf32, #tpu.memory_space<vmem>> -> memref<1x250x32xf32, #tpu.memory_space<vmem>>
    %dma_start3A_41 = tpu.memref_squeeze %dma_start3A_40 : memref<1x250x32xf32, #tpu.memory_space<vmem>> -> memref<250x32xf32, #tpu.memory_space<vmem>>
    %dma_start3A_42 = arith.constant 0 : i32
    %dma_start3A_43 = tpu.memref_slice %arg9[%dma_start3A_35, %dma_start3A_42] : memref<40x250xi32, #tpu.memory_space<vmem>> -> memref<1x250xi32, #tpu.memory_space<vmem>>
    %dma_start3A_44 = tpu.memref_squeeze %dma_start3A_43 : memref<1x250xi32, #tpu.memory_space<vmem>> -> memref<250xi32, #tpu.memory_space<vmem>>
    %dma_start3A_45 = arith.constant 0 : i32
    %dma_start3A_46 = arith.constant 0 : i32
    %dma_start3A_47 = tpu.memref_slice %arg2[%dma_start3A_45, %dma_start3A_46] : memref<10000x32xf32, #tpu.memory_space<hbm>> -> memref<10000x32xf32, #tpu.memory_space<hbm>>
    %dma_start3A_48 = tpu.memref_slice %arg12[%dma_start3A_37] : memref<8x!tpu.dma_semaphore, #tpu.memory_space<semaphore_mem>> -> memref<1x!tpu.dma_semaphore, #tpu.memory_space<semaphore_mem>>
    %dma_start3A_49 = tpu.memref_squeeze %dma_start3A_48 : memref<1x!tpu.dma_semaphore, #tpu.memory_space<semaphore_mem>> -> memref<!tpu.dma_semaphore, #tpu.memory_space<semaphore_mem>>
    tpu.enqueue_indirect_dma source(%dma_start3A_47 : memref<10000x32xf32, #tpu.memory_space<hbm>>) target(%dma_start3A_41 : memref<250x32xf32, #tpu.memory_space<vmem>>) offsets(%dma_start3A_44 : memref<250xi32, #tpu.memory_space<vmem>>) semaphore(%dma_start3A_49 : memref<!tpu.dma_semaphore, #tpu.memory_space<semaphore_mem>>)
    %dma_start3A_50 = arith.constant 3 : i32
    %dma_start3A_51 = arith.constant 3 : i32
    %dma_start3A_52 = arith.constant 3 : i32
    %dma_start3A_53 = arith.constant 0 : i32
    %dma_start3A_54 = arith.constant 0 : i32
    %dma_start3A_55 = tpu.memref_slice %arg11[%dma_start3A_51, %dma_start3A_53, %dma_start3A_54] : memref<8x250x32xf32, #tpu.memory_space<vmem>> -> memref<1x250x32xf32, #tpu.memory_space<vmem>>
    %dma_start3A_56 = tpu.memref_squeeze %dma_start3A_55 : memref<1x250x32xf32, #tpu.memory_space<vmem>> -> memref<250x32xf32, #tpu.memory_space<vmem>>
    %dma_start3A_57 = arith.constant 0 : i32
    %dma_start3A_58 = tpu.memref_slice %arg9[%dma_start3A_50, %dma_start3A_57] : memref<40x250xi32, #tpu.memory_space<vmem>> -> memref<1x250xi32, #tpu.memory_space<vmem>>
    %dma_start3A_59 = tpu.memref_squeeze %dma_start3A_58 : memref<1x250xi32, #tpu.memory_space<vmem>> -> memref<250xi32, #tpu.memory_space<vmem>>
    %dma_start3A_60 = arith.constant 0 : i32
    %dma_start3A_61 = arith.constant 0 : i32
    %dma_start3A_62 = tpu.memref_slice %arg2[%dma_start3A_60, %dma_start3A_61] : memref<10000x32xf32, #tpu.memory_space<hbm>> -> memref<10000x32xf32, #tpu.memory_space<hbm>>
    %dma_start3A_63 = tpu.memref_slice %arg12[%dma_start3A_52] : memref<8x!tpu.dma_semaphore, #tpu.memory_space<semaphore_mem>> -> memref<1x!tpu.dma_semaphore, #tpu.memory_space<semaphore_mem>>
    %dma_start3A_64 = tpu.memref_squeeze %dma_start3A_63 : memref<1x!tpu.dma_semaphore, #tpu.memory_space<semaphore_mem>> -> memref<!tpu.dma_semaphore, #tpu.memory_space<semaphore_mem>>
    tpu.enqueue_indirect_dma source(%dma_start3A_62 : memref<10000x32xf32, #tpu.memory_space<hbm>>) target(%dma_start3A_56 : memref<250x32xf32, #tpu.memory_space<vmem>>) offsets(%dma_start3A_59 : memref<250xi32, #tpu.memory_space<vmem>>) semaphore(%dma_start3A_64 : memref<!tpu.dma_semaphore, #tpu.memory_space<semaphore_mem>>)
    %scan3A = arith.constant 0 : i32
    %scan3A_65 = arith.constant 0 : i32
    %scan3A_66 = arith.constant 5 : i32
    %scan3A_67 = arith.addi %scan3A_65, %scan3A_66 : i32
    %scan3A_68 = arith.constant 1 : i32
    scf.for %scan3A_383 = %scan3A_65 to %scan3A_67 step %scan3A_68  : i32 {
      %mul3A_384 = arith.constant 8 : i32
      %mul3A_385 = arith.muli %scan3A_383, %mul3A_384 : i32
      %add3A_386 = arith.constant 0 : i32
      %add3A_387 = arith.addi %mul3A_385, %add3A_386 : i32
      %dma_wait3A_388 = arith.constant 0 : i32
      %dma_wait3A_389 = arith.constant 0 : i32
      %dma_wait3A_390 = arith.constant 0 : i32
      %dma_wait3A_391 = arith.constant 0 : i32
      %dma_wait3A_392 = tpu.memref_slice %arg11[%dma_wait3A_388, %dma_wait3A_390, %dma_wait3A_391] : memref<8x250x32xf32, #tpu.memory_space<vmem>> -> memref<1x250x32xf32, #tpu.memory_space<vmem>>
      %dma_wait3A_393 = tpu.memref_squeeze %dma_wait3A_392 : memref<1x250x32xf32, #tpu.memory_space<vmem>> -> memref<250x32xf32, #tpu.memory_space<vmem>>
      %dma_wait3A_394 = arith.constant 0 : i32
      %dma_wait3A_395 = tpu.memref_slice %arg9[%add3A_387, %dma_wait3A_394] : memref<40x250xi32, #tpu.memory_space<vmem>> -> memref<1x250xi32, #tpu.memory_space<vmem>>
      %dma_wait3A_396 = tpu.memref_squeeze %dma_wait3A_395 : memref<1x250xi32, #tpu.memory_space<vmem>> -> memref<250xi32, #tpu.memory_space<vmem>>
      %dma_wait3A_397 = arith.constant 0 : i32
      %dma_wait3A_398 = arith.constant 0 : i32
      %dma_wait3A_399 = tpu.memref_slice %arg2[%dma_wait3A_397, %dma_wait3A_398] : memref<10000x32xf32, #tpu.memory_space<hbm>> -> memref<10000x32xf32, #tpu.memory_space<hbm>>
      %dma_wait3A_400 = tpu.memref_slice %arg12[%dma_wait3A_389] : memref<8x!tpu.dma_semaphore, #tpu.memory_space<semaphore_mem>> -> memref<1x!tpu.dma_semaphore, #tpu.memory_space<semaphore_mem>>
      %dma_wait3A_401 = tpu.memref_squeeze %dma_wait3A_400 : memref<1x!tpu.dma_semaphore, #tpu.memory_space<semaphore_mem>> -> memref<!tpu.dma_semaphore, #tpu.memory_space<semaphore_mem>>
      tpu.wait_indirect_dma semaphore(%dma_wait3A_401 : memref<!tpu.dma_semaphore, #tpu.memory_space<semaphore_mem>>) src(%dma_wait3A_399 : memref<10000x32xf32, #tpu.memory_space<hbm>>) dst(%dma_wait3A_393 : memref<250x32xf32, #tpu.memory_space<vmem>>)
      %dma_start3A_402 = arith.constant 0 : i32
      %dma_start3A_403 = arith.constant 0 : i32
      %dma_start3A_404 = arith.constant 0 : i32
      %dma_start3A_405 = arith.constant 0 : i32
      %dma_start3A_406 = tpu.memref_slice %arg11[%dma_start3A_402, %dma_start3A_404, %dma_start3A_405] : memref<8x250x32xf32, #tpu.memory_space<vmem>> -> memref<1x250x32xf32, #tpu.memory_space<vmem>>
      %dma_start3A_407 = tpu.memref_squeeze %dma_start3A_406 : memref<1x250x32xf32, #tpu.memory_space<vmem>> -> memref<250x32xf32, #tpu.memory_space<vmem>>
      %dma_start3A_408 = arith.constant 0 : i32
      %dma_start3A_409 = tpu.memref_slice %arg10[%add3A_387, %dma_start3A_408] : memref<40x250xi32, #tpu.memory_space<vmem>> -> memref<1x250xi32, #tpu.memory_space<vmem>>
      %dma_start3A_410 = tpu.memref_squeeze %dma_start3A_409 : memref<1x250xi32, #tpu.memory_space<vmem>> -> memref<250xi32, #tpu.memory_space<vmem>>
      %dma_start3A_411 = arith.constant 0 : i32
      %dma_start3A_412 = arith.constant 0 : i32
      %dma_start3A_413 = tpu.memref_slice %arg7[%dma_start3A_411, %dma_start3A_412] : memref<10000x32xf32, #tpu.memory_space<vmem_shared>> -> memref<10000x32xf32, #tpu.memory_space<vmem_shared>>
      %dma_start3A_414 = tpu.memref_slice %arg13[%dma_start3A_403] : memref<8x!tpu.dma_semaphore, #tpu.memory_space<semaphore_mem>> -> memref<1x!tpu.dma_semaphore, #tpu.memory_space<semaphore_mem>>
      %dma_start3A_415 = tpu.memref_squeeze %dma_start3A_414 : memref<1x!tpu.dma_semaphore, #tpu.memory_space<semaphore_mem>> -> memref<!tpu.dma_semaphore, #tpu.memory_space<semaphore_mem>>
      tpu.enqueue_indirect_dma source(%dma_start3A_407 : memref<250x32xf32, #tpu.memory_space<vmem>>) target(%dma_start3A_413 : memref<10000x32xf32, #tpu.memory_space<vmem_shared>>) offsets(%dma_start3A_410 : memref<250xi32, #tpu.memory_space<vmem>>) semaphore(%dma_start3A_415 : memref<!tpu.dma_semaphore, #tpu.memory_space<semaphore_mem>>) {add = true}
      %add3A_416 = arith.constant 4 : i32
      %add3A_417 = arith.addi %add3A_387, %add3A_416 : i32
      %lt3A_418 = arith.constant 40 : i32
      %lt3A_419 = arith.cmpi slt, %add3A_417, %lt3A_418 : i32
      %convert_element_type3A_420 = arith.extui %lt3A_419 : i1 to i32
      %cond3A_421 = arith.constant 0 : i32
      %cond3A_422 = arith.cmpi ne, %convert_element_type3A_420, %cond3A_421 : i32
      scf.if %cond3A_422 {
        %ge3A = arith.constant 8 : i32
        %ge3A_696 = arith.cmpi sge, %add3A_417, %ge3A : i32
        %convert_element_type3A_697 = arith.extui %ge3A_696 : i1 to i32
        %cond3A_698 = arith.constant 0 : i32
        %cond3A_699 = arith.cmpi ne, %convert_element_type3A_697, %cond3A_698 : i32
        scf.if %cond3A_699 {
          %sub3A = arith.constant 8 : i32
          %sub3A_714 = arith.subi %add3A_417, %sub3A : i32
          %dma_wait3A_715 = arith.constant 4 : i32
          %dma_wait3A_716 = arith.constant 4 : i32
          %dma_wait3A_717 = arith.constant 0 : i32
          %dma_wait3A_718 = arith.constant 0 : i32
          %dma_wait3A_719 = tpu.memref_slice %arg11[%dma_wait3A_715, %dma_wait3A_717, %dma_wait3A_718] : memref<8x250x32xf32, #tpu.memory_space<vmem>> -> memref<1x250x32xf32, #tpu.memory_space<vmem>>
          %dma_wait3A_720 = tpu.memref_squeeze %dma_wait3A_719 : memref<1x250x32xf32, #tpu.memory_space<vmem>> -> memref<250x32xf32, #tpu.memory_space<vmem>>
          %dma_wait3A_721 = arith.constant 0 : i32
          %dma_wait3A_722 = tpu.memref_slice %arg10[%sub3A_714, %dma_wait3A_721] : memref<40x250xi32, #tpu.memory_space<vmem>> -> memref<1x250xi32, #tpu.memory_space<vmem>>
          %dma_wait3A_723 = tpu.memref_squeeze %dma_wait3A_722 : memref<1x250xi32, #tpu.memory_space<vmem>> -> memref<250xi32, #tpu.memory_space<vmem>>
          %dma_wait3A_724 = arith.constant 0 : i32
          %dma_wait3A_725 = arith.constant 0 : i32
          %dma_wait3A_726 = tpu.memref_slice %arg7[%dma_wait3A_724, %dma_wait3A_725] : memref<10000x32xf32, #tpu.memory_space<vmem_shared>> -> memref<10000x32xf32, #tpu.memory_space<vmem_shared>>
          %dma_wait3A_727 = tpu.memref_slice %arg13[%dma_wait3A_716] : memref<8x!tpu.dma_semaphore, #tpu.memory_space<semaphore_mem>> -> memref<1x!tpu.dma_semaphore, #tpu.memory_space<semaphore_mem>>
          %dma_wait3A_728 = tpu.memref_squeeze %dma_wait3A_727 : memref<1x!tpu.dma_semaphore, #tpu.memory_space<semaphore_mem>> -> memref<!tpu.dma_semaphore, #tpu.memory_space<semaphore_mem>>
          tpu.wait_indirect_dma semaphore(%dma_wait3A_728 : memref<!tpu.dma_semaphore, #tpu.memory_space<semaphore_mem>>) src(%dma_wait3A_720 : memref<250x32xf32, #tpu.memory_space<vmem>>) dst(%dma_wait3A_726 : memref<10000x32xf32, #tpu.memory_space<vmem_shared>>)
        } else {
        }
        %dma_start3A_700 = arith.constant 4 : i32
        %dma_start3A_701 = arith.constant 4 : i32
        %dma_start3A_702 = arith.constant 0 : i32
        %dma_start3A_703 = arith.constant 0 : i32
        %dma_start3A_704 = tpu.memref_slice %arg11[%dma_start3A_700, %dma_start3A_702, %dma_start3A_703] : memref<8x250x32xf32, #tpu.memory_space<vmem>> -> memref<1x250x32xf32, #tpu.memory_space<vmem>>
        %dma_start3A_705 = tpu.memref_squeeze %dma_start3A_704 : memref<1x250x32xf32, #tpu.memory_space<vmem>> -> memref<250x32xf32, #tpu.memory_space<vmem>>
        %dma_start3A_706 = arith.constant 0 : i32
        %dma_start3A_707 = tpu.memref_slice %arg9[%add3A_417, %dma_start3A_706] : memref<40x250xi32, #tpu.memory_space<vmem>> -> memref<1x250xi32, #tpu.memory_space<vmem>>
        %dma_start3A_708 = tpu.memref_squeeze %dma_start3A_707 : memref<1x250xi32, #tpu.memory_space<vmem>> -> memref<250xi32, #tpu.memory_space<vmem>>
        %dma_start3A_709 = arith.constant 0 : i32
        %dma_start3A_710 = arith.constant 0 : i32
        %dma_start3A_711 = tpu.memref_slice %arg2[%dma_start3A_709, %dma_start3A_710] : memref<10000x32xf32, #tpu.memory_space<hbm>> -> memref<10000x32xf32, #tpu.memory_space<hbm>>
        %dma_start3A_712 = tpu.memref_slice %arg12[%dma_start3A_701] : memref<8x!tpu.dma_semaphore, #tpu.memory_space<semaphore_mem>> -> memref<1x!tpu.dma_semaphore, #tpu.memory_space<semaphore_mem>>
        %dma_start3A_713 = tpu.memref_squeeze %dma_start3A_712 : memref<1x!tpu.dma_semaphore, #tpu.memory_space<semaphore_mem>> -> memref<!tpu.dma_semaphore, #tpu.memory_space<semaphore_mem>>
        tpu.enqueue_indirect_dma source(%dma_start3A_711 : memref<10000x32xf32, #tpu.memory_space<hbm>>) target(%dma_start3A_705 : memref<250x32xf32, #tpu.memory_space<vmem>>) offsets(%dma_start3A_708 : memref<250xi32, #tpu.memory_space<vmem>>) semaphore(%dma_start3A_713 : memref<!tpu.dma_semaphore, #tpu.memory_space<semaphore_mem>>)
      } else {
      }
      %mul3A_423 = arith.constant 8 : i32
      %mul3A_424 = arith.muli %scan3A_383, %mul3A_423 : i32
      %add3A_425 = arith.constant 1 : i32
      %add3A_426 = arith.addi %mul3A_424, %add3A_425 : i32
      %dma_wait3A_427 = arith.constant 1 : i32
      %dma_wait3A_428 = arith.constant 1 : i32
      %dma_wait3A_429 = arith.constant 0 : i32
      %dma_wait3A_430 = arith.constant 0 : i32
      %dma_wait3A_431 = tpu.memref_slice %arg11[%dma_wait3A_427, %dma_wait3A_429, %dma_wait3A_430] : memref<8x250x32xf32, #tpu.memory_space<vmem>> -> memref<1x250x32xf32, #tpu.memory_space<vmem>>
      %dma_wait3A_432 = tpu.memref_squeeze %dma_wait3A_431 : memref<1x250x32xf32, #tpu.memory_space<vmem>> -> memref<250x32xf32, #tpu.memory_space<vmem>>
      %dma_wait3A_433 = arith.constant 0 : i32
      %dma_wait3A_434 = tpu.memref_slice %arg9[%add3A_426, %dma_wait3A_433] : memref<40x250xi32, #tpu.memory_space<vmem>> -> memref<1x250xi32, #tpu.memory_space<vmem>>
      %dma_wait3A_435 = tpu.memref_squeeze %dma_wait3A_434 : memref<1x250xi32, #tpu.memory_space<vmem>> -> memref<250xi32, #tpu.memory_space<vmem>>
      %dma_wait3A_436 = arith.constant 0 : i32
      %dma_wait3A_437 = arith.constant 0 : i32
      %dma_wait3A_438 = tpu.memref_slice %arg2[%dma_wait3A_436, %dma_wait3A_437] : memref<10000x32xf32, #tpu.memory_space<hbm>> -> memref<10000x32xf32, #tpu.memory_space<hbm>>
      %dma_wait3A_439 = tpu.memref_slice %arg12[%dma_wait3A_428] : memref<8x!tpu.dma_semaphore, #tpu.memory_space<semaphore_mem>> -> memref<1x!tpu.dma_semaphore, #tpu.memory_space<semaphore_mem>>
      %dma_wait3A_440 = tpu.memref_squeeze %dma_wait3A_439 : memref<1x!tpu.dma_semaphore, #tpu.memory_space<semaphore_mem>> -> memref<!tpu.dma_semaphore, #tpu.memory_space<semaphore_mem>>
      tpu.wait_indirect_dma semaphore(%dma_wait3A_440 : memref<!tpu.dma_semaphore, #tpu.memory_space<semaphore_mem>>) src(%dma_wait3A_438 : memref<10000x32xf32, #tpu.memory_space<hbm>>) dst(%dma_wait3A_432 : memref<250x32xf32, #tpu.memory_space<vmem>>)
      %dma_start3A_441 = arith.constant 1 : i32
      %dma_start3A_442 = arith.constant 1 : i32
      %dma_start3A_443 = arith.constant 0 : i32
      %dma_start3A_444 = arith.constant 0 : i32
      %dma_start3A_445 = tpu.memref_slice %arg11[%dma_start3A_441, %dma_start3A_443, %dma_start3A_444] : memref<8x250x32xf32, #tpu.memory_space<vmem>> -> memref<1x250x32xf32, #tpu.memory_space<vmem>>
      %dma_start3A_446 = tpu.memref_squeeze %dma_start3A_445 : memref<1x250x32xf32, #tpu.memory_space<vmem>> -> memref<250x32xf32, #tpu.memory_space<vmem>>
      %dma_start3A_447 = arith.constant 0 : i32
      %dma_start3A_448 = tpu.memref_slice %arg10[%add3A_426, %dma_start3A_447] : memref<40x250xi32, #tpu.memory_space<vmem>> -> memref<1x250xi32, #tpu.memory_space<vmem>>
      %dma_start3A_449 = tpu.memref_squeeze %dma_start3A_448 : memref<1x250xi32, #tpu.memory_space<vmem>> -> memref<250xi32, #tpu.memory_space<vmem>>
      %dma_start3A_450 = arith.constant 0 : i32
      %dma_start3A_451 = arith.constant 0 : i32
      %dma_start3A_452 = tpu.memref_slice %arg7[%dma_start3A_450, %dma_start3A_451] : memref<10000x32xf32, #tpu.memory_space<vmem_shared>> -> memref<10000x32xf32, #tpu.memory_space<vmem_shared>>
      %dma_start3A_453 = tpu.memref_slice %arg13[%dma_start3A_442] : memref<8x!tpu.dma_semaphore, #tpu.memory_space<semaphore_mem>> -> memref<1x!tpu.dma_semaphore, #tpu.memory_space<semaphore_mem>>
      %dma_start3A_454 = tpu.memref_squeeze %dma_start3A_453 : memref<1x!tpu.dma_semaphore, #tpu.memory_space<semaphore_mem>> -> memref<!tpu.dma_semaphore, #tpu.memory_space<semaphore_mem>>
      tpu.enqueue_indirect_dma source(%dma_start3A_446 : memref<250x32xf32, #tpu.memory_space<vmem>>) target(%dma_start3A_452 : memref<10000x32xf32, #tpu.memory_space<vmem_shared>>) offsets(%dma_start3A_449 : memref<250xi32, #tpu.memory_space<vmem>>) semaphore(%dma_start3A_454 : memref<!tpu.dma_semaphore, #tpu.memory_space<semaphore_mem>>) {add = true}
      %add3A_455 = arith.constant 4 : i32
      %add3A_456 = arith.addi %add3A_426, %add3A_455 : i32
      %lt3A_457 = arith.constant 40 : i32
      %lt3A_458 = arith.cmpi slt, %add3A_456, %lt3A_457 : i32
      %convert_element_type3A_459 = arith.extui %lt3A_458 : i1 to i32
      %cond3A_460 = arith.constant 0 : i32
      %cond3A_461 = arith.cmpi ne, %convert_element_type3A_459, %cond3A_460 : i32
      scf.if %cond3A_461 {
        %ge3A = arith.constant 8 : i32
        %ge3A_696 = arith.cmpi sge, %add3A_456, %ge3A : i32
        %convert_element_type3A_697 = arith.extui %ge3A_696 : i1 to i32
        %cond3A_698 = arith.constant 0 : i32
        %cond3A_699 = arith.cmpi ne, %convert_element_type3A_697, %cond3A_698 : i32
        scf.if %cond3A_699 {
          %sub3A = arith.constant 8 : i32
          %sub3A_714 = arith.subi %add3A_456, %sub3A : i32
          %dma_wait3A_715 = arith.constant 5 : i32
          %dma_wait3A_716 = arith.constant 5 : i32
          %dma_wait3A_717 = arith.constant 0 : i32
          %dma_wait3A_718 = arith.constant 0 : i32
          %dma_wait3A_719 = tpu.memref_slice %arg11[%dma_wait3A_715, %dma_wait3A_717, %dma_wait3A_718] : memref<8x250x32xf32, #tpu.memory_space<vmem>> -> memref<1x250x32xf32, #tpu.memory_space<vmem>>
          %dma_wait3A_720 = tpu.memref_squeeze %dma_wait3A_719 : memref<1x250x32xf32, #tpu.memory_space<vmem>> -> memref<250x32xf32, #tpu.memory_space<vmem>>
          %dma_wait3A_721 = arith.constant 0 : i32
          %dma_wait3A_722 = tpu.memref_slice %arg10[%sub3A_714, %dma_wait3A_721] : memref<40x250xi32, #tpu.memory_space<vmem>> -> memref<1x250xi32, #tpu.memory_space<vmem>>
          %dma_wait3A_723 = tpu.memref_squeeze %dma_wait3A_722 : memref<1x250xi32, #tpu.memory_space<vmem>> -> memref<250xi32, #tpu.memory_space<vmem>>
          %dma_wait3A_724 = arith.constant 0 : i32
          %dma_wait3A_725 = arith.constant 0 : i32
          %dma_wait3A_726 = tpu.memref_slice %arg7[%dma_wait3A_724, %dma_wait3A_725] : memref<10000x32xf32, #tpu.memory_space<vmem_shared>> -> memref<10000x32xf32, #tpu.memory_space<vmem_shared>>
          %dma_wait3A_727 = tpu.memref_slice %arg13[%dma_wait3A_716] : memref<8x!tpu.dma_semaphore, #tpu.memory_space<semaphore_mem>> -> memref<1x!tpu.dma_semaphore, #tpu.memory_space<semaphore_mem>>
          %dma_wait3A_728 = tpu.memref_squeeze %dma_wait3A_727 : memref<1x!tpu.dma_semaphore, #tpu.memory_space<semaphore_mem>> -> memref<!tpu.dma_semaphore, #tpu.memory_space<semaphore_mem>>
          tpu.wait_indirect_dma semaphore(%dma_wait3A_728 : memref<!tpu.dma_semaphore, #tpu.memory_space<semaphore_mem>>) src(%dma_wait3A_720 : memref<250x32xf32, #tpu.memory_space<vmem>>) dst(%dma_wait3A_726 : memref<10000x32xf32, #tpu.memory_space<vmem_shared>>)
        } else {
        }
        %dma_start3A_700 = arith.constant 5 : i32
        %dma_start3A_701 = arith.constant 5 : i32
        %dma_start3A_702 = arith.constant 0 : i32
        %dma_start3A_703 = arith.constant 0 : i32
        %dma_start3A_704 = tpu.memref_slice %arg11[%dma_start3A_700, %dma_start3A_702, %dma_start3A_703] : memref<8x250x32xf32, #tpu.memory_space<vmem>> -> memref<1x250x32xf32, #tpu.memory_space<vmem>>
        %dma_start3A_705 = tpu.memref_squeeze %dma_start3A_704 : memref<1x250x32xf32, #tpu.memory_space<vmem>> -> memref<250x32xf32, #tpu.memory_space<vmem>>
        %dma_start3A_706 = arith.constant 0 : i32
        %dma_start3A_707 = tpu.memref_slice %arg9[%add3A_456, %dma_start3A_706] : memref<40x250xi32, #tpu.memory_space<vmem>> -> memref<1x250xi32, #tpu.memory_space<vmem>>
        %dma_start3A_708 = tpu.memref_squeeze %dma_start3A_707 : memref<1x250xi32, #tpu.memory_space<vmem>> -> memref<250xi32, #tpu.memory_space<vmem>>
        %dma_start3A_709 = arith.constant 0 : i32
        %dma_start3A_710 = arith.constant 0 : i32
        %dma_start3A_711 = tpu.memref_slice %arg2[%dma_start3A_709, %dma_start3A_710] : memref<10000x32xf32, #tpu.memory_space<hbm>> -> memref<10000x32xf32, #tpu.memory_space<hbm>>
        %dma_start3A_712 = tpu.memref_slice %arg12[%dma_start3A_701] : memref<8x!tpu.dma_semaphore, #tpu.memory_space<semaphore_mem>> -> memref<1x!tpu.dma_semaphore, #tpu.memory_space<semaphore_mem>>
        %dma_start3A_713 = tpu.memref_squeeze %dma_start3A_712 : memref<1x!tpu.dma_semaphore, #tpu.memory_space<semaphore_mem>> -> memref<!tpu.dma_semaphore, #tpu.memory_space<semaphore_mem>>
        tpu.enqueue_indirect_dma source(%dma_start3A_711 : memref<10000x32xf32, #tpu.memory_space<hbm>>) target(%dma_start3A_705 : memref<250x32xf32, #tpu.memory_space<vmem>>) offsets(%dma_start3A_708 : memref<250xi32, #tpu.memory_space<vmem>>) semaphore(%dma_start3A_713 : memref<!tpu.dma_semaphore, #tpu.memory_space<semaphore_mem>>)
      } else {
      }
      %mul3A_462 = arith.constant 8 : i32
      %mul3A_463 = arith.muli %scan3A_383, %mul3A_462 : i32
      %add3A_464 = arith.constant 2 : i32
      %add3A_465 = arith.addi %mul3A_463, %add3A_464 : i32
      %dma_wait3A_466 = arith.constant 2 : i32
      %dma_wait3A_467 = arith.constant 2 : i32
      %dma_wait3A_468 = arith.constant 0 : i32
      %dma_wait3A_469 = arith.constant 0 : i32
      %dma_wait3A_470 = tpu.memref_slice %arg11[%dma_wait3A_466, %dma_wait3A_468, %dma_wait3A_469] : memref<8x250x32xf32, #tpu.memory_space<vmem>> -> memref<1x250x32xf32, #tpu.memory_space<vmem>>
      %dma_wait3A_471 = tpu.memref_squeeze %dma_wait3A_470 : memref<1x250x32xf32, #tpu.memory_space<vmem>> -> memref<250x32xf32, #tpu.memory_space<vmem>>
      %dma_wait3A_472 = arith.constant 0 : i32
      %dma_wait3A_473 = tpu.memref_slice %arg9[%add3A_465, %dma_wait3A_472] : memref<40x250xi32, #tpu.memory_space<vmem>> -> memref<1x250xi32, #tpu.memory_space<vmem>>
      %dma_wait3A_474 = tpu.memref_squeeze %dma_wait3A_473 : memref<1x250xi32, #tpu.memory_space<vmem>> -> memref<250xi32, #tpu.memory_space<vmem>>
      %dma_wait3A_475 = arith.constant 0 : i32
      %dma_wait3A_476 = arith.constant 0 : i32
      %dma_wait3A_477 = tpu.memref_slice %arg2[%dma_wait3A_475, %dma_wait3A_476] : memref<10000x32xf32, #tpu.memory_space<hbm>> -> memref<10000x32xf32, #tpu.memory_space<hbm>>
      %dma_wait3A_478 = tpu.memref_slice %arg12[%dma_wait3A_467] : memref<8x!tpu.dma_semaphore, #tpu.memory_space<semaphore_mem>> -> memref<1x!tpu.dma_semaphore, #tpu.memory_space<semaphore_mem>>
      %dma_wait3A_479 = tpu.memref_squeeze %dma_wait3A_478 : memref<1x!tpu.dma_semaphore, #tpu.memory_space<semaphore_mem>> -> memref<!tpu.dma_semaphore, #tpu.memory_space<semaphore_mem>>
      tpu.wait_indirect_dma semaphore(%dma_wait3A_479 : memref<!tpu.dma_semaphore, #tpu.memory_space<semaphore_mem>>) src(%dma_wait3A_477 : memref<10000x32xf32, #tpu.memory_space<hbm>>) dst(%dma_wait3A_471 : memref<250x32xf32, #tpu.memory_space<vmem>>)
      %dma_start3A_480 = arith.constant 2 : i32
      %dma_start3A_481 = arith.constant 2 : i32
      %dma_start3A_482 = arith.constant 0 : i32
      %dma_start3A_483 = arith.constant 0 : i32
      %dma_start3A_484 = tpu.memref_slice %arg11[%dma_start3A_480, %dma_start3A_482, %dma_start3A_483] : memref<8x250x32xf32, #tpu.memory_space<vmem>> -> memref<1x250x32xf32, #tpu.memory_space<vmem>>
      %dma_start3A_485 = tpu.memref_squeeze %dma_start3A_484 : memref<1x250x32xf32, #tpu.memory_space<vmem>> -> memref<250x32xf32, #tpu.memory_space<vmem>>
      %dma_start3A_486 = arith.constant 0 : i32
      %dma_start3A_487 = tpu.memref_slice %arg10[%add3A_465, %dma_start3A_486] : memref<40x250xi32, #tpu.memory_space<vmem>> -> memref<1x250xi32, #tpu.memory_space<vmem>>
      %dma_start3A_488 = tpu.memref_squeeze %dma_start3A_487 : memref<1x250xi32, #tpu.memory_space<vmem>> -> memref<250xi32, #tpu.memory_space<vmem>>
      %dma_start3A_489 = arith.constant 0 : i32
      %dma_start3A_490 = arith.constant 0 : i32
      %dma_start3A_491 = tpu.memref_slice %arg7[%dma_start3A_489, %dma_start3A_490] : memref<10000x32xf32, #tpu.memory_space<vmem_shared>> -> memref<10000x32xf32, #tpu.memory_space<vmem_shared>>
      %dma_start3A_492 = tpu.memref_slice %arg13[%dma_start3A_481] : memref<8x!tpu.dma_semaphore, #tpu.memory_space<semaphore_mem>> -> memref<1x!tpu.dma_semaphore, #tpu.memory_space<semaphore_mem>>
      %dma_start3A_493 = tpu.memref_squeeze %dma_start3A_492 : memref<1x!tpu.dma_semaphore, #tpu.memory_space<semaphore_mem>> -> memref<!tpu.dma_semaphore, #tpu.memory_space<semaphore_mem>>
      tpu.enqueue_indirect_dma source(%dma_start3A_485 : memref<250x32xf32, #tpu.memory_space<vmem>>) target(%dma_start3A_491 : memref<10000x32xf32, #tpu.memory_space<vmem_shared>>) offsets(%dma_start3A_488 : memref<250xi32, #tpu.memory_space<vmem>>) semaphore(%dma_start3A_493 : memref<!tpu.dma_semaphore, #tpu.memory_space<semaphore_mem>>) {add = true}
      %add3A_494 = arith.constant 4 : i32
      %add3A_495 = arith.addi %add3A_465, %add3A_494 : i32
      %lt3A_496 = arith.constant 40 : i32
      %lt3A_497 = arith.cmpi slt, %add3A_495, %lt3A_496 : i32
      %convert_element_type3A_498 = arith.extui %lt3A_497 : i1 to i32
      %cond3A_499 = arith.constant 0 : i32
      %cond3A_500 = arith.cmpi ne, %convert_element_type3A_498, %cond3A_499 : i32
      scf.if %cond3A_500 {
        %ge3A = arith.constant 8 : i32
        %ge3A_696 = arith.cmpi sge, %add3A_495, %ge3A : i32
        %convert_element_type3A_697 = arith.extui %ge3A_696 : i1 to i32
        %cond3A_698 = arith.constant 0 : i32
        %cond3A_699 = arith.cmpi ne, %convert_element_type3A_697, %cond3A_698 : i32
        scf.if %cond3A_699 {
          %sub3A = arith.constant 8 : i32
          %sub3A_714 = arith.subi %add3A_495, %sub3A : i32
          %dma_wait3A_715 = arith.constant 6 : i32
          %dma_wait3A_716 = arith.constant 6 : i32
          %dma_wait3A_717 = arith.constant 0 : i32
          %dma_wait3A_718 = arith.constant 0 : i32
          %dma_wait3A_719 = tpu.memref_slice %arg11[%dma_wait3A_715, %dma_wait3A_717, %dma_wait3A_718] : memref<8x250x32xf32, #tpu.memory_space<vmem>> -> memref<1x250x32xf32, #tpu.memory_space<vmem>>
          %dma_wait3A_720 = tpu.memref_squeeze %dma_wait3A_719 : memref<1x250x32xf32, #tpu.memory_space<vmem>> -> memref<250x32xf32, #tpu.memory_space<vmem>>
          %dma_wait3A_721 = arith.constant 0 : i32
          %dma_wait3A_722 = tpu.memref_slice %arg10[%sub3A_714, %dma_wait3A_721] : memref<40x250xi32, #tpu.memory_space<vmem>> -> memref<1x250xi32, #tpu.memory_space<vmem>>
          %dma_wait3A_723 = tpu.memref_squeeze %dma_wait3A_722 : memref<1x250xi32, #tpu.memory_space<vmem>> -> memref<250xi32, #tpu.memory_space<vmem>>
          %dma_wait3A_724 = arith.constant 0 : i32
          %dma_wait3A_725 = arith.constant 0 : i32
          %dma_wait3A_726 = tpu.memref_slice %arg7[%dma_wait3A_724, %dma_wait3A_725] : memref<10000x32xf32, #tpu.memory_space<vmem_shared>> -> memref<10000x32xf32, #tpu.memory_space<vmem_shared>>
          %dma_wait3A_727 = tpu.memref_slice %arg13[%dma_wait3A_716] : memref<8x!tpu.dma_semaphore, #tpu.memory_space<semaphore_mem>> -> memref<1x!tpu.dma_semaphore, #tpu.memory_space<semaphore_mem>>
          %dma_wait3A_728 = tpu.memref_squeeze %dma_wait3A_727 : memref<1x!tpu.dma_semaphore, #tpu.memory_space<semaphore_mem>> -> memref<!tpu.dma_semaphore, #tpu.memory_space<semaphore_mem>>
          tpu.wait_indirect_dma semaphore(%dma_wait3A_728 : memref<!tpu.dma_semaphore, #tpu.memory_space<semaphore_mem>>) src(%dma_wait3A_720 : memref<250x32xf32, #tpu.memory_space<vmem>>) dst(%dma_wait3A_726 : memref<10000x32xf32, #tpu.memory_space<vmem_shared>>)
        } else {
        }
        %dma_start3A_700 = arith.constant 6 : i32
        %dma_start3A_701 = arith.constant 6 : i32
        %dma_start3A_702 = arith.constant 0 : i32
        %dma_start3A_703 = arith.constant 0 : i32
        %dma_start3A_704 = tpu.memref_slice %arg11[%dma_start3A_700, %dma_start3A_702, %dma_start3A_703] : memref<8x250x32xf32, #tpu.memory_space<vmem>> -> memref<1x250x32xf32, #tpu.memory_space<vmem>>
        %dma_start3A_705 = tpu.memref_squeeze %dma_start3A_704 : memref<1x250x32xf32, #tpu.memory_space<vmem>> -> memref<250x32xf32, #tpu.memory_space<vmem>>
        %dma_start3A_706 = arith.constant 0 : i32
        %dma_start3A_707 = tpu.memref_slice %arg9[%add3A_495, %dma_start3A_706] : memref<40x250xi32, #tpu.memory_space<vmem>> -> memref<1x250xi32, #tpu.memory_space<vmem>>
        %dma_start3A_708 = tpu.memref_squeeze %dma_start3A_707 : memref<1x250xi32, #tpu.memory_space<vmem>> -> memref<250xi32, #tpu.memory_space<vmem>>
        %dma_start3A_709 = arith.constant 0 : i32
        %dma_start3A_710 = arith.constant 0 : i32
        %dma_start3A_711 = tpu.memref_slice %arg2[%dma_start3A_709, %dma_start3A_710] : memref<10000x32xf32, #tpu.memory_space<hbm>> -> memref<10000x32xf32, #tpu.memory_space<hbm>>
        %dma_start3A_712 = tpu.memref_slice %arg12[%dma_start3A_701] : memref<8x!tpu.dma_semaphore, #tpu.memory_space<semaphore_mem>> -> memref<1x!tpu.dma_semaphore, #tpu.memory_space<semaphore_mem>>
        %dma_start3A_713 = tpu.memref_squeeze %dma_start3A_712 : memref<1x!tpu.dma_semaphore, #tpu.memory_space<semaphore_mem>> -> memref<!tpu.dma_semaphore, #tpu.memory_space<semaphore_mem>>
        tpu.enqueue_indirect_dma source(%dma_start3A_711 : memref<10000x32xf32, #tpu.memory_space<hbm>>) target(%dma_start3A_705 : memref<250x32xf32, #tpu.memory_space<vmem>>) offsets(%dma_start3A_708 : memref<250xi32, #tpu.memory_space<vmem>>) semaphore(%dma_start3A_713 : memref<!tpu.dma_semaphore, #tpu.memory_space<semaphore_mem>>)
      } else {
      }
      %mul3A_501 = arith.constant 8 : i32
      %mul3A_502 = arith.muli %scan3A_383, %mul3A_501 : i32
      %add3A_503 = arith.constant 3 : i32
      %add3A_504 = arith.addi %mul3A_502, %add3A_503 : i32
      %dma_wait3A_505 = arith.constant 3 : i32
      %dma_wait3A_506 = arith.constant 3 : i32
      %dma_wait3A_507 = arith.constant 0 : i32
      %dma_wait3A_508 = arith.constant 0 : i32
      %dma_wait3A_509 = tpu.memref_slice %arg11[%dma_wait3A_505, %dma_wait3A_507, %dma_wait3A_508] : memref<8x250x32xf32, #tpu.memory_space<vmem>> -> memref<1x250x32xf32, #tpu.memory_space<vmem>>
      %dma_wait3A_510 = tpu.memref_squeeze %dma_wait3A_509 : memref<1x250x32xf32, #tpu.memory_space<vmem>> -> memref<250x32xf32, #tpu.memory_space<vmem>>
      %dma_wait3A_511 = arith.constant 0 : i32
      %dma_wait3A_512 = tpu.memref_slice %arg9[%add3A_504, %dma_wait3A_511] : memref<40x250xi32, #tpu.memory_space<vmem>> -> memref<1x250xi32, #tpu.memory_space<vmem>>
      %dma_wait3A_513 = tpu.memref_squeeze %dma_wait3A_512 : memref<1x250xi32, #tpu.memory_space<vmem>> -> memref<250xi32, #tpu.memory_space<vmem>>
      %dma_wait3A_514 = arith.constant 0 : i32
      %dma_wait3A_515 = arith.constant 0 : i32
      %dma_wait3A_516 = tpu.memref_slice %arg2[%dma_wait3A_514, %dma_wait3A_515] : memref<10000x32xf32, #tpu.memory_space<hbm>> -> memref<10000x32xf32, #tpu.memory_space<hbm>>
      %dma_wait3A_517 = tpu.memref_slice %arg12[%dma_wait3A_506] : memref<8x!tpu.dma_semaphore, #tpu.memory_space<semaphore_mem>> -> memref<1x!tpu.dma_semaphore, #tpu.memory_space<semaphore_mem>>
      %dma_wait3A_518 = tpu.memref_squeeze %dma_wait3A_517 : memref<1x!tpu.dma_semaphore, #tpu.memory_space<semaphore_mem>> -> memref<!tpu.dma_semaphore, #tpu.memory_space<semaphore_mem>>
      tpu.wait_indirect_dma semaphore(%dma_wait3A_518 : memref<!tpu.dma_semaphore, #tpu.memory_space<semaphore_mem>>) src(%dma_wait3A_516 : memref<10000x32xf32, #tpu.memory_space<hbm>>) dst(%dma_wait3A_510 : memref<250x32xf32, #tpu.memory_space<vmem>>)
      %dma_start3A_519 = arith.constant 3 : i32
      %dma_start3A_520 = arith.constant 3 : i32
      %dma_start3A_521 = arith.constant 0 : i32
      %dma_start3A_522 = arith.constant 0 : i32
      %dma_start3A_523 = tpu.memref_slice %arg11[%dma_start3A_519, %dma_start3A_521, %dma_start3A_522] : memref<8x250x32xf32, #tpu.memory_space<vmem>> -> memref<1x250x32xf32, #tpu.memory_space<vmem>>
      %dma_start3A_524 = tpu.memref_squeeze %dma_start3A_523 : memref<1x250x32xf32, #tpu.memory_space<vmem>> -> memref<250x32xf32, #tpu.memory_space<vmem>>
      %dma_start3A_525 = arith.constant 0 : i32
      %dma_start3A_526 = tpu.memref_slice %arg10[%add3A_504, %dma_start3A_525] : memref<40x250xi32, #tpu.memory_space<vmem>> -> memref<1x250xi32, #tpu.memory_space<vmem>>
      %dma_start3A_527 = tpu.memref_squeeze %dma_start3A_526 : memref<1x250xi32, #tpu.memory_space<vmem>> -> memref<250xi32, #tpu.memory_space<vmem>>
      %dma_start3A_528 = arith.constant 0 : i32
      %dma_start3A_529 = arith.constant 0 : i32
      %dma_start3A_530 = tpu.memref_slice %arg7[%dma_start3A_528, %dma_start3A_529] : memref<10000x32xf32, #tpu.memory_space<vmem_shared>> -> memref<10000x32xf32, #tpu.memory_space<vmem_shared>>
      %dma_start3A_531 = tpu.memref_slice %arg13[%dma_start3A_520] : memref<8x!tpu.dma_semaphore, #tpu.memory_space<semaphore_mem>> -> memref<1x!tpu.dma_semaphore, #tpu.memory_space<semaphore_mem>>
      %dma_start3A_532 = tpu.memref_squeeze %dma_start3A_531 : memref<1x!tpu.dma_semaphore, #tpu.memory_space<semaphore_mem>> -> memref<!tpu.dma_semaphore, #tpu.memory_space<semaphore_mem>>
      tpu.enqueue_indirect_dma source(%dma_start3A_524 : memref<250x32xf32, #tpu.memory_space<vmem>>) target(%dma_start3A_530 : memref<10000x32xf32, #tpu.memory_space<vmem_shared>>) offsets(%dma_start3A_527 : memref<250xi32, #tpu.memory_space<vmem>>) semaphore(%dma_start3A_532 : memref<!tpu.dma_semaphore, #tpu.memory_space<semaphore_mem>>) {add = true}
      %add3A_533 = arith.constant 4 : i32
      %add3A_534 = arith.addi %add3A_504, %add3A_533 : i32
      %lt3A_535 = arith.constant 40 : i32
      %lt3A_536 = arith.cmpi slt, %add3A_534, %lt3A_535 : i32
      %convert_element_type3A_537 = arith.extui %lt3A_536 : i1 to i32
      %cond3A_538 = arith.constant 0 : i32
      %cond3A_539 = arith.cmpi ne, %convert_element_type3A_537, %cond3A_538 : i32
      scf.if %cond3A_539 {
        %ge3A = arith.constant 8 : i32
        %ge3A_696 = arith.cmpi sge, %add3A_534, %ge3A : i32
        %convert_element_type3A_697 = arith.extui %ge3A_696 : i1 to i32
        %cond3A_698 = arith.constant 0 : i32
        %cond3A_699 = arith.cmpi ne, %convert_element_type3A_697, %cond3A_698 : i32
        scf.if %cond3A_699 {
          %sub3A = arith.constant 8 : i32
          %sub3A_714 = arith.subi %add3A_534, %sub3A : i32
          %dma_wait3A_715 = arith.constant 7 : i32
          %dma_wait3A_716 = arith.constant 7 : i32
          %dma_wait3A_717 = arith.constant 0 : i32
          %dma_wait3A_718 = arith.constant 0 : i32
          %dma_wait3A_719 = tpu.memref_slice %arg11[%dma_wait3A_715, %dma_wait3A_717, %dma_wait3A_718] : memref<8x250x32xf32, #tpu.memory_space<vmem>> -> memref<1x250x32xf32, #tpu.memory_space<vmem>>
          %dma_wait3A_720 = tpu.memref_squeeze %dma_wait3A_719 : memref<1x250x32xf32, #tpu.memory_space<vmem>> -> memref<250x32xf32, #tpu.memory_space<vmem>>
          %dma_wait3A_721 = arith.constant 0 : i32
          %dma_wait3A_722 = tpu.memref_slice %arg10[%sub3A_714, %dma_wait3A_721] : memref<40x250xi32, #tpu.memory_space<vmem>> -> memref<1x250xi32, #tpu.memory_space<vmem>>
          %dma_wait3A_723 = tpu.memref_squeeze %dma_wait3A_722 : memref<1x250xi32, #tpu.memory_space<vmem>> -> memref<250xi32, #tpu.memory_space<vmem>>
          %dma_wait3A_724 = arith.constant 0 : i32
          %dma_wait3A_725 = arith.constant 0 : i32
          %dma_wait3A_726 = tpu.memref_slice %arg7[%dma_wait3A_724, %dma_wait3A_725] : memref<10000x32xf32, #tpu.memory_space<vmem_shared>> -> memref<10000x32xf32, #tpu.memory_space<vmem_shared>>
          %dma_wait3A_727 = tpu.memref_slice %arg13[%dma_wait3A_716] : memref<8x!tpu.dma_semaphore, #tpu.memory_space<semaphore_mem>> -> memref<1x!tpu.dma_semaphore, #tpu.memory_space<semaphore_mem>>
          %dma_wait3A_728 = tpu.memref_squeeze %dma_wait3A_727 : memref<1x!tpu.dma_semaphore, #tpu.memory_space<semaphore_mem>> -> memref<!tpu.dma_semaphore, #tpu.memory_space<semaphore_mem>>
          tpu.wait_indirect_dma semaphore(%dma_wait3A_728 : memref<!tpu.dma_semaphore, #tpu.memory_space<semaphore_mem>>) src(%dma_wait3A_720 : memref<250x32xf32, #tpu.memory_space<vmem>>) dst(%dma_wait3A_726 : memref<10000x32xf32, #tpu.memory_space<vmem_shared>>)
        } else {
        }
        %dma_start3A_700 = arith.constant 7 : i32
        %dma_start3A_701 = arith.constant 7 : i32
        %dma_start3A_702 = arith.constant 0 : i32
        %dma_start3A_703 = arith.constant 0 : i32
        %dma_start3A_704 = tpu.memref_slice %arg11[%dma_start3A_700, %dma_start3A_702, %dma_start3A_703] : memref<8x250x32xf32, #tpu.memory_space<vmem>> -> memref<1x250x32xf32, #tpu.memory_space<vmem>>
        %dma_start3A_705 = tpu.memref_squeeze %dma_start3A_704 : memref<1x250x32xf32, #tpu.memory_space<vmem>> -> memref<250x32xf32, #tpu.memory_space<vmem>>
        %dma_start3A_706 = arith.constant 0 : i32
        %dma_start3A_707 = tpu.memref_slice %arg9[%add3A_534, %dma_start3A_706] : memref<40x250xi32, #tpu.memory_space<vmem>> -> memref<1x250xi32, #tpu.memory_space<vmem>>
        %dma_start3A_708 = tpu.memref_squeeze %dma_start3A_707 : memref<1x250xi32, #tpu.memory_space<vmem>> -> memref<250xi32, #tpu.memory_space<vmem>>
        %dma_start3A_709 = arith.constant 0 : i32
        %dma_start3A_710 = arith.constant 0 : i32
        %dma_start3A_711 = tpu.memref_slice %arg2[%dma_start3A_709, %dma_start3A_710] : memref<10000x32xf32, #tpu.memory_space<hbm>> -> memref<10000x32xf32, #tpu.memory_space<hbm>>
        %dma_start3A_712 = tpu.memref_slice %arg12[%dma_start3A_701] : memref<8x!tpu.dma_semaphore, #tpu.memory_space<semaphore_mem>> -> memref<1x!tpu.dma_semaphore, #tpu.memory_space<semaphore_mem>>
        %dma_start3A_713 = tpu.memref_squeeze %dma_start3A_712 : memref<1x!tpu.dma_semaphore, #tpu.memory_space<semaphore_mem>> -> memref<!tpu.dma_semaphore, #tpu.memory_space<semaphore_mem>>
        tpu.enqueue_indirect_dma source(%dma_start3A_711 : memref<10000x32xf32, #tpu.memory_space<hbm>>) target(%dma_start3A_705 : memref<250x32xf32, #tpu.memory_space<vmem>>) offsets(%dma_start3A_708 : memref<250xi32, #tpu.memory_space<vmem>>) semaphore(%dma_start3A_713 : memref<!tpu.dma_semaphore, #tpu.memory_space<semaphore_mem>>)
      } else {
      }
      %mul3A_540 = arith.constant 8 : i32
      %mul3A_541 = arith.muli %scan3A_383, %mul3A_540 : i32
      %add3A_542 = arith.constant 4 : i32
      %add3A_543 = arith.addi %mul3A_541, %add3A_542 : i32
      %dma_wait3A_544 = arith.constant 4 : i32
      %dma_wait3A_545 = arith.constant 4 : i32
      %dma_wait3A_546 = arith.constant 0 : i32
      %dma_wait3A_547 = arith.constant 0 : i32
      %dma_wait3A_548 = tpu.memref_slice %arg11[%dma_wait3A_544, %dma_wait3A_546, %dma_wait3A_547] : memref<8x250x32xf32, #tpu.memory_space<vmem>> -> memref<1x250x32xf32, #tpu.memory_space<vmem>>
      %dma_wait3A_549 = tpu.memref_squeeze %dma_wait3A_548 : memref<1x250x32xf32, #tpu.memory_space<vmem>> -> memref<250x32xf32, #tpu.memory_space<vmem>>
      %dma_wait3A_550 = arith.constant 0 : i32
      %dma_wait3A_551 = tpu.memref_slice %arg9[%add3A_543, %dma_wait3A_550] : memref<40x250xi32, #tpu.memory_space<vmem>> -> memref<1x250xi32, #tpu.memory_space<vmem>>
      %dma_wait3A_552 = tpu.memref_squeeze %dma_wait3A_551 : memref<1x250xi32, #tpu.memory_space<vmem>> -> memref<250xi32, #tpu.memory_space<vmem>>
      %dma_wait3A_553 = arith.constant 0 : i32
      %dma_wait3A_554 = arith.constant 0 : i32
      %dma_wait3A_555 = tpu.memref_slice %arg2[%dma_wait3A_553, %dma_wait3A_554] : memref<10000x32xf32, #tpu.memory_space<hbm>> -> memref<10000x32xf32, #tpu.memory_space<hbm>>
      %dma_wait3A_556 = tpu.memref_slice %arg12[%dma_wait3A_545] : memref<8x!tpu.dma_semaphore, #tpu.memory_space<semaphore_mem>> -> memref<1x!tpu.dma_semaphore, #tpu.memory_space<semaphore_mem>>
      %dma_wait3A_557 = tpu.memref_squeeze %dma_wait3A_556 : memref<1x!tpu.dma_semaphore, #tpu.memory_space<semaphore_mem>> -> memref<!tpu.dma_semaphore, #tpu.memory_space<semaphore_mem>>
      tpu.wait_indirect_dma semaphore(%dma_wait3A_557 : memref<!tpu.dma_semaphore, #tpu.memory_space<semaphore_mem>>) src(%dma_wait3A_555 : memref<10000x32xf32, #tpu.memory_space<hbm>>) dst(%dma_wait3A_549 : memref<250x32xf32, #tpu.memory_space<vmem>>)
      %dma_start3A_558 = arith.constant 4 : i32
      %dma_start3A_559 = arith.constant 4 : i32
      %dma_start3A_560 = arith.constant 0 : i32
      %dma_start3A_561 = arith.constant 0 : i32
      %dma_start3A_562 = tpu.memref_slice %arg11[%dma_start3A_558, %dma_start3A_560, %dma_start3A_561] : memref<8x250x32xf32, #tpu.memory_space<vmem>> -> memref<1x250x32xf32, #tpu.memory_space<vmem>>
      %dma_start3A_563 = tpu.memref_squeeze %dma_start3A_562 : memref<1x250x32xf32, #tpu.memory_space<vmem>> -> memref<250x32xf32, #tpu.memory_space<vmem>>
      %dma_start3A_564 = arith.constant 0 : i32
      %dma_start3A_565 = tpu.memref_slice %arg10[%add3A_543, %dma_start3A_564] : memref<40x250xi32, #tpu.memory_space<vmem>> -> memref<1x250xi32, #tpu.memory_space<vmem>>
      %dma_start3A_566 = tpu.memref_squeeze %dma_start3A_565 : memref<1x250xi32, #tpu.memory_space<vmem>> -> memref<250xi32, #tpu.memory_space<vmem>>
      %dma_start3A_567 = arith.constant 0 : i32
      %dma_start3A_568 = arith.constant 0 : i32
      %dma_start3A_569 = tpu.memref_slice %arg7[%dma_start3A_567, %dma_start3A_568] : memref<10000x32xf32, #tpu.memory_space<vmem_shared>> -> memref<10000x32xf32, #tpu.memory_space<vmem_shared>>
      %dma_start3A_570 = tpu.memref_slice %arg13[%dma_start3A_559] : memref<8x!tpu.dma_semaphore, #tpu.memory_space<semaphore_mem>> -> memref<1x!tpu.dma_semaphore, #tpu.memory_space<semaphore_mem>>
      %dma_start3A_571 = tpu.memref_squeeze %dma_start3A_570 : memref<1x!tpu.dma_semaphore, #tpu.memory_space<semaphore_mem>> -> memref<!tpu.dma_semaphore, #tpu.memory_space<semaphore_mem>>
      tpu.enqueue_indirect_dma source(%dma_start3A_563 : memref<250x32xf32, #tpu.memory_space<vmem>>) target(%dma_start3A_569 : memref<10000x32xf32, #tpu.memory_space<vmem_shared>>) offsets(%dma_start3A_566 : memref<250xi32, #tpu.memory_space<vmem>>) semaphore(%dma_start3A_571 : memref<!tpu.dma_semaphore, #tpu.memory_space<semaphore_mem>>) {add = true}
      %add3A_572 = arith.constant 4 : i32
      %add3A_573 = arith.addi %add3A_543, %add3A_572 : i32
      %lt3A_574 = arith.constant 40 : i32
      %lt3A_575 = arith.cmpi slt, %add3A_573, %lt3A_574 : i32
      %convert_element_type3A_576 = arith.extui %lt3A_575 : i1 to i32
      %cond3A_577 = arith.constant 0 : i32
      %cond3A_578 = arith.cmpi ne, %convert_element_type3A_576, %cond3A_577 : i32
      scf.if %cond3A_578 {
        %ge3A = arith.constant 8 : i32
        %ge3A_696 = arith.cmpi sge, %add3A_573, %ge3A : i32
        %convert_element_type3A_697 = arith.extui %ge3A_696 : i1 to i32
        %cond3A_698 = arith.constant 0 : i32
        %cond3A_699 = arith.cmpi ne, %convert_element_type3A_697, %cond3A_698 : i32
        scf.if %cond3A_699 {
          %sub3A = arith.constant 8 : i32
          %sub3A_714 = arith.subi %add3A_573, %sub3A : i32
          %dma_wait3A_715 = arith.constant 0 : i32
          %dma_wait3A_716 = arith.constant 0 : i32
          %dma_wait3A_717 = arith.constant 0 : i32
          %dma_wait3A_718 = arith.constant 0 : i32
          %dma_wait3A_719 = tpu.memref_slice %arg11[%dma_wait3A_715, %dma_wait3A_717, %dma_wait3A_718] : memref<8x250x32xf32, #tpu.memory_space<vmem>> -> memref<1x250x32xf32, #tpu.memory_space<vmem>>
          %dma_wait3A_720 = tpu.memref_squeeze %dma_wait3A_719 : memref<1x250x32xf32, #tpu.memory_space<vmem>> -> memref<250x32xf32, #tpu.memory_space<vmem>>
          %dma_wait3A_721 = arith.constant 0 : i32
          %dma_wait3A_722 = tpu.memref_slice %arg10[%sub3A_714, %dma_wait3A_721] : memref<40x250xi32, #tpu.memory_space<vmem>> -> memref<1x250xi32, #tpu.memory_space<vmem>>
          %dma_wait3A_723 = tpu.memref_squeeze %dma_wait3A_722 : memref<1x250xi32, #tpu.memory_space<vmem>> -> memref<250xi32, #tpu.memory_space<vmem>>
          %dma_wait3A_724 = arith.constant 0 : i32
          %dma_wait3A_725 = arith.constant 0 : i32
          %dma_wait3A_726 = tpu.memref_slice %arg7[%dma_wait3A_724, %dma_wait3A_725] : memref<10000x32xf32, #tpu.memory_space<vmem_shared>> -> memref<10000x32xf32, #tpu.memory_space<vmem_shared>>
          %dma_wait3A_727 = tpu.memref_slice %arg13[%dma_wait3A_716] : memref<8x!tpu.dma_semaphore, #tpu.memory_space<semaphore_mem>> -> memref<1x!tpu.dma_semaphore, #tpu.memory_space<semaphore_mem>>
          %dma_wait3A_728 = tpu.memref_squeeze %dma_wait3A_727 : memref<1x!tpu.dma_semaphore, #tpu.memory_space<semaphore_mem>> -> memref<!tpu.dma_semaphore, #tpu.memory_space<semaphore_mem>>
          tpu.wait_indirect_dma semaphore(%dma_wait3A_728 : memref<!tpu.dma_semaphore, #tpu.memory_space<semaphore_mem>>) src(%dma_wait3A_720 : memref<250x32xf32, #tpu.memory_space<vmem>>) dst(%dma_wait3A_726 : memref<10000x32xf32, #tpu.memory_space<vmem_shared>>)
        } else {
        }
        %dma_start3A_700 = arith.constant 0 : i32
        %dma_start3A_701 = arith.constant 0 : i32
        %dma_start3A_702 = arith.constant 0 : i32
        %dma_start3A_703 = arith.constant 0 : i32
        %dma_start3A_704 = tpu.memref_slice %arg11[%dma_start3A_700, %dma_start3A_702, %dma_start3A_703] : memref<8x250x32xf32, #tpu.memory_space<vmem>> -> memref<1x250x32xf32, #tpu.memory_space<vmem>>
        %dma_start3A_705 = tpu.memref_squeeze %dma_start3A_704 : memref<1x250x32xf32, #tpu.memory_space<vmem>> -> memref<250x32xf32, #tpu.memory_space<vmem>>
        %dma_start3A_706 = arith.constant 0 : i32
        %dma_start3A_707 = tpu.memref_slice %arg9[%add3A_573, %dma_start3A_706] : memref<40x250xi32, #tpu.memory_space<vmem>> -> memref<1x250xi32, #tpu.memory_space<vmem>>
        %dma_start3A_708 = tpu.memref_squeeze %dma_start3A_707 : memref<1x250xi32, #tpu.memory_space<vmem>> -> memref<250xi32, #tpu.memory_space<vmem>>
        %dma_start3A_709 = arith.constant 0 : i32
        %dma_start3A_710 = arith.constant 0 : i32
        %dma_start3A_711 = tpu.memref_slice %arg2[%dma_start3A_709, %dma_start3A_710] : memref<10000x32xf32, #tpu.memory_space<hbm>> -> memref<10000x32xf32, #tpu.memory_space<hbm>>
        %dma_start3A_712 = tpu.memref_slice %arg12[%dma_start3A_701] : memref<8x!tpu.dma_semaphore, #tpu.memory_space<semaphore_mem>> -> memref<1x!tpu.dma_semaphore, #tpu.memory_space<semaphore_mem>>
        %dma_start3A_713 = tpu.memref_squeeze %dma_start3A_712 : memref<1x!tpu.dma_semaphore, #tpu.memory_space<semaphore_mem>> -> memref<!tpu.dma_semaphore, #tpu.memory_space<semaphore_mem>>
        tpu.enqueue_indirect_dma source(%dma_start3A_711 : memref<10000x32xf32, #tpu.memory_space<hbm>>) target(%dma_start3A_705 : memref<250x32xf32, #tpu.memory_space<vmem>>) offsets(%dma_start3A_708 : memref<250xi32, #tpu.memory_space<vmem>>) semaphore(%dma_start3A_713 : memref<!tpu.dma_semaphore, #tpu.memory_space<semaphore_mem>>)
      } else {
      }
      %mul3A_579 = arith.constant 8 : i32
      %mul3A_580 = arith.muli %scan3A_383, %mul3A_579 : i32
      %add3A_581 = arith.constant 5 : i32
      %add3A_582 = arith.addi %mul3A_580, %add3A_581 : i32
      %dma_wait3A_583 = arith.constant 5 : i32
      %dma_wait3A_584 = arith.constant 5 : i32
      %dma_wait3A_585 = arith.constant 0 : i32
      %dma_wait3A_586 = arith.constant 0 : i32
      %dma_wait3A_587 = tpu.memref_slice %arg11[%dma_wait3A_583, %dma_wait3A_585, %dma_wait3A_586] : memref<8x250x32xf32, #tpu.memory_space<vmem>> -> memref<1x250x32xf32, #tpu.memory_space<vmem>>
      %dma_wait3A_588 = tpu.memref_squeeze %dma_wait3A_587 : memref<1x250x32xf32, #tpu.memory_space<vmem>> -> memref<250x32xf32, #tpu.memory_space<vmem>>
      %dma_wait3A_589 = arith.constant 0 : i32
      %dma_wait3A_590 = tpu.memref_slice %arg9[%add3A_582, %dma_wait3A_589] : memref<40x250xi32, #tpu.memory_space<vmem>> -> memref<1x250xi32, #tpu.memory_space<vmem>>
      %dma_wait3A_591 = tpu.memref_squeeze %dma_wait3A_590 : memref<1x250xi32, #tpu.memory_space<vmem>> -> memref<250xi32, #tpu.memory_space<vmem>>
      %dma_wait3A_592 = arith.constant 0 : i32
      %dma_wait3A_593 = arith.constant 0 : i32
      %dma_wait3A_594 = tpu.memref_slice %arg2[%dma_wait3A_592, %dma_wait3A_593] : memref<10000x32xf32, #tpu.memory_space<hbm>> -> memref<10000x32xf32, #tpu.memory_space<hbm>>
      %dma_wait3A_595 = tpu.memref_slice %arg12[%dma_wait3A_584] : memref<8x!tpu.dma_semaphore, #tpu.memory_space<semaphore_mem>> -> memref<1x!tpu.dma_semaphore, #tpu.memory_space<semaphore_mem>>
      %dma_wait3A_596 = tpu.memref_squeeze %dma_wait3A_595 : memref<1x!tpu.dma_semaphore, #tpu.memory_space<semaphore_mem>> -> memref<!tpu.dma_semaphore, #tpu.memory_space<semaphore_mem>>
      tpu.wait_indirect_dma semaphore(%dma_wait3A_596 : memref<!tpu.dma_semaphore, #tpu.memory_space<semaphore_mem>>) src(%dma_wait3A_594 : memref<10000x32xf32, #tpu.memory_space<hbm>>) dst(%dma_wait3A_588 : memref<250x32xf32, #tpu.memory_space<vmem>>)
      %dma_start3A_597 = arith.constant 5 : i32
      %dma_start3A_598 = arith.constant 5 : i32
      %dma_start3A_599 = arith.constant 0 : i32
      %dma_start3A_600 = arith.constant 0 : i32
      %dma_start3A_601 = tpu.memref_slice %arg11[%dma_start3A_597, %dma_start3A_599, %dma_start3A_600] : memref<8x250x32xf32, #tpu.memory_space<vmem>> -> memref<1x250x32xf32, #tpu.memory_space<vmem>>
      %dma_start3A_602 = tpu.memref_squeeze %dma_start3A_601 : memref<1x250x32xf32, #tpu.memory_space<vmem>> -> memref<250x32xf32, #tpu.memory_space<vmem>>
      %dma_start3A_603 = arith.constant 0 : i32
      %dma_start3A_604 = tpu.memref_slice %arg10[%add3A_582, %dma_start3A_603] : memref<40x250xi32, #tpu.memory_space<vmem>> -> memref<1x250xi32, #tpu.memory_space<vmem>>
      %dma_start3A_605 = tpu.memref_squeeze %dma_start3A_604 : memref<1x250xi32, #tpu.memory_space<vmem>> -> memref<250xi32, #tpu.memory_space<vmem>>
      %dma_start3A_606 = arith.constant 0 : i32
      %dma_start3A_607 = arith.constant 0 : i32
      %dma_start3A_608 = tpu.memref_slice %arg7[%dma_start3A_606, %dma_start3A_607] : memref<10000x32xf32, #tpu.memory_space<vmem_shared>> -> memref<10000x32xf32, #tpu.memory_space<vmem_shared>>
      %dma_start3A_609 = tpu.memref_slice %arg13[%dma_start3A_598] : memref<8x!tpu.dma_semaphore, #tpu.memory_space<semaphore_mem>> -> memref<1x!tpu.dma_semaphore, #tpu.memory_space<semaphore_mem>>
      %dma_start3A_610 = tpu.memref_squeeze %dma_start3A_609 : memref<1x!tpu.dma_semaphore, #tpu.memory_space<semaphore_mem>> -> memref<!tpu.dma_semaphore, #tpu.memory_space<semaphore_mem>>
      tpu.enqueue_indirect_dma source(%dma_start3A_602 : memref<250x32xf32, #tpu.memory_space<vmem>>) target(%dma_start3A_608 : memref<10000x32xf32, #tpu.memory_space<vmem_shared>>) offsets(%dma_start3A_605 : memref<250xi32, #tpu.memory_space<vmem>>) semaphore(%dma_start3A_610 : memref<!tpu.dma_semaphore, #tpu.memory_space<semaphore_mem>>) {add = true}
      %add3A_611 = arith.constant 4 : i32
      %add3A_612 = arith.addi %add3A_582, %add3A_611 : i32
      %lt3A_613 = arith.constant 40 : i32
      %lt3A_614 = arith.cmpi slt, %add3A_612, %lt3A_613 : i32
      %convert_element_type3A_615 = arith.extui %lt3A_614 : i1 to i32
      %cond3A_616 = arith.constant 0 : i32
      %cond3A_617 = arith.cmpi ne, %convert_element_type3A_615, %cond3A_616 : i32
      scf.if %cond3A_617 {
        %ge3A = arith.constant 8 : i32
        %ge3A_696 = arith.cmpi sge, %add3A_612, %ge3A : i32
        %convert_element_type3A_697 = arith.extui %ge3A_696 : i1 to i32
        %cond3A_698 = arith.constant 0 : i32
        %cond3A_699 = arith.cmpi ne, %convert_element_type3A_697, %cond3A_698 : i32
        scf.if %cond3A_699 {
          %sub3A = arith.constant 8 : i32
          %sub3A_714 = arith.subi %add3A_612, %sub3A : i32
          %dma_wait3A_715 = arith.constant 1 : i32
          %dma_wait3A_716 = arith.constant 1 : i32
          %dma_wait3A_717 = arith.constant 0 : i32
          %dma_wait3A_718 = arith.constant 0 : i32
          %dma_wait3A_719 = tpu.memref_slice %arg11[%dma_wait3A_715, %dma_wait3A_717, %dma_wait3A_718] : memref<8x250x32xf32, #tpu.memory_space<vmem>> -> memref<1x250x32xf32, #tpu.memory_space<vmem>>
          %dma_wait3A_720 = tpu.memref_squeeze %dma_wait3A_719 : memref<1x250x32xf32, #tpu.memory_space<vmem>> -> memref<250x32xf32, #tpu.memory_space<vmem>>
          %dma_wait3A_721 = arith.constant 0 : i32
          %dma_wait3A_722 = tpu.memref_slice %arg10[%sub3A_714, %dma_wait3A_721] : memref<40x250xi32, #tpu.memory_space<vmem>> -> memref<1x250xi32, #tpu.memory_space<vmem>>
          %dma_wait3A_723 = tpu.memref_squeeze %dma_wait3A_722 : memref<1x250xi32, #tpu.memory_space<vmem>> -> memref<250xi32, #tpu.memory_space<vmem>>
          %dma_wait3A_724 = arith.constant 0 : i32
          %dma_wait3A_725 = arith.constant 0 : i32
          %dma_wait3A_726 = tpu.memref_slice %arg7[%dma_wait3A_724, %dma_wait3A_725] : memref<10000x32xf32, #tpu.memory_space<vmem_shared>> -> memref<10000x32xf32, #tpu.memory_space<vmem_shared>>
          %dma_wait3A_727 = tpu.memref_slice %arg13[%dma_wait3A_716] : memref<8x!tpu.dma_semaphore, #tpu.memory_space<semaphore_mem>> -> memref<1x!tpu.dma_semaphore, #tpu.memory_space<semaphore_mem>>
          %dma_wait3A_728 = tpu.memref_squeeze %dma_wait3A_727 : memref<1x!tpu.dma_semaphore, #tpu.memory_space<semaphore_mem>> -> memref<!tpu.dma_semaphore, #tpu.memory_space<semaphore_mem>>
          tpu.wait_indirect_dma semaphore(%dma_wait3A_728 : memref<!tpu.dma_semaphore, #tpu.memory_space<semaphore_mem>>) src(%dma_wait3A_720 : memref<250x32xf32, #tpu.memory_space<vmem>>) dst(%dma_wait3A_726 : memref<10000x32xf32, #tpu.memory_space<vmem_shared>>)
        } else {
        }
        %dma_start3A_700 = arith.constant 1 : i32
        %dma_start3A_701 = arith.constant 1 : i32
        %dma_start3A_702 = arith.constant 0 : i32
        %dma_start3A_703 = arith.constant 0 : i32
        %dma_start3A_704 = tpu.memref_slice %arg11[%dma_start3A_700, %dma_start3A_702, %dma_start3A_703] : memref<8x250x32xf32, #tpu.memory_space<vmem>> -> memref<1x250x32xf32, #tpu.memory_space<vmem>>
        %dma_start3A_705 = tpu.memref_squeeze %dma_start3A_704 : memref<1x250x32xf32, #tpu.memory_space<vmem>> -> memref<250x32xf32, #tpu.memory_space<vmem>>
        %dma_start3A_706 = arith.constant 0 : i32
        %dma_start3A_707 = tpu.memref_slice %arg9[%add3A_612, %dma_start3A_706] : memref<40x250xi32, #tpu.memory_space<vmem>> -> memref<1x250xi32, #tpu.memory_space<vmem>>
        %dma_start3A_708 = tpu.memref_squeeze %dma_start3A_707 : memref<1x250xi32, #tpu.memory_space<vmem>> -> memref<250xi32, #tpu.memory_space<vmem>>
        %dma_start3A_709 = arith.constant 0 : i32
        %dma_start3A_710 = arith.constant 0 : i32
        %dma_start3A_711 = tpu.memref_slice %arg2[%dma_start3A_709, %dma_start3A_710] : memref<10000x32xf32, #tpu.memory_space<hbm>> -> memref<10000x32xf32, #tpu.memory_space<hbm>>
        %dma_start3A_712 = tpu.memref_slice %arg12[%dma_start3A_701] : memref<8x!tpu.dma_semaphore, #tpu.memory_space<semaphore_mem>> -> memref<1x!tpu.dma_semaphore, #tpu.memory_space<semaphore_mem>>
        %dma_start3A_713 = tpu.memref_squeeze %dma_start3A_712 : memref<1x!tpu.dma_semaphore, #tpu.memory_space<semaphore_mem>> -> memref<!tpu.dma_semaphore, #tpu.memory_space<semaphore_mem>>
        tpu.enqueue_indirect_dma source(%dma_start3A_711 : memref<10000x32xf32, #tpu.memory_space<hbm>>) target(%dma_start3A_705 : memref<250x32xf32, #tpu.memory_space<vmem>>) offsets(%dma_start3A_708 : memref<250xi32, #tpu.memory_space<vmem>>) semaphore(%dma_start3A_713 : memref<!tpu.dma_semaphore, #tpu.memory_space<semaphore_mem>>)
      } else {
      }
      %mul3A_618 = arith.constant 8 : i32
      %mul3A_619 = arith.muli %scan3A_383, %mul3A_618 : i32
      %add3A_620 = arith.constant 6 : i32
      %add3A_621 = arith.addi %mul3A_619, %add3A_620 : i32
      %dma_wait3A_622 = arith.constant 6 : i32
      %dma_wait3A_623 = arith.constant 6 : i32
      %dma_wait3A_624 = arith.constant 0 : i32
      %dma_wait3A_625 = arith.constant 0 : i32
      %dma_wait3A_626 = tpu.memref_slice %arg11[%dma_wait3A_622, %dma_wait3A_624, %dma_wait3A_625] : memref<8x250x32xf32, #tpu.memory_space<vmem>> -> memref<1x250x32xf32, #tpu.memory_space<vmem>>
      %dma_wait3A_627 = tpu.memref_squeeze %dma_wait3A_626 : memref<1x250x32xf32, #tpu.memory_space<vmem>> -> memref<250x32xf32, #tpu.memory_space<vmem>>
      %dma_wait3A_628 = arith.constant 0 : i32
      %dma_wait3A_629 = tpu.memref_slice %arg9[%add3A_621, %dma_wait3A_628] : memref<40x250xi32, #tpu.memory_space<vmem>> -> memref<1x250xi32, #tpu.memory_space<vmem>>
      %dma_wait3A_630 = tpu.memref_squeeze %dma_wait3A_629 : memref<1x250xi32, #tpu.memory_space<vmem>> -> memref<250xi32, #tpu.memory_space<vmem>>
      %dma_wait3A_631 = arith.constant 0 : i32
      %dma_wait3A_632 = arith.constant 0 : i32
      %dma_wait3A_633 = tpu.memref_slice %arg2[%dma_wait3A_631, %dma_wait3A_632] : memref<10000x32xf32, #tpu.memory_space<hbm>> -> memref<10000x32xf32, #tpu.memory_space<hbm>>
      %dma_wait3A_634 = tpu.memref_slice %arg12[%dma_wait3A_623] : memref<8x!tpu.dma_semaphore, #tpu.memory_space<semaphore_mem>> -> memref<1x!tpu.dma_semaphore, #tpu.memory_space<semaphore_mem>>
      %dma_wait3A_635 = tpu.memref_squeeze %dma_wait3A_634 : memref<1x!tpu.dma_semaphore, #tpu.memory_space<semaphore_mem>> -> memref<!tpu.dma_semaphore, #tpu.memory_space<semaphore_mem>>
      tpu.wait_indirect_dma semaphore(%dma_wait3A_635 : memref<!tpu.dma_semaphore, #tpu.memory_space<semaphore_mem>>) src(%dma_wait3A_633 : memref<10000x32xf32, #tpu.memory_space<hbm>>) dst(%dma_wait3A_627 : memref<250x32xf32, #tpu.memory_space<vmem>>)
      %dma_start3A_636 = arith.constant 6 : i32
      %dma_start3A_637 = arith.constant 6 : i32
      %dma_start3A_638 = arith.constant 0 : i32
      %dma_start3A_639 = arith.constant 0 : i32
      %dma_start3A_640 = tpu.memref_slice %arg11[%dma_start3A_636, %dma_start3A_638, %dma_start3A_639] : memref<8x250x32xf32, #tpu.memory_space<vmem>> -> memref<1x250x32xf32, #tpu.memory_space<vmem>>
      %dma_start3A_641 = tpu.memref_squeeze %dma_start3A_640 : memref<1x250x32xf32, #tpu.memory_space<vmem>> -> memref<250x32xf32, #tpu.memory_space<vmem>>
      %dma_start3A_642 = arith.constant 0 : i32
      %dma_start3A_643 = tpu.memref_slice %arg10[%add3A_621, %dma_start3A_642] : memref<40x250xi32, #tpu.memory_space<vmem>> -> memref<1x250xi32, #tpu.memory_space<vmem>>
      %dma_start3A_644 = tpu.memref_squeeze %dma_start3A_643 : memref<1x250xi32, #tpu.memory_space<vmem>> -> memref<250xi32, #tpu.memory_space<vmem>>
      %dma_start3A_645 = arith.constant 0 : i32
      %dma_start3A_646 = arith.constant 0 : i32
      %dma_start3A_647 = tpu.memref_slice %arg7[%dma_start3A_645, %dma_start3A_646] : memref<10000x32xf32, #tpu.memory_space<vmem_shared>> -> memref<10000x32xf32, #tpu.memory_space<vmem_shared>>
      %dma_start3A_648 = tpu.memref_slice %arg13[%dma_start3A_637] : memref<8x!tpu.dma_semaphore, #tpu.memory_space<semaphore_mem>> -> memref<1x!tpu.dma_semaphore, #tpu.memory_space<semaphore_mem>>
      %dma_start3A_649 = tpu.memref_squeeze %dma_start3A_648 : memref<1x!tpu.dma_semaphore, #tpu.memory_space<semaphore_mem>> -> memref<!tpu.dma_semaphore, #tpu.memory_space<semaphore_mem>>
      tpu.enqueue_indirect_dma source(%dma_start3A_641 : memref<250x32xf32, #tpu.memory_space<vmem>>) target(%dma_start3A_647 : memref<10000x32xf32, #tpu.memory_space<vmem_shared>>) offsets(%dma_start3A_644 : memref<250xi32, #tpu.memory_space<vmem>>) semaphore(%dma_start3A_649 : memref<!tpu.dma_semaphore, #tpu.memory_space<semaphore_mem>>) {add = true}
      %add3A_650 = arith.constant 4 : i32
      %add3A_651 = arith.addi %add3A_621, %add3A_650 : i32
      %lt3A_652 = arith.constant 40 : i32
      %lt3A_653 = arith.cmpi slt, %add3A_651, %lt3A_652 : i32
      %convert_element_type3A_654 = arith.extui %lt3A_653 : i1 to i32
      %cond3A_655 = arith.constant 0 : i32
      %cond3A_656 = arith.cmpi ne, %convert_element_type3A_654, %cond3A_655 : i32
      scf.if %cond3A_656 {
        %ge3A = arith.constant 8 : i32
        %ge3A_696 = arith.cmpi sge, %add3A_651, %ge3A : i32
        %convert_element_type3A_697 = arith.extui %ge3A_696 : i1 to i32
        %cond3A_698 = arith.constant 0 : i32
        %cond3A_699 = arith.cmpi ne, %convert_element_type3A_697, %cond3A_698 : i32
        scf.if %cond3A_699 {
          %sub3A = arith.constant 8 : i32
          %sub3A_714 = arith.subi %add3A_651, %sub3A : i32
          %dma_wait3A_715 = arith.constant 2 : i32
          %dma_wait3A_716 = arith.constant 2 : i32
          %dma_wait3A_717 = arith.constant 0 : i32
          %dma_wait3A_718 = arith.constant 0 : i32
          %dma_wait3A_719 = tpu.memref_slice %arg11[%dma_wait3A_715, %dma_wait3A_717, %dma_wait3A_718] : memref<8x250x32xf32, #tpu.memory_space<vmem>> -> memref<1x250x32xf32, #tpu.memory_space<vmem>>
          %dma_wait3A_720 = tpu.memref_squeeze %dma_wait3A_719 : memref<1x250x32xf32, #tpu.memory_space<vmem>> -> memref<250x32xf32, #tpu.memory_space<vmem>>
          %dma_wait3A_721 = arith.constant 0 : i32
          %dma_wait3A_722 = tpu.memref_slice %arg10[%sub3A_714, %dma_wait3A_721] : memref<40x250xi32, #tpu.memory_space<vmem>> -> memref<1x250xi32, #tpu.memory_space<vmem>>
          %dma_wait3A_723 = tpu.memref_squeeze %dma_wait3A_722 : memref<1x250xi32, #tpu.memory_space<vmem>> -> memref<250xi32, #tpu.memory_space<vmem>>
          %dma_wait3A_724 = arith.constant 0 : i32
          %dma_wait3A_725 = arith.constant 0 : i32
          %dma_wait3A_726 = tpu.memref_slice %arg7[%dma_wait3A_724, %dma_wait3A_725] : memref<10000x32xf32, #tpu.memory_space<vmem_shared>> -> memref<10000x32xf32, #tpu.memory_space<vmem_shared>>
          %dma_wait3A_727 = tpu.memref_slice %arg13[%dma_wait3A_716] : memref<8x!tpu.dma_semaphore, #tpu.memory_space<semaphore_mem>> -> memref<1x!tpu.dma_semaphore, #tpu.memory_space<semaphore_mem>>
          %dma_wait3A_728 = tpu.memref_squeeze %dma_wait3A_727 : memref<1x!tpu.dma_semaphore, #tpu.memory_space<semaphore_mem>> -> memref<!tpu.dma_semaphore, #tpu.memory_space<semaphore_mem>>
          tpu.wait_indirect_dma semaphore(%dma_wait3A_728 : memref<!tpu.dma_semaphore, #tpu.memory_space<semaphore_mem>>) src(%dma_wait3A_720 : memref<250x32xf32, #tpu.memory_space<vmem>>) dst(%dma_wait3A_726 : memref<10000x32xf32, #tpu.memory_space<vmem_shared>>)
        } else {
        }
        %dma_start3A_700 = arith.constant 2 : i32
        %dma_start3A_701 = arith.constant 2 : i32
        %dma_start3A_702 = arith.constant 0 : i32
        %dma_start3A_703 = arith.constant 0 : i32
        %dma_start3A_704 = tpu.memref_slice %arg11[%dma_start3A_700, %dma_start3A_702, %dma_start3A_703] : memref<8x250x32xf32, #tpu.memory_space<vmem>> -> memref<1x250x32xf32, #tpu.memory_space<vmem>>
        %dma_start3A_705 = tpu.memref_squeeze %dma_start3A_704 : memref<1x250x32xf32, #tpu.memory_space<vmem>> -> memref<250x32xf32, #tpu.memory_space<vmem>>
        %dma_start3A_706 = arith.constant 0 : i32
        %dma_start3A_707 = tpu.memref_slice %arg9[%add3A_651, %dma_start3A_706] : memref<40x250xi32, #tpu.memory_space<vmem>> -> memref<1x250xi32, #tpu.memory_space<vmem>>
        %dma_start3A_708 = tpu.memref_squeeze %dma_start3A_707 : memref<1x250xi32, #tpu.memory_space<vmem>> -> memref<250xi32, #tpu.memory_space<vmem>>
        %dma_start3A_709 = arith.constant 0 : i32
        %dma_start3A_710 = arith.constant 0 : i32
        %dma_start3A_711 = tpu.memref_slice %arg2[%dma_start3A_709, %dma_start3A_710] : memref<10000x32xf32, #tpu.memory_space<hbm>> -> memref<10000x32xf32, #tpu.memory_space<hbm>>
        %dma_start3A_712 = tpu.memref_slice %arg12[%dma_start3A_701] : memref<8x!tpu.dma_semaphore, #tpu.memory_space<semaphore_mem>> -> memref<1x!tpu.dma_semaphore, #tpu.memory_space<semaphore_mem>>
        %dma_start3A_713 = tpu.memref_squeeze %dma_start3A_712 : memref<1x!tpu.dma_semaphore, #tpu.memory_space<semaphore_mem>> -> memref<!tpu.dma_semaphore, #tpu.memory_space<semaphore_mem>>
        tpu.enqueue_indirect_dma source(%dma_start3A_711 : memref<10000x32xf32, #tpu.memory_space<hbm>>) target(%dma_start3A_705 : memref<250x32xf32, #tpu.memory_space<vmem>>) offsets(%dma_start3A_708 : memref<250xi32, #tpu.memory_space<vmem>>) semaphore(%dma_start3A_713 : memref<!tpu.dma_semaphore, #tpu.memory_space<semaphore_mem>>)
      } else {
      }
      %mul3A_657 = arith.constant 8 : i32
      %mul3A_658 = arith.muli %scan3A_383, %mul3A_657 : i32
      %add3A_659 = arith.constant 7 : i32
      %add3A_660 = arith.addi %mul3A_658, %add3A_659 : i32
      %dma_wait3A_661 = arith.constant 7 : i32
      %dma_wait3A_662 = arith.constant 7 : i32
      %dma_wait3A_663 = arith.constant 0 : i32
      %dma_wait3A_664 = arith.constant 0 : i32
      %dma_wait3A_665 = tpu.memref_slice %arg11[%dma_wait3A_661, %dma_wait3A_663, %dma_wait3A_664] : memref<8x250x32xf32, #tpu.memory_space<vmem>> -> memref<1x250x32xf32, #tpu.memory_space<vmem>>
      %dma_wait3A_666 = tpu.memref_squeeze %dma_wait3A_665 : memref<1x250x32xf32, #tpu.memory_space<vmem>> -> memref<250x32xf32, #tpu.memory_space<vmem>>
      %dma_wait3A_667 = arith.constant 0 : i32
      %dma_wait3A_668 = tpu.memref_slice %arg9[%add3A_660, %dma_wait3A_667] : memref<40x250xi32, #tpu.memory_space<vmem>> -> memref<1x250xi32, #tpu.memory_space<vmem>>
      %dma_wait3A_669 = tpu.memref_squeeze %dma_wait3A_668 : memref<1x250xi32, #tpu.memory_space<vmem>> -> memref<250xi32, #tpu.memory_space<vmem>>
      %dma_wait3A_670 = arith.constant 0 : i32
      %dma_wait3A_671 = arith.constant 0 : i32
      %dma_wait3A_672 = tpu.memref_slice %arg2[%dma_wait3A_670, %dma_wait3A_671] : memref<10000x32xf32, #tpu.memory_space<hbm>> -> memref<10000x32xf32, #tpu.memory_space<hbm>>
      %dma_wait3A_673 = tpu.memref_slice %arg12[%dma_wait3A_662] : memref<8x!tpu.dma_semaphore, #tpu.memory_space<semaphore_mem>> -> memref<1x!tpu.dma_semaphore, #tpu.memory_space<semaphore_mem>>
      %dma_wait3A_674 = tpu.memref_squeeze %dma_wait3A_673 : memref<1x!tpu.dma_semaphore, #tpu.memory_space<semaphore_mem>> -> memref<!tpu.dma_semaphore, #tpu.memory_space<semaphore_mem>>
      tpu.wait_indirect_dma semaphore(%dma_wait3A_674 : memref<!tpu.dma_semaphore, #tpu.memory_space<semaphore_mem>>) src(%dma_wait3A_672 : memref<10000x32xf32, #tpu.memory_space<hbm>>) dst(%dma_wait3A_666 : memref<250x32xf32, #tpu.memory_space<vmem>>)
      %dma_start3A_675 = arith.constant 7 : i32
      %dma_start3A_676 = arith.constant 7 : i32
      %dma_start3A_677 = arith.constant 0 : i32
      %dma_start3A_678 = arith.constant 0 : i32
      %dma_start3A_679 = tpu.memref_slice %arg11[%dma_start3A_675, %dma_start3A_677, %dma_start3A_678] : memref<8x250x32xf32, #tpu.memory_space<vmem>> -> memref<1x250x32xf32, #tpu.memory_space<vmem>>
      %dma_start3A_680 = tpu.memref_squeeze %dma_start3A_679 : memref<1x250x32xf32, #tpu.memory_space<vmem>> -> memref<250x32xf32, #tpu.memory_space<vmem>>
      %dma_start3A_681 = arith.constant 0 : i32
      %dma_start3A_682 = tpu.memref_slice %arg10[%add3A_660, %dma_start3A_681] : memref<40x250xi32, #tpu.memory_space<vmem>> -> memref<1x250xi32, #tpu.memory_space<vmem>>
      %dma_start3A_683 = tpu.memref_squeeze %dma_start3A_682 : memref<1x250xi32, #tpu.memory_space<vmem>> -> memref<250xi32, #tpu.memory_space<vmem>>
      %dma_start3A_684 = arith.constant 0 : i32
      %dma_start3A_685 = arith.constant 0 : i32
      %dma_start3A_686 = tpu.memref_slice %arg7[%dma_start3A_684, %dma_start3A_685] : memref<10000x32xf32, #tpu.memory_space<vmem_shared>> -> memref<10000x32xf32, #tpu.memory_space<vmem_shared>>
      %dma_start3A_687 = tpu.memref_slice %arg13[%dma_start3A_676] : memref<8x!tpu.dma_semaphore, #tpu.memory_space<semaphore_mem>> -> memref<1x!tpu.dma_semaphore, #tpu.memory_space<semaphore_mem>>
      %dma_start3A_688 = tpu.memref_squeeze %dma_start3A_687 : memref<1x!tpu.dma_semaphore, #tpu.memory_space<semaphore_mem>> -> memref<!tpu.dma_semaphore, #tpu.memory_space<semaphore_mem>>
      tpu.enqueue_indirect_dma source(%dma_start3A_680 : memref<250x32xf32, #tpu.memory_space<vmem>>) target(%dma_start3A_686 : memref<10000x32xf32, #tpu.memory_space<vmem_shared>>) offsets(%dma_start3A_683 : memref<250xi32, #tpu.memory_space<vmem>>) semaphore(%dma_start3A_688 : memref<!tpu.dma_semaphore, #tpu.memory_space<semaphore_mem>>) {add = true}
      %add3A_689 = arith.constant 4 : i32
      %add3A_690 = arith.addi %add3A_660, %add3A_689 : i32
      %lt3A_691 = arith.constant 40 : i32
      %lt3A_692 = arith.cmpi slt, %add3A_690, %lt3A_691 : i32
      %convert_element_type3A_693 = arith.extui %lt3A_692 : i1 to i32
      %cond3A_694 = arith.constant 0 : i32
      %cond3A_695 = arith.cmpi ne, %convert_element_type3A_693, %cond3A_694 : i32
      scf.if %cond3A_695 {
        %ge3A = arith.constant 8 : i32
        %ge3A_696 = arith.cmpi sge, %add3A_690, %ge3A : i32
        %convert_element_type3A_697 = arith.extui %ge3A_696 : i1 to i32
        %cond3A_698 = arith.constant 0 : i32
        %cond3A_699 = arith.cmpi ne, %convert_element_type3A_697, %cond3A_698 : i32
        scf.if %cond3A_699 {
          %sub3A = arith.constant 8 : i32
          %sub3A_714 = arith.subi %add3A_690, %sub3A : i32
          %dma_wait3A_715 = arith.constant 3 : i32
          %dma_wait3A_716 = arith.constant 3 : i32
          %dma_wait3A_717 = arith.constant 0 : i32
          %dma_wait3A_718 = arith.constant 0 : i32
          %dma_wait3A_719 = tpu.memref_slice %arg11[%dma_wait3A_715, %dma_wait3A_717, %dma_wait3A_718] : memref<8x250x32xf32, #tpu.memory_space<vmem>> -> memref<1x250x32xf32, #tpu.memory_space<vmem>>
          %dma_wait3A_720 = tpu.memref_squeeze %dma_wait3A_719 : memref<1x250x32xf32, #tpu.memory_space<vmem>> -> memref<250x32xf32, #tpu.memory_space<vmem>>
          %dma_wait3A_721 = arith.constant 0 : i32
          %dma_wait3A_722 = tpu.memref_slice %arg10[%sub3A_714, %dma_wait3A_721] : memref<40x250xi32, #tpu.memory_space<vmem>> -> memref<1x250xi32, #tpu.memory_space<vmem>>
          %dma_wait3A_723 = tpu.memref_squeeze %dma_wait3A_722 : memref<1x250xi32, #tpu.memory_space<vmem>> -> memref<250xi32, #tpu.memory_space<vmem>>
          %dma_wait3A_724 = arith.constant 0 : i32
          %dma_wait3A_725 = arith.constant 0 : i32
          %dma_wait3A_726 = tpu.memref_slice %arg7[%dma_wait3A_724, %dma_wait3A_725] : memref<10000x32xf32, #tpu.memory_space<vmem_shared>> -> memref<10000x32xf32, #tpu.memory_space<vmem_shared>>
          %dma_wait3A_727 = tpu.memref_slice %arg13[%dma_wait3A_716] : memref<8x!tpu.dma_semaphore, #tpu.memory_space<semaphore_mem>> -> memref<1x!tpu.dma_semaphore, #tpu.memory_space<semaphore_mem>>
          %dma_wait3A_728 = tpu.memref_squeeze %dma_wait3A_727 : memref<1x!tpu.dma_semaphore, #tpu.memory_space<semaphore_mem>> -> memref<!tpu.dma_semaphore, #tpu.memory_space<semaphore_mem>>
          tpu.wait_indirect_dma semaphore(%dma_wait3A_728 : memref<!tpu.dma_semaphore, #tpu.memory_space<semaphore_mem>>) src(%dma_wait3A_720 : memref<250x32xf32, #tpu.memory_space<vmem>>) dst(%dma_wait3A_726 : memref<10000x32xf32, #tpu.memory_space<vmem_shared>>)
        } else {
        }
        %dma_start3A_700 = arith.constant 3 : i32
        %dma_start3A_701 = arith.constant 3 : i32
        %dma_start3A_702 = arith.constant 0 : i32
        %dma_start3A_703 = arith.constant 0 : i32
        %dma_start3A_704 = tpu.memref_slice %arg11[%dma_start3A_700, %dma_start3A_702, %dma_start3A_703] : memref<8x250x32xf32, #tpu.memory_space<vmem>> -> memref<1x250x32xf32, #tpu.memory_space<vmem>>
        %dma_start3A_705 = tpu.memref_squeeze %dma_start3A_704 : memref<1x250x32xf32, #tpu.memory_space<vmem>> -> memref<250x32xf32, #tpu.memory_space<vmem>>
        %dma_start3A_706 = arith.constant 0 : i32
        %dma_start3A_707 = tpu.memref_slice %arg9[%add3A_690, %dma_start3A_706] : memref<40x250xi32, #tpu.memory_space<vmem>> -> memref<1x250xi32, #tpu.memory_space<vmem>>
        %dma_start3A_708 = tpu.memref_squeeze %dma_start3A_707 : memref<1x250xi32, #tpu.memory_space<vmem>> -> memref<250xi32, #tpu.memory_space<vmem>>
        %dma_start3A_709 = arith.constant 0 : i32
        %dma_start3A_710 = arith.constant 0 : i32
        %dma_start3A_711 = tpu.memref_slice %arg2[%dma_start3A_709, %dma_start3A_710] : memref<10000x32xf32, #tpu.memory_space<hbm>> -> memref<10000x32xf32, #tpu.memory_space<hbm>>
        %dma_start3A_712 = tpu.memref_slice %arg12[%dma_start3A_701] : memref<8x!tpu.dma_semaphore, #tpu.memory_space<semaphore_mem>> -> memref<1x!tpu.dma_semaphore, #tpu.memory_space<semaphore_mem>>
        %dma_start3A_713 = tpu.memref_squeeze %dma_start3A_712 : memref<1x!tpu.dma_semaphore, #tpu.memory_space<semaphore_mem>> -> memref<!tpu.dma_semaphore, #tpu.memory_space<semaphore_mem>>
        tpu.enqueue_indirect_dma source(%dma_start3A_711 : memref<10000x32xf32, #tpu.memory_space<hbm>>) target(%dma_start3A_705 : memref<250x32xf32, #tpu.memory_space<vmem>>) offsets(%dma_start3A_708 : memref<250xi32, #tpu.memory_space<vmem>>) semaphore(%dma_start3A_713 : memref<!tpu.dma_semaphore, #tpu.memory_space<semaphore_mem>>)
      } else {
      }
    }
    %scan3A_69 = arith.constant 5 : i32
    %dma_wait3A = arith.constant 0 : i32
    %dma_wait3A_70 = arith.constant 32 : i32
    %dma_wait3A_71 = arith.constant 0 : i32
    %dma_wait3A_72 = arith.constant 0 : i32
    %dma_wait3A_73 = arith.constant 0 : i32
    %dma_wait3A_74 = tpu.memref_slice %arg11[%dma_wait3A, %dma_wait3A_72, %dma_wait3A_73] : memref<8x250x32xf32, #tpu.memory_space<vmem>> -> memref<1x250x32xf32, #tpu.memory_space<vmem>>
    %dma_wait3A_75 = tpu.memref_squeeze %dma_wait3A_74 : memref<1x250x32xf32, #tpu.memory_space<vmem>> -> memref<250x32xf32, #tpu.memory_space<vmem>>
    %dma_wait3A_76 = arith.constant 0 : i32
    %dma_wait3A_77 = tpu.memref_slice %arg10[%dma_wait3A_70, %dma_wait3A_76] : memref<40x250xi32, #tpu.memory_space<vmem>> -> memref<1x250xi32, #tpu.memory_space<vmem>>
    %dma_wait3A_78 = tpu.memref_squeeze %dma_wait3A_77 : memref<1x250xi32, #tpu.memory_space<vmem>> -> memref<250xi32, #tpu.memory_space<vmem>>
    %dma_wait3A_79 = arith.constant 0 : i32
    %dma_wait3A_80 = arith.constant 0 : i32
    %dma_wait3A_81 = tpu.memref_slice %arg7[%dma_wait3A_79, %dma_wait3A_80] : memref<10000x32xf32, #tpu.memory_space<vmem_shared>> -> memref<10000x32xf32, #tpu.memory_space<vmem_shared>>
    %dma_wait3A_82 = tpu.memref_slice %arg13[%dma_wait3A_71] : memref<8x!tpu.dma_semaphore, #tpu.memory_space<semaphore_mem>> -> memref<1x!tpu.dma_semaphore, #tpu.memory_space<semaphore_mem>>
    %dma_wait3A_83 = tpu.memref_squeeze %dma_wait3A_82 : memref<1x!tpu.dma_semaphore, #tpu.memory_space<semaphore_mem>> -> memref<!tpu.dma_semaphore, #tpu.memory_space<semaphore_mem>>
    tpu.wait_indirect_dma semaphore(%dma_wait3A_83 : memref<!tpu.dma_semaphore, #tpu.memory_space<semaphore_mem>>) src(%dma_wait3A_75 : memref<250x32xf32, #tpu.memory_space<vmem>>) dst(%dma_wait3A_81 : memref<10000x32xf32, #tpu.memory_space<vmem_shared>>)
    %dma_wait3A_84 = arith.constant 1 : i32
    %dma_wait3A_85 = arith.constant 33 : i32
    %dma_wait3A_86 = arith.constant 1 : i32
    %dma_wait3A_87 = arith.constant 0 : i32
    %dma_wait3A_88 = arith.constant 0 : i32
    %dma_wait3A_89 = tpu.memref_slice %arg11[%dma_wait3A_84, %dma_wait3A_87, %dma_wait3A_88] : memref<8x250x32xf32, #tpu.memory_space<vmem>> -> memref<1x250x32xf32, #tpu.memory_space<vmem>>
    %dma_wait3A_90 = tpu.memref_squeeze %dma_wait3A_89 : memref<1x250x32xf32, #tpu.memory_space<vmem>> -> memref<250x32xf32, #tpu.memory_space<vmem>>
    %dma_wait3A_91 = arith.constant 0 : i32
    %dma_wait3A_92 = tpu.memref_slice %arg10[%dma_wait3A_85, %dma_wait3A_91] : memref<40x250xi32, #tpu.memory_space<vmem>> -> memref<1x250xi32, #tpu.memory_space<vmem>>
    %dma_wait3A_93 = tpu.memref_squeeze %dma_wait3A_92 : memref<1x250xi32, #tpu.memory_space<vmem>> -> memref<250xi32, #tpu.memory_space<vmem>>
    %dma_wait3A_94 = arith.constant 0 : i32
    %dma_wait3A_95 = arith.constant 0 : i32
    %dma_wait3A_96 = tpu.memref_slice %arg7[%dma_wait3A_94, %dma_wait3A_95] : memref<10000x32xf32, #tpu.memory_space<vmem_shared>> -> memref<10000x32xf32, #tpu.memory_space<vmem_shared>>
    %dma_wait3A_97 = tpu.memref_slice %arg13[%dma_wait3A_86] : memref<8x!tpu.dma_semaphore, #tpu.memory_space<semaphore_mem>> -> memref<1x!tpu.dma_semaphore, #tpu.memory_space<semaphore_mem>>
    %dma_wait3A_98 = tpu.memref_squeeze %dma_wait3A_97 : memref<1x!tpu.dma_semaphore, #tpu.memory_space<semaphore_mem>> -> memref<!tpu.dma_semaphore, #tpu.memory_space<semaphore_mem>>
    tpu.wait_indirect_dma semaphore(%dma_wait3A_98 : memref<!tpu.dma_semaphore, #tpu.memory_space<semaphore_mem>>) src(%dma_wait3A_90 : memref<250x32xf32, #tpu.memory_space<vmem>>) dst(%dma_wait3A_96 : memref<10000x32xf32, #tpu.memory_space<vmem_shared>>)
    %dma_wait3A_99 = arith.constant 2 : i32
    %dma_wait3A_100 = arith.constant 34 : i32
    %dma_wait3A_101 = arith.constant 2 : i32
    %dma_wait3A_102 = arith.constant 0 : i32
    %dma_wait3A_103 = arith.constant 0 : i32
    %dma_wait3A_104 = tpu.memref_slice %arg11[%dma_wait3A_99, %dma_wait3A_102, %dma_wait3A_103] : memref<8x250x32xf32, #tpu.memory_space<vmem>> -> memref<1x250x32xf32, #tpu.memory_space<vmem>>
    %dma_wait3A_105 = tpu.memref_squeeze %dma_wait3A_104 : memref<1x250x32xf32, #tpu.memory_space<vmem>> -> memref<250x32xf32, #tpu.memory_space<vmem>>
    %dma_wait3A_106 = arith.constant 0 : i32
    %dma_wait3A_107 = tpu.memref_slice %arg10[%dma_wait3A_100, %dma_wait3A_106] : memref<40x250xi32, #tpu.memory_space<vmem>> -> memref<1x250xi32, #tpu.memory_space<vmem>>
    %dma_wait3A_108 = tpu.memref_squeeze %dma_wait3A_107 : memref<1x250xi32, #tpu.memory_space<vmem>> -> memref<250xi32, #tpu.memory_space<vmem>>
    %dma_wait3A_109 = arith.constant 0 : i32
    %dma_wait3A_110 = arith.constant 0 : i32
    %dma_wait3A_111 = tpu.memref_slice %arg7[%dma_wait3A_109, %dma_wait3A_110] : memref<10000x32xf32, #tpu.memory_space<vmem_shared>> -> memref<10000x32xf32, #tpu.memory_space<vmem_shared>>
    %dma_wait3A_112 = tpu.memref_slice %arg13[%dma_wait3A_101] : memref<8x!tpu.dma_semaphore, #tpu.memory_space<semaphore_mem>> -> memref<1x!tpu.dma_semaphore, #tpu.memory_space<semaphore_mem>>
    %dma_wait3A_113 = tpu.memref_squeeze %dma_wait3A_112 : memref<1x!tpu.dma_semaphore, #tpu.memory_space<semaphore_mem>> -> memref<!tpu.dma_semaphore, #tpu.memory_space<semaphore_mem>>
    tpu.wait_indirect_dma semaphore(%dma_wait3A_113 : memref<!tpu.dma_semaphore, #tpu.memory_space<semaphore_mem>>) src(%dma_wait3A_105 : memref<250x32xf32, #tpu.memory_space<vmem>>) dst(%dma_wait3A_111 : memref<10000x32xf32, #tpu.memory_space<vmem_shared>>)
    %dma_wait3A_114 = arith.constant 3 : i32
    %dma_wait3A_115 = arith.constant 35 : i32
    %dma_wait3A_116 = arith.constant 3 : i32
    %dma_wait3A_117 = arith.constant 0 : i32
    %dma_wait3A_118 = arith.constant 0 : i32
    %dma_wait3A_119 = tpu.memref_slice %arg11[%dma_wait3A_114, %dma_wait3A_117, %dma_wait3A_118] : memref<8x250x32xf32, #tpu.memory_space<vmem>> -> memref<1x250x32xf32, #tpu.memory_space<vmem>>
    %dma_wait3A_120 = tpu.memref_squeeze %dma_wait3A_119 : memref<1x250x32xf32, #tpu.memory_space<vmem>> -> memref<250x32xf32, #tpu.memory_space<vmem>>
    %dma_wait3A_121 = arith.constant 0 : i32
    %dma_wait3A_122 = tpu.memref_slice %arg10[%dma_wait3A_115, %dma_wait3A_121] : memref<40x250xi32, #tpu.memory_space<vmem>> -> memref<1x250xi32, #tpu.memory_space<vmem>>
    %dma_wait3A_123 = tpu.memref_squeeze %dma_wait3A_122 : memref<1x250xi32, #tpu.memory_space<vmem>> -> memref<250xi32, #tpu.memory_space<vmem>>
    %dma_wait3A_124 = arith.constant 0 : i32
    %dma_wait3A_125 = arith.constant 0 : i32
    %dma_wait3A_126 = tpu.memref_slice %arg7[%dma_wait3A_124, %dma_wait3A_125] : memref<10000x32xf32, #tpu.memory_space<vmem_shared>> -> memref<10000x32xf32, #tpu.memory_space<vmem_shared>>
    %dma_wait3A_127 = tpu.memref_slice %arg13[%dma_wait3A_116] : memref<8x!tpu.dma_semaphore, #tpu.memory_space<semaphore_mem>> -> memref<1x!tpu.dma_semaphore, #tpu.memory_space<semaphore_mem>>
    %dma_wait3A_128 = tpu.memref_squeeze %dma_wait3A_127 : memref<1x!tpu.dma_semaphore, #tpu.memory_space<semaphore_mem>> -> memref<!tpu.dma_semaphore, #tpu.memory_space<semaphore_mem>>
    tpu.wait_indirect_dma semaphore(%dma_wait3A_128 : memref<!tpu.dma_semaphore, #tpu.memory_space<semaphore_mem>>) src(%dma_wait3A_120 : memref<250x32xf32, #tpu.memory_space<vmem>>) dst(%dma_wait3A_126 : memref<10000x32xf32, #tpu.memory_space<vmem_shared>>)
    %dma_wait3A_129 = arith.constant 4 : i32
    %dma_wait3A_130 = arith.constant 36 : i32
    %dma_wait3A_131 = arith.constant 4 : i32
    %dma_wait3A_132 = arith.constant 0 : i32
    %dma_wait3A_133 = arith.constant 0 : i32
    %dma_wait3A_134 = tpu.memref_slice %arg11[%dma_wait3A_129, %dma_wait3A_132, %dma_wait3A_133] : memref<8x250x32xf32, #tpu.memory_space<vmem>> -> memref<1x250x32xf32, #tpu.memory_space<vmem>>
    %dma_wait3A_135 = tpu.memref_squeeze %dma_wait3A_134 : memref<1x250x32xf32, #tpu.memory_space<vmem>> -> memref<250x32xf32, #tpu.memory_space<vmem>>
    %dma_wait3A_136 = arith.constant 0 : i32
    %dma_wait3A_137 = tpu.memref_slice %arg10[%dma_wait3A_130, %dma_wait3A_136] : memref<40x250xi32, #tpu.memory_space<vmem>> -> memref<1x250xi32, #tpu.memory_space<vmem>>
    %dma_wait3A_138 = tpu.memref_squeeze %dma_wait3A_137 : memref<1x250xi32, #tpu.memory_space<vmem>> -> memref<250xi32, #tpu.memory_space<vmem>>
    %dma_wait3A_139 = arith.constant 0 : i32
    %dma_wait3A_140 = arith.constant 0 : i32
    %dma_wait3A_141 = tpu.memref_slice %arg7[%dma_wait3A_139, %dma_wait3A_140] : memref<10000x32xf32, #tpu.memory_space<vmem_shared>> -> memref<10000x32xf32, #tpu.memory_space<vmem_shared>>
    %dma_wait3A_142 = tpu.memref_slice %arg13[%dma_wait3A_131] : memref<8x!tpu.dma_semaphore, #tpu.memory_space<semaphore_mem>> -> memref<1x!tpu.dma_semaphore, #tpu.memory_space<semaphore_mem>>
    %dma_wait3A_143 = tpu.memref_squeeze %dma_wait3A_142 : memref<1x!tpu.dma_semaphore, #tpu.memory_space<semaphore_mem>> -> memref<!tpu.dma_semaphore, #tpu.memory_space<semaphore_mem>>
    tpu.wait_indirect_dma semaphore(%dma_wait3A_143 : memref<!tpu.dma_semaphore, #tpu.memory_space<semaphore_mem>>) src(%dma_wait3A_135 : memref<250x32xf32, #tpu.memory_space<vmem>>) dst(%dma_wait3A_141 : memref<10000x32xf32, #tpu.memory_space<vmem_shared>>)
    %dma_wait3A_144 = arith.constant 5 : i32
    %dma_wait3A_145 = arith.constant 37 : i32
    %dma_wait3A_146 = arith.constant 5 : i32
    %dma_wait3A_147 = arith.constant 0 : i32
    %dma_wait3A_148 = arith.constant 0 : i32
    %dma_wait3A_149 = tpu.memref_slice %arg11[%dma_wait3A_144, %dma_wait3A_147, %dma_wait3A_148] : memref<8x250x32xf32, #tpu.memory_space<vmem>> -> memref<1x250x32xf32, #tpu.memory_space<vmem>>
    %dma_wait3A_150 = tpu.memref_squeeze %dma_wait3A_149 : memref<1x250x32xf32, #tpu.memory_space<vmem>> -> memref<250x32xf32, #tpu.memory_space<vmem>>
    %dma_wait3A_151 = arith.constant 0 : i32
    %dma_wait3A_152 = tpu.memref_slice %arg10[%dma_wait3A_145, %dma_wait3A_151] : memref<40x250xi32, #tpu.memory_space<vmem>> -> memref<1x250xi32, #tpu.memory_space<vmem>>
    %dma_wait3A_153 = tpu.memref_squeeze %dma_wait3A_152 : memref<1x250xi32, #tpu.memory_space<vmem>> -> memref<250xi32, #tpu.memory_space<vmem>>
    %dma_wait3A_154 = arith.constant 0 : i32
    %dma_wait3A_155 = arith.constant 0 : i32
    %dma_wait3A_156 = tpu.memref_slice %arg7[%dma_wait3A_154, %dma_wait3A_155] : memref<10000x32xf32, #tpu.memory_space<vmem_shared>> -> memref<10000x32xf32, #tpu.memory_space<vmem_shared>>
    %dma_wait3A_157 = tpu.memref_slice %arg13[%dma_wait3A_146] : memref<8x!tpu.dma_semaphore, #tpu.memory_space<semaphore_mem>> -> memref<1x!tpu.dma_semaphore, #tpu.memory_space<semaphore_mem>>
    %dma_wait3A_158 = tpu.memref_squeeze %dma_wait3A_157 : memref<1x!tpu.dma_semaphore, #tpu.memory_space<semaphore_mem>> -> memref<!tpu.dma_semaphore, #tpu.memory_space<semaphore_mem>>
    tpu.wait_indirect_dma semaphore(%dma_wait3A_158 : memref<!tpu.dma_semaphore, #tpu.memory_space<semaphore_mem>>) src(%dma_wait3A_150 : memref<250x32xf32, #tpu.memory_space<vmem>>) dst(%dma_wait3A_156 : memref<10000x32xf32, #tpu.memory_space<vmem_shared>>)
    %dma_wait3A_159 = arith.constant 6 : i32
    %dma_wait3A_160 = arith.constant 38 : i32
    %dma_wait3A_161 = arith.constant 6 : i32
    %dma_wait3A_162 = arith.constant 0 : i32
    %dma_wait3A_163 = arith.constant 0 : i32
    %dma_wait3A_164 = tpu.memref_slice %arg11[%dma_wait3A_159, %dma_wait3A_162, %dma_wait3A_163] : memref<8x250x32xf32, #tpu.memory_space<vmem>> -> memref<1x250x32xf32, #tpu.memory_space<vmem>>
    %dma_wait3A_165 = tpu.memref_squeeze %dma_wait3A_164 : memref<1x250x32xf32, #tpu.memory_space<vmem>> -> memref<250x32xf32, #tpu.memory_space<vmem>>
    %dma_wait3A_166 = arith.constant 0 : i32
    %dma_wait3A_167 = tpu.memref_slice %arg10[%dma_wait3A_160, %dma_wait3A_166] : memref<40x250xi32, #tpu.memory_space<vmem>> -> memref<1x250xi32, #tpu.memory_space<vmem>>
    %dma_wait3A_168 = tpu.memref_squeeze %dma_wait3A_167 : memref<1x250xi32, #tpu.memory_space<vmem>> -> memref<250xi32, #tpu.memory_space<vmem>>
    %dma_wait3A_169 = arith.constant 0 : i32
    %dma_wait3A_170 = arith.constant 0 : i32
    %dma_wait3A_171 = tpu.memref_slice %arg7[%dma_wait3A_169, %dma_wait3A_170] : memref<10000x32xf32, #tpu.memory_space<vmem_shared>> -> memref<10000x32xf32, #tpu.memory_space<vmem_shared>>
    %dma_wait3A_172 = tpu.memref_slice %arg13[%dma_wait3A_161] : memref<8x!tpu.dma_semaphore, #tpu.memory_space<semaphore_mem>> -> memref<1x!tpu.dma_semaphore, #tpu.memory_space<semaphore_mem>>
    %dma_wait3A_173 = tpu.memref_squeeze %dma_wait3A_172 : memref<1x!tpu.dma_semaphore, #tpu.memory_space<semaphore_mem>> -> memref<!tpu.dma_semaphore, #tpu.memory_space<semaphore_mem>>
    tpu.wait_indirect_dma semaphore(%dma_wait3A_173 : memref<!tpu.dma_semaphore, #tpu.memory_space<semaphore_mem>>) src(%dma_wait3A_165 : memref<250x32xf32, #tpu.memory_space<vmem>>) dst(%dma_wait3A_171 : memref<10000x32xf32, #tpu.memory_space<vmem_shared>>)
    %dma_wait3A_174 = arith.constant 7 : i32
    %dma_wait3A_175 = arith.constant 39 : i32
    %dma_wait3A_176 = arith.constant 7 : i32
    %dma_wait3A_177 = arith.constant 0 : i32
    %dma_wait3A_178 = arith.constant 0 : i32
    %dma_wait3A_179 = tpu.memref_slice %arg11[%dma_wait3A_174, %dma_wait3A_177, %dma_wait3A_178] : memref<8x250x32xf32, #tpu.memory_space<vmem>> -> memref<1x250x32xf32, #tpu.memory_space<vmem>>
    %dma_wait3A_180 = tpu.memref_squeeze %dma_wait3A_179 : memref<1x250x32xf32, #tpu.memory_space<vmem>> -> memref<250x32xf32, #tpu.memory_space<vmem>>
    %dma_wait3A_181 = arith.constant 0 : i32
    %dma_wait3A_182 = tpu.memref_slice %arg10[%dma_wait3A_175, %dma_wait3A_181] : memref<40x250xi32, #tpu.memory_space<vmem>> -> memref<1x250xi32, #tpu.memory_space<vmem>>
    %dma_wait3A_183 = tpu.memref_squeeze %dma_wait3A_182 : memref<1x250xi32, #tpu.memory_space<vmem>> -> memref<250xi32, #tpu.memory_space<vmem>>
    %dma_wait3A_184 = arith.constant 0 : i32
    %dma_wait3A_185 = arith.constant 0 : i32
    %dma_wait3A_186 = tpu.memref_slice %arg7[%dma_wait3A_184, %dma_wait3A_185] : memref<10000x32xf32, #tpu.memory_space<vmem_shared>> -> memref<10000x32xf32, #tpu.memory_space<vmem_shared>>
    %dma_wait3A_187 = tpu.memref_slice %arg13[%dma_wait3A_176] : memref<8x!tpu.dma_semaphore, #tpu.memory_space<semaphore_mem>> -> memref<1x!tpu.dma_semaphore, #tpu.memory_space<semaphore_mem>>
    %dma_wait3A_188 = tpu.memref_squeeze %dma_wait3A_187 : memref<1x!tpu.dma_semaphore, #tpu.memory_space<semaphore_mem>> -> memref<!tpu.dma_semaphore, #tpu.memory_space<semaphore_mem>>
    tpu.wait_indirect_dma semaphore(%dma_wait3A_188 : memref<!tpu.dma_semaphore, #tpu.memory_space<semaphore_mem>>) src(%dma_wait3A_180 : memref<250x32xf32, #tpu.memory_space<vmem>>) dst(%dma_wait3A_186 : memref<10000x32xf32, #tpu.memory_space<vmem_shared>>)
    %run_scoped3A_189 = arith.constant 1 : i32
    "tpu.region"() ({
      %run_scoped3A_383 = tpu.sem_alloc : memref<!tpu.dma_semaphore, #tpu.memory_space<semaphore_mem>>
      %dma_start3A_384 = arith.constant 0 : i32
      %dma_start3A_385 = arith.constant 0 : i32
      %dma_start3A_386 = tpu.memref_slice %arg4[%run_scoped3A_189, %add3A, %dma_start3A_384, %dma_start3A_385] : memref<2x32x40x250xi32, #tpu.memory_space<hbm>> -> memref<1x1x40x250xi32, #tpu.memory_space<hbm>>
      %dma_start3A_387 = tpu.memref_squeeze %dma_start3A_386 : memref<1x1x40x250xi32, #tpu.memory_space<hbm>> -> memref<40x250xi32, #tpu.memory_space<hbm>>
      %dma_start3A_388 = arith.constant 0 : i32
      %dma_start3A_389 = arith.constant 0 : i32
      %dma_start3A_390 = tpu.memref_slice %arg4[%run_scoped3A_189, %add3A, %dma_start3A_388, %dma_start3A_389] : memref<2x32x40x250xi32, #tpu.memory_space<hbm>> -> memref<1x1x40x250xi32, #tpu.memory_space<hbm>>
      %dma_start3A_391 = tpu.memref_squeeze %dma_start3A_390 : memref<1x1x40x250xi32, #tpu.memory_space<hbm>> -> memref<40x250xi32, #tpu.memory_space<hbm>>
      tpu.enqueue_dma source(%dma_start3A_391 : memref<40x250xi32, #tpu.memory_space<hbm>>) target(%arg9 : memref<40x250xi32, #tpu.memory_space<vmem>>) target_semaphore(%run_scoped3A_383 : memref<!tpu.dma_semaphore, #tpu.memory_space<semaphore_mem>>)
      %dma_wait3A_392 = arith.constant 0 : i32
      %dma_wait3A_393 = arith.constant 0 : i32
      %dma_wait3A_394 = tpu.memref_slice %arg4[%run_scoped3A_189, %add3A, %dma_wait3A_392, %dma_wait3A_393] : memref<2x32x40x250xi32, #tpu.memory_space<hbm>> -> memref<1x1x40x250xi32, #tpu.memory_space<hbm>>
      %dma_wait3A_395 = tpu.memref_squeeze %dma_wait3A_394 : memref<1x1x40x250xi32, #tpu.memory_space<hbm>> -> memref<40x250xi32, #tpu.memory_space<hbm>>
      %dma_wait3A_396 = arith.constant 0 : i32
      %dma_wait3A_397 = arith.constant 0 : i32
      %dma_wait3A_398 = tpu.memref_slice %arg4[%run_scoped3A_189, %add3A, %dma_wait3A_396, %dma_wait3A_397] : memref<2x32x40x250xi32, #tpu.memory_space<hbm>> -> memref<1x1x40x250xi32, #tpu.memory_space<hbm>>
      %dma_wait3A_399 = tpu.memref_squeeze %dma_wait3A_398 : memref<1x1x40x250xi32, #tpu.memory_space<hbm>> -> memref<40x250xi32, #tpu.memory_space<hbm>>
      tpu.wait_dma2 semaphore(%run_scoped3A_383 : memref<!tpu.dma_semaphore, #tpu.memory_space<semaphore_mem>>) src(%dma_wait3A_399 : memref<40x250xi32, #tpu.memory_space<hbm>>) dst(%arg9 : memref<40x250xi32, #tpu.memory_space<vmem>>)
      tpu.yield
    }) : () -> ()
    %run_scoped3A_190 = arith.constant 1 : i32
    "tpu.region"() ({
      %run_scoped3A_383 = tpu.sem_alloc : memref<!tpu.dma_semaphore, #tpu.memory_space<semaphore_mem>>
      %dma_start3A_384 = arith.constant 0 : i32
      %dma_start3A_385 = arith.constant 0 : i32
      %dma_start3A_386 = tpu.memref_slice %arg5[%run_scoped3A_190, %add3A, %dma_start3A_384, %dma_start3A_385] : memref<2x32x40x250xi32, #tpu.memory_space<hbm>> -> memref<1x1x40x250xi32, #tpu.memory_space<hbm>>
      %dma_start3A_387 = tpu.memref_squeeze %dma_start3A_386 : memref<1x1x40x250xi32, #tpu.memory_space<hbm>> -> memref<40x250xi32, #tpu.memory_space<hbm>>
      %dma_start3A_388 = arith.constant 0 : i32
      %dma_start3A_389 = arith.constant 0 : i32
      %dma_start3A_390 = tpu.memref_slice %arg5[%run_scoped3A_190, %add3A, %dma_start3A_388, %dma_start3A_389] : memref<2x32x40x250xi32, #tpu.memory_space<hbm>> -> memref<1x1x40x250xi32, #tpu.memory_space<hbm>>
      %dma_start3A_391 = tpu.memref_squeeze %dma_start3A_390 : memref<1x1x40x250xi32, #tpu.memory_space<hbm>> -> memref<40x250xi32, #tpu.memory_space<hbm>>
      tpu.enqueue_dma source(%dma_start3A_391 : memref<40x250xi32, #tpu.memory_space<hbm>>) target(%arg10 : memref<40x250xi32, #tpu.memory_space<vmem>>) target_semaphore(%run_scoped3A_383 : memref<!tpu.dma_semaphore, #tpu.memory_space<semaphore_mem>>)
      %dma_wait3A_392 = arith.constant 0 : i32
      %dma_wait3A_393 = arith.constant 0 : i32
      %dma_wait3A_394 = tpu.memref_slice %arg5[%run_scoped3A_190, %add3A, %dma_wait3A_392, %dma_wait3A_393] : memref<2x32x40x250xi32, #tpu.memory_space<hbm>> -> memref<1x1x40x250xi32, #tpu.memory_space<hbm>>
      %dma_wait3A_395 = tpu.memref_squeeze %dma_wait3A_394 : memref<1x1x40x250xi32, #tpu.memory_space<hbm>> -> memref<40x250xi32, #tpu.memory_space<hbm>>
      %dma_wait3A_396 = arith.constant 0 : i32
      %dma_wait3A_397 = arith.constant 0 : i32
      %dma_wait3A_398 = tpu.memref_slice %arg5[%run_scoped3A_190, %add3A, %dma_wait3A_396, %dma_wait3A_397] : memref<2x32x40x250xi32, #tpu.memory_space<hbm>> -> memref<1x1x40x250xi32, #tpu.memory_space<hbm>>
      %dma_wait3A_399 = tpu.memref_squeeze %dma_wait3A_398 : memref<1x1x40x250xi32, #tpu.memory_space<hbm>> -> memref<40x250xi32, #tpu.memory_space<hbm>>
      tpu.wait_dma2 semaphore(%run_scoped3A_383 : memref<!tpu.dma_semaphore, #tpu.memory_space<semaphore_mem>>) src(%dma_wait3A_399 : memref<40x250xi32, #tpu.memory_space<hbm>>) dst(%arg10 : memref<40x250xi32, #tpu.memory_space<vmem>>)
      tpu.yield
    }) : () -> ()
    %dma_start3A_191 = arith.constant 0 : i32
    %dma_start3A_192 = arith.constant 0 : i32
    %dma_start3A_193 = arith.constant 0 : i32
    %dma_start3A_194 = arith.constant 0 : i32
    %dma_start3A_195 = arith.constant 0 : i32
    %dma_start3A_196 = tpu.memref_slice %arg11[%dma_start3A_192, %dma_start3A_194, %dma_start3A_195] : memref<8x250x32xf32, #tpu.memory_space<vmem>> -> memref<1x250x32xf32, #tpu.memory_space<vmem>>
    %dma_start3A_197 = tpu.memref_squeeze %dma_start3A_196 : memref<1x250x32xf32, #tpu.memory_space<vmem>> -> memref<250x32xf32, #tpu.memory_space<vmem>>
    %dma_start3A_198 = arith.constant 0 : i32
    %dma_start3A_199 = tpu.memref_slice %arg9[%dma_start3A_191, %dma_start3A_198] : memref<40x250xi32, #tpu.memory_space<vmem>> -> memref<1x250xi32, #tpu.memory_space<vmem>>
    %dma_start3A_200 = tpu.memref_squeeze %dma_start3A_199 : memref<1x250xi32, #tpu.memory_space<vmem>> -> memref<250xi32, #tpu.memory_space<vmem>>
    %dma_start3A_201 = arith.constant 0 : i32
    %dma_start3A_202 = arith.constant 0 : i32
    %dma_start3A_203 = tpu.memref_slice %arg3[%dma_start3A_201, %dma_start3A_202] : memref<10000x32xf32, #tpu.memory_space<hbm>> -> memref<10000x32xf32, #tpu.memory_space<hbm>>
    %dma_start3A_204 = tpu.memref_slice %arg12[%dma_start3A_193] : memref<8x!tpu.dma_semaphore, #tpu.memory_space<semaphore_mem>> -> memref<1x!tpu.dma_semaphore, #tpu.memory_space<semaphore_mem>>
    %dma_start3A_205 = tpu.memref_squeeze %dma_start3A_204 : memref<1x!tpu.dma_semaphore, #tpu.memory_space<semaphore_mem>> -> memref<!tpu.dma_semaphore, #tpu.memory_space<semaphore_mem>>
    tpu.enqueue_indirect_dma source(%dma_start3A_203 : memref<10000x32xf32, #tpu.memory_space<hbm>>) target(%dma_start3A_197 : memref<250x32xf32, #tpu.memory_space<vmem>>) offsets(%dma_start3A_200 : memref<250xi32, #tpu.memory_space<vmem>>) semaphore(%dma_start3A_205 : memref<!tpu.dma_semaphore, #tpu.memory_space<semaphore_mem>>)
    %dma_start3A_206 = arith.constant 1 : i32
    %dma_start3A_207 = arith.constant 1 : i32
    %dma_start3A_208 = arith.constant 1 : i32
    %dma_start3A_209 = arith.constant 0 : i32
    %dma_start3A_210 = arith.constant 0 : i32
    %dma_start3A_211 = tpu.memref_slice %arg11[%dma_start3A_207, %dma_start3A_209, %dma_start3A_210] : memref<8x250x32xf32, #tpu.memory_space<vmem>> -> memref<1x250x32xf32, #tpu.memory_space<vmem>>
    %dma_start3A_212 = tpu.memref_squeeze %dma_start3A_211 : memref<1x250x32xf32, #tpu.memory_space<vmem>> -> memref<250x32xf32, #tpu.memory_space<vmem>>
    %dma_start3A_213 = arith.constant 0 : i32
    %dma_start3A_214 = tpu.memref_slice %arg9[%dma_start3A_206, %dma_start3A_213] : memref<40x250xi32, #tpu.memory_space<vmem>> -> memref<1x250xi32, #tpu.memory_space<vmem>>
    %dma_start3A_215 = tpu.memref_squeeze %dma_start3A_214 : memref<1x250xi32, #tpu.memory_space<vmem>> -> memref<250xi32, #tpu.memory_space<vmem>>
    %dma_start3A_216 = arith.constant 0 : i32
    %dma_start3A_217 = arith.constant 0 : i32
    %dma_start3A_218 = tpu.memref_slice %arg3[%dma_start3A_216, %dma_start3A_217] : memref<10000x32xf32, #tpu.memory_space<hbm>> -> memref<10000x32xf32, #tpu.memory_space<hbm>>
    %dma_start3A_219 = tpu.memref_slice %arg12[%dma_start3A_208] : memref<8x!tpu.dma_semaphore, #tpu.memory_space<semaphore_mem>> -> memref<1x!tpu.dma_semaphore, #tpu.memory_space<semaphore_mem>>
    %dma_start3A_220 = tpu.memref_squeeze %dma_start3A_219 : memref<1x!tpu.dma_semaphore, #tpu.memory_space<semaphore_mem>> -> memref<!tpu.dma_semaphore, #tpu.memory_space<semaphore_mem>>
    tpu.enqueue_indirect_dma source(%dma_start3A_218 : memref<10000x32xf32, #tpu.memory_space<hbm>>) target(%dma_start3A_212 : memref<250x32xf32, #tpu.memory_space<vmem>>) offsets(%dma_start3A_215 : memref<250xi32, #tpu.memory_space<vmem>>) semaphore(%dma_start3A_220 : memref<!tpu.dma_semaphore, #tpu.memory_space<semaphore_mem>>)
    %dma_start3A_221 = arith.constant 2 : i32
    %dma_start3A_222 = arith.constant 2 : i32
    %dma_start3A_223 = arith.constant 2 : i32
    %dma_start3A_224 = arith.constant 0 : i32
    %dma_start3A_225 = arith.constant 0 : i32
    %dma_start3A_226 = tpu.memref_slice %arg11[%dma_start3A_222, %dma_start3A_224, %dma_start3A_225] : memref<8x250x32xf32, #tpu.memory_space<vmem>> -> memref<1x250x32xf32, #tpu.memory_space<vmem>>
    %dma_start3A_227 = tpu.memref_squeeze %dma_start3A_226 : memref<1x250x32xf32, #tpu.memory_space<vmem>> -> memref<250x32xf32, #tpu.memory_space<vmem>>
    %dma_start3A_228 = arith.constant 0 : i32
    %dma_start3A_229 = tpu.memref_slice %arg9[%dma_start3A_221, %dma_start3A_228] : memref<40x250xi32, #tpu.memory_space<vmem>> -> memref<1x250xi32, #tpu.memory_space<vmem>>
    %dma_start3A_230 = tpu.memref_squeeze %dma_start3A_229 : memref<1x250xi32, #tpu.memory_space<vmem>> -> memref<250xi32, #tpu.memory_space<vmem>>
    %dma_start3A_231 = arith.constant 0 : i32
    %dma_start3A_232 = arith.constant 0 : i32
    %dma_start3A_233 = tpu.memref_slice %arg3[%dma_start3A_231, %dma_start3A_232] : memref<10000x32xf32, #tpu.memory_space<hbm>> -> memref<10000x32xf32, #tpu.memory_space<hbm>>
    %dma_start3A_234 = tpu.memref_slice %arg12[%dma_start3A_223] : memref<8x!tpu.dma_semaphore, #tpu.memory_space<semaphore_mem>> -> memref<1x!tpu.dma_semaphore, #tpu.memory_space<semaphore_mem>>
    %dma_start3A_235 = tpu.memref_squeeze %dma_start3A_234 : memref<1x!tpu.dma_semaphore, #tpu.memory_space<semaphore_mem>> -> memref<!tpu.dma_semaphore, #tpu.memory_space<semaphore_mem>>
    tpu.enqueue_indirect_dma source(%dma_start3A_233 : memref<10000x32xf32, #tpu.memory_space<hbm>>) target(%dma_start3A_227 : memref<250x32xf32, #tpu.memory_space<vmem>>) offsets(%dma_start3A_230 : memref<250xi32, #tpu.memory_space<vmem>>) semaphore(%dma_start3A_235 : memref<!tpu.dma_semaphore, #tpu.memory_space<semaphore_mem>>)
    %dma_start3A_236 = arith.constant 3 : i32
    %dma_start3A_237 = arith.constant 3 : i32
    %dma_start3A_238 = arith.constant 3 : i32
    %dma_start3A_239 = arith.constant 0 : i32
    %dma_start3A_240 = arith.constant 0 : i32
    %dma_start3A_241 = tpu.memref_slice %arg11[%dma_start3A_237, %dma_start3A_239, %dma_start3A_240] : memref<8x250x32xf32, #tpu.memory_space<vmem>> -> memref<1x250x32xf32, #tpu.memory_space<vmem>>
    %dma_start3A_242 = tpu.memref_squeeze %dma_start3A_241 : memref<1x250x32xf32, #tpu.memory_space<vmem>> -> memref<250x32xf32, #tpu.memory_space<vmem>>
    %dma_start3A_243 = arith.constant 0 : i32
    %dma_start3A_244 = tpu.memref_slice %arg9[%dma_start3A_236, %dma_start3A_243] : memref<40x250xi32, #tpu.memory_space<vmem>> -> memref<1x250xi32, #tpu.memory_space<vmem>>
    %dma_start3A_245 = tpu.memref_squeeze %dma_start3A_244 : memref<1x250xi32, #tpu.memory_space<vmem>> -> memref<250xi32, #tpu.memory_space<vmem>>
    %dma_start3A_246 = arith.constant 0 : i32
    %dma_start3A_247 = arith.constant 0 : i32
    %dma_start3A_248 = tpu.memref_slice %arg3[%dma_start3A_246, %dma_start3A_247] : memref<10000x32xf32, #tpu.memory_space<hbm>> -> memref<10000x32xf32, #tpu.memory_space<hbm>>
    %dma_start3A_249 = tpu.memref_slice %arg12[%dma_start3A_238] : memref<8x!tpu.dma_semaphore, #tpu.memory_space<semaphore_mem>> -> memref<1x!tpu.dma_semaphore, #tpu.memory_space<semaphore_mem>>
    %dma_start3A_250 = tpu.memref_squeeze %dma_start3A_249 : memref<1x!tpu.dma_semaphore, #tpu.memory_space<semaphore_mem>> -> memref<!tpu.dma_semaphore, #tpu.memory_space<semaphore_mem>>
    tpu.enqueue_indirect_dma source(%dma_start3A_248 : memref<10000x32xf32, #tpu.memory_space<hbm>>) target(%dma_start3A_242 : memref<250x32xf32, #tpu.memory_space<vmem>>) offsets(%dma_start3A_245 : memref<250xi32, #tpu.memory_space<vmem>>) semaphore(%dma_start3A_250 : memref<!tpu.dma_semaphore, #tpu.memory_space<semaphore_mem>>)
    %scan3A_251 = arith.constant 0 : i32
    %scan3A_252 = arith.constant 0 : i32
    %scan3A_253 = arith.constant 5 : i32
    %scan3A_254 = arith.addi %scan3A_252, %scan3A_253 : i32
    %scan3A_255 = arith.constant 1 : i32
    scf.for %scan3A_383 = %scan3A_252 to %scan3A_254 step %scan3A_255  : i32 {
      %mul3A_384 = arith.constant 8 : i32
      %mul3A_385 = arith.muli %scan3A_383, %mul3A_384 : i32
      %add3A_386 = arith.constant 0 : i32
      %add3A_387 = arith.addi %mul3A_385, %add3A_386 : i32
      %dma_wait3A_388 = arith.constant 0 : i32
      %dma_wait3A_389 = arith.constant 0 : i32
      %dma_wait3A_390 = arith.constant 0 : i32
      %dma_wait3A_391 = arith.constant 0 : i32
      %dma_wait3A_392 = tpu.memref_slice %arg11[%dma_wait3A_388, %dma_wait3A_390, %dma_wait3A_391] : memref<8x250x32xf32, #tpu.memory_space<vmem>> -> memref<1x250x32xf32, #tpu.memory_space<vmem>>
      %dma_wait3A_393 = tpu.memref_squeeze %dma_wait3A_392 : memref<1x250x32xf32, #tpu.memory_space<vmem>> -> memref<250x32xf32, #tpu.memory_space<vmem>>
      %dma_wait3A_394 = arith.constant 0 : i32
      %dma_wait3A_395 = tpu.memref_slice %arg9[%add3A_387, %dma_wait3A_394] : memref<40x250xi32, #tpu.memory_space<vmem>> -> memref<1x250xi32, #tpu.memory_space<vmem>>
      %dma_wait3A_396 = tpu.memref_squeeze %dma_wait3A_395 : memref<1x250xi32, #tpu.memory_space<vmem>> -> memref<250xi32, #tpu.memory_space<vmem>>
      %dma_wait3A_397 = arith.constant 0 : i32
      %dma_wait3A_398 = arith.constant 0 : i32
      %dma_wait3A_399 = tpu.memref_slice %arg3[%dma_wait3A_397, %dma_wait3A_398] : memref<10000x32xf32, #tpu.memory_space<hbm>> -> memref<10000x32xf32, #tpu.memory_space<hbm>>
      %dma_wait3A_400 = tpu.memref_slice %arg12[%dma_wait3A_389] : memref<8x!tpu.dma_semaphore, #tpu.memory_space<semaphore_mem>> -> memref<1x!tpu.dma_semaphore, #tpu.memory_space<semaphore_mem>>
      %dma_wait3A_401 = tpu.memref_squeeze %dma_wait3A_400 : memref<1x!tpu.dma_semaphore, #tpu.memory_space<semaphore_mem>> -> memref<!tpu.dma_semaphore, #tpu.memory_space<semaphore_mem>>
      tpu.wait_indirect_dma semaphore(%dma_wait3A_401 : memref<!tpu.dma_semaphore, #tpu.memory_space<semaphore_mem>>) src(%dma_wait3A_399 : memref<10000x32xf32, #tpu.memory_space<hbm>>) dst(%dma_wait3A_393 : memref<250x32xf32, #tpu.memory_space<vmem>>)
      %dma_start3A_402 = arith.constant 0 : i32
      %dma_start3A_403 = arith.constant 0 : i32
      %dma_start3A_404 = arith.constant 0 : i32
      %dma_start3A_405 = arith.constant 0 : i32
      %dma_start3A_406 = tpu.memref_slice %arg11[%dma_start3A_402, %dma_start3A_404, %dma_start3A_405] : memref<8x250x32xf32, #tpu.memory_space<vmem>> -> memref<1x250x32xf32, #tpu.memory_space<vmem>>
      %dma_start3A_407 = tpu.memref_squeeze %dma_start3A_406 : memref<1x250x32xf32, #tpu.memory_space<vmem>> -> memref<250x32xf32, #tpu.memory_space<vmem>>
      %dma_start3A_408 = arith.constant 0 : i32
      %dma_start3A_409 = tpu.memref_slice %arg10[%add3A_387, %dma_start3A_408] : memref<40x250xi32, #tpu.memory_space<vmem>> -> memref<1x250xi32, #tpu.memory_space<vmem>>
      %dma_start3A_410 = tpu.memref_squeeze %dma_start3A_409 : memref<1x250xi32, #tpu.memory_space<vmem>> -> memref<250xi32, #tpu.memory_space<vmem>>
      %dma_start3A_411 = arith.constant 0 : i32
      %dma_start3A_412 = arith.constant 0 : i32
      %dma_start3A_413 = tpu.memref_slice %arg8[%dma_start3A_411, %dma_start3A_412] : memref<10000x32xf32, #tpu.memory_space<vmem_shared>> -> memref<10000x32xf32, #tpu.memory_space<vmem_shared>>
      %dma_start3A_414 = tpu.memref_slice %arg13[%dma_start3A_403] : memref<8x!tpu.dma_semaphore, #tpu.memory_space<semaphore_mem>> -> memref<1x!tpu.dma_semaphore, #tpu.memory_space<semaphore_mem>>
      %dma_start3A_415 = tpu.memref_squeeze %dma_start3A_414 : memref<1x!tpu.dma_semaphore, #tpu.memory_space<semaphore_mem>> -> memref<!tpu.dma_semaphore, #tpu.memory_space<semaphore_mem>>
      tpu.enqueue_indirect_dma source(%dma_start3A_407 : memref<250x32xf32, #tpu.memory_space<vmem>>) target(%dma_start3A_413 : memref<10000x32xf32, #tpu.memory_space<vmem_shared>>) offsets(%dma_start3A_410 : memref<250xi32, #tpu.memory_space<vmem>>) semaphore(%dma_start3A_415 : memref<!tpu.dma_semaphore, #tpu.memory_space<semaphore_mem>>) {add = true}
      %add3A_416 = arith.constant 4 : i32
      %add3A_417 = arith.addi %add3A_387, %add3A_416 : i32
      %lt3A_418 = arith.constant 40 : i32
      %lt3A_419 = arith.cmpi slt, %add3A_417, %lt3A_418 : i32
      %convert_element_type3A_420 = arith.extui %lt3A_419 : i1 to i32
      %cond3A_421 = arith.constant 0 : i32
      %cond3A_422 = arith.cmpi ne, %convert_element_type3A_420, %cond3A_421 : i32
      scf.if %cond3A_422 {
        %ge3A = arith.constant 8 : i32
        %ge3A_696 = arith.cmpi sge, %add3A_417, %ge3A : i32
        %convert_element_type3A_697 = arith.extui %ge3A_696 : i1 to i32
        %cond3A_698 = arith.constant 0 : i32
        %cond3A_699 = arith.cmpi ne, %convert_element_type3A_697, %cond3A_698 : i32
        scf.if %cond3A_699 {
          %sub3A = arith.constant 8 : i32
          %sub3A_714 = arith.subi %add3A_417, %sub3A : i32
          %dma_wait3A_715 = arith.constant 4 : i32
          %dma_wait3A_716 = arith.constant 4 : i32
          %dma_wait3A_717 = arith.constant 0 : i32
          %dma_wait3A_718 = arith.constant 0 : i32
          %dma_wait3A_719 = tpu.memref_slice %arg11[%dma_wait3A_715, %dma_wait3A_717, %dma_wait3A_718] : memref<8x250x32xf32, #tpu.memory_space<vmem>> -> memref<1x250x32xf32, #tpu.memory_space<vmem>>
          %dma_wait3A_720 = tpu.memref_squeeze %dma_wait3A_719 : memref<1x250x32xf32, #tpu.memory_space<vmem>> -> memref<250x32xf32, #tpu.memory_space<vmem>>
          %dma_wait3A_721 = arith.constant 0 : i32
          %dma_wait3A_722 = tpu.memref_slice %arg10[%sub3A_714, %dma_wait3A_721] : memref<40x250xi32, #tpu.memory_space<vmem>> -> memref<1x250xi32, #tpu.memory_space<vmem>>
          %dma_wait3A_723 = tpu.memref_squeeze %dma_wait3A_722 : memref<1x250xi32, #tpu.memory_space<vmem>> -> memref<250xi32, #tpu.memory_space<vmem>>
          %dma_wait3A_724 = arith.constant 0 : i32
          %dma_wait3A_725 = arith.constant 0 : i32
          %dma_wait3A_726 = tpu.memref_slice %arg8[%dma_wait3A_724, %dma_wait3A_725] : memref<10000x32xf32, #tpu.memory_space<vmem_shared>> -> memref<10000x32xf32, #tpu.memory_space<vmem_shared>>
          %dma_wait3A_727 = tpu.memref_slice %arg13[%dma_wait3A_716] : memref<8x!tpu.dma_semaphore, #tpu.memory_space<semaphore_mem>> -> memref<1x!tpu.dma_semaphore, #tpu.memory_space<semaphore_mem>>
          %dma_wait3A_728 = tpu.memref_squeeze %dma_wait3A_727 : memref<1x!tpu.dma_semaphore, #tpu.memory_space<semaphore_mem>> -> memref<!tpu.dma_semaphore, #tpu.memory_space<semaphore_mem>>
          tpu.wait_indirect_dma semaphore(%dma_wait3A_728 : memref<!tpu.dma_semaphore, #tpu.memory_space<semaphore_mem>>) src(%dma_wait3A_720 : memref<250x32xf32, #tpu.memory_space<vmem>>) dst(%dma_wait3A_726 : memref<10000x32xf32, #tpu.memory_space<vmem_shared>>)
        } else {
        }
        %dma_start3A_700 = arith.constant 4 : i32
        %dma_start3A_701 = arith.constant 4 : i32
        %dma_start3A_702 = arith.constant 0 : i32
        %dma_start3A_703 = arith.constant 0 : i32
        %dma_start3A_704 = tpu.memref_slice %arg11[%dma_start3A_700, %dma_start3A_702, %dma_start3A_703] : memref<8x250x32xf32, #tpu.memory_space<vmem>> -> memref<1x250x32xf32, #tpu.memory_space<vmem>>
        %dma_start3A_705 = tpu.memref_squeeze %dma_start3A_704 : memref<1x250x32xf32, #tpu.memory_space<vmem>> -> memref<250x32xf32, #tpu.memory_space<vmem>>
        %dma_start3A_706 = arith.constant 0 : i32
        %dma_start3A_707 = tpu.memref_slice %arg9[%add3A_417, %dma_start3A_706] : memref<40x250xi32, #tpu.memory_space<vmem>> -> memref<1x250xi32, #tpu.memory_space<vmem>>
        %dma_start3A_708 = tpu.memref_squeeze %dma_start3A_707 : memref<1x250xi32, #tpu.memory_space<vmem>> -> memref<250xi32, #tpu.memory_space<vmem>>
        %dma_start3A_709 = arith.constant 0 : i32
        %dma_start3A_710 = arith.constant 0 : i32
        %dma_start3A_711 = tpu.memref_slice %arg3[%dma_start3A_709, %dma_start3A_710] : memref<10000x32xf32, #tpu.memory_space<hbm>> -> memref<10000x32xf32, #tpu.memory_space<hbm>>
        %dma_start3A_712 = tpu.memref_slice %arg12[%dma_start3A_701] : memref<8x!tpu.dma_semaphore, #tpu.memory_space<semaphore_mem>> -> memref<1x!tpu.dma_semaphore, #tpu.memory_space<semaphore_mem>>
        %dma_start3A_713 = tpu.memref_squeeze %dma_start3A_712 : memref<1x!tpu.dma_semaphore, #tpu.memory_space<semaphore_mem>> -> memref<!tpu.dma_semaphore, #tpu.memory_space<semaphore_mem>>
        tpu.enqueue_indirect_dma source(%dma_start3A_711 : memref<10000x32xf32, #tpu.memory_space<hbm>>) target(%dma_start3A_705 : memref<250x32xf32, #tpu.memory_space<vmem>>) offsets(%dma_start3A_708 : memref<250xi32, #tpu.memory_space<vmem>>) semaphore(%dma_start3A_713 : memref<!tpu.dma_semaphore, #tpu.memory_space<semaphore_mem>>)
      } else {
      }
      %mul3A_423 = arith.constant 8 : i32
      %mul3A_424 = arith.muli %scan3A_383, %mul3A_423 : i32
      %add3A_425 = arith.constant 1 : i32
      %add3A_426 = arith.addi %mul3A_424, %add3A_425 : i32
      %dma_wait3A_427 = arith.constant 1 : i32
      %dma_wait3A_428 = arith.constant 1 : i32
      %dma_wait3A_429 = arith.constant 0 : i32
      %dma_wait3A_430 = arith.constant 0 : i32
      %dma_wait3A_431 = tpu.memref_slice %arg11[%dma_wait3A_427, %dma_wait3A_429, %dma_wait3A_430] : memref<8x250x32xf32, #tpu.memory_space<vmem>> -> memref<1x250x32xf32, #tpu.memory_space<vmem>>
      %dma_wait3A_432 = tpu.memref_squeeze %dma_wait3A_431 : memref<1x250x32xf32, #tpu.memory_space<vmem>> -> memref<250x32xf32, #tpu.memory_space<vmem>>
      %dma_wait3A_433 = arith.constant 0 : i32
      %dma_wait3A_434 = tpu.memref_slice %arg9[%add3A_426, %dma_wait3A_433] : memref<40x250xi32, #tpu.memory_space<vmem>> -> memref<1x250xi32, #tpu.memory_space<vmem>>
      %dma_wait3A_435 = tpu.memref_squeeze %dma_wait3A_434 : memref<1x250xi32, #tpu.memory_space<vmem>> -> memref<250xi32, #tpu.memory_space<vmem>>
      %dma_wait3A_436 = arith.constant 0 : i32
      %dma_wait3A_437 = arith.constant 0 : i32
      %dma_wait3A_438 = tpu.memref_slice %arg3[%dma_wait3A_436, %dma_wait3A_437] : memref<10000x32xf32, #tpu.memory_space<hbm>> -> memref<10000x32xf32, #tpu.memory_space<hbm>>
      %dma_wait3A_439 = tpu.memref_slice %arg12[%dma_wait3A_428] : memref<8x!tpu.dma_semaphore, #tpu.memory_space<semaphore_mem>> -> memref<1x!tpu.dma_semaphore, #tpu.memory_space<semaphore_mem>>
      %dma_wait3A_440 = tpu.memref_squeeze %dma_wait3A_439 : memref<1x!tpu.dma_semaphore, #tpu.memory_space<semaphore_mem>> -> memref<!tpu.dma_semaphore, #tpu.memory_space<semaphore_mem>>
      tpu.wait_indirect_dma semaphore(%dma_wait3A_440 : memref<!tpu.dma_semaphore, #tpu.memory_space<semaphore_mem>>) src(%dma_wait3A_438 : memref<10000x32xf32, #tpu.memory_space<hbm>>) dst(%dma_wait3A_432 : memref<250x32xf32, #tpu.memory_space<vmem>>)
      %dma_start3A_441 = arith.constant 1 : i32
      %dma_start3A_442 = arith.constant 1 : i32
      %dma_start3A_443 = arith.constant 0 : i32
      %dma_start3A_444 = arith.constant 0 : i32
      %dma_start3A_445 = tpu.memref_slice %arg11[%dma_start3A_441, %dma_start3A_443, %dma_start3A_444] : memref<8x250x32xf32, #tpu.memory_space<vmem>> -> memref<1x250x32xf32, #tpu.memory_space<vmem>>
      %dma_start3A_446 = tpu.memref_squeeze %dma_start3A_445 : memref<1x250x32xf32, #tpu.memory_space<vmem>> -> memref<250x32xf32, #tpu.memory_space<vmem>>
      %dma_start3A_447 = arith.constant 0 : i32
      %dma_start3A_448 = tpu.memref_slice %arg10[%add3A_426, %dma_start3A_447] : memref<40x250xi32, #tpu.memory_space<vmem>> -> memref<1x250xi32, #tpu.memory_space<vmem>>
      %dma_start3A_449 = tpu.memref_squeeze %dma_start3A_448 : memref<1x250xi32, #tpu.memory_space<vmem>> -> memref<250xi32, #tpu.memory_space<vmem>>
      %dma_start3A_450 = arith.constant 0 : i32
      %dma_start3A_451 = arith.constant 0 : i32
      %dma_start3A_452 = tpu.memref_slice %arg8[%dma_start3A_450, %dma_start3A_451] : memref<10000x32xf32, #tpu.memory_space<vmem_shared>> -> memref<10000x32xf32, #tpu.memory_space<vmem_shared>>
      %dma_start3A_453 = tpu.memref_slice %arg13[%dma_start3A_442] : memref<8x!tpu.dma_semaphore, #tpu.memory_space<semaphore_mem>> -> memref<1x!tpu.dma_semaphore, #tpu.memory_space<semaphore_mem>>
      %dma_start3A_454 = tpu.memref_squeeze %dma_start3A_453 : memref<1x!tpu.dma_semaphore, #tpu.memory_space<semaphore_mem>> -> memref<!tpu.dma_semaphore, #tpu.memory_space<semaphore_mem>>
      tpu.enqueue_indirect_dma source(%dma_start3A_446 : memref<250x32xf32, #tpu.memory_space<vmem>>) target(%dma_start3A_452 : memref<10000x32xf32, #tpu.memory_space<vmem_shared>>) offsets(%dma_start3A_449 : memref<250xi32, #tpu.memory_space<vmem>>) semaphore(%dma_start3A_454 : memref<!tpu.dma_semaphore, #tpu.memory_space<semaphore_mem>>) {add = true}
      %add3A_455 = arith.constant 4 : i32
      %add3A_456 = arith.addi %add3A_426, %add3A_455 : i32
      %lt3A_457 = arith.constant 40 : i32
      %lt3A_458 = arith.cmpi slt, %add3A_456, %lt3A_457 : i32
      %convert_element_type3A_459 = arith.extui %lt3A_458 : i1 to i32
      %cond3A_460 = arith.constant 0 : i32
      %cond3A_461 = arith.cmpi ne, %convert_element_type3A_459, %cond3A_460 : i32
      scf.if %cond3A_461 {
        %ge3A = arith.constant 8 : i32
        %ge3A_696 = arith.cmpi sge, %add3A_456, %ge3A : i32
        %convert_element_type3A_697 = arith.extui %ge3A_696 : i1 to i32
        %cond3A_698 = arith.constant 0 : i32
        %cond3A_699 = arith.cmpi ne, %convert_element_type3A_697, %cond3A_698 : i32
        scf.if %cond3A_699 {
          %sub3A = arith.constant 8 : i32
          %sub3A_714 = arith.subi %add3A_456, %sub3A : i32
          %dma_wait3A_715 = arith.constant 5 : i32
          %dma_wait3A_716 = arith.constant 5 : i32
          %dma_wait3A_717 = arith.constant 0 : i32
          %dma_wait3A_718 = arith.constant 0 : i32
          %dma_wait3A_719 = tpu.memref_slice %arg11[%dma_wait3A_715, %dma_wait3A_717, %dma_wait3A_718] : memref<8x250x32xf32, #tpu.memory_space<vmem>> -> memref<1x250x32xf32, #tpu.memory_space<vmem>>
          %dma_wait3A_720 = tpu.memref_squeeze %dma_wait3A_719 : memref<1x250x32xf32, #tpu.memory_space<vmem>> -> memref<250x32xf32, #tpu.memory_space<vmem>>
          %dma_wait3A_721 = arith.constant 0 : i32
          %dma_wait3A_722 = tpu.memref_slice %arg10[%sub3A_714, %dma_wait3A_721] : memref<40x250xi32, #tpu.memory_space<vmem>> -> memref<1x250xi32, #tpu.memory_space<vmem>>
          %dma_wait3A_723 = tpu.memref_squeeze %dma_wait3A_722 : memref<1x250xi32, #tpu.memory_space<vmem>> -> memref<250xi32, #tpu.memory_space<vmem>>
          %dma_wait3A_724 = arith.constant 0 : i32
          %dma_wait3A_725 = arith.constant 0 : i32
          %dma_wait3A_726 = tpu.memref_slice %arg8[%dma_wait3A_724, %dma_wait3A_725] : memref<10000x32xf32, #tpu.memory_space<vmem_shared>> -> memref<10000x32xf32, #tpu.memory_space<vmem_shared>>
          %dma_wait3A_727 = tpu.memref_slice %arg13[%dma_wait3A_716] : memref<8x!tpu.dma_semaphore, #tpu.memory_space<semaphore_mem>> -> memref<1x!tpu.dma_semaphore, #tpu.memory_space<semaphore_mem>>
          %dma_wait3A_728 = tpu.memref_squeeze %dma_wait3A_727 : memref<1x!tpu.dma_semaphore, #tpu.memory_space<semaphore_mem>> -> memref<!tpu.dma_semaphore, #tpu.memory_space<semaphore_mem>>
          tpu.wait_indirect_dma semaphore(%dma_wait3A_728 : memref<!tpu.dma_semaphore, #tpu.memory_space<semaphore_mem>>) src(%dma_wait3A_720 : memref<250x32xf32, #tpu.memory_space<vmem>>) dst(%dma_wait3A_726 : memref<10000x32xf32, #tpu.memory_space<vmem_shared>>)
        } else {
        }
        %dma_start3A_700 = arith.constant 5 : i32
        %dma_start3A_701 = arith.constant 5 : i32
        %dma_start3A_702 = arith.constant 0 : i32
        %dma_start3A_703 = arith.constant 0 : i32
        %dma_start3A_704 = tpu.memref_slice %arg11[%dma_start3A_700, %dma_start3A_702, %dma_start3A_703] : memref<8x250x32xf32, #tpu.memory_space<vmem>> -> memref<1x250x32xf32, #tpu.memory_space<vmem>>
        %dma_start3A_705 = tpu.memref_squeeze %dma_start3A_704 : memref<1x250x32xf32, #tpu.memory_space<vmem>> -> memref<250x32xf32, #tpu.memory_space<vmem>>
        %dma_start3A_706 = arith.constant 0 : i32
        %dma_start3A_707 = tpu.memref_slice %arg9[%add3A_456, %dma_start3A_706] : memref<40x250xi32, #tpu.memory_space<vmem>> -> memref<1x250xi32, #tpu.memory_space<vmem>>
        %dma_start3A_708 = tpu.memref_squeeze %dma_start3A_707 : memref<1x250xi32, #tpu.memory_space<vmem>> -> memref<250xi32, #tpu.memory_space<vmem>>
        %dma_start3A_709 = arith.constant 0 : i32
        %dma_start3A_710 = arith.constant 0 : i32
        %dma_start3A_711 = tpu.memref_slice %arg3[%dma_start3A_709, %dma_start3A_710] : memref<10000x32xf32, #tpu.memory_space<hbm>> -> memref<10000x32xf32, #tpu.memory_space<hbm>>
        %dma_start3A_712 = tpu.memref_slice %arg12[%dma_start3A_701] : memref<8x!tpu.dma_semaphore, #tpu.memory_space<semaphore_mem>> -> memref<1x!tpu.dma_semaphore, #tpu.memory_space<semaphore_mem>>
        %dma_start3A_713 = tpu.memref_squeeze %dma_start3A_712 : memref<1x!tpu.dma_semaphore, #tpu.memory_space<semaphore_mem>> -> memref<!tpu.dma_semaphore, #tpu.memory_space<semaphore_mem>>
        tpu.enqueue_indirect_dma source(%dma_start3A_711 : memref<10000x32xf32, #tpu.memory_space<hbm>>) target(%dma_start3A_705 : memref<250x32xf32, #tpu.memory_space<vmem>>) offsets(%dma_start3A_708 : memref<250xi32, #tpu.memory_space<vmem>>) semaphore(%dma_start3A_713 : memref<!tpu.dma_semaphore, #tpu.memory_space<semaphore_mem>>)
      } else {
      }
      %mul3A_462 = arith.constant 8 : i32
      %mul3A_463 = arith.muli %scan3A_383, %mul3A_462 : i32
      %add3A_464 = arith.constant 2 : i32
      %add3A_465 = arith.addi %mul3A_463, %add3A_464 : i32
      %dma_wait3A_466 = arith.constant 2 : i32
      %dma_wait3A_467 = arith.constant 2 : i32
      %dma_wait3A_468 = arith.constant 0 : i32
      %dma_wait3A_469 = arith.constant 0 : i32
      %dma_wait3A_470 = tpu.memref_slice %arg11[%dma_wait3A_466, %dma_wait3A_468, %dma_wait3A_469] : memref<8x250x32xf32, #tpu.memory_space<vmem>> -> memref<1x250x32xf32, #tpu.memory_space<vmem>>
      %dma_wait3A_471 = tpu.memref_squeeze %dma_wait3A_470 : memref<1x250x32xf32, #tpu.memory_space<vmem>> -> memref<250x32xf32, #tpu.memory_space<vmem>>
      %dma_wait3A_472 = arith.constant 0 : i32
      %dma_wait3A_473 = tpu.memref_slice %arg9[%add3A_465, %dma_wait3A_472] : memref<40x250xi32, #tpu.memory_space<vmem>> -> memref<1x250xi32, #tpu.memory_space<vmem>>
      %dma_wait3A_474 = tpu.memref_squeeze %dma_wait3A_473 : memref<1x250xi32, #tpu.memory_space<vmem>> -> memref<250xi32, #tpu.memory_space<vmem>>
      %dma_wait3A_475 = arith.constant 0 : i32
      %dma_wait3A_476 = arith.constant 0 : i32
      %dma_wait3A_477 = tpu.memref_slice %arg3[%dma_wait3A_475, %dma_wait3A_476] : memref<10000x32xf32, #tpu.memory_space<hbm>> -> memref<10000x32xf32, #tpu.memory_space<hbm>>
      %dma_wait3A_478 = tpu.memref_slice %arg12[%dma_wait3A_467] : memref<8x!tpu.dma_semaphore, #tpu.memory_space<semaphore_mem>> -> memref<1x!tpu.dma_semaphore, #tpu.memory_space<semaphore_mem>>
      %dma_wait3A_479 = tpu.memref_squeeze %dma_wait3A_478 : memref<1x!tpu.dma_semaphore, #tpu.memory_space<semaphore_mem>> -> memref<!tpu.dma_semaphore, #tpu.memory_space<semaphore_mem>>
      tpu.wait_indirect_dma semaphore(%dma_wait3A_479 : memref<!tpu.dma_semaphore, #tpu.memory_space<semaphore_mem>>) src(%dma_wait3A_477 : memref<10000x32xf32, #tpu.memory_space<hbm>>) dst(%dma_wait3A_471 : memref<250x32xf32, #tpu.memory_space<vmem>>)
      %dma_start3A_480 = arith.constant 2 : i32
      %dma_start3A_481 = arith.constant 2 : i32
      %dma_start3A_482 = arith.constant 0 : i32
      %dma_start3A_483 = arith.constant 0 : i32
      %dma_start3A_484 = tpu.memref_slice %arg11[%dma_start3A_480, %dma_start3A_482, %dma_start3A_483] : memref<8x250x32xf32, #tpu.memory_space<vmem>> -> memref<1x250x32xf32, #tpu.memory_space<vmem>>
      %dma_start3A_485 = tpu.memref_squeeze %dma_start3A_484 : memref<1x250x32xf32, #tpu.memory_space<vmem>> -> memref<250x32xf32, #tpu.memory_space<vmem>>
      %dma_start3A_486 = arith.constant 0 : i32
      %dma_start3A_487 = tpu.memref_slice %arg10[%add3A_465, %dma_start3A_486] : memref<40x250xi32, #tpu.memory_space<vmem>> -> memref<1x250xi32, #tpu.memory_space<vmem>>
      %dma_start3A_488 = tpu.memref_squeeze %dma_start3A_487 : memref<1x250xi32, #tpu.memory_space<vmem>> -> memref<250xi32, #tpu.memory_space<vmem>>
      %dma_start3A_489 = arith.constant 0 : i32
      %dma_start3A_490 = arith.constant 0 : i32
      %dma_start3A_491 = tpu.memref_slice %arg8[%dma_start3A_489, %dma_start3A_490] : memref<10000x32xf32, #tpu.memory_space<vmem_shared>> -> memref<10000x32xf32, #tpu.memory_space<vmem_shared>>
      %dma_start3A_492 = tpu.memref_slice %arg13[%dma_start3A_481] : memref<8x!tpu.dma_semaphore, #tpu.memory_space<semaphore_mem>> -> memref<1x!tpu.dma_semaphore, #tpu.memory_space<semaphore_mem>>
      %dma_start3A_493 = tpu.memref_squeeze %dma_start3A_492 : memref<1x!tpu.dma_semaphore, #tpu.memory_space<semaphore_mem>> -> memref<!tpu.dma_semaphore, #tpu.memory_space<semaphore_mem>>
      tpu.enqueue_indirect_dma source(%dma_start3A_485 : memref<250x32xf32, #tpu.memory_space<vmem>>) target(%dma_start3A_491 : memref<10000x32xf32, #tpu.memory_space<vmem_shared>>) offsets(%dma_start3A_488 : memref<250xi32, #tpu.memory_space<vmem>>) semaphore(%dma_start3A_493 : memref<!tpu.dma_semaphore, #tpu.memory_space<semaphore_mem>>) {add = true}
      %add3A_494 = arith.constant 4 : i32
      %add3A_495 = arith.addi %add3A_465, %add3A_494 : i32
      %lt3A_496 = arith.constant 40 : i32
      %lt3A_497 = arith.cmpi slt, %add3A_495, %lt3A_496 : i32
      %convert_element_type3A_498 = arith.extui %lt3A_497 : i1 to i32
      %cond3A_499 = arith.constant 0 : i32
      %cond3A_500 = arith.cmpi ne, %convert_element_type3A_498, %cond3A_499 : i32
      scf.if %cond3A_500 {
        %ge3A = arith.constant 8 : i32
        %ge3A_696 = arith.cmpi sge, %add3A_495, %ge3A : i32
        %convert_element_type3A_697 = arith.extui %ge3A_696 : i1 to i32
        %cond3A_698 = arith.constant 0 : i32
        %cond3A_699 = arith.cmpi ne, %convert_element_type3A_697, %cond3A_698 : i32
        scf.if %cond3A_699 {
          %sub3A = arith.constant 8 : i32
          %sub3A_714 = arith.subi %add3A_495, %sub3A : i32
          %dma_wait3A_715 = arith.constant 6 : i32
          %dma_wait3A_716 = arith.constant 6 : i32
          %dma_wait3A_717 = arith.constant 0 : i32
          %dma_wait3A_718 = arith.constant 0 : i32
          %dma_wait3A_719 = tpu.memref_slice %arg11[%dma_wait3A_715, %dma_wait3A_717, %dma_wait3A_718] : memref<8x250x32xf32, #tpu.memory_space<vmem>> -> memref<1x250x32xf32, #tpu.memory_space<vmem>>
          %dma_wait3A_720 = tpu.memref_squeeze %dma_wait3A_719 : memref<1x250x32xf32, #tpu.memory_space<vmem>> -> memref<250x32xf32, #tpu.memory_space<vmem>>
          %dma_wait3A_721 = arith.constant 0 : i32
          %dma_wait3A_722 = tpu.memref_slice %arg10[%sub3A_714, %dma_wait3A_721] : memref<40x250xi32, #tpu.memory_space<vmem>> -> memref<1x250xi32, #tpu.memory_space<vmem>>
          %dma_wait3A_723 = tpu.memref_squeeze %dma_wait3A_722 : memref<1x250xi32, #tpu.memory_space<vmem>> -> memref<250xi32, #tpu.memory_space<vmem>>
          %dma_wait3A_724 = arith.constant 0 : i32
          %dma_wait3A_725 = arith.constant 0 : i32
          %dma_wait3A_726 = tpu.memref_slice %arg8[%dma_wait3A_724, %dma_wait3A_725] : memref<10000x32xf32, #tpu.memory_space<vmem_shared>> -> memref<10000x32xf32, #tpu.memory_space<vmem_shared>>
          %dma_wait3A_727 = tpu.memref_slice %arg13[%dma_wait3A_716] : memref<8x!tpu.dma_semaphore, #tpu.memory_space<semaphore_mem>> -> memref<1x!tpu.dma_semaphore, #tpu.memory_space<semaphore_mem>>
          %dma_wait3A_728 = tpu.memref_squeeze %dma_wait3A_727 : memref<1x!tpu.dma_semaphore, #tpu.memory_space<semaphore_mem>> -> memref<!tpu.dma_semaphore, #tpu.memory_space<semaphore_mem>>
          tpu.wait_indirect_dma semaphore(%dma_wait3A_728 : memref<!tpu.dma_semaphore, #tpu.memory_space<semaphore_mem>>) src(%dma_wait3A_720 : memref<250x32xf32, #tpu.memory_space<vmem>>) dst(%dma_wait3A_726 : memref<10000x32xf32, #tpu.memory_space<vmem_shared>>)
        } else {
        }
        %dma_start3A_700 = arith.constant 6 : i32
        %dma_start3A_701 = arith.constant 6 : i32
        %dma_start3A_702 = arith.constant 0 : i32
        %dma_start3A_703 = arith.constant 0 : i32
        %dma_start3A_704 = tpu.memref_slice %arg11[%dma_start3A_700, %dma_start3A_702, %dma_start3A_703] : memref<8x250x32xf32, #tpu.memory_space<vmem>> -> memref<1x250x32xf32, #tpu.memory_space<vmem>>
        %dma_start3A_705 = tpu.memref_squeeze %dma_start3A_704 : memref<1x250x32xf32, #tpu.memory_space<vmem>> -> memref<250x32xf32, #tpu.memory_space<vmem>>
        %dma_start3A_706 = arith.constant 0 : i32
        %dma_start3A_707 = tpu.memref_slice %arg9[%add3A_495, %dma_start3A_706] : memref<40x250xi32, #tpu.memory_space<vmem>> -> memref<1x250xi32, #tpu.memory_space<vmem>>
        %dma_start3A_708 = tpu.memref_squeeze %dma_start3A_707 : memref<1x250xi32, #tpu.memory_space<vmem>> -> memref<250xi32, #tpu.memory_space<vmem>>
        %dma_start3A_709 = arith.constant 0 : i32
        %dma_start3A_710 = arith.constant 0 : i32
        %dma_start3A_711 = tpu.memref_slice %arg3[%dma_start3A_709, %dma_start3A_710] : memref<10000x32xf32, #tpu.memory_space<hbm>> -> memref<10000x32xf32, #tpu.memory_space<hbm>>
        %dma_start3A_712 = tpu.memref_slice %arg12[%dma_start3A_701] : memref<8x!tpu.dma_semaphore, #tpu.memory_space<semaphore_mem>> -> memref<1x!tpu.dma_semaphore, #tpu.memory_space<semaphore_mem>>
        %dma_start3A_713 = tpu.memref_squeeze %dma_start3A_712 : memref<1x!tpu.dma_semaphore, #tpu.memory_space<semaphore_mem>> -> memref<!tpu.dma_semaphore, #tpu.memory_space<semaphore_mem>>
        tpu.enqueue_indirect_dma source(%dma_start3A_711 : memref<10000x32xf32, #tpu.memory_space<hbm>>) target(%dma_start3A_705 : memref<250x32xf32, #tpu.memory_space<vmem>>) offsets(%dma_start3A_708 : memref<250xi32, #tpu.memory_space<vmem>>) semaphore(%dma_start3A_713 : memref<!tpu.dma_semaphore, #tpu.memory_space<semaphore_mem>>)
      } else {
      }
      %mul3A_501 = arith.constant 8 : i32
      %mul3A_502 = arith.muli %scan3A_383, %mul3A_501 : i32
      %add3A_503 = arith.constant 3 : i32
      %add3A_504 = arith.addi %mul3A_502, %add3A_503 : i32
      %dma_wait3A_505 = arith.constant 3 : i32
      %dma_wait3A_506 = arith.constant 3 : i32
      %dma_wait3A_507 = arith.constant 0 : i32
      %dma_wait3A_508 = arith.constant 0 : i32
      %dma_wait3A_509 = tpu.memref_slice %arg11[%dma_wait3A_505, %dma_wait3A_507, %dma_wait3A_508] : memref<8x250x32xf32, #tpu.memory_space<vmem>> -> memref<1x250x32xf32, #tpu.memory_space<vmem>>
      %dma_wait3A_510 = tpu.memref_squeeze %dma_wait3A_509 : memref<1x250x32xf32, #tpu.memory_space<vmem>> -> memref<250x32xf32, #tpu.memory_space<vmem>>
      %dma_wait3A_511 = arith.constant 0 : i32
      %dma_wait3A_512 = tpu.memref_slice %arg9[%add3A_504, %dma_wait3A_511] : memref<40x250xi32, #tpu.memory_space<vmem>> -> memref<1x250xi32, #tpu.memory_space<vmem>>
      %dma_wait3A_513 = tpu.memref_squeeze %dma_wait3A_512 : memref<1x250xi32, #tpu.memory_space<vmem>> -> memref<250xi32, #tpu.memory_space<vmem>>
      %dma_wait3A_514 = arith.constant 0 : i32
      %dma_wait3A_515 = arith.constant 0 : i32
      %dma_wait3A_516 = tpu.memref_slice %arg3[%dma_wait3A_514, %dma_wait3A_515] : memref<10000x32xf32, #tpu.memory_space<hbm>> -> memref<10000x32xf32, #tpu.memory_space<hbm>>
      %dma_wait3A_517 = tpu.memref_slice %arg12[%dma_wait3A_506] : memref<8x!tpu.dma_semaphore, #tpu.memory_space<semaphore_mem>> -> memref<1x!tpu.dma_semaphore, #tpu.memory_space<semaphore_mem>>
      %dma_wait3A_518 = tpu.memref_squeeze %dma_wait3A_517 : memref<1x!tpu.dma_semaphore, #tpu.memory_space<semaphore_mem>> -> memref<!tpu.dma_semaphore, #tpu.memory_space<semaphore_mem>>
      tpu.wait_indirect_dma semaphore(%dma_wait3A_518 : memref<!tpu.dma_semaphore, #tpu.memory_space<semaphore_mem>>) src(%dma_wait3A_516 : memref<10000x32xf32, #tpu.memory_space<hbm>>) dst(%dma_wait3A_510 : memref<250x32xf32, #tpu.memory_space<vmem>>)
      %dma_start3A_519 = arith.constant 3 : i32
      %dma_start3A_520 = arith.constant 3 : i32
      %dma_start3A_521 = arith.constant 0 : i32
      %dma_start3A_522 = arith.constant 0 : i32
      %dma_start3A_523 = tpu.memref_slice %arg11[%dma_start3A_519, %dma_start3A_521, %dma_start3A_522] : memref<8x250x32xf32, #tpu.memory_space<vmem>> -> memref<1x250x32xf32, #tpu.memory_space<vmem>>
      %dma_start3A_524 = tpu.memref_squeeze %dma_start3A_523 : memref<1x250x32xf32, #tpu.memory_space<vmem>> -> memref<250x32xf32, #tpu.memory_space<vmem>>
      %dma_start3A_525 = arith.constant 0 : i32
      %dma_start3A_526 = tpu.memref_slice %arg10[%add3A_504, %dma_start3A_525] : memref<40x250xi32, #tpu.memory_space<vmem>> -> memref<1x250xi32, #tpu.memory_space<vmem>>
      %dma_start3A_527 = tpu.memref_squeeze %dma_start3A_526 : memref<1x250xi32, #tpu.memory_space<vmem>> -> memref<250xi32, #tpu.memory_space<vmem>>
      %dma_start3A_528 = arith.constant 0 : i32
      %dma_start3A_529 = arith.constant 0 : i32
      %dma_start3A_530 = tpu.memref_slice %arg8[%dma_start3A_528, %dma_start3A_529] : memref<10000x32xf32, #tpu.memory_space<vmem_shared>> -> memref<10000x32xf32, #tpu.memory_space<vmem_shared>>
      %dma_start3A_531 = tpu.memref_slice %arg13[%dma_start3A_520] : memref<8x!tpu.dma_semaphore, #tpu.memory_space<semaphore_mem>> -> memref<1x!tpu.dma_semaphore, #tpu.memory_space<semaphore_mem>>
      %dma_start3A_532 = tpu.memref_squeeze %dma_start3A_531 : memref<1x!tpu.dma_semaphore, #tpu.memory_space<semaphore_mem>> -> memref<!tpu.dma_semaphore, #tpu.memory_space<semaphore_mem>>
      tpu.enqueue_indirect_dma source(%dma_start3A_524 : memref<250x32xf32, #tpu.memory_space<vmem>>) target(%dma_start3A_530 : memref<10000x32xf32, #tpu.memory_space<vmem_shared>>) offsets(%dma_start3A_527 : memref<250xi32, #tpu.memory_space<vmem>>) semaphore(%dma_start3A_532 : memref<!tpu.dma_semaphore, #tpu.memory_space<semaphore_mem>>) {add = true}
      %add3A_533 = arith.constant 4 : i32
      %add3A_534 = arith.addi %add3A_504, %add3A_533 : i32
      %lt3A_535 = arith.constant 40 : i32
      %lt3A_536 = arith.cmpi slt, %add3A_534, %lt3A_535 : i32
      %convert_element_type3A_537 = arith.extui %lt3A_536 : i1 to i32
      %cond3A_538 = arith.constant 0 : i32
      %cond3A_539 = arith.cmpi ne, %convert_element_type3A_537, %cond3A_538 : i32
      scf.if %cond3A_539 {
        %ge3A = arith.constant 8 : i32
        %ge3A_696 = arith.cmpi sge, %add3A_534, %ge3A : i32
        %convert_element_type3A_697 = arith.extui %ge3A_696 : i1 to i32
        %cond3A_698 = arith.constant 0 : i32
        %cond3A_699 = arith.cmpi ne, %convert_element_type3A_697, %cond3A_698 : i32
        scf.if %cond3A_699 {
          %sub3A = arith.constant 8 : i32
          %sub3A_714 = arith.subi %add3A_534, %sub3A : i32
          %dma_wait3A_715 = arith.constant 7 : i32
          %dma_wait3A_716 = arith.constant 7 : i32
          %dma_wait3A_717 = arith.constant 0 : i32
          %dma_wait3A_718 = arith.constant 0 : i32
          %dma_wait3A_719 = tpu.memref_slice %arg11[%dma_wait3A_715, %dma_wait3A_717, %dma_wait3A_718] : memref<8x250x32xf32, #tpu.memory_space<vmem>> -> memref<1x250x32xf32, #tpu.memory_space<vmem>>
          %dma_wait3A_720 = tpu.memref_squeeze %dma_wait3A_719 : memref<1x250x32xf32, #tpu.memory_space<vmem>> -> memref<250x32xf32, #tpu.memory_space<vmem>>
          %dma_wait3A_721 = arith.constant 0 : i32
          %dma_wait3A_722 = tpu.memref_slice %arg10[%sub3A_714, %dma_wait3A_721] : memref<40x250xi32, #tpu.memory_space<vmem>> -> memref<1x250xi32, #tpu.memory_space<vmem>>
          %dma_wait3A_723 = tpu.memref_squeeze %dma_wait3A_722 : memref<1x250xi32, #tpu.memory_space<vmem>> -> memref<250xi32, #tpu.memory_space<vmem>>
          %dma_wait3A_724 = arith.constant 0 : i32
          %dma_wait3A_725 = arith.constant 0 : i32
          %dma_wait3A_726 = tpu.memref_slice %arg8[%dma_wait3A_724, %dma_wait3A_725] : memref<10000x32xf32, #tpu.memory_space<vmem_shared>> -> memref<10000x32xf32, #tpu.memory_space<vmem_shared>>
          %dma_wait3A_727 = tpu.memref_slice %arg13[%dma_wait3A_716] : memref<8x!tpu.dma_semaphore, #tpu.memory_space<semaphore_mem>> -> memref<1x!tpu.dma_semaphore, #tpu.memory_space<semaphore_mem>>
          %dma_wait3A_728 = tpu.memref_squeeze %dma_wait3A_727 : memref<1x!tpu.dma_semaphore, #tpu.memory_space<semaphore_mem>> -> memref<!tpu.dma_semaphore, #tpu.memory_space<semaphore_mem>>
          tpu.wait_indirect_dma semaphore(%dma_wait3A_728 : memref<!tpu.dma_semaphore, #tpu.memory_space<semaphore_mem>>) src(%dma_wait3A_720 : memref<250x32xf32, #tpu.memory_space<vmem>>) dst(%dma_wait3A_726 : memref<10000x32xf32, #tpu.memory_space<vmem_shared>>)
        } else {
        }
        %dma_start3A_700 = arith.constant 7 : i32
        %dma_start3A_701 = arith.constant 7 : i32
        %dma_start3A_702 = arith.constant 0 : i32
        %dma_start3A_703 = arith.constant 0 : i32
        %dma_start3A_704 = tpu.memref_slice %arg11[%dma_start3A_700, %dma_start3A_702, %dma_start3A_703] : memref<8x250x32xf32, #tpu.memory_space<vmem>> -> memref<1x250x32xf32, #tpu.memory_space<vmem>>
        %dma_start3A_705 = tpu.memref_squeeze %dma_start3A_704 : memref<1x250x32xf32, #tpu.memory_space<vmem>> -> memref<250x32xf32, #tpu.memory_space<vmem>>
        %dma_start3A_706 = arith.constant 0 : i32
        %dma_start3A_707 = tpu.memref_slice %arg9[%add3A_534, %dma_start3A_706] : memref<40x250xi32, #tpu.memory_space<vmem>> -> memref<1x250xi32, #tpu.memory_space<vmem>>
        %dma_start3A_708 = tpu.memref_squeeze %dma_start3A_707 : memref<1x250xi32, #tpu.memory_space<vmem>> -> memref<250xi32, #tpu.memory_space<vmem>>
        %dma_start3A_709 = arith.constant 0 : i32
        %dma_start3A_710 = arith.constant 0 : i32
        %dma_start3A_711 = tpu.memref_slice %arg3[%dma_start3A_709, %dma_start3A_710] : memref<10000x32xf32, #tpu.memory_space<hbm>> -> memref<10000x32xf32, #tpu.memory_space<hbm>>
        %dma_start3A_712 = tpu.memref_slice %arg12[%dma_start3A_701] : memref<8x!tpu.dma_semaphore, #tpu.memory_space<semaphore_mem>> -> memref<1x!tpu.dma_semaphore, #tpu.memory_space<semaphore_mem>>
        %dma_start3A_713 = tpu.memref_squeeze %dma_start3A_712 : memref<1x!tpu.dma_semaphore, #tpu.memory_space<semaphore_mem>> -> memref<!tpu.dma_semaphore, #tpu.memory_space<semaphore_mem>>
        tpu.enqueue_indirect_dma source(%dma_start3A_711 : memref<10000x32xf32, #tpu.memory_space<hbm>>) target(%dma_start3A_705 : memref<250x32xf32, #tpu.memory_space<vmem>>) offsets(%dma_start3A_708 : memref<250xi32, #tpu.memory_space<vmem>>) semaphore(%dma_start3A_713 : memref<!tpu.dma_semaphore, #tpu.memory_space<semaphore_mem>>)
      } else {
      }
      %mul3A_540 = arith.constant 8 : i32
      %mul3A_541 = arith.muli %scan3A_383, %mul3A_540 : i32
      %add3A_542 = arith.constant 4 : i32
      %add3A_543 = arith.addi %mul3A_541, %add3A_542 : i32
      %dma_wait3A_544 = arith.constant 4 : i32
      %dma_wait3A_545 = arith.constant 4 : i32
      %dma_wait3A_546 = arith.constant 0 : i32
      %dma_wait3A_547 = arith.constant 0 : i32
      %dma_wait3A_548 = tpu.memref_slice %arg11[%dma_wait3A_544, %dma_wait3A_546, %dma_wait3A_547] : memref<8x250x32xf32, #tpu.memory_space<vmem>> -> memref<1x250x32xf32, #tpu.memory_space<vmem>>
      %dma_wait3A_549 = tpu.memref_squeeze %dma_wait3A_548 : memref<1x250x32xf32, #tpu.memory_space<vmem>> -> memref<250x32xf32, #tpu.memory_space<vmem>>
      %dma_wait3A_550 = arith.constant 0 : i32
      %dma_wait3A_551 = tpu.memref_slice %arg9[%add3A_543, %dma_wait3A_550] : memref<40x250xi32, #tpu.memory_space<vmem>> -> memref<1x250xi32, #tpu.memory_space<vmem>>
      %dma_wait3A_552 = tpu.memref_squeeze %dma_wait3A_551 : memref<1x250xi32, #tpu.memory_space<vmem>> -> memref<250xi32, #tpu.memory_space<vmem>>
      %dma_wait3A_553 = arith.constant 0 : i32
      %dma_wait3A_554 = arith.constant 0 : i32
      %dma_wait3A_555 = tpu.memref_slice %arg3[%dma_wait3A_553, %dma_wait3A_554] : memref<10000x32xf32, #tpu.memory_space<hbm>> -> memref<10000x32xf32, #tpu.memory_space<hbm>>
      %dma_wait3A_556 = tpu.memref_slice %arg12[%dma_wait3A_545] : memref<8x!tpu.dma_semaphore, #tpu.memory_space<semaphore_mem>> -> memref<1x!tpu.dma_semaphore, #tpu.memory_space<semaphore_mem>>
      %dma_wait3A_557 = tpu.memref_squeeze %dma_wait3A_556 : memref<1x!tpu.dma_semaphore, #tpu.memory_space<semaphore_mem>> -> memref<!tpu.dma_semaphore, #tpu.memory_space<semaphore_mem>>
      tpu.wait_indirect_dma semaphore(%dma_wait3A_557 : memref<!tpu.dma_semaphore, #tpu.memory_space<semaphore_mem>>) src(%dma_wait3A_555 : memref<10000x32xf32, #tpu.memory_space<hbm>>) dst(%dma_wait3A_549 : memref<250x32xf32, #tpu.memory_space<vmem>>)
      %dma_start3A_558 = arith.constant 4 : i32
      %dma_start3A_559 = arith.constant 4 : i32
      %dma_start3A_560 = arith.constant 0 : i32
      %dma_start3A_561 = arith.constant 0 : i32
      %dma_start3A_562 = tpu.memref_slice %arg11[%dma_start3A_558, %dma_start3A_560, %dma_start3A_561] : memref<8x250x32xf32, #tpu.memory_space<vmem>> -> memref<1x250x32xf32, #tpu.memory_space<vmem>>
      %dma_start3A_563 = tpu.memref_squeeze %dma_start3A_562 : memref<1x250x32xf32, #tpu.memory_space<vmem>> -> memref<250x32xf32, #tpu.memory_space<vmem>>
      %dma_start3A_564 = arith.constant 0 : i32
      %dma_start3A_565 = tpu.memref_slice %arg10[%add3A_543, %dma_start3A_564] : memref<40x250xi32, #tpu.memory_space<vmem>> -> memref<1x250xi32, #tpu.memory_space<vmem>>
      %dma_start3A_566 = tpu.memref_squeeze %dma_start3A_565 : memref<1x250xi32, #tpu.memory_space<vmem>> -> memref<250xi32, #tpu.memory_space<vmem>>
      %dma_start3A_567 = arith.constant 0 : i32
      %dma_start3A_568 = arith.constant 0 : i32
      %dma_start3A_569 = tpu.memref_slice %arg8[%dma_start3A_567, %dma_start3A_568] : memref<10000x32xf32, #tpu.memory_space<vmem_shared>> -> memref<10000x32xf32, #tpu.memory_space<vmem_shared>>
      %dma_start3A_570 = tpu.memref_slice %arg13[%dma_start3A_559] : memref<8x!tpu.dma_semaphore, #tpu.memory_space<semaphore_mem>> -> memref<1x!tpu.dma_semaphore, #tpu.memory_space<semaphore_mem>>
      %dma_start3A_571 = tpu.memref_squeeze %dma_start3A_570 : memref<1x!tpu.dma_semaphore, #tpu.memory_space<semaphore_mem>> -> memref<!tpu.dma_semaphore, #tpu.memory_space<semaphore_mem>>
      tpu.enqueue_indirect_dma source(%dma_start3A_563 : memref<250x32xf32, #tpu.memory_space<vmem>>) target(%dma_start3A_569 : memref<10000x32xf32, #tpu.memory_space<vmem_shared>>) offsets(%dma_start3A_566 : memref<250xi32, #tpu.memory_space<vmem>>) semaphore(%dma_start3A_571 : memref<!tpu.dma_semaphore, #tpu.memory_space<semaphore_mem>>) {add = true}
      %add3A_572 = arith.constant 4 : i32
      %add3A_573 = arith.addi %add3A_543, %add3A_572 : i32
      %lt3A_574 = arith.constant 40 : i32
      %lt3A_575 = arith.cmpi slt, %add3A_573, %lt3A_574 : i32
      %convert_element_type3A_576 = arith.extui %lt3A_575 : i1 to i32
      %cond3A_577 = arith.constant 0 : i32
      %cond3A_578 = arith.cmpi ne, %convert_element_type3A_576, %cond3A_577 : i32
      scf.if %cond3A_578 {
        %ge3A = arith.constant 8 : i32
        %ge3A_696 = arith.cmpi sge, %add3A_573, %ge3A : i32
        %convert_element_type3A_697 = arith.extui %ge3A_696 : i1 to i32
        %cond3A_698 = arith.constant 0 : i32
        %cond3A_699 = arith.cmpi ne, %convert_element_type3A_697, %cond3A_698 : i32
        scf.if %cond3A_699 {
          %sub3A = arith.constant 8 : i32
          %sub3A_714 = arith.subi %add3A_573, %sub3A : i32
          %dma_wait3A_715 = arith.constant 0 : i32
          %dma_wait3A_716 = arith.constant 0 : i32
          %dma_wait3A_717 = arith.constant 0 : i32
          %dma_wait3A_718 = arith.constant 0 : i32
          %dma_wait3A_719 = tpu.memref_slice %arg11[%dma_wait3A_715, %dma_wait3A_717, %dma_wait3A_718] : memref<8x250x32xf32, #tpu.memory_space<vmem>> -> memref<1x250x32xf32, #tpu.memory_space<vmem>>
          %dma_wait3A_720 = tpu.memref_squeeze %dma_wait3A_719 : memref<1x250x32xf32, #tpu.memory_space<vmem>> -> memref<250x32xf32, #tpu.memory_space<vmem>>
          %dma_wait3A_721 = arith.constant 0 : i32
          %dma_wait3A_722 = tpu.memref_slice %arg10[%sub3A_714, %dma_wait3A_721] : memref<40x250xi32, #tpu.memory_space<vmem>> -> memref<1x250xi32, #tpu.memory_space<vmem>>
          %dma_wait3A_723 = tpu.memref_squeeze %dma_wait3A_722 : memref<1x250xi32, #tpu.memory_space<vmem>> -> memref<250xi32, #tpu.memory_space<vmem>>
          %dma_wait3A_724 = arith.constant 0 : i32
          %dma_wait3A_725 = arith.constant 0 : i32
          %dma_wait3A_726 = tpu.memref_slice %arg8[%dma_wait3A_724, %dma_wait3A_725] : memref<10000x32xf32, #tpu.memory_space<vmem_shared>> -> memref<10000x32xf32, #tpu.memory_space<vmem_shared>>
          %dma_wait3A_727 = tpu.memref_slice %arg13[%dma_wait3A_716] : memref<8x!tpu.dma_semaphore, #tpu.memory_space<semaphore_mem>> -> memref<1x!tpu.dma_semaphore, #tpu.memory_space<semaphore_mem>>
          %dma_wait3A_728 = tpu.memref_squeeze %dma_wait3A_727 : memref<1x!tpu.dma_semaphore, #tpu.memory_space<semaphore_mem>> -> memref<!tpu.dma_semaphore, #tpu.memory_space<semaphore_mem>>
          tpu.wait_indirect_dma semaphore(%dma_wait3A_728 : memref<!tpu.dma_semaphore, #tpu.memory_space<semaphore_mem>>) src(%dma_wait3A_720 : memref<250x32xf32, #tpu.memory_space<vmem>>) dst(%dma_wait3A_726 : memref<10000x32xf32, #tpu.memory_space<vmem_shared>>)
        } else {
        }
        %dma_start3A_700 = arith.constant 0 : i32
        %dma_start3A_701 = arith.constant 0 : i32
        %dma_start3A_702 = arith.constant 0 : i32
        %dma_start3A_703 = arith.constant 0 : i32
        %dma_start3A_704 = tpu.memref_slice %arg11[%dma_start3A_700, %dma_start3A_702, %dma_start3A_703] : memref<8x250x32xf32, #tpu.memory_space<vmem>> -> memref<1x250x32xf32, #tpu.memory_space<vmem>>
        %dma_start3A_705 = tpu.memref_squeeze %dma_start3A_704 : memref<1x250x32xf32, #tpu.memory_space<vmem>> -> memref<250x32xf32, #tpu.memory_space<vmem>>
        %dma_start3A_706 = arith.constant 0 : i32
        %dma_start3A_707 = tpu.memref_slice %arg9[%add3A_573, %dma_start3A_706] : memref<40x250xi32, #tpu.memory_space<vmem>> -> memref<1x250xi32, #tpu.memory_space<vmem>>
        %dma_start3A_708 = tpu.memref_squeeze %dma_start3A_707 : memref<1x250xi32, #tpu.memory_space<vmem>> -> memref<250xi32, #tpu.memory_space<vmem>>
        %dma_start3A_709 = arith.constant 0 : i32
        %dma_start3A_710 = arith.constant 0 : i32
        %dma_start3A_711 = tpu.memref_slice %arg3[%dma_start3A_709, %dma_start3A_710] : memref<10000x32xf32, #tpu.memory_space<hbm>> -> memref<10000x32xf32, #tpu.memory_space<hbm>>
        %dma_start3A_712 = tpu.memref_slice %arg12[%dma_start3A_701] : memref<8x!tpu.dma_semaphore, #tpu.memory_space<semaphore_mem>> -> memref<1x!tpu.dma_semaphore, #tpu.memory_space<semaphore_mem>>
        %dma_start3A_713 = tpu.memref_squeeze %dma_start3A_712 : memref<1x!tpu.dma_semaphore, #tpu.memory_space<semaphore_mem>> -> memref<!tpu.dma_semaphore, #tpu.memory_space<semaphore_mem>>
        tpu.enqueue_indirect_dma source(%dma_start3A_711 : memref<10000x32xf32, #tpu.memory_space<hbm>>) target(%dma_start3A_705 : memref<250x32xf32, #tpu.memory_space<vmem>>) offsets(%dma_start3A_708 : memref<250xi32, #tpu.memory_space<vmem>>) semaphore(%dma_start3A_713 : memref<!tpu.dma_semaphore, #tpu.memory_space<semaphore_mem>>)
      } else {
      }
      %mul3A_579 = arith.constant 8 : i32
      %mul3A_580 = arith.muli %scan3A_383, %mul3A_579 : i32
      %add3A_581 = arith.constant 5 : i32
      %add3A_582 = arith.addi %mul3A_580, %add3A_581 : i32
      %dma_wait3A_583 = arith.constant 5 : i32
      %dma_wait3A_584 = arith.constant 5 : i32
      %dma_wait3A_585 = arith.constant 0 : i32
      %dma_wait3A_586 = arith.constant 0 : i32
      %dma_wait3A_587 = tpu.memref_slice %arg11[%dma_wait3A_583, %dma_wait3A_585, %dma_wait3A_586] : memref<8x250x32xf32, #tpu.memory_space<vmem>> -> memref<1x250x32xf32, #tpu.memory_space<vmem>>
      %dma_wait3A_588 = tpu.memref_squeeze %dma_wait3A_587 : memref<1x250x32xf32, #tpu.memory_space<vmem>> -> memref<250x32xf32, #tpu.memory_space<vmem>>
      %dma_wait3A_589 = arith.constant 0 : i32
      %dma_wait3A_590 = tpu.memref_slice %arg9[%add3A_582, %dma_wait3A_589] : memref<40x250xi32, #tpu.memory_space<vmem>> -> memref<1x250xi32, #tpu.memory_space<vmem>>
      %dma_wait3A_591 = tpu.memref_squeeze %dma_wait3A_590 : memref<1x250xi32, #tpu.memory_space<vmem>> -> memref<250xi32, #tpu.memory_space<vmem>>
      %dma_wait3A_592 = arith.constant 0 : i32
      %dma_wait3A_593 = arith.constant 0 : i32
      %dma_wait3A_594 = tpu.memref_slice %arg3[%dma_wait3A_592, %dma_wait3A_593] : memref<10000x32xf32, #tpu.memory_space<hbm>> -> memref<10000x32xf32, #tpu.memory_space<hbm>>
      %dma_wait3A_595 = tpu.memref_slice %arg12[%dma_wait3A_584] : memref<8x!tpu.dma_semaphore, #tpu.memory_space<semaphore_mem>> -> memref<1x!tpu.dma_semaphore, #tpu.memory_space<semaphore_mem>>
      %dma_wait3A_596 = tpu.memref_squeeze %dma_wait3A_595 : memref<1x!tpu.dma_semaphore, #tpu.memory_space<semaphore_mem>> -> memref<!tpu.dma_semaphore, #tpu.memory_space<semaphore_mem>>
      tpu.wait_indirect_dma semaphore(%dma_wait3A_596 : memref<!tpu.dma_semaphore, #tpu.memory_space<semaphore_mem>>) src(%dma_wait3A_594 : memref<10000x32xf32, #tpu.memory_space<hbm>>) dst(%dma_wait3A_588 : memref<250x32xf32, #tpu.memory_space<vmem>>)
      %dma_start3A_597 = arith.constant 5 : i32
      %dma_start3A_598 = arith.constant 5 : i32
      %dma_start3A_599 = arith.constant 0 : i32
      %dma_start3A_600 = arith.constant 0 : i32
      %dma_start3A_601 = tpu.memref_slice %arg11[%dma_start3A_597, %dma_start3A_599, %dma_start3A_600] : memref<8x250x32xf32, #tpu.memory_space<vmem>> -> memref<1x250x32xf32, #tpu.memory_space<vmem>>
      %dma_start3A_602 = tpu.memref_squeeze %dma_start3A_601 : memref<1x250x32xf32, #tpu.memory_space<vmem>> -> memref<250x32xf32, #tpu.memory_space<vmem>>
      %dma_start3A_603 = arith.constant 0 : i32
      %dma_start3A_604 = tpu.memref_slice %arg10[%add3A_582, %dma_start3A_603] : memref<40x250xi32, #tpu.memory_space<vmem>> -> memref<1x250xi32, #tpu.memory_space<vmem>>
      %dma_start3A_605 = tpu.memref_squeeze %dma_start3A_604 : memref<1x250xi32, #tpu.memory_space<vmem>> -> memref<250xi32, #tpu.memory_space<vmem>>
      %dma_start3A_606 = arith.constant 0 : i32
      %dma_start3A_607 = arith.constant 0 : i32
      %dma_start3A_608 = tpu.memref_slice %arg8[%dma_start3A_606, %dma_start3A_607] : memref<10000x32xf32, #tpu.memory_space<vmem_shared>> -> memref<10000x32xf32, #tpu.memory_space<vmem_shared>>
      %dma_start3A_609 = tpu.memref_slice %arg13[%dma_start3A_598] : memref<8x!tpu.dma_semaphore, #tpu.memory_space<semaphore_mem>> -> memref<1x!tpu.dma_semaphore, #tpu.memory_space<semaphore_mem>>
      %dma_start3A_610 = tpu.memref_squeeze %dma_start3A_609 : memref<1x!tpu.dma_semaphore, #tpu.memory_space<semaphore_mem>> -> memref<!tpu.dma_semaphore, #tpu.memory_space<semaphore_mem>>
      tpu.enqueue_indirect_dma source(%dma_start3A_602 : memref<250x32xf32, #tpu.memory_space<vmem>>) target(%dma_start3A_608 : memref<10000x32xf32, #tpu.memory_space<vmem_shared>>) offsets(%dma_start3A_605 : memref<250xi32, #tpu.memory_space<vmem>>) semaphore(%dma_start3A_610 : memref<!tpu.dma_semaphore, #tpu.memory_space<semaphore_mem>>) {add = true}
      %add3A_611 = arith.constant 4 : i32
      %add3A_612 = arith.addi %add3A_582, %add3A_611 : i32
      %lt3A_613 = arith.constant 40 : i32
      %lt3A_614 = arith.cmpi slt, %add3A_612, %lt3A_613 : i32
      %convert_element_type3A_615 = arith.extui %lt3A_614 : i1 to i32
      %cond3A_616 = arith.constant 0 : i32
      %cond3A_617 = arith.cmpi ne, %convert_element_type3A_615, %cond3A_616 : i32
      scf.if %cond3A_617 {
        %ge3A = arith.constant 8 : i32
        %ge3A_696 = arith.cmpi sge, %add3A_612, %ge3A : i32
        %convert_element_type3A_697 = arith.extui %ge3A_696 : i1 to i32
        %cond3A_698 = arith.constant 0 : i32
        %cond3A_699 = arith.cmpi ne, %convert_element_type3A_697, %cond3A_698 : i32
        scf.if %cond3A_699 {
          %sub3A = arith.constant 8 : i32
          %sub3A_714 = arith.subi %add3A_612, %sub3A : i32
          %dma_wait3A_715 = arith.constant 1 : i32
          %dma_wait3A_716 = arith.constant 1 : i32
          %dma_wait3A_717 = arith.constant 0 : i32
          %dma_wait3A_718 = arith.constant 0 : i32
          %dma_wait3A_719 = tpu.memref_slice %arg11[%dma_wait3A_715, %dma_wait3A_717, %dma_wait3A_718] : memref<8x250x32xf32, #tpu.memory_space<vmem>> -> memref<1x250x32xf32, #tpu.memory_space<vmem>>
          %dma_wait3A_720 = tpu.memref_squeeze %dma_wait3A_719 : memref<1x250x32xf32, #tpu.memory_space<vmem>> -> memref<250x32xf32, #tpu.memory_space<vmem>>
          %dma_wait3A_721 = arith.constant 0 : i32
          %dma_wait3A_722 = tpu.memref_slice %arg10[%sub3A_714, %dma_wait3A_721] : memref<40x250xi32, #tpu.memory_space<vmem>> -> memref<1x250xi32, #tpu.memory_space<vmem>>
          %dma_wait3A_723 = tpu.memref_squeeze %dma_wait3A_722 : memref<1x250xi32, #tpu.memory_space<vmem>> -> memref<250xi32, #tpu.memory_space<vmem>>
          %dma_wait3A_724 = arith.constant 0 : i32
          %dma_wait3A_725 = arith.constant 0 : i32
          %dma_wait3A_726 = tpu.memref_slice %arg8[%dma_wait3A_724, %dma_wait3A_725] : memref<10000x32xf32, #tpu.memory_space<vmem_shared>> -> memref<10000x32xf32, #tpu.memory_space<vmem_shared>>
          %dma_wait3A_727 = tpu.memref_slice %arg13[%dma_wait3A_716] : memref<8x!tpu.dma_semaphore, #tpu.memory_space<semaphore_mem>> -> memref<1x!tpu.dma_semaphore, #tpu.memory_space<semaphore_mem>>
          %dma_wait3A_728 = tpu.memref_squeeze %dma_wait3A_727 : memref<1x!tpu.dma_semaphore, #tpu.memory_space<semaphore_mem>> -> memref<!tpu.dma_semaphore, #tpu.memory_space<semaphore_mem>>
          tpu.wait_indirect_dma semaphore(%dma_wait3A_728 : memref<!tpu.dma_semaphore, #tpu.memory_space<semaphore_mem>>) src(%dma_wait3A_720 : memref<250x32xf32, #tpu.memory_space<vmem>>) dst(%dma_wait3A_726 : memref<10000x32xf32, #tpu.memory_space<vmem_shared>>)
        } else {
        }
        %dma_start3A_700 = arith.constant 1 : i32
        %dma_start3A_701 = arith.constant 1 : i32
        %dma_start3A_702 = arith.constant 0 : i32
        %dma_start3A_703 = arith.constant 0 : i32
        %dma_start3A_704 = tpu.memref_slice %arg11[%dma_start3A_700, %dma_start3A_702, %dma_start3A_703] : memref<8x250x32xf32, #tpu.memory_space<vmem>> -> memref<1x250x32xf32, #tpu.memory_space<vmem>>
        %dma_start3A_705 = tpu.memref_squeeze %dma_start3A_704 : memref<1x250x32xf32, #tpu.memory_space<vmem>> -> memref<250x32xf32, #tpu.memory_space<vmem>>
        %dma_start3A_706 = arith.constant 0 : i32
        %dma_start3A_707 = tpu.memref_slice %arg9[%add3A_612, %dma_start3A_706] : memref<40x250xi32, #tpu.memory_space<vmem>> -> memref<1x250xi32, #tpu.memory_space<vmem>>
        %dma_start3A_708 = tpu.memref_squeeze %dma_start3A_707 : memref<1x250xi32, #tpu.memory_space<vmem>> -> memref<250xi32, #tpu.memory_space<vmem>>
        %dma_start3A_709 = arith.constant 0 : i32
        %dma_start3A_710 = arith.constant 0 : i32
        %dma_start3A_711 = tpu.memref_slice %arg3[%dma_start3A_709, %dma_start3A_710] : memref<10000x32xf32, #tpu.memory_space<hbm>> -> memref<10000x32xf32, #tpu.memory_space<hbm>>
        %dma_start3A_712 = tpu.memref_slice %arg12[%dma_start3A_701] : memref<8x!tpu.dma_semaphore, #tpu.memory_space<semaphore_mem>> -> memref<1x!tpu.dma_semaphore, #tpu.memory_space<semaphore_mem>>
        %dma_start3A_713 = tpu.memref_squeeze %dma_start3A_712 : memref<1x!tpu.dma_semaphore, #tpu.memory_space<semaphore_mem>> -> memref<!tpu.dma_semaphore, #tpu.memory_space<semaphore_mem>>
        tpu.enqueue_indirect_dma source(%dma_start3A_711 : memref<10000x32xf32, #tpu.memory_space<hbm>>) target(%dma_start3A_705 : memref<250x32xf32, #tpu.memory_space<vmem>>) offsets(%dma_start3A_708 : memref<250xi32, #tpu.memory_space<vmem>>) semaphore(%dma_start3A_713 : memref<!tpu.dma_semaphore, #tpu.memory_space<semaphore_mem>>)
      } else {
      }
      %mul3A_618 = arith.constant 8 : i32
      %mul3A_619 = arith.muli %scan3A_383, %mul3A_618 : i32
      %add3A_620 = arith.constant 6 : i32
      %add3A_621 = arith.addi %mul3A_619, %add3A_620 : i32
      %dma_wait3A_622 = arith.constant 6 : i32
      %dma_wait3A_623 = arith.constant 6 : i32
      %dma_wait3A_624 = arith.constant 0 : i32
      %dma_wait3A_625 = arith.constant 0 : i32
      %dma_wait3A_626 = tpu.memref_slice %arg11[%dma_wait3A_622, %dma_wait3A_624, %dma_wait3A_625] : memref<8x250x32xf32, #tpu.memory_space<vmem>> -> memref<1x250x32xf32, #tpu.memory_space<vmem>>
      %dma_wait3A_627 = tpu.memref_squeeze %dma_wait3A_626 : memref<1x250x32xf32, #tpu.memory_space<vmem>> -> memref<250x32xf32, #tpu.memory_space<vmem>>
      %dma_wait3A_628 = arith.constant 0 : i32
      %dma_wait3A_629 = tpu.memref_slice %arg9[%add3A_621, %dma_wait3A_628] : memref<40x250xi32, #tpu.memory_space<vmem>> -> memref<1x250xi32, #tpu.memory_space<vmem>>
      %dma_wait3A_630 = tpu.memref_squeeze %dma_wait3A_629 : memref<1x250xi32, #tpu.memory_space<vmem>> -> memref<250xi32, #tpu.memory_space<vmem>>
      %dma_wait3A_631 = arith.constant 0 : i32
      %dma_wait3A_632 = arith.constant 0 : i32
      %dma_wait3A_633 = tpu.memref_slice %arg3[%dma_wait3A_631, %dma_wait3A_632] : memref<10000x32xf32, #tpu.memory_space<hbm>> -> memref<10000x32xf32, #tpu.memory_space<hbm>>
      %dma_wait3A_634 = tpu.memref_slice %arg12[%dma_wait3A_623] : memref<8x!tpu.dma_semaphore, #tpu.memory_space<semaphore_mem>> -> memref<1x!tpu.dma_semaphore, #tpu.memory_space<semaphore_mem>>
      %dma_wait3A_635 = tpu.memref_squeeze %dma_wait3A_634 : memref<1x!tpu.dma_semaphore, #tpu.memory_space<semaphore_mem>> -> memref<!tpu.dma_semaphore, #tpu.memory_space<semaphore_mem>>
      tpu.wait_indirect_dma semaphore(%dma_wait3A_635 : memref<!tpu.dma_semaphore, #tpu.memory_space<semaphore_mem>>) src(%dma_wait3A_633 : memref<10000x32xf32, #tpu.memory_space<hbm>>) dst(%dma_wait3A_627 : memref<250x32xf32, #tpu.memory_space<vmem>>)
      %dma_start3A_636 = arith.constant 6 : i32
      %dma_start3A_637 = arith.constant 6 : i32
      %dma_start3A_638 = arith.constant 0 : i32
      %dma_start3A_639 = arith.constant 0 : i32
      %dma_start3A_640 = tpu.memref_slice %arg11[%dma_start3A_636, %dma_start3A_638, %dma_start3A_639] : memref<8x250x32xf32, #tpu.memory_space<vmem>> -> memref<1x250x32xf32, #tpu.memory_space<vmem>>
      %dma_start3A_641 = tpu.memref_squeeze %dma_start3A_640 : memref<1x250x32xf32, #tpu.memory_space<vmem>> -> memref<250x32xf32, #tpu.memory_space<vmem>>
      %dma_start3A_642 = arith.constant 0 : i32
      %dma_start3A_643 = tpu.memref_slice %arg10[%add3A_621, %dma_start3A_642] : memref<40x250xi32, #tpu.memory_space<vmem>> -> memref<1x250xi32, #tpu.memory_space<vmem>>
      %dma_start3A_644 = tpu.memref_squeeze %dma_start3A_643 : memref<1x250xi32, #tpu.memory_space<vmem>> -> memref<250xi32, #tpu.memory_space<vmem>>
      %dma_start3A_645 = arith.constant 0 : i32
      %dma_start3A_646 = arith.constant 0 : i32
      %dma_start3A_647 = tpu.memref_slice %arg8[%dma_start3A_645, %dma_start3A_646] : memref<10000x32xf32, #tpu.memory_space<vmem_shared>> -> memref<10000x32xf32, #tpu.memory_space<vmem_shared>>
      %dma_start3A_648 = tpu.memref_slice %arg13[%dma_start3A_637] : memref<8x!tpu.dma_semaphore, #tpu.memory_space<semaphore_mem>> -> memref<1x!tpu.dma_semaphore, #tpu.memory_space<semaphore_mem>>
      %dma_start3A_649 = tpu.memref_squeeze %dma_start3A_648 : memref<1x!tpu.dma_semaphore, #tpu.memory_space<semaphore_mem>> -> memref<!tpu.dma_semaphore, #tpu.memory_space<semaphore_mem>>
      tpu.enqueue_indirect_dma source(%dma_start3A_641 : memref<250x32xf32, #tpu.memory_space<vmem>>) target(%dma_start3A_647 : memref<10000x32xf32, #tpu.memory_space<vmem_shared>>) offsets(%dma_start3A_644 : memref<250xi32, #tpu.memory_space<vmem>>) semaphore(%dma_start3A_649 : memref<!tpu.dma_semaphore, #tpu.memory_space<semaphore_mem>>) {add = true}
      %add3A_650 = arith.constant 4 : i32
      %add3A_651 = arith.addi %add3A_621, %add3A_650 : i32
      %lt3A_652 = arith.constant 40 : i32
      %lt3A_653 = arith.cmpi slt, %add3A_651, %lt3A_652 : i32
      %convert_element_type3A_654 = arith.extui %lt3A_653 : i1 to i32
      %cond3A_655 = arith.constant 0 : i32
      %cond3A_656 = arith.cmpi ne, %convert_element_type3A_654, %cond3A_655 : i32
      scf.if %cond3A_656 {
        %ge3A = arith.constant 8 : i32
        %ge3A_696 = arith.cmpi sge, %add3A_651, %ge3A : i32
        %convert_element_type3A_697 = arith.extui %ge3A_696 : i1 to i32
        %cond3A_698 = arith.constant 0 : i32
        %cond3A_699 = arith.cmpi ne, %convert_element_type3A_697, %cond3A_698 : i32
        scf.if %cond3A_699 {
          %sub3A = arith.constant 8 : i32
          %sub3A_714 = arith.subi %add3A_651, %sub3A : i32
          %dma_wait3A_715 = arith.constant 2 : i32
          %dma_wait3A_716 = arith.constant 2 : i32
          %dma_wait3A_717 = arith.constant 0 : i32
          %dma_wait3A_718 = arith.constant 0 : i32
          %dma_wait3A_719 = tpu.memref_slice %arg11[%dma_wait3A_715, %dma_wait3A_717, %dma_wait3A_718] : memref<8x250x32xf32, #tpu.memory_space<vmem>> -> memref<1x250x32xf32, #tpu.memory_space<vmem>>
          %dma_wait3A_720 = tpu.memref_squeeze %dma_wait3A_719 : memref<1x250x32xf32, #tpu.memory_space<vmem>> -> memref<250x32xf32, #tpu.memory_space<vmem>>
          %dma_wait3A_721 = arith.constant 0 : i32
          %dma_wait3A_722 = tpu.memref_slice %arg10[%sub3A_714, %dma_wait3A_721] : memref<40x250xi32, #tpu.memory_space<vmem>> -> memref<1x250xi32, #tpu.memory_space<vmem>>
          %dma_wait3A_723 = tpu.memref_squeeze %dma_wait3A_722 : memref<1x250xi32, #tpu.memory_space<vmem>> -> memref<250xi32, #tpu.memory_space<vmem>>
          %dma_wait3A_724 = arith.constant 0 : i32
          %dma_wait3A_725 = arith.constant 0 : i32
          %dma_wait3A_726 = tpu.memref_slice %arg8[%dma_wait3A_724, %dma_wait3A_725] : memref<10000x32xf32, #tpu.memory_space<vmem_shared>> -> memref<10000x32xf32, #tpu.memory_space<vmem_shared>>
          %dma_wait3A_727 = tpu.memref_slice %arg13[%dma_wait3A_716] : memref<8x!tpu.dma_semaphore, #tpu.memory_space<semaphore_mem>> -> memref<1x!tpu.dma_semaphore, #tpu.memory_space<semaphore_mem>>
          %dma_wait3A_728 = tpu.memref_squeeze %dma_wait3A_727 : memref<1x!tpu.dma_semaphore, #tpu.memory_space<semaphore_mem>> -> memref<!tpu.dma_semaphore, #tpu.memory_space<semaphore_mem>>
          tpu.wait_indirect_dma semaphore(%dma_wait3A_728 : memref<!tpu.dma_semaphore, #tpu.memory_space<semaphore_mem>>) src(%dma_wait3A_720 : memref<250x32xf32, #tpu.memory_space<vmem>>) dst(%dma_wait3A_726 : memref<10000x32xf32, #tpu.memory_space<vmem_shared>>)
        } else {
        }
        %dma_start3A_700 = arith.constant 2 : i32
        %dma_start3A_701 = arith.constant 2 : i32
        %dma_start3A_702 = arith.constant 0 : i32
        %dma_start3A_703 = arith.constant 0 : i32
        %dma_start3A_704 = tpu.memref_slice %arg11[%dma_start3A_700, %dma_start3A_702, %dma_start3A_703] : memref<8x250x32xf32, #tpu.memory_space<vmem>> -> memref<1x250x32xf32, #tpu.memory_space<vmem>>
        %dma_start3A_705 = tpu.memref_squeeze %dma_start3A_704 : memref<1x250x32xf32, #tpu.memory_space<vmem>> -> memref<250x32xf32, #tpu.memory_space<vmem>>
        %dma_start3A_706 = arith.constant 0 : i32
        %dma_start3A_707 = tpu.memref_slice %arg9[%add3A_651, %dma_start3A_706] : memref<40x250xi32, #tpu.memory_space<vmem>> -> memref<1x250xi32, #tpu.memory_space<vmem>>
        %dma_start3A_708 = tpu.memref_squeeze %dma_start3A_707 : memref<1x250xi32, #tpu.memory_space<vmem>> -> memref<250xi32, #tpu.memory_space<vmem>>
        %dma_start3A_709 = arith.constant 0 : i32
        %dma_start3A_710 = arith.constant 0 : i32
        %dma_start3A_711 = tpu.memref_slice %arg3[%dma_start3A_709, %dma_start3A_710] : memref<10000x32xf32, #tpu.memory_space<hbm>> -> memref<10000x32xf32, #tpu.memory_space<hbm>>
        %dma_start3A_712 = tpu.memref_slice %arg12[%dma_start3A_701] : memref<8x!tpu.dma_semaphore, #tpu.memory_space<semaphore_mem>> -> memref<1x!tpu.dma_semaphore, #tpu.memory_space<semaphore_mem>>
        %dma_start3A_713 = tpu.memref_squeeze %dma_start3A_712 : memref<1x!tpu.dma_semaphore, #tpu.memory_space<semaphore_mem>> -> memref<!tpu.dma_semaphore, #tpu.memory_space<semaphore_mem>>
        tpu.enqueue_indirect_dma source(%dma_start3A_711 : memref<10000x32xf32, #tpu.memory_space<hbm>>) target(%dma_start3A_705 : memref<250x32xf32, #tpu.memory_space<vmem>>) offsets(%dma_start3A_708 : memref<250xi32, #tpu.memory_space<vmem>>) semaphore(%dma_start3A_713 : memref<!tpu.dma_semaphore, #tpu.memory_space<semaphore_mem>>)
      } else {
      }
      %mul3A_657 = arith.constant 8 : i32
      %mul3A_658 = arith.muli %scan3A_383, %mul3A_657 : i32
      %add3A_659 = arith.constant 7 : i32
      %add3A_660 = arith.addi %mul3A_658, %add3A_659 : i32
      %dma_wait3A_661 = arith.constant 7 : i32
      %dma_wait3A_662 = arith.constant 7 : i32
      %dma_wait3A_663 = arith.constant 0 : i32
      %dma_wait3A_664 = arith.constant 0 : i32
      %dma_wait3A_665 = tpu.memref_slice %arg11[%dma_wait3A_661, %dma_wait3A_663, %dma_wait3A_664] : memref<8x250x32xf32, #tpu.memory_space<vmem>> -> memref<1x250x32xf32, #tpu.memory_space<vmem>>
      %dma_wait3A_666 = tpu.memref_squeeze %dma_wait3A_665 : memref<1x250x32xf32, #tpu.memory_space<vmem>> -> memref<250x32xf32, #tpu.memory_space<vmem>>
      %dma_wait3A_667 = arith.constant 0 : i32
      %dma_wait3A_668 = tpu.memref_slice %arg9[%add3A_660, %dma_wait3A_667] : memref<40x250xi32, #tpu.memory_space<vmem>> -> memref<1x250xi32, #tpu.memory_space<vmem>>
      %dma_wait3A_669 = tpu.memref_squeeze %dma_wait3A_668 : memref<1x250xi32, #tpu.memory_space<vmem>> -> memref<250xi32, #tpu.memory_space<vmem>>
      %dma_wait3A_670 = arith.constant 0 : i32
      %dma_wait3A_671 = arith.constant 0 : i32
      %dma_wait3A_672 = tpu.memref_slice %arg3[%dma_wait3A_670, %dma_wait3A_671] : memref<10000x32xf32, #tpu.memory_space<hbm>> -> memref<10000x32xf32, #tpu.memory_space<hbm>>
      %dma_wait3A_673 = tpu.memref_slice %arg12[%dma_wait3A_662] : memref<8x!tpu.dma_semaphore, #tpu.memory_space<semaphore_mem>> -> memref<1x!tpu.dma_semaphore, #tpu.memory_space<semaphore_mem>>
      %dma_wait3A_674 = tpu.memref_squeeze %dma_wait3A_673 : memref<1x!tpu.dma_semaphore, #tpu.memory_space<semaphore_mem>> -> memref<!tpu.dma_semaphore, #tpu.memory_space<semaphore_mem>>
      tpu.wait_indirect_dma semaphore(%dma_wait3A_674 : memref<!tpu.dma_semaphore, #tpu.memory_space<semaphore_mem>>) src(%dma_wait3A_672 : memref<10000x32xf32, #tpu.memory_space<hbm>>) dst(%dma_wait3A_666 : memref<250x32xf32, #tpu.memory_space<vmem>>)
      %dma_start3A_675 = arith.constant 7 : i32
      %dma_start3A_676 = arith.constant 7 : i32
      %dma_start3A_677 = arith.constant 0 : i32
      %dma_start3A_678 = arith.constant 0 : i32
      %dma_start3A_679 = tpu.memref_slice %arg11[%dma_start3A_675, %dma_start3A_677, %dma_start3A_678] : memref<8x250x32xf32, #tpu.memory_space<vmem>> -> memref<1x250x32xf32, #tpu.memory_space<vmem>>
      %dma_start3A_680 = tpu.memref_squeeze %dma_start3A_679 : memref<1x250x32xf32, #tpu.memory_space<vmem>> -> memref<250x32xf32, #tpu.memory_space<vmem>>
      %dma_start3A_681 = arith.constant 0 : i32
      %dma_start3A_682 = tpu.memref_slice %arg10[%add3A_660, %dma_start3A_681] : memref<40x250xi32, #tpu.memory_space<vmem>> -> memref<1x250xi32, #tpu.memory_space<vmem>>
      %dma_start3A_683 = tpu.memref_squeeze %dma_start3A_682 : memref<1x250xi32, #tpu.memory_space<vmem>> -> memref<250xi32, #tpu.memory_space<vmem>>
      %dma_start3A_684 = arith.constant 0 : i32
      %dma_start3A_685 = arith.constant 0 : i32
      %dma_start3A_686 = tpu.memref_slice %arg8[%dma_start3A_684, %dma_start3A_685] : memref<10000x32xf32, #tpu.memory_space<vmem_shared>> -> memref<10000x32xf32, #tpu.memory_space<vmem_shared>>
      %dma_start3A_687 = tpu.memref_slice %arg13[%dma_start3A_676] : memref<8x!tpu.dma_semaphore, #tpu.memory_space<semaphore_mem>> -> memref<1x!tpu.dma_semaphore, #tpu.memory_space<semaphore_mem>>
      %dma_start3A_688 = tpu.memref_squeeze %dma_start3A_687 : memref<1x!tpu.dma_semaphore, #tpu.memory_space<semaphore_mem>> -> memref<!tpu.dma_semaphore, #tpu.memory_space<semaphore_mem>>
      tpu.enqueue_indirect_dma source(%dma_start3A_680 : memref<250x32xf32, #tpu.memory_space<vmem>>) target(%dma_start3A_686 : memref<10000x32xf32, #tpu.memory_space<vmem_shared>>) offsets(%dma_start3A_683 : memref<250xi32, #tpu.memory_space<vmem>>) semaphore(%dma_start3A_688 : memref<!tpu.dma_semaphore, #tpu.memory_space<semaphore_mem>>) {add = true}
      %add3A_689 = arith.constant 4 : i32
      %add3A_690 = arith.addi %add3A_660, %add3A_689 : i32
      %lt3A_691 = arith.constant 40 : i32
      %lt3A_692 = arith.cmpi slt, %add3A_690, %lt3A_691 : i32
      %convert_element_type3A_693 = arith.extui %lt3A_692 : i1 to i32
      %cond3A_694 = arith.constant 0 : i32
      %cond3A_695 = arith.cmpi ne, %convert_element_type3A_693, %cond3A_694 : i32
      scf.if %cond3A_695 {
        %ge3A = arith.constant 8 : i32
        %ge3A_696 = arith.cmpi sge, %add3A_690, %ge3A : i32
        %convert_element_type3A_697 = arith.extui %ge3A_696 : i1 to i32
        %cond3A_698 = arith.constant 0 : i32
        %cond3A_699 = arith.cmpi ne, %convert_element_type3A_697, %cond3A_698 : i32
        scf.if %cond3A_699 {
          %sub3A = arith.constant 8 : i32
          %sub3A_714 = arith.subi %add3A_690, %sub3A : i32
          %dma_wait3A_715 = arith.constant 3 : i32
          %dma_wait3A_716 = arith.constant 3 : i32
          %dma_wait3A_717 = arith.constant 0 : i32
          %dma_wait3A_718 = arith.constant 0 : i32
          %dma_wait3A_719 = tpu.memref_slice %arg11[%dma_wait3A_715, %dma_wait3A_717, %dma_wait3A_718] : memref<8x250x32xf32, #tpu.memory_space<vmem>> -> memref<1x250x32xf32, #tpu.memory_space<vmem>>
          %dma_wait3A_720 = tpu.memref_squeeze %dma_wait3A_719 : memref<1x250x32xf32, #tpu.memory_space<vmem>> -> memref<250x32xf32, #tpu.memory_space<vmem>>
          %dma_wait3A_721 = arith.constant 0 : i32
          %dma_wait3A_722 = tpu.memref_slice %arg10[%sub3A_714, %dma_wait3A_721] : memref<40x250xi32, #tpu.memory_space<vmem>> -> memref<1x250xi32, #tpu.memory_space<vmem>>
          %dma_wait3A_723 = tpu.memref_squeeze %dma_wait3A_722 : memref<1x250xi32, #tpu.memory_space<vmem>> -> memref<250xi32, #tpu.memory_space<vmem>>
          %dma_wait3A_724 = arith.constant 0 : i32
          %dma_wait3A_725 = arith.constant 0 : i32
          %dma_wait3A_726 = tpu.memref_slice %arg8[%dma_wait3A_724, %dma_wait3A_725] : memref<10000x32xf32, #tpu.memory_space<vmem_shared>> -> memref<10000x32xf32, #tpu.memory_space<vmem_shared>>
          %dma_wait3A_727 = tpu.memref_slice %arg13[%dma_wait3A_716] : memref<8x!tpu.dma_semaphore, #tpu.memory_space<semaphore_mem>> -> memref<1x!tpu.dma_semaphore, #tpu.memory_space<semaphore_mem>>
          %dma_wait3A_728 = tpu.memref_squeeze %dma_wait3A_727 : memref<1x!tpu.dma_semaphore, #tpu.memory_space<semaphore_mem>> -> memref<!tpu.dma_semaphore, #tpu.memory_space<semaphore_mem>>
          tpu.wait_indirect_dma semaphore(%dma_wait3A_728 : memref<!tpu.dma_semaphore, #tpu.memory_space<semaphore_mem>>) src(%dma_wait3A_720 : memref<250x32xf32, #tpu.memory_space<vmem>>) dst(%dma_wait3A_726 : memref<10000x32xf32, #tpu.memory_space<vmem_shared>>)
        } else {
        }
        %dma_start3A_700 = arith.constant 3 : i32
        %dma_start3A_701 = arith.constant 3 : i32
        %dma_start3A_702 = arith.constant 0 : i32
        %dma_start3A_703 = arith.constant 0 : i32
        %dma_start3A_704 = tpu.memref_slice %arg11[%dma_start3A_700, %dma_start3A_702, %dma_start3A_703] : memref<8x250x32xf32, #tpu.memory_space<vmem>> -> memref<1x250x32xf32, #tpu.memory_space<vmem>>
        %dma_start3A_705 = tpu.memref_squeeze %dma_start3A_704 : memref<1x250x32xf32, #tpu.memory_space<vmem>> -> memref<250x32xf32, #tpu.memory_space<vmem>>
        %dma_start3A_706 = arith.constant 0 : i32
        %dma_start3A_707 = tpu.memref_slice %arg9[%add3A_690, %dma_start3A_706] : memref<40x250xi32, #tpu.memory_space<vmem>> -> memref<1x250xi32, #tpu.memory_space<vmem>>
        %dma_start3A_708 = tpu.memref_squeeze %dma_start3A_707 : memref<1x250xi32, #tpu.memory_space<vmem>> -> memref<250xi32, #tpu.memory_space<vmem>>
        %dma_start3A_709 = arith.constant 0 : i32
        %dma_start3A_710 = arith.constant 0 : i32
        %dma_start3A_711 = tpu.memref_slice %arg3[%dma_start3A_709, %dma_start3A_710] : memref<10000x32xf32, #tpu.memory_space<hbm>> -> memref<10000x32xf32, #tpu.memory_space<hbm>>
        %dma_start3A_712 = tpu.memref_slice %arg12[%dma_start3A_701] : memref<8x!tpu.dma_semaphore, #tpu.memory_space<semaphore_mem>> -> memref<1x!tpu.dma_semaphore, #tpu.memory_space<semaphore_mem>>
        %dma_start3A_713 = tpu.memref_squeeze %dma_start3A_712 : memref<1x!tpu.dma_semaphore, #tpu.memory_space<semaphore_mem>> -> memref<!tpu.dma_semaphore, #tpu.memory_space<semaphore_mem>>
        tpu.enqueue_indirect_dma source(%dma_start3A_711 : memref<10000x32xf32, #tpu.memory_space<hbm>>) target(%dma_start3A_705 : memref<250x32xf32, #tpu.memory_space<vmem>>) offsets(%dma_start3A_708 : memref<250xi32, #tpu.memory_space<vmem>>) semaphore(%dma_start3A_713 : memref<!tpu.dma_semaphore, #tpu.memory_space<semaphore_mem>>)
      } else {
      }
    }
    %scan3A_256 = arith.constant 5 : i32
    %dma_wait3A_257 = arith.constant 0 : i32
    %dma_wait3A_258 = arith.constant 32 : i32
    %dma_wait3A_259 = arith.constant 0 : i32
    %dma_wait3A_260 = arith.constant 0 : i32
    %dma_wait3A_261 = arith.constant 0 : i32
    %dma_wait3A_262 = tpu.memref_slice %arg11[%dma_wait3A_257, %dma_wait3A_260, %dma_wait3A_261] : memref<8x250x32xf32, #tpu.memory_space<vmem>> -> memref<1x250x32xf32, #tpu.memory_space<vmem>>
    %dma_wait3A_263 = tpu.memref_squeeze %dma_wait3A_262 : memref<1x250x32xf32, #tpu.memory_space<vmem>> -> memref<250x32xf32, #tpu.memory_space<vmem>>
    %dma_wait3A_264 = arith.constant 0 : i32
    %dma_wait3A_265 = tpu.memref_slice %arg10[%dma_wait3A_258, %dma_wait3A_264] : memref<40x250xi32, #tpu.memory_space<vmem>> -> memref<1x250xi32, #tpu.memory_space<vmem>>
    %dma_wait3A_266 = tpu.memref_squeeze %dma_wait3A_265 : memref<1x250xi32, #tpu.memory_space<vmem>> -> memref<250xi32, #tpu.memory_space<vmem>>
    %dma_wait3A_267 = arith.constant 0 : i32
    %dma_wait3A_268 = arith.constant 0 : i32
    %dma_wait3A_269 = tpu.memref_slice %arg8[%dma_wait3A_267, %dma_wait3A_268] : memref<10000x32xf32, #tpu.memory_space<vmem_shared>> -> memref<10000x32xf32, #tpu.memory_space<vmem_shared>>
    %dma_wait3A_270 = tpu.memref_slice %arg13[%dma_wait3A_259] : memref<8x!tpu.dma_semaphore, #tpu.memory_space<semaphore_mem>> -> memref<1x!tpu.dma_semaphore, #tpu.memory_space<semaphore_mem>>
    %dma_wait3A_271 = tpu.memref_squeeze %dma_wait3A_270 : memref<1x!tpu.dma_semaphore, #tpu.memory_space<semaphore_mem>> -> memref<!tpu.dma_semaphore, #tpu.memory_space<semaphore_mem>>
    tpu.wait_indirect_dma semaphore(%dma_wait3A_271 : memref<!tpu.dma_semaphore, #tpu.memory_space<semaphore_mem>>) src(%dma_wait3A_263 : memref<250x32xf32, #tpu.memory_space<vmem>>) dst(%dma_wait3A_269 : memref<10000x32xf32, #tpu.memory_space<vmem_shared>>)
    %dma_wait3A_272 = arith.constant 1 : i32
    %dma_wait3A_273 = arith.constant 33 : i32
    %dma_wait3A_274 = arith.constant 1 : i32
    %dma_wait3A_275 = arith.constant 0 : i32
    %dma_wait3A_276 = arith.constant 0 : i32
    %dma_wait3A_277 = tpu.memref_slice %arg11[%dma_wait3A_272, %dma_wait3A_275, %dma_wait3A_276] : memref<8x250x32xf32, #tpu.memory_space<vmem>> -> memref<1x250x32xf32, #tpu.memory_space<vmem>>
    %dma_wait3A_278 = tpu.memref_squeeze %dma_wait3A_277 : memref<1x250x32xf32, #tpu.memory_space<vmem>> -> memref<250x32xf32, #tpu.memory_space<vmem>>
    %dma_wait3A_279 = arith.constant 0 : i32
    %dma_wait3A_280 = tpu.memref_slice %arg10[%dma_wait3A_273, %dma_wait3A_279] : memref<40x250xi32, #tpu.memory_space<vmem>> -> memref<1x250xi32, #tpu.memory_space<vmem>>
    %dma_wait3A_281 = tpu.memref_squeeze %dma_wait3A_280 : memref<1x250xi32, #tpu.memory_space<vmem>> -> memref<250xi32, #tpu.memory_space<vmem>>
    %dma_wait3A_282 = arith.constant 0 : i32
    %dma_wait3A_283 = arith.constant 0 : i32
    %dma_wait3A_284 = tpu.memref_slice %arg8[%dma_wait3A_282, %dma_wait3A_283] : memref<10000x32xf32, #tpu.memory_space<vmem_shared>> -> memref<10000x32xf32, #tpu.memory_space<vmem_shared>>
    %dma_wait3A_285 = tpu.memref_slice %arg13[%dma_wait3A_274] : memref<8x!tpu.dma_semaphore, #tpu.memory_space<semaphore_mem>> -> memref<1x!tpu.dma_semaphore, #tpu.memory_space<semaphore_mem>>
    %dma_wait3A_286 = tpu.memref_squeeze %dma_wait3A_285 : memref<1x!tpu.dma_semaphore, #tpu.memory_space<semaphore_mem>> -> memref<!tpu.dma_semaphore, #tpu.memory_space<semaphore_mem>>
    tpu.wait_indirect_dma semaphore(%dma_wait3A_286 : memref<!tpu.dma_semaphore, #tpu.memory_space<semaphore_mem>>) src(%dma_wait3A_278 : memref<250x32xf32, #tpu.memory_space<vmem>>) dst(%dma_wait3A_284 : memref<10000x32xf32, #tpu.memory_space<vmem_shared>>)
    %dma_wait3A_287 = arith.constant 2 : i32
    %dma_wait3A_288 = arith.constant 34 : i32
    %dma_wait3A_289 = arith.constant 2 : i32
    %dma_wait3A_290 = arith.constant 0 : i32
    %dma_wait3A_291 = arith.constant 0 : i32
    %dma_wait3A_292 = tpu.memref_slice %arg11[%dma_wait3A_287, %dma_wait3A_290, %dma_wait3A_291] : memref<8x250x32xf32, #tpu.memory_space<vmem>> -> memref<1x250x32xf32, #tpu.memory_space<vmem>>
    %dma_wait3A_293 = tpu.memref_squeeze %dma_wait3A_292 : memref<1x250x32xf32, #tpu.memory_space<vmem>> -> memref<250x32xf32, #tpu.memory_space<vmem>>
    %dma_wait3A_294 = arith.constant 0 : i32
    %dma_wait3A_295 = tpu.memref_slice %arg10[%dma_wait3A_288, %dma_wait3A_294] : memref<40x250xi32, #tpu.memory_space<vmem>> -> memref<1x250xi32, #tpu.memory_space<vmem>>
    %dma_wait3A_296 = tpu.memref_squeeze %dma_wait3A_295 : memref<1x250xi32, #tpu.memory_space<vmem>> -> memref<250xi32, #tpu.memory_space<vmem>>
    %dma_wait3A_297 = arith.constant 0 : i32
    %dma_wait3A_298 = arith.constant 0 : i32
    %dma_wait3A_299 = tpu.memref_slice %arg8[%dma_wait3A_297, %dma_wait3A_298] : memref<10000x32xf32, #tpu.memory_space<vmem_shared>> -> memref<10000x32xf32, #tpu.memory_space<vmem_shared>>
    %dma_wait3A_300 = tpu.memref_slice %arg13[%dma_wait3A_289] : memref<8x!tpu.dma_semaphore, #tpu.memory_space<semaphore_mem>> -> memref<1x!tpu.dma_semaphore, #tpu.memory_space<semaphore_mem>>
    %dma_wait3A_301 = tpu.memref_squeeze %dma_wait3A_300 : memref<1x!tpu.dma_semaphore, #tpu.memory_space<semaphore_mem>> -> memref<!tpu.dma_semaphore, #tpu.memory_space<semaphore_mem>>
    tpu.wait_indirect_dma semaphore(%dma_wait3A_301 : memref<!tpu.dma_semaphore, #tpu.memory_space<semaphore_mem>>) src(%dma_wait3A_293 : memref<250x32xf32, #tpu.memory_space<vmem>>) dst(%dma_wait3A_299 : memref<10000x32xf32, #tpu.memory_space<vmem_shared>>)
    %dma_wait3A_302 = arith.constant 3 : i32
    %dma_wait3A_303 = arith.constant 35 : i32
    %dma_wait3A_304 = arith.constant 3 : i32
    %dma_wait3A_305 = arith.constant 0 : i32
    %dma_wait3A_306 = arith.constant 0 : i32
    %dma_wait3A_307 = tpu.memref_slice %arg11[%dma_wait3A_302, %dma_wait3A_305, %dma_wait3A_306] : memref<8x250x32xf32, #tpu.memory_space<vmem>> -> memref<1x250x32xf32, #tpu.memory_space<vmem>>
    %dma_wait3A_308 = tpu.memref_squeeze %dma_wait3A_307 : memref<1x250x32xf32, #tpu.memory_space<vmem>> -> memref<250x32xf32, #tpu.memory_space<vmem>>
    %dma_wait3A_309 = arith.constant 0 : i32
    %dma_wait3A_310 = tpu.memref_slice %arg10[%dma_wait3A_303, %dma_wait3A_309] : memref<40x250xi32, #tpu.memory_space<vmem>> -> memref<1x250xi32, #tpu.memory_space<vmem>>
    %dma_wait3A_311 = tpu.memref_squeeze %dma_wait3A_310 : memref<1x250xi32, #tpu.memory_space<vmem>> -> memref<250xi32, #tpu.memory_space<vmem>>
    %dma_wait3A_312 = arith.constant 0 : i32
    %dma_wait3A_313 = arith.constant 0 : i32
    %dma_wait3A_314 = tpu.memref_slice %arg8[%dma_wait3A_312, %dma_wait3A_313] : memref<10000x32xf32, #tpu.memory_space<vmem_shared>> -> memref<10000x32xf32, #tpu.memory_space<vmem_shared>>
    %dma_wait3A_315 = tpu.memref_slice %arg13[%dma_wait3A_304] : memref<8x!tpu.dma_semaphore, #tpu.memory_space<semaphore_mem>> -> memref<1x!tpu.dma_semaphore, #tpu.memory_space<semaphore_mem>>
    %dma_wait3A_316 = tpu.memref_squeeze %dma_wait3A_315 : memref<1x!tpu.dma_semaphore, #tpu.memory_space<semaphore_mem>> -> memref<!tpu.dma_semaphore, #tpu.memory_space<semaphore_mem>>
    tpu.wait_indirect_dma semaphore(%dma_wait3A_316 : memref<!tpu.dma_semaphore, #tpu.memory_space<semaphore_mem>>) src(%dma_wait3A_308 : memref<250x32xf32, #tpu.memory_space<vmem>>) dst(%dma_wait3A_314 : memref<10000x32xf32, #tpu.memory_space<vmem_shared>>)
    %dma_wait3A_317 = arith.constant 4 : i32
    %dma_wait3A_318 = arith.constant 36 : i32
    %dma_wait3A_319 = arith.constant 4 : i32
    %dma_wait3A_320 = arith.constant 0 : i32
    %dma_wait3A_321 = arith.constant 0 : i32
    %dma_wait3A_322 = tpu.memref_slice %arg11[%dma_wait3A_317, %dma_wait3A_320, %dma_wait3A_321] : memref<8x250x32xf32, #tpu.memory_space<vmem>> -> memref<1x250x32xf32, #tpu.memory_space<vmem>>
    %dma_wait3A_323 = tpu.memref_squeeze %dma_wait3A_322 : memref<1x250x32xf32, #tpu.memory_space<vmem>> -> memref<250x32xf32, #tpu.memory_space<vmem>>
    %dma_wait3A_324 = arith.constant 0 : i32
    %dma_wait3A_325 = tpu.memref_slice %arg10[%dma_wait3A_318, %dma_wait3A_324] : memref<40x250xi32, #tpu.memory_space<vmem>> -> memref<1x250xi32, #tpu.memory_space<vmem>>
    %dma_wait3A_326 = tpu.memref_squeeze %dma_wait3A_325 : memref<1x250xi32, #tpu.memory_space<vmem>> -> memref<250xi32, #tpu.memory_space<vmem>>
    %dma_wait3A_327 = arith.constant 0 : i32
    %dma_wait3A_328 = arith.constant 0 : i32
    %dma_wait3A_329 = tpu.memref_slice %arg8[%dma_wait3A_327, %dma_wait3A_328] : memref<10000x32xf32, #tpu.memory_space<vmem_shared>> -> memref<10000x32xf32, #tpu.memory_space<vmem_shared>>
    %dma_wait3A_330 = tpu.memref_slice %arg13[%dma_wait3A_319] : memref<8x!tpu.dma_semaphore, #tpu.memory_space<semaphore_mem>> -> memref<1x!tpu.dma_semaphore, #tpu.memory_space<semaphore_mem>>
    %dma_wait3A_331 = tpu.memref_squeeze %dma_wait3A_330 : memref<1x!tpu.dma_semaphore, #tpu.memory_space<semaphore_mem>> -> memref<!tpu.dma_semaphore, #tpu.memory_space<semaphore_mem>>
    tpu.wait_indirect_dma semaphore(%dma_wait3A_331 : memref<!tpu.dma_semaphore, #tpu.memory_space<semaphore_mem>>) src(%dma_wait3A_323 : memref<250x32xf32, #tpu.memory_space<vmem>>) dst(%dma_wait3A_329 : memref<10000x32xf32, #tpu.memory_space<vmem_shared>>)
    %dma_wait3A_332 = arith.constant 5 : i32
    %dma_wait3A_333 = arith.constant 37 : i32
    %dma_wait3A_334 = arith.constant 5 : i32
    %dma_wait3A_335 = arith.constant 0 : i32
    %dma_wait3A_336 = arith.constant 0 : i32
    %dma_wait3A_337 = tpu.memref_slice %arg11[%dma_wait3A_332, %dma_wait3A_335, %dma_wait3A_336] : memref<8x250x32xf32, #tpu.memory_space<vmem>> -> memref<1x250x32xf32, #tpu.memory_space<vmem>>
    %dma_wait3A_338 = tpu.memref_squeeze %dma_wait3A_337 : memref<1x250x32xf32, #tpu.memory_space<vmem>> -> memref<250x32xf32, #tpu.memory_space<vmem>>
    %dma_wait3A_339 = arith.constant 0 : i32
    %dma_wait3A_340 = tpu.memref_slice %arg10[%dma_wait3A_333, %dma_wait3A_339] : memref<40x250xi32, #tpu.memory_space<vmem>> -> memref<1x250xi32, #tpu.memory_space<vmem>>
    %dma_wait3A_341 = tpu.memref_squeeze %dma_wait3A_340 : memref<1x250xi32, #tpu.memory_space<vmem>> -> memref<250xi32, #tpu.memory_space<vmem>>
    %dma_wait3A_342 = arith.constant 0 : i32
    %dma_wait3A_343 = arith.constant 0 : i32
    %dma_wait3A_344 = tpu.memref_slice %arg8[%dma_wait3A_342, %dma_wait3A_343] : memref<10000x32xf32, #tpu.memory_space<vmem_shared>> -> memref<10000x32xf32, #tpu.memory_space<vmem_shared>>
    %dma_wait3A_345 = tpu.memref_slice %arg13[%dma_wait3A_334] : memref<8x!tpu.dma_semaphore, #tpu.memory_space<semaphore_mem>> -> memref<1x!tpu.dma_semaphore, #tpu.memory_space<semaphore_mem>>
    %dma_wait3A_346 = tpu.memref_squeeze %dma_wait3A_345 : memref<1x!tpu.dma_semaphore, #tpu.memory_space<semaphore_mem>> -> memref<!tpu.dma_semaphore, #tpu.memory_space<semaphore_mem>>
    tpu.wait_indirect_dma semaphore(%dma_wait3A_346 : memref<!tpu.dma_semaphore, #tpu.memory_space<semaphore_mem>>) src(%dma_wait3A_338 : memref<250x32xf32, #tpu.memory_space<vmem>>) dst(%dma_wait3A_344 : memref<10000x32xf32, #tpu.memory_space<vmem_shared>>)
    %dma_wait3A_347 = arith.constant 6 : i32
    %dma_wait3A_348 = arith.constant 38 : i32
    %dma_wait3A_349 = arith.constant 6 : i32
    %dma_wait3A_350 = arith.constant 0 : i32
    %dma_wait3A_351 = arith.constant 0 : i32
    %dma_wait3A_352 = tpu.memref_slice %arg11[%dma_wait3A_347, %dma_wait3A_350, %dma_wait3A_351] : memref<8x250x32xf32, #tpu.memory_space<vmem>> -> memref<1x250x32xf32, #tpu.memory_space<vmem>>
    %dma_wait3A_353 = tpu.memref_squeeze %dma_wait3A_352 : memref<1x250x32xf32, #tpu.memory_space<vmem>> -> memref<250x32xf32, #tpu.memory_space<vmem>>
    %dma_wait3A_354 = arith.constant 0 : i32
    %dma_wait3A_355 = tpu.memref_slice %arg10[%dma_wait3A_348, %dma_wait3A_354] : memref<40x250xi32, #tpu.memory_space<vmem>> -> memref<1x250xi32, #tpu.memory_space<vmem>>
    %dma_wait3A_356 = tpu.memref_squeeze %dma_wait3A_355 : memref<1x250xi32, #tpu.memory_space<vmem>> -> memref<250xi32, #tpu.memory_space<vmem>>
    %dma_wait3A_357 = arith.constant 0 : i32
    %dma_wait3A_358 = arith.constant 0 : i32
    %dma_wait3A_359 = tpu.memref_slice %arg8[%dma_wait3A_357, %dma_wait3A_358] : memref<10000x32xf32, #tpu.memory_space<vmem_shared>> -> memref<10000x32xf32, #tpu.memory_space<vmem_shared>>
    %dma_wait3A_360 = tpu.memref_slice %arg13[%dma_wait3A_349] : memref<8x!tpu.dma_semaphore, #tpu.memory_space<semaphore_mem>> -> memref<1x!tpu.dma_semaphore, #tpu.memory_space<semaphore_mem>>
    %dma_wait3A_361 = tpu.memref_squeeze %dma_wait3A_360 : memref<1x!tpu.dma_semaphore, #tpu.memory_space<semaphore_mem>> -> memref<!tpu.dma_semaphore, #tpu.memory_space<semaphore_mem>>
    tpu.wait_indirect_dma semaphore(%dma_wait3A_361 : memref<!tpu.dma_semaphore, #tpu.memory_space<semaphore_mem>>) src(%dma_wait3A_353 : memref<250x32xf32, #tpu.memory_space<vmem>>) dst(%dma_wait3A_359 : memref<10000x32xf32, #tpu.memory_space<vmem_shared>>)
    %dma_wait3A_362 = arith.constant 7 : i32
    %dma_wait3A_363 = arith.constant 39 : i32
    %dma_wait3A_364 = arith.constant 7 : i32
    %dma_wait3A_365 = arith.constant 0 : i32
    %dma_wait3A_366 = arith.constant 0 : i32
    %dma_wait3A_367 = tpu.memref_slice %arg11[%dma_wait3A_362, %dma_wait3A_365, %dma_wait3A_366] : memref<8x250x32xf32, #tpu.memory_space<vmem>> -> memref<1x250x32xf32, #tpu.memory_space<vmem>>
    %dma_wait3A_368 = tpu.memref_squeeze %dma_wait3A_367 : memref<1x250x32xf32, #tpu.memory_space<vmem>> -> memref<250x32xf32, #tpu.memory_space<vmem>>
    %dma_wait3A_369 = arith.constant 0 : i32
    %dma_wait3A_370 = tpu.memref_slice %arg10[%dma_wait3A_363, %dma_wait3A_369] : memref<40x250xi32, #tpu.memory_space<vmem>> -> memref<1x250xi32, #tpu.memory_space<vmem>>
    %dma_wait3A_371 = tpu.memref_squeeze %dma_wait3A_370 : memref<1x250xi32, #tpu.memory_space<vmem>> -> memref<250xi32, #tpu.memory_space<vmem>>
    %dma_wait3A_372 = arith.constant 0 : i32
    %dma_wait3A_373 = arith.constant 0 : i32
    %dma_wait3A_374 = tpu.memref_slice %arg8[%dma_wait3A_372, %dma_wait3A_373] : memref<10000x32xf32, #tpu.memory_space<vmem_shared>> -> memref<10000x32xf32, #tpu.memory_space<vmem_shared>>
    %dma_wait3A_375 = tpu.memref_slice %arg13[%dma_wait3A_364] : memref<8x!tpu.dma_semaphore, #tpu.memory_space<semaphore_mem>> -> memref<1x!tpu.dma_semaphore, #tpu.memory_space<semaphore_mem>>
    %dma_wait3A_376 = tpu.memref_squeeze %dma_wait3A_375 : memref<1x!tpu.dma_semaphore, #tpu.memory_space<semaphore_mem>> -> memref<!tpu.dma_semaphore, #tpu.memory_space<semaphore_mem>>
    tpu.wait_indirect_dma semaphore(%dma_wait3A_376 : memref<!tpu.dma_semaphore, #tpu.memory_space<semaphore_mem>>) src(%dma_wait3A_368 : memref<250x32xf32, #tpu.memory_space<vmem>>) dst(%dma_wait3A_374 : memref<10000x32xf32, #tpu.memory_space<vmem_shared>>)
    %barrier3A_377 = arith.constant 0 : index
    tpu.barrier barrier_id(%barrier3A_377)
    %lt3A_378 = arith.constant 10 : i32
    %lt3A_379 = arith.cmpi slt, %arg1, %lt3A_378 : i32
    %convert_element_type3A_380 = arith.extui %lt3A_379 : i1 to i32
    %cond3A_381 = arith.constant 0 : i32
    %cond3A_382 = arith.cmpi ne, %convert_element_type3A_380, %cond3A_381 : i32
    scf.if %cond3A_382 {
      %run_scoped3A_383 = arith.constant 0 : i32
      "tpu.region"() ({
        %run_scoped3A_385 = tpu.sem_alloc : memref<!tpu.dma_semaphore, #tpu.memory_space<semaphore_mem>>
        %dma_start3A_386 = arith.constant 0 : i32
        %dma_start3A_387 = tpu.memref_slice %arg6[%arg0, %run_scoped3A_383, %mul3A_2, %dma_start3A_386] : memref<2x2x10000x32xf32, #tpu.memory_space<hbm>> -> memref<1x1x1000x32xf32, #tpu.memory_space<hbm>>
        %dma_start3A_388 = tpu.memref_squeeze %dma_start3A_387 : memref<1x1x1000x32xf32, #tpu.memory_space<hbm>> -> memref<1000x32xf32, #tpu.memory_space<hbm>>
        %dma_start3A_389 = arith.constant 0 : i32
        %dma_start3A_390 = tpu.memref_slice %arg7[%mul3A_2, %dma_start3A_389] : memref<10000x32xf32, #tpu.memory_space<vmem_shared>> -> memref<1000x32xf32, #tpu.memory_space<vmem_shared>>
        tpu.enqueue_dma source(%dma_start3A_390 : memref<1000x32xf32, #tpu.memory_space<vmem_shared>>) target(%dma_start3A_388 : memref<1000x32xf32, #tpu.memory_space<hbm>>) target_semaphore(%run_scoped3A_385 : memref<!tpu.dma_semaphore, #tpu.memory_space<semaphore_mem>>)
        %dma_wait3A_391 = arith.constant 0 : i32
        %dma_wait3A_392 = tpu.memref_slice %arg6[%arg0, %run_scoped3A_383, %mul3A_2, %dma_wait3A_391] : memref<2x2x10000x32xf32, #tpu.memory_space<hbm>> -> memref<1x1x1000x32xf32, #tpu.memory_space<hbm>>
        %dma_wait3A_393 = tpu.memref_squeeze %dma_wait3A_392 : memref<1x1x1000x32xf32, #tpu.memory_space<hbm>> -> memref<1000x32xf32, #tpu.memory_space<hbm>>
        %dma_wait3A_394 = arith.constant 0 : i32
        %dma_wait3A_395 = tpu.memref_slice %arg7[%mul3A_2, %dma_wait3A_394] : memref<10000x32xf32, #tpu.memory_space<vmem_shared>> -> memref<1000x32xf32, #tpu.memory_space<vmem_shared>>
        tpu.wait_dma2 semaphore(%run_scoped3A_385 : memref<!tpu.dma_semaphore, #tpu.memory_space<semaphore_mem>>) src(%dma_wait3A_395 : memref<1000x32xf32, #tpu.memory_space<vmem_shared>>) dst(%dma_wait3A_393 : memref<1000x32xf32, #tpu.memory_space<hbm>>)
        tpu.yield
      }) : () -> ()
      %run_scoped3A_384 = arith.constant 1 : i32
      "tpu.region"() ({
        %run_scoped3A_385 = tpu.sem_alloc : memref<!tpu.dma_semaphore, #tpu.memory_space<semaphore_mem>>
        %dma_start3A_386 = arith.constant 0 : i32
        %dma_start3A_387 = tpu.memref_slice %arg6[%arg0, %run_scoped3A_384, %mul3A_2, %dma_start3A_386] : memref<2x2x10000x32xf32, #tpu.memory_space<hbm>> -> memref<1x1x1000x32xf32, #tpu.memory_space<hbm>>
        %dma_start3A_388 = tpu.memref_squeeze %dma_start3A_387 : memref<1x1x1000x32xf32, #tpu.memory_space<hbm>> -> memref<1000x32xf32, #tpu.memory_space<hbm>>
        %dma_start3A_389 = arith.constant 0 : i32
        %dma_start3A_390 = tpu.memref_slice %arg8[%mul3A_2, %dma_start3A_389] : memref<10000x32xf32, #tpu.memory_space<vmem_shared>> -> memref<1000x32xf32, #tpu.memory_space<vmem_shared>>
        tpu.enqueue_dma source(%dma_start3A_390 : memref<1000x32xf32, #tpu.memory_space<vmem_shared>>) target(%dma_start3A_388 : memref<1000x32xf32, #tpu.memory_space<hbm>>) target_semaphore(%run_scoped3A_385 : memref<!tpu.dma_semaphore, #tpu.memory_space<semaphore_mem>>)
        %dma_wait3A_391 = arith.constant 0 : i32
        %dma_wait3A_392 = tpu.memref_slice %arg6[%arg0, %run_scoped3A_384, %mul3A_2, %dma_wait3A_391] : memref<2x2x10000x32xf32, #tpu.memory_space<hbm>> -> memref<1x1x1000x32xf32, #tpu.memory_space<hbm>>
        %dma_wait3A_393 = tpu.memref_squeeze %dma_wait3A_392 : memref<1x1x1000x32xf32, #tpu.memory_space<hbm>> -> memref<1000x32xf32, #tpu.memory_space<hbm>>
        %dma_wait3A_394 = arith.constant 0 : i32
        %dma_wait3A_395 = tpu.memref_slice %arg8[%mul3A_2, %dma_wait3A_394] : memref<10000x32xf32, #tpu.memory_space<vmem_shared>> -> memref<1000x32xf32, #tpu.memory_space<vmem_shared>>
        tpu.wait_dma2 semaphore(%run_scoped3A_385 : memref<!tpu.dma_semaphore, #tpu.memory_space<semaphore_mem>>) src(%dma_wait3A_395 : memref<1000x32xf32, #tpu.memory_space<vmem_shared>>) dst(%dma_wait3A_393 : memref<1000x32xf32, #tpu.memory_space<hbm>>)
        tpu.yield
      }) : () -> ()
    } else {
    }
    return
  }
}

#map = affine_map<(d0, d1) -> (0, 0, 0)>
#map1 = affine_map<(d0, d1) -> (0, 0, 0, 0)>
module attributes {stable_mosaic.version = 14 : i64} {
  func.func @_deg_body(%arg0: i32, %arg1: i32, %arg2: memref<2x32x10000xi32, #tpu.memory_space<hbm>>, %arg3: memref<2x5x32x2000xf32, #tpu.memory_space<hbm>>, %arg4: memref<10000xi32, #tpu.memory_space<vmem>>, %arg5: memref<5x2000xf32, #tpu.memory_space<vmem>>) attributes {dimension_semantics = [#tpu.dimension_semantics<core_parallel>, #tpu.dimension_semantics<subcore_parallel>], iteration_bounds = array<i64: 2, 16>, scalar_prefetch = 0 : i64, scratch_operands = 2 : i64, tpu.core_type = #tpu.core_type<sc_vector_subcore>, window_params = [{transform_indices = #map}, {transform_indices = #map1}]} {
    %mul3A = arith.constant 2 : i32
    %mul3A_0 = arith.muli %arg1, %mul3A : i32
    %add3A = arith.addi %mul3A_0, %arg0 : i32
    %broadcast_in_dim3A = arith.constant 1.000000e+00 : f32
    %broadcast_in_dim3A_1 = vector.broadcast %broadcast_in_dim3A : f32 to vector<16xf32>
    %broadcast_in_dim3A_2 = arith.constant 0.000000e+00 : f32
    %broadcast_in_dim3A_3 = vector.broadcast %broadcast_in_dim3A_2 : f32 to vector<16xf32>
    %parallel_loop3A = arith.constant 0 : i32
    %parallel_loop3A_4 = arith.constant 125 : i32
    %parallel_loop3A_5 = arith.constant 1 : i32
    scf.for %parallel_loop3A_60 = %parallel_loop3A to %parallel_loop3A_4 step %parallel_loop3A_5  : i32 {
      %parallel_loop3A_61 = arith.constant 16 : i32
      %parallel_loop3A_62 = arith.muli %parallel_loop3A_60, %parallel_loop3A_61 : i32
      %parallel_loop3A_63 = arith.constant 0 : i32
      %parallel_loop3A_64 = arith.index_cast %parallel_loop3A_63 : i32 to index
      %parallel_loop3A_65 = arith.index_cast %parallel_loop3A_62 : i32 to index
      %parallel_loop3A_66 = tpu.vector_load %arg5[%parallel_loop3A_64, %parallel_loop3A_65] {strides = array<i32>} : memref<5x2000xf32, #tpu.memory_space<vmem>>, vector<16xf32>,
      tpu.vector_store %arg5[%parallel_loop3A_64, %parallel_loop3A_65], %broadcast_in_dim3A_3 {strides = array<i32>} : memref<5x2000xf32, #tpu.memory_space<vmem>>, vector<16xf32>,
    } {sc.loop_unroll_factor = 8 : i64, sc.parallel_access}
    %parallel_loop3A_6 = arith.constant 0 : i32
    %parallel_loop3A_7 = arith.constant 125 : i32
    %parallel_loop3A_8 = arith.constant 1 : i32
    scf.for %parallel_loop3A_60 = %parallel_loop3A_6 to %parallel_loop3A_7 step %parallel_loop3A_8  : i32 {
      %parallel_loop3A_61 = arith.constant 16 : i32
      %parallel_loop3A_62 = arith.muli %parallel_loop3A_60, %parallel_loop3A_61 : i32
      %parallel_loop3A_63 = arith.constant 1 : i32
      %parallel_loop3A_64 = arith.index_cast %parallel_loop3A_63 : i32 to index
      %parallel_loop3A_65 = arith.index_cast %parallel_loop3A_62 : i32 to index
      %parallel_loop3A_66 = tpu.vector_load %arg5[%parallel_loop3A_64, %parallel_loop3A_65] {strides = array<i32>} : memref<5x2000xf32, #tpu.memory_space<vmem>>, vector<16xf32>,
      tpu.vector_store %arg5[%parallel_loop3A_64, %parallel_loop3A_65], %broadcast_in_dim3A_3 {strides = array<i32>} : memref<5x2000xf32, #tpu.memory_space<vmem>>, vector<16xf32>,
    } {sc.loop_unroll_factor = 8 : i64, sc.parallel_access}
    %parallel_loop3A_9 = arith.constant 0 : i32
    %parallel_loop3A_10 = arith.constant 125 : i32
    %parallel_loop3A_11 = arith.constant 1 : i32
    scf.for %parallel_loop3A_60 = %parallel_loop3A_9 to %parallel_loop3A_10 step %parallel_loop3A_11  : i32 {
      %parallel_loop3A_61 = arith.constant 16 : i32
      %parallel_loop3A_62 = arith.muli %parallel_loop3A_60, %parallel_loop3A_61 : i32
      %parallel_loop3A_63 = arith.constant 2 : i32
      %parallel_loop3A_64 = arith.index_cast %parallel_loop3A_63 : i32 to index
      %parallel_loop3A_65 = arith.index_cast %parallel_loop3A_62 : i32 to index
      %parallel_loop3A_66 = tpu.vector_load %arg5[%parallel_loop3A_64, %parallel_loop3A_65] {strides = array<i32>} : memref<5x2000xf32, #tpu.memory_space<vmem>>, vector<16xf32>,
      tpu.vector_store %arg5[%parallel_loop3A_64, %parallel_loop3A_65], %broadcast_in_dim3A_3 {strides = array<i32>} : memref<5x2000xf32, #tpu.memory_space<vmem>>, vector<16xf32>,
    } {sc.loop_unroll_factor = 8 : i64, sc.parallel_access}
    %parallel_loop3A_12 = arith.constant 0 : i32
    %parallel_loop3A_13 = arith.constant 125 : i32
    %parallel_loop3A_14 = arith.constant 1 : i32
    scf.for %parallel_loop3A_60 = %parallel_loop3A_12 to %parallel_loop3A_13 step %parallel_loop3A_14  : i32 {
      %parallel_loop3A_61 = arith.constant 16 : i32
      %parallel_loop3A_62 = arith.muli %parallel_loop3A_60, %parallel_loop3A_61 : i32
      %parallel_loop3A_63 = arith.constant 3 : i32
      %parallel_loop3A_64 = arith.index_cast %parallel_loop3A_63 : i32 to index
      %parallel_loop3A_65 = arith.index_cast %parallel_loop3A_62 : i32 to index
      %parallel_loop3A_66 = tpu.vector_load %arg5[%parallel_loop3A_64, %parallel_loop3A_65] {strides = array<i32>} : memref<5x2000xf32, #tpu.memory_space<vmem>>, vector<16xf32>,
      tpu.vector_store %arg5[%parallel_loop3A_64, %parallel_loop3A_65], %broadcast_in_dim3A_3 {strides = array<i32>} : memref<5x2000xf32, #tpu.memory_space<vmem>>, vector<16xf32>,
    } {sc.loop_unroll_factor = 8 : i64, sc.parallel_access}
    %parallel_loop3A_15 = arith.constant 0 : i32
    %parallel_loop3A_16 = arith.constant 125 : i32
    %parallel_loop3A_17 = arith.constant 1 : i32
    scf.for %parallel_loop3A_60 = %parallel_loop3A_15 to %parallel_loop3A_16 step %parallel_loop3A_17  : i32 {
      %parallel_loop3A_61 = arith.constant 16 : i32
      %parallel_loop3A_62 = arith.muli %parallel_loop3A_60, %parallel_loop3A_61 : i32
      %parallel_loop3A_63 = arith.constant 4 : i32
      %parallel_loop3A_64 = arith.index_cast %parallel_loop3A_63 : i32 to index
      %parallel_loop3A_65 = arith.index_cast %parallel_loop3A_62 : i32 to index
      %parallel_loop3A_66 = tpu.vector_load %arg5[%parallel_loop3A_64, %parallel_loop3A_65] {strides = array<i32>} : memref<5x2000xf32, #tpu.memory_space<vmem>>, vector<16xf32>,
      tpu.vector_store %arg5[%parallel_loop3A_64, %parallel_loop3A_65], %broadcast_in_dim3A_3 {strides = array<i32>} : memref<5x2000xf32, #tpu.memory_space<vmem>>, vector<16xf32>,
    } {sc.loop_unroll_factor = 8 : i64, sc.parallel_access}
    %run_scoped3A = arith.constant 0 : i32
    "tpu.region"() ({
      %run_scoped3A_60 = tpu.sem_alloc : memref<!tpu.dma_semaphore, #tpu.memory_space<semaphore_mem>>
      %dma_start3A = arith.constant 0 : i32
      %dma_start3A_61 = tpu.memref_slice %arg2[%run_scoped3A, %add3A, %dma_start3A] : memref<2x32x10000xi32, #tpu.memory_space<hbm>> -> memref<1x1x10000xi32, #tpu.memory_space<hbm>>
      %dma_start3A_62 = tpu.memref_squeeze %dma_start3A_61 : memref<1x1x10000xi32, #tpu.memory_space<hbm>> -> memref<10000xi32, #tpu.memory_space<hbm>>
      %dma_start3A_63 = arith.constant 0 : i32
      %dma_start3A_64 = tpu.memref_slice %arg2[%run_scoped3A, %add3A, %dma_start3A_63] : memref<2x32x10000xi32, #tpu.memory_space<hbm>> -> memref<1x1x10000xi32, #tpu.memory_space<hbm>>
      %dma_start3A_65 = tpu.memref_squeeze %dma_start3A_64 : memref<1x1x10000xi32, #tpu.memory_space<hbm>> -> memref<10000xi32, #tpu.memory_space<hbm>>
      tpu.enqueue_dma source(%dma_start3A_65 : memref<10000xi32, #tpu.memory_space<hbm>>) target(%arg4 : memref<10000xi32, #tpu.memory_space<vmem>>) target_semaphore(%run_scoped3A_60 : memref<!tpu.dma_semaphore, #tpu.memory_space<semaphore_mem>>)
      %dma_wait3A = arith.constant 0 : i32
      %dma_wait3A_66 = tpu.memref_slice %arg2[%run_scoped3A, %add3A, %dma_wait3A] : memref<2x32x10000xi32, #tpu.memory_space<hbm>> -> memref<1x1x10000xi32, #tpu.memory_space<hbm>>
      %dma_wait3A_67 = tpu.memref_squeeze %dma_wait3A_66 : memref<1x1x10000xi32, #tpu.memory_space<hbm>> -> memref<10000xi32, #tpu.memory_space<hbm>>
      %dma_wait3A_68 = arith.constant 0 : i32
      %dma_wait3A_69 = tpu.memref_slice %arg2[%run_scoped3A, %add3A, %dma_wait3A_68] : memref<2x32x10000xi32, #tpu.memory_space<hbm>> -> memref<1x1x10000xi32, #tpu.memory_space<hbm>>
      %dma_wait3A_70 = tpu.memref_squeeze %dma_wait3A_69 : memref<1x1x10000xi32, #tpu.memory_space<hbm>> -> memref<10000xi32, #tpu.memory_space<hbm>>
      tpu.wait_dma2 semaphore(%run_scoped3A_60 : memref<!tpu.dma_semaphore, #tpu.memory_space<semaphore_mem>>) src(%dma_wait3A_70 : memref<10000xi32, #tpu.memory_space<hbm>>) dst(%arg4 : memref<10000xi32, #tpu.memory_space<vmem>>)
      tpu.yield
    }) : () -> ()
    %parallel_loop3A_18 = arith.constant 0 : i32
    %parallel_loop3A_19 = arith.constant 625 : i32
    %parallel_loop3A_20 = arith.constant 1 : i32
    scf.for %parallel_loop3A_60 = %parallel_loop3A_18 to %parallel_loop3A_19 step %parallel_loop3A_20  : i32 {
      %parallel_loop3A_61 = arith.constant 16 : i32
      %parallel_loop3A_62 = arith.muli %parallel_loop3A_60, %parallel_loop3A_61 : i32
      %parallel_loop3A_63 = arith.index_cast %parallel_loop3A_62 : i32 to index
      %parallel_loop3A_64 = tpu.vector_load %arg4[%parallel_loop3A_63] {strides = array<i32>} : memref<10000xi32, #tpu.memory_space<vmem>>, vector<16xi32>,
      %parallel_loop3A_65 = arith.constant 2000 : i32
      %parallel_loop3A_66 = vector.broadcast %parallel_loop3A_65 : i32 to vector<16xi32>
      %parallel_loop3A_67 = arith.cmpi sge, %parallel_loop3A_64, %parallel_loop3A_66 : vector<16xi32>
      %parallel_loop3A_68 = arith.extui %parallel_loop3A_67 : vector<16xi1> to vector<16xi32>
      %parallel_loop3A_69 = arith.constant 4000 : i32
      %parallel_loop3A_70 = vector.broadcast %parallel_loop3A_69 : i32 to vector<16xi32>
      %parallel_loop3A_71 = arith.cmpi sge, %parallel_loop3A_64, %parallel_loop3A_70 : vector<16xi32>
      %parallel_loop3A_72 = arith.extui %parallel_loop3A_71 : vector<16xi1> to vector<16xi32>
      %parallel_loop3A_73 = arith.addi %parallel_loop3A_68, %parallel_loop3A_72 : vector<16xi32>
      %parallel_loop3A_74 = arith.constant 6000 : i32
      %parallel_loop3A_75 = vector.broadcast %parallel_loop3A_74 : i32 to vector<16xi32>
      %parallel_loop3A_76 = arith.cmpi sge, %parallel_loop3A_64, %parallel_loop3A_75 : vector<16xi32>
      %parallel_loop3A_77 = arith.extui %parallel_loop3A_76 : vector<16xi1> to vector<16xi32>
      %parallel_loop3A_78 = arith.addi %parallel_loop3A_73, %parallel_loop3A_77 : vector<16xi32>
      %parallel_loop3A_79 = arith.constant 8000 : i32
      %parallel_loop3A_80 = vector.broadcast %parallel_loop3A_79 : i32 to vector<16xi32>
      %parallel_loop3A_81 = arith.cmpi sge, %parallel_loop3A_64, %parallel_loop3A_80 : vector<16xi32>
      %parallel_loop3A_82 = arith.extui %parallel_loop3A_81 : vector<16xi1> to vector<16xi32>
      %parallel_loop3A_83 = arith.addi %parallel_loop3A_78, %parallel_loop3A_82 : vector<16xi32>
      %parallel_loop3A_84 = arith.constant 2000 : i32
      %parallel_loop3A_85 = vector.broadcast %parallel_loop3A_84 : i32 to vector<16xi32>
      %parallel_loop3A_86 = arith.muli %parallel_loop3A_83, %parallel_loop3A_85 : vector<16xi32>
      %parallel_loop3A_87 = arith.subi %parallel_loop3A_64, %parallel_loop3A_86 : vector<16xi32>
      tpu.vector_store_idx %arg5[%parallel_loop3A_83, %parallel_loop3A_87], %broadcast_in_dim3A_1 {add = true} : memref<5x2000xf32, #tpu.memory_space<vmem>>[vector<16xi32>, vector<16xi32>], vector<16xf32>,
    } {sc.loop_unroll_factor = 8 : i64, sc.parallel_access}
    %run_scoped3A_21 = arith.constant 0 : i32
    %run_scoped3A_22 = arith.constant 0 : i32
    "tpu.region"() ({
      %run_scoped3A_60 = tpu.sem_alloc : memref<!tpu.dma_semaphore, #tpu.memory_space<semaphore_mem>>
      %dma_start3A = arith.constant 0 : i32
      %dma_start3A_61 = arith.constant 0 : i32
      %dma_start3A_62 = tpu.memref_slice %arg5[%dma_start3A, %dma_start3A_61] : memref<5x2000xf32, #tpu.memory_space<vmem>> -> memref<1x2000xf32, #tpu.memory_space<vmem>>
      %dma_start3A_63 = arith.constant 0 : i32
      %dma_start3A_64 = tpu.memref_slice %arg3[%run_scoped3A_21, %run_scoped3A_22, %add3A, %dma_start3A_63] : memref<2x5x32x2000xf32, #tpu.memory_space<hbm>> -> memref<1x1x1x2000xf32, #tpu.memory_space<hbm>>
      %dma_start3A_65 = tpu.memref_squeeze %dma_start3A_64 : memref<1x1x1x2000xf32, #tpu.memory_space<hbm>> -> memref<1x2000xf32, #tpu.memory_space<hbm>>
      %dma_start3A_66 = arith.constant 0 : i32
      %dma_start3A_67 = tpu.memref_slice %arg3[%run_scoped3A_21, %run_scoped3A_22, %add3A, %dma_start3A_66] : memref<2x5x32x2000xf32, #tpu.memory_space<hbm>> -> memref<1x1x1x2000xf32, #tpu.memory_space<hbm>>
      %dma_start3A_68 = tpu.memref_squeeze %dma_start3A_67 : memref<1x1x1x2000xf32, #tpu.memory_space<hbm>> -> memref<1x2000xf32, #tpu.memory_space<hbm>>
      %dma_start3A_69 = arith.constant 0 : i32
      %dma_start3A_70 = arith.constant 0 : i32
      %dma_start3A_71 = tpu.memref_slice %arg5[%dma_start3A_69, %dma_start3A_70] : memref<5x2000xf32, #tpu.memory_space<vmem>> -> memref<1x2000xf32, #tpu.memory_space<vmem>>
      tpu.enqueue_dma source(%dma_start3A_71 : memref<1x2000xf32, #tpu.memory_space<vmem>>) target(%dma_start3A_68 : memref<1x2000xf32, #tpu.memory_space<hbm>>) target_semaphore(%run_scoped3A_60 : memref<!tpu.dma_semaphore, #tpu.memory_space<semaphore_mem>>)
      %dma_wait3A = arith.constant 0 : i32
      %dma_wait3A_72 = arith.constant 0 : i32
      %dma_wait3A_73 = tpu.memref_slice %arg5[%dma_wait3A, %dma_wait3A_72] : memref<5x2000xf32, #tpu.memory_space<vmem>> -> memref<1x2000xf32, #tpu.memory_space<vmem>>
      %dma_wait3A_74 = arith.constant 0 : i32
      %dma_wait3A_75 = tpu.memref_slice %arg3[%run_scoped3A_21, %run_scoped3A_22, %add3A, %dma_wait3A_74] : memref<2x5x32x2000xf32, #tpu.memory_space<hbm>> -> memref<1x1x1x2000xf32, #tpu.memory_space<hbm>>
      %dma_wait3A_76 = tpu.memref_squeeze %dma_wait3A_75 : memref<1x1x1x2000xf32, #tpu.memory_space<hbm>> -> memref<1x2000xf32, #tpu.memory_space<hbm>>
      %dma_wait3A_77 = arith.constant 0 : i32
      %dma_wait3A_78 = tpu.memref_slice %arg3[%run_scoped3A_21, %run_scoped3A_22, %add3A, %dma_wait3A_77] : memref<2x5x32x2000xf32, #tpu.memory_space<hbm>> -> memref<1x1x1x2000xf32, #tpu.memory_space<hbm>>
      %dma_wait3A_79 = tpu.memref_squeeze %dma_wait3A_78 : memref<1x1x1x2000xf32, #tpu.memory_space<hbm>> -> memref<1x2000xf32, #tpu.memory_space<hbm>>
      %dma_wait3A_80 = arith.constant 0 : i32
      %dma_wait3A_81 = arith.constant 0 : i32
      %dma_wait3A_82 = tpu.memref_slice %arg5[%dma_wait3A_80, %dma_wait3A_81] : memref<5x2000xf32, #tpu.memory_space<vmem>> -> memref<1x2000xf32, #tpu.memory_space<vmem>>
      tpu.wait_dma2 semaphore(%run_scoped3A_60 : memref<!tpu.dma_semaphore, #tpu.memory_space<semaphore_mem>>) src(%dma_wait3A_82 : memref<1x2000xf32, #tpu.memory_space<vmem>>) dst(%dma_wait3A_79 : memref<1x2000xf32, #tpu.memory_space<hbm>>)
      tpu.yield
    }) : () -> ()
    %run_scoped3A_23 = arith.constant 0 : i32
    %run_scoped3A_24 = arith.constant 1 : i32
    "tpu.region"() ({
      %run_scoped3A_60 = tpu.sem_alloc : memref<!tpu.dma_semaphore, #tpu.memory_space<semaphore_mem>>
      %dma_start3A = arith.constant 1 : i32
      %dma_start3A_61 = arith.constant 0 : i32
      %dma_start3A_62 = tpu.memref_slice %arg5[%dma_start3A, %dma_start3A_61] : memref<5x2000xf32, #tpu.memory_space<vmem>> -> memref<1x2000xf32, #tpu.memory_space<vmem>>
      %dma_start3A_63 = arith.constant 0 : i32
      %dma_start3A_64 = tpu.memref_slice %arg3[%run_scoped3A_23, %run_scoped3A_24, %add3A, %dma_start3A_63] : memref<2x5x32x2000xf32, #tpu.memory_space<hbm>> -> memref<1x1x1x2000xf32, #tpu.memory_space<hbm>>
      %dma_start3A_65 = tpu.memref_squeeze %dma_start3A_64 : memref<1x1x1x2000xf32, #tpu.memory_space<hbm>> -> memref<1x2000xf32, #tpu.memory_space<hbm>>
      %dma_start3A_66 = arith.constant 0 : i32
      %dma_start3A_67 = tpu.memref_slice %arg3[%run_scoped3A_23, %run_scoped3A_24, %add3A, %dma_start3A_66] : memref<2x5x32x2000xf32, #tpu.memory_space<hbm>> -> memref<1x1x1x2000xf32, #tpu.memory_space<hbm>>
      %dma_start3A_68 = tpu.memref_squeeze %dma_start3A_67 : memref<1x1x1x2000xf32, #tpu.memory_space<hbm>> -> memref<1x2000xf32, #tpu.memory_space<hbm>>
      %dma_start3A_69 = arith.constant 1 : i32
      %dma_start3A_70 = arith.constant 0 : i32
      %dma_start3A_71 = tpu.memref_slice %arg5[%dma_start3A_69, %dma_start3A_70] : memref<5x2000xf32, #tpu.memory_space<vmem>> -> memref<1x2000xf32, #tpu.memory_space<vmem>>
      tpu.enqueue_dma source(%dma_start3A_71 : memref<1x2000xf32, #tpu.memory_space<vmem>>) target(%dma_start3A_68 : memref<1x2000xf32, #tpu.memory_space<hbm>>) target_semaphore(%run_scoped3A_60 : memref<!tpu.dma_semaphore, #tpu.memory_space<semaphore_mem>>)
      %dma_wait3A = arith.constant 1 : i32
      %dma_wait3A_72 = arith.constant 0 : i32
      %dma_wait3A_73 = tpu.memref_slice %arg5[%dma_wait3A, %dma_wait3A_72] : memref<5x2000xf32, #tpu.memory_space<vmem>> -> memref<1x2000xf32, #tpu.memory_space<vmem>>
      %dma_wait3A_74 = arith.constant 0 : i32
      %dma_wait3A_75 = tpu.memref_slice %arg3[%run_scoped3A_23, %run_scoped3A_24, %add3A, %dma_wait3A_74] : memref<2x5x32x2000xf32, #tpu.memory_space<hbm>> -> memref<1x1x1x2000xf32, #tpu.memory_space<hbm>>
      %dma_wait3A_76 = tpu.memref_squeeze %dma_wait3A_75 : memref<1x1x1x2000xf32, #tpu.memory_space<hbm>> -> memref<1x2000xf32, #tpu.memory_space<hbm>>
      %dma_wait3A_77 = arith.constant 0 : i32
      %dma_wait3A_78 = tpu.memref_slice %arg3[%run_scoped3A_23, %run_scoped3A_24, %add3A, %dma_wait3A_77] : memref<2x5x32x2000xf32, #tpu.memory_space<hbm>> -> memref<1x1x1x2000xf32, #tpu.memory_space<hbm>>
      %dma_wait3A_79 = tpu.memref_squeeze %dma_wait3A_78 : memref<1x1x1x2000xf32, #tpu.memory_space<hbm>> -> memref<1x2000xf32, #tpu.memory_space<hbm>>
      %dma_wait3A_80 = arith.constant 1 : i32
      %dma_wait3A_81 = arith.constant 0 : i32
      %dma_wait3A_82 = tpu.memref_slice %arg5[%dma_wait3A_80, %dma_wait3A_81] : memref<5x2000xf32, #tpu.memory_space<vmem>> -> memref<1x2000xf32, #tpu.memory_space<vmem>>
      tpu.wait_dma2 semaphore(%run_scoped3A_60 : memref<!tpu.dma_semaphore, #tpu.memory_space<semaphore_mem>>) src(%dma_wait3A_82 : memref<1x2000xf32, #tpu.memory_space<vmem>>) dst(%dma_wait3A_79 : memref<1x2000xf32, #tpu.memory_space<hbm>>)
      tpu.yield
    }) : () -> ()
    %run_scoped3A_25 = arith.constant 0 : i32
    %run_scoped3A_26 = arith.constant 2 : i32
    "tpu.region"() ({
      %run_scoped3A_60 = tpu.sem_alloc : memref<!tpu.dma_semaphore, #tpu.memory_space<semaphore_mem>>
      %dma_start3A = arith.constant 2 : i32
      %dma_start3A_61 = arith.constant 0 : i32
      %dma_start3A_62 = tpu.memref_slice %arg5[%dma_start3A, %dma_start3A_61] : memref<5x2000xf32, #tpu.memory_space<vmem>> -> memref<1x2000xf32, #tpu.memory_space<vmem>>
      %dma_start3A_63 = arith.constant 0 : i32
      %dma_start3A_64 = tpu.memref_slice %arg3[%run_scoped3A_25, %run_scoped3A_26, %add3A, %dma_start3A_63] : memref<2x5x32x2000xf32, #tpu.memory_space<hbm>> -> memref<1x1x1x2000xf32, #tpu.memory_space<hbm>>
      %dma_start3A_65 = tpu.memref_squeeze %dma_start3A_64 : memref<1x1x1x2000xf32, #tpu.memory_space<hbm>> -> memref<1x2000xf32, #tpu.memory_space<hbm>>
      %dma_start3A_66 = arith.constant 0 : i32
      %dma_start3A_67 = tpu.memref_slice %arg3[%run_scoped3A_25, %run_scoped3A_26, %add3A, %dma_start3A_66] : memref<2x5x32x2000xf32, #tpu.memory_space<hbm>> -> memref<1x1x1x2000xf32, #tpu.memory_space<hbm>>
      %dma_start3A_68 = tpu.memref_squeeze %dma_start3A_67 : memref<1x1x1x2000xf32, #tpu.memory_space<hbm>> -> memref<1x2000xf32, #tpu.memory_space<hbm>>
      %dma_start3A_69 = arith.constant 2 : i32
      %dma_start3A_70 = arith.constant 0 : i32
      %dma_start3A_71 = tpu.memref_slice %arg5[%dma_start3A_69, %dma_start3A_70] : memref<5x2000xf32, #tpu.memory_space<vmem>> -> memref<1x2000xf32, #tpu.memory_space<vmem>>
      tpu.enqueue_dma source(%dma_start3A_71 : memref<1x2000xf32, #tpu.memory_space<vmem>>) target(%dma_start3A_68 : memref<1x2000xf32, #tpu.memory_space<hbm>>) target_semaphore(%run_scoped3A_60 : memref<!tpu.dma_semaphore, #tpu.memory_space<semaphore_mem>>)
      %dma_wait3A = arith.constant 2 : i32
      %dma_wait3A_72 = arith.constant 0 : i32
      %dma_wait3A_73 = tpu.memref_slice %arg5[%dma_wait3A, %dma_wait3A_72] : memref<5x2000xf32, #tpu.memory_space<vmem>> -> memref<1x2000xf32, #tpu.memory_space<vmem>>
      %dma_wait3A_74 = arith.constant 0 : i32
      %dma_wait3A_75 = tpu.memref_slice %arg3[%run_scoped3A_25, %run_scoped3A_26, %add3A, %dma_wait3A_74] : memref<2x5x32x2000xf32, #tpu.memory_space<hbm>> -> memref<1x1x1x2000xf32, #tpu.memory_space<hbm>>
      %dma_wait3A_76 = tpu.memref_squeeze %dma_wait3A_75 : memref<1x1x1x2000xf32, #tpu.memory_space<hbm>> -> memref<1x2000xf32, #tpu.memory_space<hbm>>
      %dma_wait3A_77 = arith.constant 0 : i32
      %dma_wait3A_78 = tpu.memref_slice %arg3[%run_scoped3A_25, %run_scoped3A_26, %add3A, %dma_wait3A_77] : memref<2x5x32x2000xf32, #tpu.memory_space<hbm>> -> memref<1x1x1x2000xf32, #tpu.memory_space<hbm>>
      %dma_wait3A_79 = tpu.memref_squeeze %dma_wait3A_78 : memref<1x1x1x2000xf32, #tpu.memory_space<hbm>> -> memref<1x2000xf32, #tpu.memory_space<hbm>>
      %dma_wait3A_80 = arith.constant 2 : i32
      %dma_wait3A_81 = arith.constant 0 : i32
      %dma_wait3A_82 = tpu.memref_slice %arg5[%dma_wait3A_80, %dma_wait3A_81] : memref<5x2000xf32, #tpu.memory_space<vmem>> -> memref<1x2000xf32, #tpu.memory_space<vmem>>
      tpu.wait_dma2 semaphore(%run_scoped3A_60 : memref<!tpu.dma_semaphore, #tpu.memory_space<semaphore_mem>>) src(%dma_wait3A_82 : memref<1x2000xf32, #tpu.memory_space<vmem>>) dst(%dma_wait3A_79 : memref<1x2000xf32, #tpu.memory_space<hbm>>)
      tpu.yield
    }) : () -> ()
    %run_scoped3A_27 = arith.constant 0 : i32
    %run_scoped3A_28 = arith.constant 3 : i32
    "tpu.region"() ({
      %run_scoped3A_60 = tpu.sem_alloc : memref<!tpu.dma_semaphore, #tpu.memory_space<semaphore_mem>>
      %dma_start3A = arith.constant 3 : i32
      %dma_start3A_61 = arith.constant 0 : i32
      %dma_start3A_62 = tpu.memref_slice %arg5[%dma_start3A, %dma_start3A_61] : memref<5x2000xf32, #tpu.memory_space<vmem>> -> memref<1x2000xf32, #tpu.memory_space<vmem>>
      %dma_start3A_63 = arith.constant 0 : i32
      %dma_start3A_64 = tpu.memref_slice %arg3[%run_scoped3A_27, %run_scoped3A_28, %add3A, %dma_start3A_63] : memref<2x5x32x2000xf32, #tpu.memory_space<hbm>> -> memref<1x1x1x2000xf32, #tpu.memory_space<hbm>>
      %dma_start3A_65 = tpu.memref_squeeze %dma_start3A_64 : memref<1x1x1x2000xf32, #tpu.memory_space<hbm>> -> memref<1x2000xf32, #tpu.memory_space<hbm>>
      %dma_start3A_66 = arith.constant 0 : i32
      %dma_start3A_67 = tpu.memref_slice %arg3[%run_scoped3A_27, %run_scoped3A_28, %add3A, %dma_start3A_66] : memref<2x5x32x2000xf32, #tpu.memory_space<hbm>> -> memref<1x1x1x2000xf32, #tpu.memory_space<hbm>>
      %dma_start3A_68 = tpu.memref_squeeze %dma_start3A_67 : memref<1x1x1x2000xf32, #tpu.memory_space<hbm>> -> memref<1x2000xf32, #tpu.memory_space<hbm>>
      %dma_start3A_69 = arith.constant 3 : i32
      %dma_start3A_70 = arith.constant 0 : i32
      %dma_start3A_71 = tpu.memref_slice %arg5[%dma_start3A_69, %dma_start3A_70] : memref<5x2000xf32, #tpu.memory_space<vmem>> -> memref<1x2000xf32, #tpu.memory_space<vmem>>
      tpu.enqueue_dma source(%dma_start3A_71 : memref<1x2000xf32, #tpu.memory_space<vmem>>) target(%dma_start3A_68 : memref<1x2000xf32, #tpu.memory_space<hbm>>) target_semaphore(%run_scoped3A_60 : memref<!tpu.dma_semaphore, #tpu.memory_space<semaphore_mem>>)
      %dma_wait3A = arith.constant 3 : i32
      %dma_wait3A_72 = arith.constant 0 : i32
      %dma_wait3A_73 = tpu.memref_slice %arg5[%dma_wait3A, %dma_wait3A_72] : memref<5x2000xf32, #tpu.memory_space<vmem>> -> memref<1x2000xf32, #tpu.memory_space<vmem>>
      %dma_wait3A_74 = arith.constant 0 : i32
      %dma_wait3A_75 = tpu.memref_slice %arg3[%run_scoped3A_27, %run_scoped3A_28, %add3A, %dma_wait3A_74] : memref<2x5x32x2000xf32, #tpu.memory_space<hbm>> -> memref<1x1x1x2000xf32, #tpu.memory_space<hbm>>
      %dma_wait3A_76 = tpu.memref_squeeze %dma_wait3A_75 : memref<1x1x1x2000xf32, #tpu.memory_space<hbm>> -> memref<1x2000xf32, #tpu.memory_space<hbm>>
      %dma_wait3A_77 = arith.constant 0 : i32
      %dma_wait3A_78 = tpu.memref_slice %arg3[%run_scoped3A_27, %run_scoped3A_28, %add3A, %dma_wait3A_77] : memref<2x5x32x2000xf32, #tpu.memory_space<hbm>> -> memref<1x1x1x2000xf32, #tpu.memory_space<hbm>>
      %dma_wait3A_79 = tpu.memref_squeeze %dma_wait3A_78 : memref<1x1x1x2000xf32, #tpu.memory_space<hbm>> -> memref<1x2000xf32, #tpu.memory_space<hbm>>
      %dma_wait3A_80 = arith.constant 3 : i32
      %dma_wait3A_81 = arith.constant 0 : i32
      %dma_wait3A_82 = tpu.memref_slice %arg5[%dma_wait3A_80, %dma_wait3A_81] : memref<5x2000xf32, #tpu.memory_space<vmem>> -> memref<1x2000xf32, #tpu.memory_space<vmem>>
      tpu.wait_dma2 semaphore(%run_scoped3A_60 : memref<!tpu.dma_semaphore, #tpu.memory_space<semaphore_mem>>) src(%dma_wait3A_82 : memref<1x2000xf32, #tpu.memory_space<vmem>>) dst(%dma_wait3A_79 : memref<1x2000xf32, #tpu.memory_space<hbm>>)
      tpu.yield
    }) : () -> ()
    %run_scoped3A_29 = arith.constant 0 : i32
    %run_scoped3A_30 = arith.constant 4 : i32
    "tpu.region"() ({
      %run_scoped3A_60 = tpu.sem_alloc : memref<!tpu.dma_semaphore, #tpu.memory_space<semaphore_mem>>
      %dma_start3A = arith.constant 4 : i32
      %dma_start3A_61 = arith.constant 0 : i32
      %dma_start3A_62 = tpu.memref_slice %arg5[%dma_start3A, %dma_start3A_61] : memref<5x2000xf32, #tpu.memory_space<vmem>> -> memref<1x2000xf32, #tpu.memory_space<vmem>>
      %dma_start3A_63 = arith.constant 0 : i32
      %dma_start3A_64 = tpu.memref_slice %arg3[%run_scoped3A_29, %run_scoped3A_30, %add3A, %dma_start3A_63] : memref<2x5x32x2000xf32, #tpu.memory_space<hbm>> -> memref<1x1x1x2000xf32, #tpu.memory_space<hbm>>
      %dma_start3A_65 = tpu.memref_squeeze %dma_start3A_64 : memref<1x1x1x2000xf32, #tpu.memory_space<hbm>> -> memref<1x2000xf32, #tpu.memory_space<hbm>>
      %dma_start3A_66 = arith.constant 0 : i32
      %dma_start3A_67 = tpu.memref_slice %arg3[%run_scoped3A_29, %run_scoped3A_30, %add3A, %dma_start3A_66] : memref<2x5x32x2000xf32, #tpu.memory_space<hbm>> -> memref<1x1x1x2000xf32, #tpu.memory_space<hbm>>
      %dma_start3A_68 = tpu.memref_squeeze %dma_start3A_67 : memref<1x1x1x2000xf32, #tpu.memory_space<hbm>> -> memref<1x2000xf32, #tpu.memory_space<hbm>>
      %dma_start3A_69 = arith.constant 4 : i32
      %dma_start3A_70 = arith.constant 0 : i32
      %dma_start3A_71 = tpu.memref_slice %arg5[%dma_start3A_69, %dma_start3A_70] : memref<5x2000xf32, #tpu.memory_space<vmem>> -> memref<1x2000xf32, #tpu.memory_space<vmem>>
      tpu.enqueue_dma source(%dma_start3A_71 : memref<1x2000xf32, #tpu.memory_space<vmem>>) target(%dma_start3A_68 : memref<1x2000xf32, #tpu.memory_space<hbm>>) target_semaphore(%run_scoped3A_60 : memref<!tpu.dma_semaphore, #tpu.memory_space<semaphore_mem>>)
      %dma_wait3A = arith.constant 4 : i32
      %dma_wait3A_72 = arith.constant 0 : i32
      %dma_wait3A_73 = tpu.memref_slice %arg5[%dma_wait3A, %dma_wait3A_72] : memref<5x2000xf32, #tpu.memory_space<vmem>> -> memref<1x2000xf32, #tpu.memory_space<vmem>>
      %dma_wait3A_74 = arith.constant 0 : i32
      %dma_wait3A_75 = tpu.memref_slice %arg3[%run_scoped3A_29, %run_scoped3A_30, %add3A, %dma_wait3A_74] : memref<2x5x32x2000xf32, #tpu.memory_space<hbm>> -> memref<1x1x1x2000xf32, #tpu.memory_space<hbm>>
      %dma_wait3A_76 = tpu.memref_squeeze %dma_wait3A_75 : memref<1x1x1x2000xf32, #tpu.memory_space<hbm>> -> memref<1x2000xf32, #tpu.memory_space<hbm>>
      %dma_wait3A_77 = arith.constant 0 : i32
      %dma_wait3A_78 = tpu.memref_slice %arg3[%run_scoped3A_29, %run_scoped3A_30, %add3A, %dma_wait3A_77] : memref<2x5x32x2000xf32, #tpu.memory_space<hbm>> -> memref<1x1x1x2000xf32, #tpu.memory_space<hbm>>
      %dma_wait3A_79 = tpu.memref_squeeze %dma_wait3A_78 : memref<1x1x1x2000xf32, #tpu.memory_space<hbm>> -> memref<1x2000xf32, #tpu.memory_space<hbm>>
      %dma_wait3A_80 = arith.constant 4 : i32
      %dma_wait3A_81 = arith.constant 0 : i32
      %dma_wait3A_82 = tpu.memref_slice %arg5[%dma_wait3A_80, %dma_wait3A_81] : memref<5x2000xf32, #tpu.memory_space<vmem>> -> memref<1x2000xf32, #tpu.memory_space<vmem>>
      tpu.wait_dma2 semaphore(%run_scoped3A_60 : memref<!tpu.dma_semaphore, #tpu.memory_space<semaphore_mem>>) src(%dma_wait3A_82 : memref<1x2000xf32, #tpu.memory_space<vmem>>) dst(%dma_wait3A_79 : memref<1x2000xf32, #tpu.memory_space<hbm>>)
      tpu.yield
    }) : () -> ()
    %parallel_loop3A_31 = arith.constant 0 : i32
    %parallel_loop3A_32 = arith.constant 125 : i32
    %parallel_loop3A_33 = arith.constant 1 : i32
    scf.for %parallel_loop3A_60 = %parallel_loop3A_31 to %parallel_loop3A_32 step %parallel_loop3A_33  : i32 {
      %parallel_loop3A_61 = arith.constant 16 : i32
      %parallel_loop3A_62 = arith.muli %parallel_loop3A_60, %parallel_loop3A_61 : i32
      %parallel_loop3A_63 = arith.constant 0 : i32
      %parallel_loop3A_64 = arith.index_cast %parallel_loop3A_63 : i32 to index
      %parallel_loop3A_65 = arith.index_cast %parallel_loop3A_62 : i32 to index
      %parallel_loop3A_66 = tpu.vector_load %arg5[%parallel_loop3A_64, %parallel_loop3A_65] {strides = array<i32>} : memref<5x2000xf32, #tpu.memory_space<vmem>>, vector<16xf32>,
      tpu.vector_store %arg5[%parallel_loop3A_64, %parallel_loop3A_65], %broadcast_in_dim3A_3 {strides = array<i32>} : memref<5x2000xf32, #tpu.memory_space<vmem>>, vector<16xf32>,
    } {sc.loop_unroll_factor = 8 : i64, sc.parallel_access}
    %parallel_loop3A_34 = arith.constant 0 : i32
    %parallel_loop3A_35 = arith.constant 125 : i32
    %parallel_loop3A_36 = arith.constant 1 : i32
    scf.for %parallel_loop3A_60 = %parallel_loop3A_34 to %parallel_loop3A_35 step %parallel_loop3A_36  : i32 {
      %parallel_loop3A_61 = arith.constant 16 : i32
      %parallel_loop3A_62 = arith.muli %parallel_loop3A_60, %parallel_loop3A_61 : i32
      %parallel_loop3A_63 = arith.constant 1 : i32
      %parallel_loop3A_64 = arith.index_cast %parallel_loop3A_63 : i32 to index
      %parallel_loop3A_65 = arith.index_cast %parallel_loop3A_62 : i32 to index
      %parallel_loop3A_66 = tpu.vector_load %arg5[%parallel_loop3A_64, %parallel_loop3A_65] {strides = array<i32>} : memref<5x2000xf32, #tpu.memory_space<vmem>>, vector<16xf32>,
      tpu.vector_store %arg5[%parallel_loop3A_64, %parallel_loop3A_65], %broadcast_in_dim3A_3 {strides = array<i32>} : memref<5x2000xf32, #tpu.memory_space<vmem>>, vector<16xf32>,
    } {sc.loop_unroll_factor = 8 : i64, sc.parallel_access}
    %parallel_loop3A_37 = arith.constant 0 : i32
    %parallel_loop3A_38 = arith.constant 125 : i32
    %parallel_loop3A_39 = arith.constant 1 : i32
    scf.for %parallel_loop3A_60 = %parallel_loop3A_37 to %parallel_loop3A_38 step %parallel_loop3A_39  : i32 {
      %parallel_loop3A_61 = arith.constant 16 : i32
      %parallel_loop3A_62 = arith.muli %parallel_loop3A_60, %parallel_loop3A_61 : i32
      %parallel_loop3A_63 = arith.constant 2 : i32
      %parallel_loop3A_64 = arith.index_cast %parallel_loop3A_63 : i32 to index
      %parallel_loop3A_65 = arith.index_cast %parallel_loop3A_62 : i32 to index
      %parallel_loop3A_66 = tpu.vector_load %arg5[%parallel_loop3A_64, %parallel_loop3A_65] {strides = array<i32>} : memref<5x2000xf32, #tpu.memory_space<vmem>>, vector<16xf32>,
      tpu.vector_store %arg5[%parallel_loop3A_64, %parallel_loop3A_65], %broadcast_in_dim3A_3 {strides = array<i32>} : memref<5x2000xf32, #tpu.memory_space<vmem>>, vector<16xf32>,
    } {sc.loop_unroll_factor = 8 : i64, sc.parallel_access}
    %parallel_loop3A_40 = arith.constant 0 : i32
    %parallel_loop3A_41 = arith.constant 125 : i32
    %parallel_loop3A_42 = arith.constant 1 : i32
    scf.for %parallel_loop3A_60 = %parallel_loop3A_40 to %parallel_loop3A_41 step %parallel_loop3A_42  : i32 {
      %parallel_loop3A_61 = arith.constant 16 : i32
      %parallel_loop3A_62 = arith.muli %parallel_loop3A_60, %parallel_loop3A_61 : i32
      %parallel_loop3A_63 = arith.constant 3 : i32
      %parallel_loop3A_64 = arith.index_cast %parallel_loop3A_63 : i32 to index
      %parallel_loop3A_65 = arith.index_cast %parallel_loop3A_62 : i32 to index
      %parallel_loop3A_66 = tpu.vector_load %arg5[%parallel_loop3A_64, %parallel_loop3A_65] {strides = array<i32>} : memref<5x2000xf32, #tpu.memory_space<vmem>>, vector<16xf32>,
      tpu.vector_store %arg5[%parallel_loop3A_64, %parallel_loop3A_65], %broadcast_in_dim3A_3 {strides = array<i32>} : memref<5x2000xf32, #tpu.memory_space<vmem>>, vector<16xf32>,
    } {sc.loop_unroll_factor = 8 : i64, sc.parallel_access}
    %parallel_loop3A_43 = arith.constant 0 : i32
    %parallel_loop3A_44 = arith.constant 125 : i32
    %parallel_loop3A_45 = arith.constant 1 : i32
    scf.for %parallel_loop3A_60 = %parallel_loop3A_43 to %parallel_loop3A_44 step %parallel_loop3A_45  : i32 {
      %parallel_loop3A_61 = arith.constant 16 : i32
      %parallel_loop3A_62 = arith.muli %parallel_loop3A_60, %parallel_loop3A_61 : i32
      %parallel_loop3A_63 = arith.constant 4 : i32
      %parallel_loop3A_64 = arith.index_cast %parallel_loop3A_63 : i32 to index
      %parallel_loop3A_65 = arith.index_cast %parallel_loop3A_62 : i32 to index
      %parallel_loop3A_66 = tpu.vector_load %arg5[%parallel_loop3A_64, %parallel_loop3A_65] {strides = array<i32>} : memref<5x2000xf32, #tpu.memory_space<vmem>>, vector<16xf32>,
      tpu.vector_store %arg5[%parallel_loop3A_64, %parallel_loop3A_65], %broadcast_in_dim3A_3 {strides = array<i32>} : memref<5x2000xf32, #tpu.memory_space<vmem>>, vector<16xf32>,
    } {sc.loop_unroll_factor = 8 : i64, sc.parallel_access}
    %run_scoped3A_46 = arith.constant 1 : i32
    "tpu.region"() ({
      %run_scoped3A_60 = tpu.sem_alloc : memref<!tpu.dma_semaphore, #tpu.memory_space<semaphore_mem>>
      %dma_start3A = arith.constant 0 : i32
      %dma_start3A_61 = tpu.memref_slice %arg2[%run_scoped3A_46, %add3A, %dma_start3A] : memref<2x32x10000xi32, #tpu.memory_space<hbm>> -> memref<1x1x10000xi32, #tpu.memory_space<hbm>>
      %dma_start3A_62 = tpu.memref_squeeze %dma_start3A_61 : memref<1x1x10000xi32, #tpu.memory_space<hbm>> -> memref<10000xi32, #tpu.memory_space<hbm>>
      %dma_start3A_63 = arith.constant 0 : i32
      %dma_start3A_64 = tpu.memref_slice %arg2[%run_scoped3A_46, %add3A, %dma_start3A_63] : memref<2x32x10000xi32, #tpu.memory_space<hbm>> -> memref<1x1x10000xi32, #tpu.memory_space<hbm>>
      %dma_start3A_65 = tpu.memref_squeeze %dma_start3A_64 : memref<1x1x10000xi32, #tpu.memory_space<hbm>> -> memref<10000xi32, #tpu.memory_space<hbm>>
      tpu.enqueue_dma source(%dma_start3A_65 : memref<10000xi32, #tpu.memory_space<hbm>>) target(%arg4 : memref<10000xi32, #tpu.memory_space<vmem>>) target_semaphore(%run_scoped3A_60 : memref<!tpu.dma_semaphore, #tpu.memory_space<semaphore_mem>>)
      %dma_wait3A = arith.constant 0 : i32
      %dma_wait3A_66 = tpu.memref_slice %arg2[%run_scoped3A_46, %add3A, %dma_wait3A] : memref<2x32x10000xi32, #tpu.memory_space<hbm>> -> memref<1x1x10000xi32, #tpu.memory_space<hbm>>
      %dma_wait3A_67 = tpu.memref_squeeze %dma_wait3A_66 : memref<1x1x10000xi32, #tpu.memory_space<hbm>> -> memref<10000xi32, #tpu.memory_space<hbm>>
      %dma_wait3A_68 = arith.constant 0 : i32
      %dma_wait3A_69 = tpu.memref_slice %arg2[%run_scoped3A_46, %add3A, %dma_wait3A_68] : memref<2x32x10000xi32, #tpu.memory_space<hbm>> -> memref<1x1x10000xi32, #tpu.memory_space<hbm>>
      %dma_wait3A_70 = tpu.memref_squeeze %dma_wait3A_69 : memref<1x1x10000xi32, #tpu.memory_space<hbm>> -> memref<10000xi32, #tpu.memory_space<hbm>>
      tpu.wait_dma2 semaphore(%run_scoped3A_60 : memref<!tpu.dma_semaphore, #tpu.memory_space<semaphore_mem>>) src(%dma_wait3A_70 : memref<10000xi32, #tpu.memory_space<hbm>>) dst(%arg4 : memref<10000xi32, #tpu.memory_space<vmem>>)
      tpu.yield
    }) : () -> ()
    %parallel_loop3A_47 = arith.constant 0 : i32
    %parallel_loop3A_48 = arith.constant 625 : i32
    %parallel_loop3A_49 = arith.constant 1 : i32
    scf.for %parallel_loop3A_60 = %parallel_loop3A_47 to %parallel_loop3A_48 step %parallel_loop3A_49  : i32 {
      %parallel_loop3A_61 = arith.constant 16 : i32
      %parallel_loop3A_62 = arith.muli %parallel_loop3A_60, %parallel_loop3A_61 : i32
      %parallel_loop3A_63 = arith.index_cast %parallel_loop3A_62 : i32 to index
      %parallel_loop3A_64 = tpu.vector_load %arg4[%parallel_loop3A_63] {strides = array<i32>} : memref<10000xi32, #tpu.memory_space<vmem>>, vector<16xi32>,
      %parallel_loop3A_65 = arith.constant 2000 : i32
      %parallel_loop3A_66 = vector.broadcast %parallel_loop3A_65 : i32 to vector<16xi32>
      %parallel_loop3A_67 = arith.cmpi sge, %parallel_loop3A_64, %parallel_loop3A_66 : vector<16xi32>
      %parallel_loop3A_68 = arith.extui %parallel_loop3A_67 : vector<16xi1> to vector<16xi32>
      %parallel_loop3A_69 = arith.constant 4000 : i32
      %parallel_loop3A_70 = vector.broadcast %parallel_loop3A_69 : i32 to vector<16xi32>
      %parallel_loop3A_71 = arith.cmpi sge, %parallel_loop3A_64, %parallel_loop3A_70 : vector<16xi32>
      %parallel_loop3A_72 = arith.extui %parallel_loop3A_71 : vector<16xi1> to vector<16xi32>
      %parallel_loop3A_73 = arith.addi %parallel_loop3A_68, %parallel_loop3A_72 : vector<16xi32>
      %parallel_loop3A_74 = arith.constant 6000 : i32
      %parallel_loop3A_75 = vector.broadcast %parallel_loop3A_74 : i32 to vector<16xi32>
      %parallel_loop3A_76 = arith.cmpi sge, %parallel_loop3A_64, %parallel_loop3A_75 : vector<16xi32>
      %parallel_loop3A_77 = arith.extui %parallel_loop3A_76 : vector<16xi1> to vector<16xi32>
      %parallel_loop3A_78 = arith.addi %parallel_loop3A_73, %parallel_loop3A_77 : vector<16xi32>
      %parallel_loop3A_79 = arith.constant 8000 : i32
      %parallel_loop3A_80 = vector.broadcast %parallel_loop3A_79 : i32 to vector<16xi32>
      %parallel_loop3A_81 = arith.cmpi sge, %parallel_loop3A_64, %parallel_loop3A_80 : vector<16xi32>
      %parallel_loop3A_82 = arith.extui %parallel_loop3A_81 : vector<16xi1> to vector<16xi32>
      %parallel_loop3A_83 = arith.addi %parallel_loop3A_78, %parallel_loop3A_82 : vector<16xi32>
      %parallel_loop3A_84 = arith.constant 2000 : i32
      %parallel_loop3A_85 = vector.broadcast %parallel_loop3A_84 : i32 to vector<16xi32>
      %parallel_loop3A_86 = arith.muli %parallel_loop3A_83, %parallel_loop3A_85 : vector<16xi32>
      %parallel_loop3A_87 = arith.subi %parallel_loop3A_64, %parallel_loop3A_86 : vector<16xi32>
      tpu.vector_store_idx %arg5[%parallel_loop3A_83, %parallel_loop3A_87], %broadcast_in_dim3A_1 {add = true} : memref<5x2000xf32, #tpu.memory_space<vmem>>[vector<16xi32>, vector<16xi32>], vector<16xf32>,
    } {sc.loop_unroll_factor = 8 : i64, sc.parallel_access}
    %run_scoped3A_50 = arith.constant 1 : i32
    %run_scoped3A_51 = arith.constant 0 : i32
    "tpu.region"() ({
      %run_scoped3A_60 = tpu.sem_alloc : memref<!tpu.dma_semaphore, #tpu.memory_space<semaphore_mem>>
      %dma_start3A = arith.constant 0 : i32
      %dma_start3A_61 = arith.constant 0 : i32
      %dma_start3A_62 = tpu.memref_slice %arg5[%dma_start3A, %dma_start3A_61] : memref<5x2000xf32, #tpu.memory_space<vmem>> -> memref<1x2000xf32, #tpu.memory_space<vmem>>
      %dma_start3A_63 = arith.constant 0 : i32
      %dma_start3A_64 = tpu.memref_slice %arg3[%run_scoped3A_50, %run_scoped3A_51, %add3A, %dma_start3A_63] : memref<2x5x32x2000xf32, #tpu.memory_space<hbm>> -> memref<1x1x1x2000xf32, #tpu.memory_space<hbm>>
      %dma_start3A_65 = tpu.memref_squeeze %dma_start3A_64 : memref<1x1x1x2000xf32, #tpu.memory_space<hbm>> -> memref<1x2000xf32, #tpu.memory_space<hbm>>
      %dma_start3A_66 = arith.constant 0 : i32
      %dma_start3A_67 = tpu.memref_slice %arg3[%run_scoped3A_50, %run_scoped3A_51, %add3A, %dma_start3A_66] : memref<2x5x32x2000xf32, #tpu.memory_space<hbm>> -> memref<1x1x1x2000xf32, #tpu.memory_space<hbm>>
      %dma_start3A_68 = tpu.memref_squeeze %dma_start3A_67 : memref<1x1x1x2000xf32, #tpu.memory_space<hbm>> -> memref<1x2000xf32, #tpu.memory_space<hbm>>
      %dma_start3A_69 = arith.constant 0 : i32
      %dma_start3A_70 = arith.constant 0 : i32
      %dma_start3A_71 = tpu.memref_slice %arg5[%dma_start3A_69, %dma_start3A_70] : memref<5x2000xf32, #tpu.memory_space<vmem>> -> memref<1x2000xf32, #tpu.memory_space<vmem>>
      tpu.enqueue_dma source(%dma_start3A_71 : memref<1x2000xf32, #tpu.memory_space<vmem>>) target(%dma_start3A_68 : memref<1x2000xf32, #tpu.memory_space<hbm>>) target_semaphore(%run_scoped3A_60 : memref<!tpu.dma_semaphore, #tpu.memory_space<semaphore_mem>>)
      %dma_wait3A = arith.constant 0 : i32
      %dma_wait3A_72 = arith.constant 0 : i32
      %dma_wait3A_73 = tpu.memref_slice %arg5[%dma_wait3A, %dma_wait3A_72] : memref<5x2000xf32, #tpu.memory_space<vmem>> -> memref<1x2000xf32, #tpu.memory_space<vmem>>
      %dma_wait3A_74 = arith.constant 0 : i32
      %dma_wait3A_75 = tpu.memref_slice %arg3[%run_scoped3A_50, %run_scoped3A_51, %add3A, %dma_wait3A_74] : memref<2x5x32x2000xf32, #tpu.memory_space<hbm>> -> memref<1x1x1x2000xf32, #tpu.memory_space<hbm>>
      %dma_wait3A_76 = tpu.memref_squeeze %dma_wait3A_75 : memref<1x1x1x2000xf32, #tpu.memory_space<hbm>> -> memref<1x2000xf32, #tpu.memory_space<hbm>>
      %dma_wait3A_77 = arith.constant 0 : i32
      %dma_wait3A_78 = tpu.memref_slice %arg3[%run_scoped3A_50, %run_scoped3A_51, %add3A, %dma_wait3A_77] : memref<2x5x32x2000xf32, #tpu.memory_space<hbm>> -> memref<1x1x1x2000xf32, #tpu.memory_space<hbm>>
      %dma_wait3A_79 = tpu.memref_squeeze %dma_wait3A_78 : memref<1x1x1x2000xf32, #tpu.memory_space<hbm>> -> memref<1x2000xf32, #tpu.memory_space<hbm>>
      %dma_wait3A_80 = arith.constant 0 : i32
      %dma_wait3A_81 = arith.constant 0 : i32
      %dma_wait3A_82 = tpu.memref_slice %arg5[%dma_wait3A_80, %dma_wait3A_81] : memref<5x2000xf32, #tpu.memory_space<vmem>> -> memref<1x2000xf32, #tpu.memory_space<vmem>>
      tpu.wait_dma2 semaphore(%run_scoped3A_60 : memref<!tpu.dma_semaphore, #tpu.memory_space<semaphore_mem>>) src(%dma_wait3A_82 : memref<1x2000xf32, #tpu.memory_space<vmem>>) dst(%dma_wait3A_79 : memref<1x2000xf32, #tpu.memory_space<hbm>>)
      tpu.yield
    }) : () -> ()
    %run_scoped3A_52 = arith.constant 1 : i32
    %run_scoped3A_53 = arith.constant 1 : i32
    "tpu.region"() ({
      %run_scoped3A_60 = tpu.sem_alloc : memref<!tpu.dma_semaphore, #tpu.memory_space<semaphore_mem>>
      %dma_start3A = arith.constant 1 : i32
      %dma_start3A_61 = arith.constant 0 : i32
      %dma_start3A_62 = tpu.memref_slice %arg5[%dma_start3A, %dma_start3A_61] : memref<5x2000xf32, #tpu.memory_space<vmem>> -> memref<1x2000xf32, #tpu.memory_space<vmem>>
      %dma_start3A_63 = arith.constant 0 : i32
      %dma_start3A_64 = tpu.memref_slice %arg3[%run_scoped3A_52, %run_scoped3A_53, %add3A, %dma_start3A_63] : memref<2x5x32x2000xf32, #tpu.memory_space<hbm>> -> memref<1x1x1x2000xf32, #tpu.memory_space<hbm>>
      %dma_start3A_65 = tpu.memref_squeeze %dma_start3A_64 : memref<1x1x1x2000xf32, #tpu.memory_space<hbm>> -> memref<1x2000xf32, #tpu.memory_space<hbm>>
      %dma_start3A_66 = arith.constant 0 : i32
      %dma_start3A_67 = tpu.memref_slice %arg3[%run_scoped3A_52, %run_scoped3A_53, %add3A, %dma_start3A_66] : memref<2x5x32x2000xf32, #tpu.memory_space<hbm>> -> memref<1x1x1x2000xf32, #tpu.memory_space<hbm>>
      %dma_start3A_68 = tpu.memref_squeeze %dma_start3A_67 : memref<1x1x1x2000xf32, #tpu.memory_space<hbm>> -> memref<1x2000xf32, #tpu.memory_space<hbm>>
      %dma_start3A_69 = arith.constant 1 : i32
      %dma_start3A_70 = arith.constant 0 : i32
      %dma_start3A_71 = tpu.memref_slice %arg5[%dma_start3A_69, %dma_start3A_70] : memref<5x2000xf32, #tpu.memory_space<vmem>> -> memref<1x2000xf32, #tpu.memory_space<vmem>>
      tpu.enqueue_dma source(%dma_start3A_71 : memref<1x2000xf32, #tpu.memory_space<vmem>>) target(%dma_start3A_68 : memref<1x2000xf32, #tpu.memory_space<hbm>>) target_semaphore(%run_scoped3A_60 : memref<!tpu.dma_semaphore, #tpu.memory_space<semaphore_mem>>)
      %dma_wait3A = arith.constant 1 : i32
      %dma_wait3A_72 = arith.constant 0 : i32
      %dma_wait3A_73 = tpu.memref_slice %arg5[%dma_wait3A, %dma_wait3A_72] : memref<5x2000xf32, #tpu.memory_space<vmem>> -> memref<1x2000xf32, #tpu.memory_space<vmem>>
      %dma_wait3A_74 = arith.constant 0 : i32
      %dma_wait3A_75 = tpu.memref_slice %arg3[%run_scoped3A_52, %run_scoped3A_53, %add3A, %dma_wait3A_74] : memref<2x5x32x2000xf32, #tpu.memory_space<hbm>> -> memref<1x1x1x2000xf32, #tpu.memory_space<hbm>>
      %dma_wait3A_76 = tpu.memref_squeeze %dma_wait3A_75 : memref<1x1x1x2000xf32, #tpu.memory_space<hbm>> -> memref<1x2000xf32, #tpu.memory_space<hbm>>
      %dma_wait3A_77 = arith.constant 0 : i32
      %dma_wait3A_78 = tpu.memref_slice %arg3[%run_scoped3A_52, %run_scoped3A_53, %add3A, %dma_wait3A_77] : memref<2x5x32x2000xf32, #tpu.memory_space<hbm>> -> memref<1x1x1x2000xf32, #tpu.memory_space<hbm>>
      %dma_wait3A_79 = tpu.memref_squeeze %dma_wait3A_78 : memref<1x1x1x2000xf32, #tpu.memory_space<hbm>> -> memref<1x2000xf32, #tpu.memory_space<hbm>>
      %dma_wait3A_80 = arith.constant 1 : i32
      %dma_wait3A_81 = arith.constant 0 : i32
      %dma_wait3A_82 = tpu.memref_slice %arg5[%dma_wait3A_80, %dma_wait3A_81] : memref<5x2000xf32, #tpu.memory_space<vmem>> -> memref<1x2000xf32, #tpu.memory_space<vmem>>
      tpu.wait_dma2 semaphore(%run_scoped3A_60 : memref<!tpu.dma_semaphore, #tpu.memory_space<semaphore_mem>>) src(%dma_wait3A_82 : memref<1x2000xf32, #tpu.memory_space<vmem>>) dst(%dma_wait3A_79 : memref<1x2000xf32, #tpu.memory_space<hbm>>)
      tpu.yield
    }) : () -> ()
    %run_scoped3A_54 = arith.constant 1 : i32
    %run_scoped3A_55 = arith.constant 2 : i32
    "tpu.region"() ({
      %run_scoped3A_60 = tpu.sem_alloc : memref<!tpu.dma_semaphore, #tpu.memory_space<semaphore_mem>>
      %dma_start3A = arith.constant 2 : i32
      %dma_start3A_61 = arith.constant 0 : i32
      %dma_start3A_62 = tpu.memref_slice %arg5[%dma_start3A, %dma_start3A_61] : memref<5x2000xf32, #tpu.memory_space<vmem>> -> memref<1x2000xf32, #tpu.memory_space<vmem>>
      %dma_start3A_63 = arith.constant 0 : i32
      %dma_start3A_64 = tpu.memref_slice %arg3[%run_scoped3A_54, %run_scoped3A_55, %add3A, %dma_start3A_63] : memref<2x5x32x2000xf32, #tpu.memory_space<hbm>> -> memref<1x1x1x2000xf32, #tpu.memory_space<hbm>>
      %dma_start3A_65 = tpu.memref_squeeze %dma_start3A_64 : memref<1x1x1x2000xf32, #tpu.memory_space<hbm>> -> memref<1x2000xf32, #tpu.memory_space<hbm>>
      %dma_start3A_66 = arith.constant 0 : i32
      %dma_start3A_67 = tpu.memref_slice %arg3[%run_scoped3A_54, %run_scoped3A_55, %add3A, %dma_start3A_66] : memref<2x5x32x2000xf32, #tpu.memory_space<hbm>> -> memref<1x1x1x2000xf32, #tpu.memory_space<hbm>>
      %dma_start3A_68 = tpu.memref_squeeze %dma_start3A_67 : memref<1x1x1x2000xf32, #tpu.memory_space<hbm>> -> memref<1x2000xf32, #tpu.memory_space<hbm>>
      %dma_start3A_69 = arith.constant 2 : i32
      %dma_start3A_70 = arith.constant 0 : i32
      %dma_start3A_71 = tpu.memref_slice %arg5[%dma_start3A_69, %dma_start3A_70] : memref<5x2000xf32, #tpu.memory_space<vmem>> -> memref<1x2000xf32, #tpu.memory_space<vmem>>
      tpu.enqueue_dma source(%dma_start3A_71 : memref<1x2000xf32, #tpu.memory_space<vmem>>) target(%dma_start3A_68 : memref<1x2000xf32, #tpu.memory_space<hbm>>) target_semaphore(%run_scoped3A_60 : memref<!tpu.dma_semaphore, #tpu.memory_space<semaphore_mem>>)
      %dma_wait3A = arith.constant 2 : i32
      %dma_wait3A_72 = arith.constant 0 : i32
      %dma_wait3A_73 = tpu.memref_slice %arg5[%dma_wait3A, %dma_wait3A_72] : memref<5x2000xf32, #tpu.memory_space<vmem>> -> memref<1x2000xf32, #tpu.memory_space<vmem>>
      %dma_wait3A_74 = arith.constant 0 : i32
      %dma_wait3A_75 = tpu.memref_slice %arg3[%run_scoped3A_54, %run_scoped3A_55, %add3A, %dma_wait3A_74] : memref<2x5x32x2000xf32, #tpu.memory_space<hbm>> -> memref<1x1x1x2000xf32, #tpu.memory_space<hbm>>
      %dma_wait3A_76 = tpu.memref_squeeze %dma_wait3A_75 : memref<1x1x1x2000xf32, #tpu.memory_space<hbm>> -> memref<1x2000xf32, #tpu.memory_space<hbm>>
      %dma_wait3A_77 = arith.constant 0 : i32
      %dma_wait3A_78 = tpu.memref_slice %arg3[%run_scoped3A_54, %run_scoped3A_55, %add3A, %dma_wait3A_77] : memref<2x5x32x2000xf32, #tpu.memory_space<hbm>> -> memref<1x1x1x2000xf32, #tpu.memory_space<hbm>>
      %dma_wait3A_79 = tpu.memref_squeeze %dma_wait3A_78 : memref<1x1x1x2000xf32, #tpu.memory_space<hbm>> -> memref<1x2000xf32, #tpu.memory_space<hbm>>
      %dma_wait3A_80 = arith.constant 2 : i32
      %dma_wait3A_81 = arith.constant 0 : i32
      %dma_wait3A_82 = tpu.memref_slice %arg5[%dma_wait3A_80, %dma_wait3A_81] : memref<5x2000xf32, #tpu.memory_space<vmem>> -> memref<1x2000xf32, #tpu.memory_space<vmem>>
      tpu.wait_dma2 semaphore(%run_scoped3A_60 : memref<!tpu.dma_semaphore, #tpu.memory_space<semaphore_mem>>) src(%dma_wait3A_82 : memref<1x2000xf32, #tpu.memory_space<vmem>>) dst(%dma_wait3A_79 : memref<1x2000xf32, #tpu.memory_space<hbm>>)
      tpu.yield
    }) : () -> ()
    %run_scoped3A_56 = arith.constant 1 : i32
    %run_scoped3A_57 = arith.constant 3 : i32
    "tpu.region"() ({
      %run_scoped3A_60 = tpu.sem_alloc : memref<!tpu.dma_semaphore, #tpu.memory_space<semaphore_mem>>
      %dma_start3A = arith.constant 3 : i32
      %dma_start3A_61 = arith.constant 0 : i32
      %dma_start3A_62 = tpu.memref_slice %arg5[%dma_start3A, %dma_start3A_61] : memref<5x2000xf32, #tpu.memory_space<vmem>> -> memref<1x2000xf32, #tpu.memory_space<vmem>>
      %dma_start3A_63 = arith.constant 0 : i32
      %dma_start3A_64 = tpu.memref_slice %arg3[%run_scoped3A_56, %run_scoped3A_57, %add3A, %dma_start3A_63] : memref<2x5x32x2000xf32, #tpu.memory_space<hbm>> -> memref<1x1x1x2000xf32, #tpu.memory_space<hbm>>
      %dma_start3A_65 = tpu.memref_squeeze %dma_start3A_64 : memref<1x1x1x2000xf32, #tpu.memory_space<hbm>> -> memref<1x2000xf32, #tpu.memory_space<hbm>>
      %dma_start3A_66 = arith.constant 0 : i32
      %dma_start3A_67 = tpu.memref_slice %arg3[%run_scoped3A_56, %run_scoped3A_57, %add3A, %dma_start3A_66] : memref<2x5x32x2000xf32, #tpu.memory_space<hbm>> -> memref<1x1x1x2000xf32, #tpu.memory_space<hbm>>
      %dma_start3A_68 = tpu.memref_squeeze %dma_start3A_67 : memref<1x1x1x2000xf32, #tpu.memory_space<hbm>> -> memref<1x2000xf32, #tpu.memory_space<hbm>>
      %dma_start3A_69 = arith.constant 3 : i32
      %dma_start3A_70 = arith.constant 0 : i32
      %dma_start3A_71 = tpu.memref_slice %arg5[%dma_start3A_69, %dma_start3A_70] : memref<5x2000xf32, #tpu.memory_space<vmem>> -> memref<1x2000xf32, #tpu.memory_space<vmem>>
      tpu.enqueue_dma source(%dma_start3A_71 : memref<1x2000xf32, #tpu.memory_space<vmem>>) target(%dma_start3A_68 : memref<1x2000xf32, #tpu.memory_space<hbm>>) target_semaphore(%run_scoped3A_60 : memref<!tpu.dma_semaphore, #tpu.memory_space<semaphore_mem>>)
      %dma_wait3A = arith.constant 3 : i32
      %dma_wait3A_72 = arith.constant 0 : i32
      %dma_wait3A_73 = tpu.memref_slice %arg5[%dma_wait3A, %dma_wait3A_72] : memref<5x2000xf32, #tpu.memory_space<vmem>> -> memref<1x2000xf32, #tpu.memory_space<vmem>>
      %dma_wait3A_74 = arith.constant 0 : i32
      %dma_wait3A_75 = tpu.memref_slice %arg3[%run_scoped3A_56, %run_scoped3A_57, %add3A, %dma_wait3A_74] : memref<2x5x32x2000xf32, #tpu.memory_space<hbm>> -> memref<1x1x1x2000xf32, #tpu.memory_space<hbm>>
      %dma_wait3A_76 = tpu.memref_squeeze %dma_wait3A_75 : memref<1x1x1x2000xf32, #tpu.memory_space<hbm>> -> memref<1x2000xf32, #tpu.memory_space<hbm>>
      %dma_wait3A_77 = arith.constant 0 : i32
      %dma_wait3A_78 = tpu.memref_slice %arg3[%run_scoped3A_56, %run_scoped3A_57, %add3A, %dma_wait3A_77] : memref<2x5x32x2000xf32, #tpu.memory_space<hbm>> -> memref<1x1x1x2000xf32, #tpu.memory_space<hbm>>
      %dma_wait3A_79 = tpu.memref_squeeze %dma_wait3A_78 : memref<1x1x1x2000xf32, #tpu.memory_space<hbm>> -> memref<1x2000xf32, #tpu.memory_space<hbm>>
      %dma_wait3A_80 = arith.constant 3 : i32
      %dma_wait3A_81 = arith.constant 0 : i32
      %dma_wait3A_82 = tpu.memref_slice %arg5[%dma_wait3A_80, %dma_wait3A_81] : memref<5x2000xf32, #tpu.memory_space<vmem>> -> memref<1x2000xf32, #tpu.memory_space<vmem>>
      tpu.wait_dma2 semaphore(%run_scoped3A_60 : memref<!tpu.dma_semaphore, #tpu.memory_space<semaphore_mem>>) src(%dma_wait3A_82 : memref<1x2000xf32, #tpu.memory_space<vmem>>) dst(%dma_wait3A_79 : memref<1x2000xf32, #tpu.memory_space<hbm>>)
      tpu.yield
    }) : () -> ()
    %run_scoped3A_58 = arith.constant 1 : i32
    %run_scoped3A_59 = arith.constant 4 : i32
    "tpu.region"() ({
      %run_scoped3A_60 = tpu.sem_alloc : memref<!tpu.dma_semaphore, #tpu.memory_space<semaphore_mem>>
      %dma_start3A = arith.constant 4 : i32
      %dma_start3A_61 = arith.constant 0 : i32
      %dma_start3A_62 = tpu.memref_slice %arg5[%dma_start3A, %dma_start3A_61] : memref<5x2000xf32, #tpu.memory_space<vmem>> -> memref<1x2000xf32, #tpu.memory_space<vmem>>
      %dma_start3A_63 = arith.constant 0 : i32
      %dma_start3A_64 = tpu.memref_slice %arg3[%run_scoped3A_58, %run_scoped3A_59, %add3A, %dma_start3A_63] : memref<2x5x32x2000xf32, #tpu.memory_space<hbm>> -> memref<1x1x1x2000xf32, #tpu.memory_space<hbm>>
      %dma_start3A_65 = tpu.memref_squeeze %dma_start3A_64 : memref<1x1x1x2000xf32, #tpu.memory_space<hbm>> -> memref<1x2000xf32, #tpu.memory_space<hbm>>
      %dma_start3A_66 = arith.constant 0 : i32
      %dma_start3A_67 = tpu.memref_slice %arg3[%run_scoped3A_58, %run_scoped3A_59, %add3A, %dma_start3A_66] : memref<2x5x32x2000xf32, #tpu.memory_space<hbm>> -> memref<1x1x1x2000xf32, #tpu.memory_space<hbm>>
      %dma_start3A_68 = tpu.memref_squeeze %dma_start3A_67 : memref<1x1x1x2000xf32, #tpu.memory_space<hbm>> -> memref<1x2000xf32, #tpu.memory_space<hbm>>
      %dma_start3A_69 = arith.constant 4 : i32
      %dma_start3A_70 = arith.constant 0 : i32
      %dma_start3A_71 = tpu.memref_slice %arg5[%dma_start3A_69, %dma_start3A_70] : memref<5x2000xf32, #tpu.memory_space<vmem>> -> memref<1x2000xf32, #tpu.memory_space<vmem>>
      tpu.enqueue_dma source(%dma_start3A_71 : memref<1x2000xf32, #tpu.memory_space<vmem>>) target(%dma_start3A_68 : memref<1x2000xf32, #tpu.memory_space<hbm>>) target_semaphore(%run_scoped3A_60 : memref<!tpu.dma_semaphore, #tpu.memory_space<semaphore_mem>>)
      %dma_wait3A = arith.constant 4 : i32
      %dma_wait3A_72 = arith.constant 0 : i32
      %dma_wait3A_73 = tpu.memref_slice %arg5[%dma_wait3A, %dma_wait3A_72] : memref<5x2000xf32, #tpu.memory_space<vmem>> -> memref<1x2000xf32, #tpu.memory_space<vmem>>
      %dma_wait3A_74 = arith.constant 0 : i32
      %dma_wait3A_75 = tpu.memref_slice %arg3[%run_scoped3A_58, %run_scoped3A_59, %add3A, %dma_wait3A_74] : memref<2x5x32x2000xf32, #tpu.memory_space<hbm>> -> memref<1x1x1x2000xf32, #tpu.memory_space<hbm>>
      %dma_wait3A_76 = tpu.memref_squeeze %dma_wait3A_75 : memref<1x1x1x2000xf32, #tpu.memory_space<hbm>> -> memref<1x2000xf32, #tpu.memory_space<hbm>>
      %dma_wait3A_77 = arith.constant 0 : i32
      %dma_wait3A_78 = tpu.memref_slice %arg3[%run_scoped3A_58, %run_scoped3A_59, %add3A, %dma_wait3A_77] : memref<2x5x32x2000xf32, #tpu.memory_space<hbm>> -> memref<1x1x1x2000xf32, #tpu.memory_space<hbm>>
      %dma_wait3A_79 = tpu.memref_squeeze %dma_wait3A_78 : memref<1x1x1x2000xf32, #tpu.memory_space<hbm>> -> memref<1x2000xf32, #tpu.memory_space<hbm>>
      %dma_wait3A_80 = arith.constant 4 : i32
      %dma_wait3A_81 = arith.constant 0 : i32
      %dma_wait3A_82 = tpu.memref_slice %arg5[%dma_wait3A_80, %dma_wait3A_81] : memref<5x2000xf32, #tpu.memory_space<vmem>> -> memref<1x2000xf32, #tpu.memory_space<vmem>>
      tpu.wait_dma2 semaphore(%run_scoped3A_60 : memref<!tpu.dma_semaphore, #tpu.memory_space<semaphore_mem>>) src(%dma_wait3A_82 : memref<1x2000xf32, #tpu.memory_space<vmem>>) dst(%dma_wait3A_79 : memref<1x2000xf32, #tpu.memory_space<hbm>>)
      tpu.yield
    }) : () -> ()
    return
  }
}

module attributes {stable_mosaic.version = 14 : i64} {
  func.func @_mm_body(%arg0: i32, %arg1: memref<2000x128xf32, #tpu.memory_space<vmem>>, %arg2: memref<128x64xf32, #tpu.memory_space<vmem>>, %arg3: memref<2x1x32x2000xf32, #tpu.memory_space<vmem>>, %arg4: memref<2000x32xf32, #tpu.memory_space<vmem>>, %arg5: memref<2000x32xf32, #tpu.memory_space<vmem>>) attributes {dimension_semantics = [#tpu.dimension_semantics<arbitrary>], iteration_bounds = array<i64: 5>, scalar_prefetch = 0 : i64, scratch_operands = 0 : i64, tpu.core_type = #tpu.core_type<tc>, window_params = [{transform_indices = @transform_0, window_bounds = array<i64: 2000, 128>}, {pipeline_mode = #tpu.pipeline_mode<synchronous>, transform_indices = @transform_1, window_bounds = array<i64: 128, 64>}, {transform_indices = @transform_2, window_bounds = array<i64: 2, 1, 32, 2000>}, {transform_indices = @transform_3, window_bounds = array<i64: 2000, 32>}, {transform_indices = @transform_4, window_bounds = array<i64: 2000, 32>}]} {
    %get3A = arith.constant 0 : index
    %get3A_0 = arith.constant 0 : index
    %get3A_1 = arith.constant 0 : index
    %get3A_2 = arith.constant 0 : index
    %get3A_3 = vector.load %arg3[%get3A, %get3A_0, %get3A_1, %get3A_2] : memref<2x1x32x2000xf32, #tpu.memory_space<vmem>>, vector<2x1x32x2000xf32>
    %reduce_sum3A = arith.constant dense<0.000000e+00> : vector<2x1x2000xf32>
    %reduce_sum3A_4 = vector.multi_reduction <add>, %get3A_3, %reduce_sum3A [2] : vector<2x1x32x2000xf32> to vector<2x1x2000xf32>
    %squeeze3A = vector.shape_cast %reduce_sum3A_4 : vector<2x1x2000xf32> to vector<2x2000xf32>
    %add3A = arith.constant 1.000000e+00 : f32
    %add3A_5 = vector.broadcast %add3A : f32 to vector<2x2000xf32>
    %add3A_6 = arith.addf %add3A_5, %squeeze3A : vector<2x2000xf32>
    %rsqrt3A = math.rsqrt %add3A_6 : vector<2x2000xf32>
    %get3A_7 = arith.constant 0 : index
    %get3A_8 = arith.constant 0 : index
    %get3A_9 = vector.load %arg1[%get3A_7, %get3A_8] : memref<2000x128xf32, #tpu.memory_space<vmem>>, vector<2000x128xf32>
    %get3A_10 = arith.constant 0 : index
    %get3A_11 = arith.constant 0 : index
    %get3A_12 = vector.load %arg2[%get3A_10, %get3A_11] : memref<128x64xf32, #tpu.memory_space<vmem>>, vector<128x64xf32>
    %dot_general3A = arith.constant dense<0.000000e+00> : vector<2000x64xf32>
    %dot_general3A_13 = tpu.matmul %get3A_9, %get3A_12, %dot_general3A {dimension_numbers = #tpu.dot_dimension_numbers<[1], [0], [0], [1], [0, 0, 1, 1], [], []>, transpose_lhs_hint = false} : vector<2000x128xf32>, vector<128x64xf32>, vector<2000x64xf32> -> vector<2000x64xf32>
    %slice3A = vector.extract_strided_slice %dot_general3A_13 {offsets = [0, 0], sizes = [2000, 32], strides = [1, 1]} : vector<2000x64xf32> to vector<2000x32xf32>
    %slice3A_14 = vector.extract_strided_slice %rsqrt3A {offsets = [0, 0], sizes = [1, 2000], strides = [1, 1]} : vector<2x2000xf32> to vector<1x2000xf32>
    %squeeze3A_15 = vector.shape_cast %slice3A_14 : vector<1x2000xf32> to vector<2000xf32>
    %broadcast_in_dim3A = vector.shape_cast %squeeze3A_15 : vector<2000xf32> to vector<2000x1xf32>
    %mul3A = vector.broadcast %broadcast_in_dim3A : vector<2000x1xf32> to vector<2000x32xf32>
    %mul3A_16 = arith.mulf %slice3A, %mul3A : vector<2000x32xf32>
    %swap3A = arith.constant 0 : index
    %swap3A_17 = arith.constant 0 : index
    %swap3A_18 = vector.load %arg4[%swap3A, %swap3A_17] : memref<2000x32xf32, #tpu.memory_space<vmem>>, vector<2000x32xf32>
    tpu.vector_store %arg4[%swap3A, %swap3A_17], %mul3A_16 {strides = array<i32>} : memref<2000x32xf32, #tpu.memory_space<vmem>>, vector<2000x32xf32>,
    %slice3A_19 = vector.extract_strided_slice %dot_general3A_13 {offsets = [0, 32], sizes = [2000, 32], strides = [1, 1]} : vector<2000x64xf32> to vector<2000x32xf32>
    %slice3A_20 = vector.extract_strided_slice %rsqrt3A {offsets = [1, 0], sizes = [1, 2000], strides = [1, 1]} : vector<2x2000xf32> to vector<1x2000xf32>
    %squeeze3A_21 = vector.shape_cast %slice3A_20 : vector<1x2000xf32> to vector<2000xf32>
    %broadcast_in_dim3A_22 = vector.shape_cast %squeeze3A_21 : vector<2000xf32> to vector<2000x1xf32>
    %mul3A_23 = vector.broadcast %broadcast_in_dim3A_22 : vector<2000x1xf32> to vector<2000x32xf32>
    %mul3A_24 = arith.mulf %slice3A_19, %mul3A_23 : vector<2000x32xf32>
    %swap3A_25 = arith.constant 0 : index
    %swap3A_26 = arith.constant 0 : index
    %swap3A_27 = vector.load %arg5[%swap3A_25, %swap3A_26] : memref<2000x32xf32, #tpu.memory_space<vmem>>, vector<2000x32xf32>
    tpu.vector_store %arg5[%swap3A_25, %swap3A_26], %mul3A_24 {strides = array<i32>} : memref<2000x32xf32, #tpu.memory_space<vmem>>, vector<2000x32xf32>,
    return
  }
  func.func @transform_0(%arg0: i32) -> (i32, i32) {
    %c0_i32 = arith.constant 0 : i32
    %c0_i32_0 = arith.constant 0 : i32
    return %arg0, %c0_i32 : i32, i32
  }
  func.func @transform_1(%arg0: i32) -> (i32, i32) {
    %c0_i32 = arith.constant 0 : i32
    %c0_i32_0 = arith.constant 0 : i32
    %c0_i32_1 = arith.constant 0 : i32
    return %c0_i32, %c0_i32_0 : i32, i32
  }
  func.func @transform_2(%arg0: i32) -> (i32, i32, i32, i32) {
    %c0_i32 = arith.constant 0 : i32
    %c0_i32_0 = arith.constant 0 : i32
    %c0_i32_1 = arith.constant 0 : i32
    %c0_i32_2 = arith.constant 0 : i32
    return %c0_i32, %arg0, %c0_i32_0, %c0_i32_1 : i32, i32, i32, i32
  }
  func.func @transform_3(%arg0: i32) -> (i32, i32) {
    %c0_i32 = arith.constant 0 : i32
    %c0_i32_0 = arith.constant 0 : i32
    return %arg0, %c0_i32 : i32, i32
  }
  func.func @transform_4(%arg0: i32) -> (i32, i32) {
    %c0_i32 = arith.constant 0 : i32
    %c0_i32_0 = arith.constant 0 : i32
    return %arg0, %c0_i32 : i32, i32
  }
}

module attributes {stable_mosaic.version = 14 : i64} {
  func.func @_fin_body(%arg0: i32, %arg1: memref<2x2x2000x32xf32, #tpu.memory_space<vmem>>, %arg2: memref<2000x32xf32, #tpu.memory_space<vmem>>, %arg3: memref<2000x32xf32, #tpu.memory_space<vmem>>, %arg4: memref<2x1x32x2000xf32, #tpu.memory_space<vmem>>, %arg5: memref<2x32xf32, #tpu.memory_space<vmem>>, %arg6: memref<32x1xf32, #tpu.memory_space<vmem>>, %arg7: memref<1x1xf32, #tpu.memory_space<vmem>>, %arg8: memref<2000x1xf32, #tpu.memory_space<vmem>>) attributes {dimension_semantics = [#tpu.dimension_semantics<arbitrary>], iteration_bounds = array<i64: 5>, scalar_prefetch = 0 : i64, scratch_operands = 0 : i64, tpu.core_type = #tpu.core_type<tc>, window_params = [{transform_indices = @transform_0, window_bounds = array<i64: 2, 2, 2000, 32>}, {transform_indices = @transform_1, window_bounds = array<i64: 2000, 32>}, {transform_indices = @transform_2, window_bounds = array<i64: 2000, 32>}, {transform_indices = @transform_3, window_bounds = array<i64: 2, 1, 32, 2000>}, {pipeline_mode = #tpu.pipeline_mode<synchronous>, transform_indices = @transform_4, window_bounds = array<i64: 2, 32>}, {pipeline_mode = #tpu.pipeline_mode<synchronous>, transform_indices = @transform_5, window_bounds = array<i64: 32, 1>}, {pipeline_mode = #tpu.pipeline_mode<synchronous>, transform_indices = @transform_6, window_bounds = array<i64: 1, 1>}, {transform_indices = @transform_7, window_bounds = array<i64: 2000, 1>}]} {
    %get3A = arith.constant 0 : index
    %get3A_0 = arith.constant 0 : index
    %get3A_1 = arith.constant 0 : index
    %get3A_2 = arith.constant 0 : index
    %get3A_3 = vector.load %arg4[%get3A, %get3A_0, %get3A_1, %get3A_2] : memref<2x1x32x2000xf32, #tpu.memory_space<vmem>>, vector<2x1x32x2000xf32>
    %reduce_sum3A = arith.constant dense<0.000000e+00> : vector<2x1x2000xf32>
    %reduce_sum3A_4 = vector.multi_reduction <add>, %get3A_3, %reduce_sum3A [2] : vector<2x1x32x2000xf32> to vector<2x1x2000xf32>
    %squeeze3A = vector.shape_cast %reduce_sum3A_4 : vector<2x1x2000xf32> to vector<2x2000xf32>
    %add3A = arith.constant 1.000000e+00 : f32
    %add3A_5 = vector.broadcast %add3A : f32 to vector<2x2000xf32>
    %add3A_6 = arith.addf %add3A_5, %squeeze3A : vector<2x2000xf32>
    %rsqrt3A = math.rsqrt %add3A_6 : vector<2x2000xf32>
    %get3A_7 = arith.constant 0 : index
    %get3A_8 = arith.constant 0 : index
    %get3A_9 = arith.constant 0 : index
    %get3A_10 = arith.constant 0 : index
    %get3A_11 = vector.load %arg1[%get3A_7, %get3A_8, %get3A_9, %get3A_10] : memref<2x2x2000x32xf32, #tpu.memory_space<vmem>>, vector<2x2x2000x32xf32>
    %slice3A = vector.extract_strided_slice %get3A_11 {offsets = [0, 0, 0, 0], sizes = [1, 1, 2000, 32], strides = [1, 1, 1, 1]} : vector<2x2x2000x32xf32> to vector<1x1x2000x32xf32>
    %squeeze3A_12 = vector.shape_cast %slice3A : vector<1x1x2000x32xf32> to vector<2000x32xf32>
    %slice3A_13 = vector.extract_strided_slice %get3A_11 {offsets = [1, 0, 0, 0], sizes = [1, 1, 2000, 32], strides = [1, 1, 1, 1]} : vector<2x2x2000x32xf32> to vector<1x1x2000x32xf32>
    %squeeze3A_14 = vector.shape_cast %slice3A_13 : vector<1x1x2000x32xf32> to vector<2000x32xf32>
    %add3A_15 = arith.addf %squeeze3A_12, %squeeze3A_14 : vector<2000x32xf32>
    %get3A_16 = arith.constant 0 : index
    %get3A_17 = arith.constant 0 : index
    %get3A_18 = vector.load %arg2[%get3A_16, %get3A_17] : memref<2000x32xf32, #tpu.memory_space<vmem>>, vector<2000x32xf32>
    %sub3A = arith.subf %add3A_15, %get3A_18 : vector<2000x32xf32>
    %slice3A_19 = vector.extract_strided_slice %rsqrt3A {offsets = [0, 0], sizes = [1, 2000], strides = [1, 1]} : vector<2x2000xf32> to vector<1x2000xf32>
    %squeeze3A_20 = vector.shape_cast %slice3A_19 : vector<1x2000xf32> to vector<2000xf32>
    %broadcast_in_dim3A = vector.shape_cast %squeeze3A_20 : vector<2000xf32> to vector<2000x1xf32>
    %mul3A = vector.broadcast %broadcast_in_dim3A : vector<2000x1xf32> to vector<2000x32xf32>
    %mul3A_21 = arith.mulf %sub3A, %mul3A : vector<2000x32xf32>
    %slice3A_22 = vector.extract_strided_slice %get3A_11 {offsets = [0, 1, 0, 0], sizes = [1, 1, 2000, 32], strides = [1, 1, 1, 1]} : vector<2x2x2000x32xf32> to vector<1x1x2000x32xf32>
    %squeeze3A_23 = vector.shape_cast %slice3A_22 : vector<1x1x2000x32xf32> to vector<2000x32xf32>
    %slice3A_24 = vector.extract_strided_slice %get3A_11 {offsets = [1, 1, 0, 0], sizes = [1, 1, 2000, 32], strides = [1, 1, 1, 1]} : vector<2x2x2000x32xf32> to vector<1x1x2000x32xf32>
    %squeeze3A_25 = vector.shape_cast %slice3A_24 : vector<1x1x2000x32xf32> to vector<2000x32xf32>
    %add3A_26 = arith.addf %squeeze3A_23, %squeeze3A_25 : vector<2000x32xf32>
    %get3A_27 = arith.constant 0 : index
    %get3A_28 = arith.constant 0 : index
    %get3A_29 = vector.load %arg3[%get3A_27, %get3A_28] : memref<2000x32xf32, #tpu.memory_space<vmem>>, vector<2000x32xf32>
    %sub3A_30 = arith.subf %add3A_26, %get3A_29 : vector<2000x32xf32>
    %slice3A_31 = vector.extract_strided_slice %rsqrt3A {offsets = [1, 0], sizes = [1, 2000], strides = [1, 1]} : vector<2x2000xf32> to vector<1x2000xf32>
    %squeeze3A_32 = vector.shape_cast %slice3A_31 : vector<1x2000xf32> to vector<2000xf32>
    %broadcast_in_dim3A_33 = vector.shape_cast %squeeze3A_32 : vector<2000xf32> to vector<2000x1xf32>
    %mul3A_34 = vector.broadcast %broadcast_in_dim3A_33 : vector<2000x1xf32> to vector<2000x32xf32>
    %mul3A_35 = arith.mulf %sub3A_30, %mul3A_34 : vector<2000x32xf32>
    %add3A_36 = arith.addf %mul3A_21, %mul3A_35 : vector<2000x32xf32>
    %get3A_37 = arith.constant 0 : index
    %get3A_38 = arith.constant 0 : index
    %get3A_39 = vector.load %arg5[%get3A_37, %get3A_38] : memref<2x32xf32, #tpu.memory_space<vmem>>, vector<1x32xf32>
    %get3A_40 = vector.shape_cast %get3A_39 : vector<1x32xf32> to vector<32xf32>
    %get3A_41 = arith.constant 1 : index
    %get3A_42 = arith.constant 0 : index
    %get3A_43 = vector.load %arg5[%get3A_41, %get3A_42] : memref<2x32xf32, #tpu.memory_space<vmem>>, vector<1x32xf32>
    %get3A_44 = vector.shape_cast %get3A_43 : vector<1x32xf32> to vector<32xf32>
    %add3A_45 = arith.addf %get3A_40, %get3A_44 : vector<32xf32>
    %broadcast_in_dim3A_46 = vector.shape_cast %add3A_45 : vector<32xf32> to vector<1x32xf32>
    %add3A_47 = vector.broadcast %broadcast_in_dim3A_46 : vector<1x32xf32> to vector<2000x32xf32>
    %add3A_48 = arith.addf %add3A_36, %add3A_47 : vector<2000x32xf32>
    %max3A = arith.constant 0.000000e+00 : f32
    %max3A_49 = vector.broadcast %max3A : f32 to vector<2000x32xf32>
    %max3A_50 = arith.maximumf %add3A_48, %max3A_49 : vector<2000x32xf32>
    %get3A_51 = arith.constant 0 : index
    %get3A_52 = arith.constant 0 : index
    %get3A_53 = vector.load %arg6[%get3A_51, %get3A_52] : memref<32x1xf32, #tpu.memory_space<vmem>>, vector<32x1xf32>
    %dot_general3A = arith.constant dense<0.000000e+00> : vector<2000x1xf32>
    %dot_general3A_54 = tpu.matmul %max3A_50, %get3A_53, %dot_general3A {dimension_numbers = #tpu.dot_dimension_numbers<[1], [0], [0], [1], [0, 0, 1, 1], [], []>, transpose_lhs_hint = false} : vector<2000x32xf32>, vector<32x1xf32>, vector<2000x1xf32> -> vector<2000x1xf32>
    %get3A_55 = arith.constant 0 : index
    %get3A_56 = arith.constant 0 : index
    %get3A_57 = vector.load %arg7[%get3A_55, %get3A_56] : memref<1x1xf32, #tpu.memory_space<vmem>>, vector<1x1xf32>
    %get3A_58 = vector.extract %get3A_57[0, 0] : f32 from vector<1x1xf32>
    %add3A_59 = vector.broadcast %get3A_58 : f32 to vector<2000x1xf32>
    %add3A_60 = arith.addf %dot_general3A_54, %add3A_59 : vector<2000x1xf32>
    %swap3A = arith.constant 0 : index
    %swap3A_61 = arith.constant 0 : index
    %swap3A_62 = vector.load %arg8[%swap3A, %swap3A_61] : memref<2000x1xf32, #tpu.memory_space<vmem>>, vector<2000x1xf32>
    tpu.vector_store %arg8[%swap3A, %swap3A_61], %add3A_60 {strides = array<i32>} : memref<2000x1xf32, #tpu.memory_space<vmem>>, vector<2000x1xf32>,
    return
  }
  func.func @transform_0(%arg0: i32) -> (i32, i32, i32, i32) {
    %c0_i32 = arith.constant 0 : i32
    %c0_i32_0 = arith.constant 0 : i32
    %c0_i32_1 = arith.constant 0 : i32
    %c0_i32_2 = arith.constant 0 : i32
    return %c0_i32, %c0_i32_0, %arg0, %c0_i32_1 : i32, i32, i32, i32
  }
  func.func @transform_1(%arg0: i32) -> (i32, i32) {
    %c0_i32 = arith.constant 0 : i32
    %c0_i32_0 = arith.constant 0 : i32
    return %arg0, %c0_i32 : i32, i32
  }
  func.func @transform_2(%arg0: i32) -> (i32, i32) {
    %c0_i32 = arith.constant 0 : i32
    %c0_i32_0 = arith.constant 0 : i32
    return %arg0, %c0_i32 : i32, i32
  }
  func.func @transform_3(%arg0: i32) -> (i32, i32, i32, i32) {
    %c0_i32 = arith.constant 0 : i32
    %c0_i32_0 = arith.constant 0 : i32
    %c0_i32_1 = arith.constant 0 : i32
    %c0_i32_2 = arith.constant 0 : i32
    return %c0_i32, %arg0, %c0_i32_0, %c0_i32_1 : i32, i32, i32, i32
  }
  func.func @transform_4(%arg0: i32) -> (i32, i32) {
    %c0_i32 = arith.constant 0 : i32
    %c0_i32_0 = arith.constant 0 : i32
    %c0_i32_1 = arith.constant 0 : i32
    return %c0_i32, %c0_i32_0 : i32, i32
  }
  func.func @transform_5(%arg0: i32) -> (i32, i32) {
    %c0_i32 = arith.constant 0 : i32
    %c0_i32_0 = arith.constant 0 : i32
    %c0_i32_1 = arith.constant 0 : i32
    return %c0_i32, %c0_i32_0 : i32, i32
  }
  func.func @transform_6(%arg0: i32) -> (i32, i32) {
    %c0_i32 = arith.constant 0 : i32
    %c0_i32_0 = arith.constant 0 : i32
    %c0_i32_1 = arith.constant 0 : i32
    return %c0_i32, %c0_i32_0 : i32, i32
  }
  func.func @transform_7(%arg0: i32) -> (i32, i32) {
    %c0_i32 = arith.constant 0 : i32
    %c0_i32_0 = arith.constant 0 : i32
    return %arg0, %c0_i32 : i32, i32
  }
}

</mosaic_0001>

<sc_bundles>
// kernel: kernel.6.cloned.1.call-start
scs
__scs_entry_jumppad:
0x0: {  	(pc) =	sbr.rel $0x88, $3  }
0x1: {  	(tag) =	ssettag $0x0;
	lr =	simm.s32 $0x1  }
0x2: {  	[smem:$0x3F98] =	sst lr;
	_ =	strace $0xD0000000  }
0x3: {  	_ = 	snop  }
0x4: {  	_ = 	snop  }
0x5: {  	_ = 	snop  }
0x6: {  	_ = 	snop  }
0x7: {  	_ = 	snop  }
__scs_overlays_trampoline_lowered:
0x8: {  	[smem:$0x3FA7] =	sst s0  }
0x9: {  	[smem:$0x3FA8] =	sst s1  }
0xa: {  	[smem:$0x3FA9] =	sst s2  }
0xb: {  	[smem:$0x3FAA] =	sst s3  }
0xc: {  	[smem:$0x3FAB] =	sst s4  }
0xd: {  	[smem:$0x3FAC] =	sst s5  }
0xe: {  	[smem:$0x3FAD] =	sst s6  }
0xf: {  	[smem:$0x3FAE] =	sst s7  }
0x10: {  	[smem:$0x3FAF] =	sst s8  }
0x11: {  	[smem:$0x3FB0] =	sst s9;
	s0 =	simm.s32 @!p0 $0x0  }
0x12: {  	s1 =	sld [smem:$0x3F96];
	s0 =	simm.s32 @p0 $0x1  }
0x13: {  	[smem:$0x3FB1] =	sst s0;
	s0 =	simm.s32 @!p1 $0x0  }
0x14: {  	s2 =	sld [smem:$0x3F95];
	s0 =	simm.s32 @p1 $0x1  }
0x15: {  	[smem:$0x3FB2] =	sst s0;
	s0 =	simm.s32 @!p2 $0x0  }
0x16: {  	s3 =	sld [smem:$0x3FDB];
	s0 =	simm.s32 @p2 $0x1  }
0x17: {  	s4 =	simm.s32 $0x1BF5;
	[smem:$0x3FB4] =	sst s0  }
0x18: {  	s0 =	sld [smem:$0x3F97];
	_ =	swait.ge [sflag:s4], $0x0  }
0x19: {  	s7 =	sld [smem:$0x3F98]  }
0x1a: {  	s8 =	sadd.s32 $0xFFFFE003, lr  }
0x1b: {  	s9 =	sadd.s32 $0xFFFFFEF7, lr;
	s5 =	simm.s32 $0xFFFFFFFF;
	p2 =	slt.u32 s8, $0xFFFFF086  }
0x1c: {  	p1 =	slt.u32 s9, $0xF7A;
	s5 =	simm.s32 @!p2 $0x0  }
0x1d: {  	s5 =	simm.s32 @p1 $0x1;
	p0 =	seq.s32 s7, s2  }
0x1e: {  	s7 =	smul.u32 @!p0 $0xF7A, s2;
	p2 =	seq.s32 @!p0 s5, $0x0  }
0x1f: {  	s9 =	smul.u32 $0xF7A, s1;
	s8 =	simm.s32 @!p0 $0x1BF5;
	p2 =	por !p2, p0  }
0x20: {  	[sflag:s8] =	ssyncset.s32 @!p0 $0xFFFFF086;
	s6 =	sadd.s32 @!p0 s3, s7;
	s7 =	simm.s32 @!p0 $0x108  }
0x21: {  	s3 =	sadd.s32 s3, s9;
	s6 =	sadd.s32 @!p0 $0x88, s6;
	s7 =	simm.s32 @p2 $0x1082  }
0x22: {  	[simem:s7], [sflag:s8] =	dma.local @!p0 [hbm:s6], $0xF7A  }
0x23: {  	s9 =	sor.u32 $0xD0000000, s2;
	s6 =	simm.s32 $0x108;
	_ =	swait.ge @!p0 [sflag:s8], $0x0  }
0x24: {  	s3 =	sadd.s32 $0x88, s3;
	s6 =	simm.s32 @!p1 $0x1082;
	[sflag:s4] =	ssyncset.s32 $0xFFFFF086  }
0x25: {  	[simem:s6], [sflag:s4] =	dma.local [hbm:s3], $0xF7A  }
0x26: {  	[smem:$0x3F98] =	sst s1;
	(tag) =	ssettag s2;
	_ =	strace s9  }
0x27: {  	s1 =	sld [smem:$0x3FA8]  }
0x28: {  	s2 =	sld [smem:$0x3FA9]  }
0x29: {  	s4 =	sld [smem:$0x3FAB]  }
0x2a: {  	p0 =	seq.s32 s5, $0x0;
	s5 =	sld [smem:$0x3FAC]  }
0x2b: {  	s6 =	sld [smem:$0x3FAD]  }
0x2c: {  	s7 =	sld [smem:$0x3FAE]  }
0x2d: {  	s3 =	simm.s32 $0x108;
	s8 =	sld [smem:$0x3FAF]  }
0x2e: {  	s3 =	simm.s32 @!p0 $0x1082;
	s9 =	sld [smem:$0x3FB0]  }
0x2f: {  	lr =	sadd.s32 s0, s3;
	s0 =	sld [smem:$0x3FA7]  }
0x30: {  	s3 =	sld [smem:$0x3FAA]  }
0x31: {  	[smem:$0x3FB3] =	sst s10  }
0x32: {  	s10 =	sld [smem:$0x3FB1];
	_ =	sdelay $0x3  }
0x33: {  	p0 =	seq.s32 s10, $0x1;
	s10 =	sld [smem:$0x3FB3];
	_ =	sdelay $0x3  }
0x34: {  	[smem:$0x3FB3] =	sst s10  }
0x35: {  	s10 =	sld [smem:$0x3FB2];
	_ =	sdelay $0x3  }
0x36: {  	p1 =	seq.s32 s10, $0x1;
	s10 =	sld [smem:$0x3FB3];
	_ =	sdelay $0x3  }
0x37: {  	[smem:$0x3FB3] =	sst s10  }
0x38: {  	s10 =	sld [smem:$0x3FB4]  }
0x39: {  	_ = 	snop;
	(pc) =	sbr.ind lr, $3  }
0x3a: {  	_ = 	snop  }
0x3b: {  	_ = 	snop  }
0x3c: {  	p2 =	seq.s32 s10, $0x1;
	s10 =	sld [smem:$0x3FB3]  }
0x3d: {  	_ =	shalt  }
0x3e: {  	_ =	shalt  }
0x3f: {  	_ =	shalt  }
0x40: {  	_ =	shalt  }
0x41: {  	_ =	shalt  }
0x42: {  	_ =	shalt  }
0x43: {  	_ =	shalt  }
0x44: {  	_ =	shalt  }
0x45: {  	_ =	shalt  }
0x46: {  	_ =	shalt  }
0x47: {  	_ =	shalt  }
0x48: {  	_ =	shalt  }
0x49: {  	_ =	shalt  }
0x4a: {  	_ =	shalt  }
0x4b: {  	_ =	shalt  }
0x4c: {  	_ =	shalt  }
0x4d: {  	_ =	shalt  }
0x4e: {  	_ =	shalt  }
0x4f: {  	_ =	shalt  }
0x50: {  	_ =	shalt  }
0x51: {  	_ =	shalt  }
0x52: {  	_ =	shalt  }
0x53: {  	_ =	shalt  }
0x54: {  	_ =	shalt  }
0x55: {  	_ =	shalt  }
0x56: {  	_ =	shalt  }
0x57: {  	_ =	shalt  }
0x58: {  	_ =	shalt  }
0x59: {  	_ =	shalt  }
0x5a: {  	_ =	shalt  }
0x5b: {  	_ =	shalt  }
0x5c: {  	_ =	shalt  }
0x5d: {  	_ =	shalt  }
0x5e: {  	_ =	shalt  }
0x5f: {  	_ =	shalt  }
0x60: {  	_ =	shalt  }
0x61: {  	_ =	shalt  }
0x62: {  	_ =	shalt  }
0x63: {  	_ =	shalt  }
0x64: {  	_ =	shalt  }
0x65: {  	_ =	shalt  }
0x66: {  	_ =	shalt  }
0x67: {  	_ =	shalt  }
0x68: {  	_ =	shalt  }
0x69: {  	_ =	shalt  }
0x6a: {  	_ =	shalt  }
0x6b: {  	_ =	shalt  }
0x6c: {  	_ =	shalt  }
0x6d: {  	_ =	shalt  }
0x6e: {  	_ =	shalt  }
0x6f: {  	_ =	shalt  }
0x70: {  	_ =	shalt  }
0x71: {  	_ =	shalt  }
0x72: {  	_ =	shalt  }
0x73: {  	_ =	shalt  }
0x74: {  	_ =	shalt  }
0x75: {  	_ =	shalt  }
0x76: {  	_ =	shalt  }
0x77: {  	_ =	shalt  }
0x78: {  	_ =	shalt  }
0x79: {  	_ =	shalt  }
0x7a: {  	_ =	shalt  }
0x7b: {  	_ =	shalt  }
0x7c: {  	_ =	shalt  }
0x7d: {  	_ =	shalt  }
0x7e: {  	_ =	shalt  }
0x7f: {  	_ =	shalt  }
0x80: {  	_ =	shalt  }
0x81: {  	_ =	shalt  }
0x82: {  	_ =	shalt  }
0x83: {  	_ =	shalt  }
0x84: {  	_ =	shalt  }
0x85: {  	_ =	shalt  }
0x86: {  	_ =	shalt  }
0x87: {  	_ =	shalt  }
.Lfunc_end0:
.L_simem_size_0:
called_computation_lowered:
.L_overlay_start_0:
0x88: {  	s2 =	sld [smem:$0x3FD9]  }
0x89: {  	s3 =	sld [smem:$0x3FFE];
	_ =	sdelay $0x1  }
0x8a: {  	s1 =	srdreg.scid  }
0x8b: {  	s0 =	sand.u32 $0x1, s1  }
0x8c: {  	s16 =	sshll.u32 s0, $0xA;
	s2 =	sadd.s32 s3, s2  }
0x8d: {  	s2 =	sadd.s32 s2, s16  }
0x8e: {  	[smem:$0x3FBF] =	sst s2  }
0x8f: {  	_ = 	snop  }
0x90: {  	(tm) =	ssettm $0x1  }
0x91: {  	s17 =	sld [smem:$0x3FFB];
	_ =	sdelay $0x3  }
0x92: {  	_ =	strace s17  }
0x93: {  	s2 =	sld [smem:$0x3FFC];
	_ =	sdelay $0x3  }
0x94: {  	_ =	strace s2  }
0x95: {  	s2 =	sld [smem:$0x3FFD];
	_ =	sdelay $0x3  }
0x96: {  	_ =	strace s2  }
0x97: {  	_ =	strace $0x8FFFFFFF  }
0x98: {  	s18 =	sld [smem:$0x3FDB];
	_ =	sdelay $0x1  }
0x99: {  	s19 =	simm.s32 $_scs_section_size  }
0x9a: {  	s4 =	simm.s32 $_size__tile_overlayer_lowered;
	s5 =	simm.s32 $_tile_overlayer_lowered  }
0x9b: {  	s22 =	simm.s32 $0x1BFF;
	s21 =	sshll.u32 s5, $0x1;
	s2 =	sadd.s32 s19, s18  }
0x9c: {  	s6 =	simm.s32 $0x0;
	s20 =	sshll.u32 s4, $0x1;
	s4 =	sadd.s32 s21, s2  }
0x9d: {  	[timem:s6], [sflag:s22] =	dma.local [hbm:s4], s20  }
0x9e: {  	_ =	swait.ge [sflag:s22], s20  }
0x9f: {  	s3 =	ssub.s32 $0x0, s20;
	[sflag:s22] =	ssyncset.done $0x0  }
0xa0: {  	[sflag:s22] =	ssyncadd.s32 s3;
	_ =	sdelay $0x1  }
0xa1: {  	s23 =	simm.s32 $0x1B8B  }
0xa2: {  	_ =	swait.ge [sflag:s23], $0x1  }
0xa3: {  	[sflag:s23] =	ssyncset.done $0x0  }
0xa4: {  	s25 =	simm.s32 $0x1B8E;
	s24 =	sld [smem:$0x3FFE];
	[sflag:s23] =	ssyncadd.s32 $0xFFFFFFFF  }
0xa5: {  	s26 =	simm.s32 $execute0_lowered;
	[smem:$0x3FD2] =	sst s25  }
0xa6: {  	s4 =	sshll.u32 s26, $0x1;
	_ =	strace $0x80000046;
	[dreg:$0x1] =	wrdreg $0xFFFFFFFF  }
0xa7: {  	s28 =	simm.s32 $_size_execute0_lowered;
	s2 =	sadd.s32 s2, s4;
	[dreg:$0x0] =	wrdreg $0x0  }
0xa8: {  	s4 =	sshll.u32 s28, $0x1;
	[dreg:$0x2] =	wrdreg s2  }
0xa9: {  	[dreg:$0x3] =	wrdreg s4  }
0xaa: {  	[dreg:$0x4] =	wrdreg $0xC0  }
0xab: {  	_ =	task [dreg:s6], $0x5FFFF  }
0xac: {  	[dreg:$0x1] =	wrdreg $0xFFFFFFFF  }
0xad: {  	[dreg:$0x0] =	wrdreg $0x60  }
0xae: {  	[dreg:$0x2] =	wrdreg s24  }
0xaf: {  	[dreg:$0x3] =	wrdreg $0x9  }
0xb0: {  	_ =	task.clear_ibuf [dreg:s6], $0x4FFFF;
	_ =	strace $0x90000046  }
0xb1: {  	s29 =	simm.s32 $0x9;
	_ =	strace $0x80000048  }
0xb2: {  	_ =	swait.ge [sflag:s29], $0x1  }
0xb3: {  	[sflag:s29] =	ssyncadd.s32 $0xFFFFFFFF  }
0xb4: {  	_ =	strace $0x90000048  }
0xb5: {  	_ =	sfence  }
0xb6: {  	s30 =	sld [smem:$0x0];
	_ =	sdelay $0x2  }
0xb7: {  	s31 =	sshll.u32 s1, $0xD;
	s1 =	sshrl.u32 s1, $0x2  }
0xb8: {  	s3 =	sand.u32 $0x4000, s31;
	s1 =	sadd.s32 s1, s30  }
0xb9: {  	s0 =	sor.u32 s3, s0;
	s1 =	sshll.u32 s1, $0x11  }
0xba: {  	s0 =	sor.u32 s1, s0  }
0xbb: {  	s0 =	sadd.s32 $0x8F2B, s0  }
0xbc: {  	[sflag:s0] =	ssyncadd.remote.s32 $0x1  }
0xbd: {  	_ =	sfence.sel $0xFFFF  }
0xbe: {  	[dreg:$0x0] =	wrdreg $0xFFFFFFFF;
	(pc) =	sbr.abs _section_cstart, $3  }
0xbf: {  	[dreg:$0x1] =	wrdreg $0xFFFFFFFF  }
0xc0: {  	_ =	task.clear_ibuf [dreg:s6], $0x2FFFF;
	_ =	strace $0x9FFFFFFF  }
0xc1: {  	(tm) =	ssettm $0x7FFFFFFF  }
tec
execute0_lowered:
.L_overlay_start_1:
0x0: {  	(tag) =	ssettag $0x1  }
0x1: {  	s0 =	rddreg [dreg:$0x0]  }
0x2: {  	s2 =	simm.s32 $0x0;
	s1 =	srdreg.scid;
	s4 =	stileid.u32  }
0x3: {  	s18 =	simm.s32 $0x1;
	s19 =	simm.s32 $0x2780;
	s16 =	simm.s32 $0x3180  }
0x4: {  	s17 =	simm.s32 $0x3580;
	s20 =	simm.s32 $0x3980;
	s21 =	simm.s32 $0x3D80  }
0x5: {  	s22 =	simm.s32 $0x4580;
	s23 =	simm.s32 $0x4980;
	s24 =	simm.s32 $0x4D80  }
0x6: {  	s25 =	simm.s32 $0x5180;
	s28 =	simm.s32 $0x5980;
	s15 =	simm.s32 $0x5D80  }
0x7: {  	s29 =	simm.s32 $0x6180;
	s30 =	simm.s32 $0x0;
	[smem:$0x7FF] =	sst s2  }
0x8: {  	s1 =	sand.u32 $0x1, s1;
	s3 =	sshll.u32 s4, $0x8;
	s4 =	sshrl.u32 s4, $0x2  }
0x9: {  	s9 =	sadd.s32 $0x2200, s0;
	s5 =	sshll.u32 s1, $0x7;
	s3 =	sand.u32 $0x300, s3  }
0xa: {  	s26 =	sshll.u32 s4, $0xE;
	s4 =	smul.u32 $0x13C00, s4;
	s1 =	ssub.s32 $0x2, s1  }
0xb: {  	_ =	strace $0x80000047;
	s3 =	sor.u32 s5, s3;
	s6 =	sshrl.u32 s1, $0x1  }
0xc: {  	s5 =	sor.u32 s26, s3;
	s3 =	sor.u32 s4, s3;
	s1 =	ssub.s32 s1, s6  }
0xd: {  	s26 =	simm.s32 $0x5580;
	s5 =	sshrl.u32 s5, $0x3;
	s4 =	sshrl.u32 s3, $0x3  }
0xe: {  	s3 =	sadd.s32 $0x4F000, s3;
	s31 =	smax.u32 s1, $0x1;
	s0 =	sadd.s32 s5, s0  }
0xf: {  	s4 =	sadd.s32 s9, s4;
	s3 =	sshrl.u32 s3, $0x3;
	[dreg:$0x4] =	wrdreg s31  }
0x10: {  	[dreg:$0x2] =	wrdreg s4;
	s4 =	sadd.s32 $0x15E00, s0;
	s5 =	sadd.s32 $0x17E00, s0  }
0x11: {  	s6 =	sadd.s32 $0x19E00, s0;
	s7 =	sadd.s32 $0x1BE00, s0;
	s8 =	sadd.s32 $0x1DE00, s0  }
0x12: {  	s3 =	sadd.s32 s9, s3;
	s10 =	sadd.s32 $0x1FE00, s0;
	s11 =	sadd.s32 $0x21E00, s0  }
0x13: {  	s12 =	sadd.s32 $0x23E00, s0;
	s13 =	sadd.s32 $0x25E00, s0;
	s14 =	sadd.s32 $0x27E00, s0  }
0x14: {  	v0 =	vimm.f32 $0.0e+00;
	v1 =	vimm.s32 $0x0;
	v2 =	vimm.f32 $1.000000000e+00;
	s9 =	simm.s32 $0x4180;
	[dreg:$0x3] =	wrdreg s3;
	s3 =	simm.s32 $0x6580  }
.LBB2_1:
0x15: {  	s0 =	simm.s32 $0x27C0  }
0x16: {  	[tilespmem:s0+$0xFFFFFFC0] =	vst v0  }
0x17: {  	[tilespmem:s0+$0x30] =	vst v0  }
0x18: {  	[tilespmem:s0+$0x20] =	vst v0  }
0x19: {  	[tilespmem:s0+$0x10] =	vst v0  }
0x1a: {  	[tilespmem:s0+$0x0] =	vst v0  }
0x1b: {  	[tilespmem:s0+$0xFFFFFFF0] =	vst v0  }
0x1c: {  	s31 =	simm.s32 $0x0;
	[tilespmem:s0+$0xFFFFFFE0] =	vst v0  }
.LBB2_2:
0x1d: {  	s31 =	sadd.s32 $0x8, s31;
	[tilespmem:s0+$0xFFFFFFD0] =	vst v0;
	s0 =	sadd.s32 $0x400, s0  }
0x1e: {  	[tilespmem:s0+$0xFFFFFFC0] =	vst v0;
	p0 =	slt.u32 s31, $0x70  }
0x1f: {  	[tilespmem:s0+$0x30] =	vst v0  }
.Ltmp0:
0x20: {  	[tilespmem:s0+$0x20] =	vst v0;
	(pc) =	sbr.rel @p0 .LBB2_2-.Ltmp0, $4  }
0x21: {  	[tilespmem:s0+$0x10] =	vst v0  }
0x22: {  	[tilespmem:s0+$0x0] =	vst v0  }
0x23: {  	[tilespmem:s0+$0xFFFFFFF0] =	vst v0  }
0x24: {  	s1 =	simm.s32 $0x2780;
	[tilespmem:s0+$0xFFFFFFE0] =	vst v0  }
0x25: {  	[tilespmem:s0+$0xFFFFFFD0] =	vst v0;
	s0 =	simm.s32 $0x3C00  }
.LBB2_4:
0x26: {  	p0 =	sne.s32 s0, $0x3E00  }
.Ltmp1:
0x27: {  	_ = 	snop;
	(pc) =	sbr.rel @p0 .LBB2_4-.Ltmp1, $4  }
0x28: {  	_ = 	snop  }
0x29: {  	s31 =	sand.u32 $0x3FFFFC00, s0  }
0x2a: {  	s31 =	sadd.s32 s31, s1  }
0x2b: {  	s0 =	sadd.s32 $0x80, s0;
	s1 =	sadd.s32 $0x10, s1;
	[tilespmem:s31+$0x0] =	vst v0  }
0x2c: {  	s0 =	simm.s32 $0x2870  }
0x2d: {  	[tilespmem:s0+$0xFFFFFF90] =	vst v0  }
0x2e: {  	[tilespmem:s0+$0x0] =	vst v0  }
0x2f: {  	[tilespmem:s0+$0xFFFFFFF0] =	vst v0  }
0x30: {  	[tilespmem:s0+$0xFFFFFFE0] =	vst v0  }
0x31: {  	[tilespmem:s0+$0xFFFFFFD0] =	vst v0  }
0x32: {  	[tilespmem:s0+$0xFFFFFFC0] =	vst v0  }
0x33: {  	s31 =	simm.s32 $0x0;
	[tilespmem:s0+$0xFFFFFFB0] =	vst v0  }
.LBB2_6:
0x34: {  	s31 =	sadd.s32 $0x8, s31;
	[tilespmem:s0+$0xFFFFFFA0] =	vst v0;
	s0 =	sadd.s32 $0x400, s0  }
0x35: {  	[tilespmem:s0+$0xFFFFFF90] =	vst v0;
	p0 =	slt.u32 s31, $0x70  }
0x36: {  	[tilespmem:s0+$0x0] =	vst v0  }
.Ltmp2:
0x37: {  	[tilespmem:s0+$0xFFFFFFF0] =	vst v0;
	(pc) =	sbr.rel @p0 .LBB2_6-.Ltmp2, $4  }
0x38: {  	[tilespmem:s0+$0xFFFFFFE0] =	vst v0  }
0x39: {  	[tilespmem:s0+$0xFFFFFFD0] =	vst v0  }
0x3a: {  	[tilespmem:s0+$0xFFFFFFC0] =	vst v0  }
0x3b: {  	s1 =	simm.s32 $0x2800;
	[tilespmem:s0+$0xFFFFFFB0] =	vst v0  }
0x3c: {  	[tilespmem:s0+$0xFFFFFFA0] =	vst v0;
	s0 =	simm.s32 $0x3C00  }
.LBB2_8:
0x3d: {  	p0 =	sne.s32 s0, $0x3E00  }
.Ltmp3:
0x3e: {  	_ = 	snop;
	(pc) =	sbr.rel @p0 .LBB2_8-.Ltmp3, $4  }
0x3f: {  	_ = 	snop  }
0x40: {  	s31 =	sand.u32 $0x3FFFFC00, s0  }
0x41: {  	s31 =	sadd.s32 s31, s1  }
0x42: {  	s0 =	sadd.s32 $0x80, s0;
	s1 =	sadd.s32 $0x10, s1;
	[tilespmem:s31+$0x0] =	vst v0  }
0x43: {  	s0 =	simm.s32 $0x28F0  }
0x44: {  	[tilespmem:s0+$0xFFFFFF90] =	vst v0  }
0x45: {  	[tilespmem:s0+$0x0] =	vst v0  }
0x46: {  	[tilespmem:s0+$0xFFFFFFF0] =	vst v0  }
0x47: {  	[tilespmem:s0+$0xFFFFFFE0] =	vst v0  }
0x48: {  	[tilespmem:s0+$0xFFFFFFD0] =	vst v0  }
0x49: {  	[tilespmem:s0+$0xFFFFFFC0] =	vst v0  }
0x4a: {  	s31 =	simm.s32 $0x0;
	[tilespmem:s0+$0xFFFFFFB0] =	vst v0  }
.LBB2_10:
0x4b: {  	s31 =	sadd.s32 $0x8, s31;
	[tilespmem:s0+$0xFFFFFFA0] =	vst v0;
	s0 =	sadd.s32 $0x400, s0  }
0x4c: {  	[tilespmem:s0+$0xFFFFFF90] =	vst v0;
	p0 =	slt.u32 s31, $0x70  }
0x4d: {  	[tilespmem:s0+$0x0] =	vst v0  }
.Ltmp4:
0x4e: {  	[tilespmem:s0+$0xFFFFFFF0] =	vst v0;
	(pc) =	sbr.rel @p0 .LBB2_10-.Ltmp4, $4  }
0x4f: {  	[tilespmem:s0+$0xFFFFFFE0] =	vst v0  }
0x50: {  	[tilespmem:s0+$0xFFFFFFD0] =	vst v0  }
0x51: {  	[tilespmem:s0+$0xFFFFFFC0] =	vst v0  }
0x52: {  	s1 =	simm.s32 $0x2880;
	[tilespmem:s0+$0xFFFFFFB0] =	vst v0  }
0x53: {  	[tilespmem:s0+$0xFFFFFFA0] =	vst v0;
	s0 =	simm.s32 $0x3C00  }
.LBB2_12:
0x54: {  	p0 =	sne.s32 s0, $0x3E00  }
.Ltmp5:
0x55: {  	_ = 	snop;
	(pc) =	sbr.rel @p0 .LBB2_12-.Ltmp5, $4  }
0x56: {  	_ = 	snop  }
0x57: {  	s31 =	sand.u32 $0x3FFFFC00, s0  }
0x58: {  	s31 =	sadd.s32 s31, s1  }
0x59: {  	s0 =	sadd.s32 $0x80, s0;
	s1 =	sadd.s32 $0x10, s1;
	[tilespmem:s31+$0x0] =	vst v0  }
0x5a: {  	s0 =	simm.s32 $0x2970  }
0x5b: {  	[tilespmem:s0+$0xFFFFFF90] =	vst v0  }
0x5c: {  	[tilespmem:s0+$0x0] =	vst v0  }
0x5d: {  	[tilespmem:s0+$0xFFFFFFF0] =	vst v0  }
0x5e: {  	[tilespmem:s0+$0xFFFFFFE0] =	vst v0  }
0x5f: {  	[tilespmem:s0+$0xFFFFFFD0] =	vst v0  }
0x60: {  	[tilespmem:s0+$0xFFFFFFC0] =	vst v0  }
0x61: {  	s31 =	simm.s32 $0x0;
	[tilespmem:s0+$0xFFFFFFB0] =	vst v0  }
.LBB2_14:
0x62: {  	s31 =	sadd.s32 $0x8, s31;
	[tilespmem:s0+$0xFFFFFFA0] =	vst v0;
	s0 =	sadd.s32 $0x400, s0  }
0x63: {  	[tilespmem:s0+$0xFFFFFF90] =	vst v0;
	p0 =	slt.u32 s31, $0x70  }
0x64: {  	[tilespmem:s0+$0x0] =	vst v0  }
.Ltmp6:
0x65: {  	[tilespmem:s0+$0xFFFFFFF0] =	vst v0;
	(pc) =	sbr.rel @p0 .LBB2_14-.Ltmp6, $4  }
0x66: {  	[tilespmem:s0+$0xFFFFFFE0] =	vst v0  }
0x67: {  	[tilespmem:s0+$0xFFFFFFD0] =	vst v0  }
0x68: {  	[tilespmem:s0+$0xFFFFFFC0] =	vst v0  }
0x69: {  	s1 =	simm.s32 $0x2900;
	[tilespmem:s0+$0xFFFFFFB0] =	vst v0  }
0x6a: {  	[tilespmem:s0+$0xFFFFFFA0] =	vst v0;
	s0 =	simm.s32 $0x3C00  }
.LBB2_16:
0x6b: {  	p0 =	sne.s32 s0, $0x3E00  }
.Ltmp7:
0x6c: {  	_ = 	snop;
	(pc) =	sbr.rel @p0 .LBB2_16-.Ltmp7, $4  }
0x6d: {  	_ = 	snop  }
0x6e: {  	s31 =	sand.u32 $0x3FFFFC00, s0  }
0x6f: {  	s31 =	sadd.s32 s31, s1  }
0x70: {  	s0 =	sadd.s32 $0x80, s0;
	s1 =	sadd.s32 $0x10, s1;
	[tilespmem:s31+$0x0] =	vst v0  }
0x71: {  	s0 =	simm.s32 $0x29F0  }
0x72: {  	[tilespmem:s0+$0xFFFFFF90] =	vst v0  }
0x73: {  	[tilespmem:s0+$0x0] =	vst v0  }
0x74: {  	[tilespmem:s0+$0xFFFFFFF0] =	vst v0  }
0x75: {  	[tilespmem:s0+$0xFFFFFFE0] =	vst v0  }
0x76: {  	[tilespmem:s0+$0xFFFFFFD0] =	vst v0  }
0x77: {  	[tilespmem:s0+$0xFFFFFFC0] =	vst v0  }
0x78: {  	s31 =	simm.s32 $0x0;
	[tilespmem:s0+$0xFFFFFFB0] =	vst v0  }
.LBB2_18:
0x79: {  	s31 =	sadd.s32 $0x8, s31;
	[tilespmem:s0+$0xFFFFFFA0] =	vst v0;
	s0 =	sadd.s32 $0x400, s0  }
0x7a: {  	[tilespmem:s0+$0xFFFFFF90] =	vst v0;
	p0 =	slt.u32 s31, $0x70  }
0x7b: {  	[tilespmem:s0+$0x0] =	vst v0  }
.Ltmp8:
0x7c: {  	[tilespmem:s0+$0xFFFFFFF0] =	vst v0;
	(pc) =	sbr.rel @p0 .LBB2_18-.Ltmp8, $4  }
0x7d: {  	[tilespmem:s0+$0xFFFFFFE0] =	vst v0  }
0x7e: {  	[tilespmem:s0+$0xFFFFFFD0] =	vst v0  }
0x7f: {  	[tilespmem:s0+$0xFFFFFFC0] =	vst v0  }
0x80: {  	s1 =	simm.s32 $0x2980;
	[tilespmem:s0+$0xFFFFFFB0] =	vst v0  }
0x81: {  	[tilespmem:s0+$0xFFFFFFA0] =	vst v0;
	s0 =	simm.s32 $0x3C00  }
.LBB2_20:
0x82: {  	p0 =	sne.s32 s0, $0x3E00  }
.Ltmp9:
0x83: {  	_ = 	snop;
	(pc) =	sbr.rel @p0 .LBB2_20-.Ltmp9, $4  }
0x84: {  	_ = 	snop  }
0x85: {  	s31 =	sand.u32 $0x3FFFFC00, s0  }
0x86: {  	s31 =	sadd.s32 s31, s1  }
0x87: {  	s0 =	sadd.s32 $0x80, s0;
	s1 =	sadd.s32 $0x10, s1;
	[tilespmem:s31+$0x0] =	vst v0  }
0x88: {  	s0 =	rddreg [dreg:$0x2];
	s1 =	simm.s32 $0x80;
	s31 =	simm.s32 $0x400  }
0x89: {  	[tilespmem:s2], [sflag:$0x1] =	stream.strided.gather [hbm4b:s0+s1], $0x2780, s31, s1, $0x38;
	[tilespmem:$0x6780] =	vst v63  }
0x8a: {  	_ =	swait.ge [sflag:s18], $0x2780  }
0x8b: {  	[sflag:s18] =	ssyncset.done $0x0  }
0x8c: {  	s1 =	simm.s32 $0x40;
	[sflag:s18] =	ssyncadd.s32 $0xFFFFD880  }
0x8d: {  	v3 =	vld [tilespmem:s1+$0x30]  }
0x8e: {  	v5 =	vld [tilespmem:s1+$0xFFFFFFE0]  }
0x8f: {  	v6 =	vld [tilespmem:s1+$0xFFFFFFF0]  }
0x90: {  	v7 =	vld [tilespmem:s1+$0x0]  }
0x91: {  	v10 =	vld [tilespmem:s1+$0xFFFFFFC0]  }
0x92: {  	v12 =	vld [tilespmem:s1+$0x20];
	_ =	sdelay $0x1  }
0x93: {  	vm0 =	vgt.s32 v3, $0x7CF;
	vm1 =	vgt.s32 v3, $0xF9F  }
0x94: {  	v4 =	vld [tilespmem:s1+$0xFFFFFFD0];
	vm7 =	vgt.s32 v3, $0x176F;
	vm8 =	vgt.s32 v3, $0x1F3F;
	vm2 =	vgt.s32 v5, $0x7CF  }
0x95: {  	vm3 =	vgt.s32 v5, $0xF9F;
	vm4 =	vgt.s32 v6, $0x7CF;
	vm5 =	vgt.s32 v6, $0xF9F  }
0x96: {  	vm6 =	vgt.s32 v7, $0x7CF;
	vm9 =	vgt.s32 v10, $0xF9F;
	vm12 =	vgt.s32 v12, $0xF9F  }
0x97: {  	vm13 =	vgt.s32 v7, $0x176F;
	v8 =	vsel vm0, $0x1, v1;
	v9 =	vsel vm1, $0x1, v1  }
0x98: {  	vm15 =	vgt.s32 v12, $0x176F;
	v8 =	vadd.s32 v9, v8;
	v9 =	vsel vm7, $0x1, v1  }
0x99: {  	vm1 =	vgt.s32 v4, $0x7CF;
	v8 =	vadd.s32 v9, v8;
	v9 =	vsel vm8, $0x1, v1  }
0x9a: {  	vm0 =	vgt.s32 v4, $0xF9F;
	v14 =	vsel vm2, $0x1, v1;
	v8 =	vadd.s32 v9, v8  }
0x9b: {  	v15 =	vsel vm3, $0x1, v1;
	v16 =	vsel vm4, $0x1, v1;
	v9 =	vld [tilespmem:s1+$0x10];
	v11 =	vmul.u32 $0xFFFFF830, v8  }
0x9c: {  	v18 =	vsel vm5, $0x1, v1;
	v19 =	vsel vm6, $0x1, v1;
	vm7 =	vgt.s32 v7, $0xF9F  }
0x9d: {  	v13 =	vsel vm0, $0x1, v1;
	vm8 =	vgt.s32 v10, $0x7CF;
	v3 =	vadd.s32 v3, v11  }
0x9e: {  	v8 =	vshll.u32 v8, $0x7;
	v11 =	vand.u32 $0x7F, v3;
	v3 =	vshll.u32 v3, $0x3  }
0x9f: {  	v20 =	vsel vm7, $0x1, v1;
	v8 =	vand.u32 $0x380, v8;
	v3 =	vand.u32 $0xFFFFFC00, v3  }
0xa0: {  	v8 =	vor.u32 v8, v11;
	vm10 =	vgt.s32 v9, $0x7CF;
	vm11 =	vgt.s32 v9, $0xF9F  }
0xa1: {  	v11 =	vsel vm1, $0x1, v1;
	vm14 =	vgt.s32 v9, $0x176F;
	v17 =	vor.u32 v3, v8  }
0xa2: {  	v3 =	vsel vm8, $0x1, v1;
	vm8 =	vgt.s32 v12, $0x7CF;
	v8 =	vsel vm9, $0x1, v1  }
0xa3: {  	v21 =	vsel vm10, $0x1, v1;
	v22 =	vsel vm11, $0x1, v1;
	vm9 =	vgt.s32 v10, $0x176F  }
0xa4: {  	vm10 =	vgt.s32 v4, $0x176F;
	vm11 =	vgt.s32 v5, $0x176F;
	v11 =	vadd.s32 v13, v11  }
0xa5: {  	v13 =	vadd.s32 v15, v14;
	v14 =	vadd.s32 v18, v16;
	v15 =	vadd.s32 v20, v19  }
0xa6: {  	v23 =	vsel vm8, $0x1, v1;
	v3 =	vadd.s32 v8, v3;
	v8 =	vsel vm12, $0x1, v1  }
0xa7: {  	vm12 =	vgt.s32 v6, $0x176F;
	v16 =	vadd.s32 v22, v21;
	v18 =	vsel vm9, $0x1, v1  }
0xa8: {  	v19 =	vsel vm10, $0x1, v1;
	v20 =	vsel vm11, $0x1, v1;
	v22 =	vsel vm13, $0x1, v1  }
0xa9: {  	vm9 =	vgt.s32 v10, $0x1F3F;
	vm10 =	vgt.s32 v4, $0x1F3F;
	vm11 =	vgt.s32 v5, $0x1F3F  }
0xaa: {  	vm13 =	vgt.s32 v7, $0x1F3F;
	v8 =	vadd.s32 v8, v23;
	v21 =	vsel vm12, $0x1, v1  }
0xab: {  	v23 =	vsel vm14, $0x1, v1;
	v3 =	vadd.s32 v18, v3;
	v18 =	vsel vm15, $0x1, v1  }
0xac: {  	vm12 =	vgt.s32 v6, $0x1F3F;
	vm14 =	vgt.s32 v9, $0x1F3F;
	v11 =	vadd.s32 v19, v11  }
0xad: {  	vm15 =	vgt.s32 v12, $0x1F3F;
	v13 =	vadd.s32 v20, v13;
	v15 =	vadd.s32 v22, v15  }
0xae: {  	v19 =	vsel vm10, $0x1, v1;
	v20 =	vsel vm11, $0x1, v1;
	v22 =	vsel vm13, $0x1, v1  }
0xaf: {  	v14 =	vadd.s32 v21, v14;
	v16 =	vadd.s32 v23, v16;
	v8 =	vadd.s32 v18, v8  }
0xb0: {  	v18 =	vsel vm9, $0x1, v1;
	v21 =	vsel vm12, $0x1, v1;
	v23 =	vsel vm14, $0x1, v1  }
0xb1: {  	v11 =	vadd.s32 v19, v11;
	v13 =	vadd.s32 v20, v13;
	v15 =	vadd.s32 v22, v15  }
0xb2: {  	v3 =	vadd.s32 v18, v3;
	v18 =	vsel vm15, $0x1, v1;
	v14 =	vadd.s32 v21, v14  }
0xb3: {  	v16 =	vadd.s32 v23, v16;
	v20 =	vmul.u32 $0xFFFFF830, v13;
	v22 =	vmul.u32 $0xFFFFF830, v15  }
0xb4: {  	v13 =	vshll.u32 v13, $0x7;
	v19 =	vmul.u32 $0xFFFFF830, v3;
	v8 =	vadd.s32 v18, v8  }
0xb5: {  	v18 =	vmul.u32 $0xFFFFF830, v11;
	v21 =	vmul.u32 $0xFFFFF830, v14;
	v23 =	vmul.u32 $0xFFFFF830, v16  }
0xb6: {  	v14 =	vshll.u32 v14, $0x7;
	v16 =	vshll.u32 v16, $0x7;
	v5 =	vadd.s32 v5, v20  }
0xb7: {  	v7 =	vadd.s32 v7, v22;
	v20 =	vshll.u32 v11, $0x7;
	v10 =	vadd.s32 v10, v19  }
0xb8: {  	v19 =	vmul.u32 $0xFFFFF830, v8;
	v4 =	vadd.s32 v4, v18;
	v6 =	vadd.s32 v6, v21  }
0xb9: {  	v9 =	vadd.s32 v9, v23;
	v18 =	vshll.u32 v3, $0x7;
	v21 =	vshll.u32 v8, $0x7  }
0xba: {  	v24 =	vand.u32 $0x7F, v5;
	v25 =	vshll.u32 v5, $0x3;
	v8 =	vshll.u32 v7, $0x3  }
0xbb: {  	v11 =	vand.u32 $0x7F, v10;
	v10 =	vshll.u32 v10, $0x3;
	v22 =	vand.u32 $0x7F, v4  }
0xbc: {  	v23 =	vshll.u32 v4, $0x3;
	v3 =	vand.u32 $0x7F, v6;
	v26 =	vshll.u32 v6, $0x3  }
0xbd: {  	v6 =	vand.u32 $0x7F, v7;
	v4 =	vand.u32 $0x7F, v9;
	v7 =	vshll.u32 v9, $0x3  }
0xbe: {  	v5 =	vand.u32 $0x380, v18;
	v18 =	vand.u32 $0x380, v20;
	v20 =	vand.u32 $0x380, v13  }
0xbf: {  	[tilespmem:v17+s19+$0x0] =	vst.idx.add.f32.msk $0xffff, v2;
	v17 =	vand.u32 $0xFFFFFC00, v25;
	v12 =	vadd.s32 v12, v19;
	v19 =	vshll.u32 v15, $0x7  }
0xc0: {  	v11 =	vor.u32 v5, v11;
	v15 =	vand.u32 $0x380, v14;
	v13 =	vand.u32 $0xFFFFFC00, v10  }
0xc1: {  	v10 =	vand.u32 $0x380, v21;
	v20 =	vor.u32 v20, v24;
	v5 =	vand.u32 $0x7F, v12  }
0xc2: {  	v9 =	vshll.u32 v12, $0x3;
	v14 =	vand.u32 $0x380, v19;
	v12 =	vand.u32 $0x380, v16  }
0xc3: {  	s31 =	simm.s32 $0x0;
	s0 =	simm.s32 $0xC0;
	v16 =	vand.u32 $0xFFFFFC00, v23;
	v19 =	vor.u32 v18, v22;
	v18 =	vand.u32 $0xFFFFFC00, v26  }
.LBB2_22:
0xc4: {  	v21 =	vld [tilespmem:s0+$0x30];
	s31 =	sadd.s32 $0x8, s31;
	v15 =	vor.u32 v15, v3;
	v8 =	vand.u32 $0xFFFFFC00, v8;
	v6 =	vor.u32 v14, v6  }
0xc5: {  	v7 =	vand.u32 $0xFFFFFC00, v7;
	v12 =	vor.u32 v12, v4;
	v9 =	vand.u32 $0xFFFFFC00, v9;
	v3 =	vld [tilespmem:s0+$0xFFFFFFD0];
	p0 =	slt.u32 s31, $0x268  }
0xc6: {  	v11 =	vor.u32 v13, v11;
	v13 =	vor.u32 v16, v19;
	v10 =	vor.u32 v10, v5;
	v4 =	vld [tilespmem:s0+$0xFFFFFFE0]  }
0xc7: {  	v14 =	vor.u32 v17, v20;
	v15 =	vor.u32 v18, v15;
	v16 =	vor.u32 v8, v6;
	v5 =	vld [tilespmem:s0+$0xFFFFFFF0]  }
0xc8: {  	v12 =	vor.u32 v7, v12;
	v10 =	vor.u32 v9, v10;
	v6 =	vld [tilespmem:s0+$0x0]  }
0xc9: {  	v7 =	vld [tilespmem:s0+$0x10];
	vm0 =	vgt.s32 v21, $0x7CF;
	vm1 =	vgt.s32 v21, $0xF9F  }
0xca: {  	v8 =	vld [tilespmem:s0+$0x20];
	v17 =	vsel vm0, $0x1, v1;
	v18 =	vsel vm1, $0x1, v1;
	vm0 =	vgt.s32 v21, $0x176F  }
0xcb: {  	vm1 =	vgt.s32 v21, $0x1F3F;
	v9 =	vld [tilespmem:s0+$0xFFFFFFC0];
	v17 =	vadd.s32 v18, v17;
	v18 =	vsel vm0, $0x1, v1  }
0xcc: {  	vm0 =	vgt.s32 v3, $0x7CF;
	v17 =	vadd.s32 v18, v17;
	v18 =	vsel vm1, $0x1, v1;
	[tilespmem:v11+s19+$0x0] =	vst.idx.add.f32.msk $0xffff, v2  }
0xcd: {  	vm2 =	vgt.s32 v3, $0xF9F;
	vm1 =	vgt.s32 v4, $0x7CF;
	v11 =	vadd.s32 v18, v17;
	[tilespmem:v13+s19+$0x0] =	vst.idx.add.f32.msk $0xffff, v2  }
0xce: {  	vm3 =	vgt.s32 v4, $0xF9F;
	vm4 =	vgt.s32 v5, $0x7CF;
	v13 =	vmul.u32 $0xFFFFF830, v11;
	[tilespmem:v14+s19+$0x0] =	vst.idx.add.f32.msk $0xffff, v2  }
0xcf: {  	vm5 =	vgt.s32 v5, $0xF9F;
	vm6 =	vgt.s32 v6, $0x7CF;
	vm7 =	vgt.s32 v6, $0xF9F;
	[tilespmem:v15+s19+$0x0] =	vst.idx.add.f32.msk $0xffff, v2  }
0xd0: {  	v11 =	vshll.u32 v11, $0x7;
	vm8 =	vgt.s32 v9, $0x7CF;
	v13 =	vadd.s32 v21, v13;
	[tilespmem:v16+s19+$0x0] =	vst.idx.add.f32.msk $0xffff, v2  }
0xd1: {  	v11 =	vand.u32 $0x380, v11;
	v14 =	vand.u32 $0x7F, v13;
	v13 =	vshll.u32 v13, $0x3;
	[tilespmem:v12+s19+$0x0] =	vst.idx.add.f32.msk $0xffff, v2  }
0xd2: {  	vm9 =	vgt.s32 v9, $0xF9F;
	v12 =	vand.u32 $0xFFFFFC00, v13;
	v11 =	vor.u32 v11, v14;
	[tilespmem:v10+s19+$0x0] =	vst.idx.add.f32.msk $0xffff, v2  }
0xd3: {  	vm10 =	vgt.s32 v7, $0x7CF;
	vm11 =	vgt.s32 v7, $0xF9F;
	v10 =	vor.u32 v12, v11  }
0xd4: {  	vm12 =	vgt.s32 v8, $0xF9F;
	v11 =	vsel vm8, $0x1, v1;
	vm8 =	vgt.s32 v8, $0x7CF  }
0xd5: {  	v13 =	vsel vm0, $0x1, v1;
	v14 =	vsel vm2, $0x1, v1;
	v12 =	vsel vm9, $0x1, v1  }
0xd6: {  	v17 =	vsel vm4, $0x1, v1;
	v15 =	vsel vm1, $0x1, v1;
	v16 =	vsel vm3, $0x1, v1  }
0xd7: {  	v18 =	vsel vm5, $0x1, v1;
	v19 =	vsel vm6, $0x1, v1;
	v20 =	vsel vm7, $0x1, v1  }
0xd8: {  	v22 =	vsel vm11, $0x1, v1;
	v21 =	vsel vm10, $0x1, v1;
	v23 =	vsel vm8, $0x1, v1;
	[tilespmem:v10+s19+$0x0] =	vst.idx.add.f32.msk $0xffff, v2  }
0xd9: {  	vm1 =	vgt.s32 v3, $0x176F;
	vm0 =	vgt.s32 v9, $0x176F;
	v10 =	vsel vm12, $0x1, v1  }
0xda: {  	vm4 =	vgt.s32 v6, $0x176F;
	vm3 =	vgt.s32 v5, $0x176F;
	vm2 =	vgt.s32 v4, $0x176F  }
0xdb: {  	vm5 =	vgt.s32 v7, $0x176F;
	vm6 =	vgt.s32 v8, $0x176F;
	v11 =	vadd.s32 v12, v11  }
0xdc: {  	v12 =	vadd.s32 v14, v13;
	v13 =	vadd.s32 v16, v15;
	v14 =	vadd.s32 v18, v17  }
0xdd: {  	v15 =	vadd.s32 v20, v19;
	v16 =	vadd.s32 v22, v21;
	v10 =	vadd.s32 v10, v23  }
0xde: {  	v17 =	vsel vm0, $0x1, v1;
	v18 =	vsel vm1, $0x1, v1;
	v19 =	vsel vm2, $0x1, v1  }
0xdf: {  	v20 =	vsel vm3, $0x1, v1;
	v21 =	vsel vm4, $0x1, v1;
	v22 =	vsel vm5, $0x1, v1  }
0xe0: {  	vm0 =	vgt.s32 v9, $0x1F3F;
	vm1 =	vgt.s32 v3, $0x1F3F;
	v23 =	vsel vm6, $0x1, v1  }
0xe1: {  	vm2 =	vgt.s32 v4, $0x1F3F;
	vm3 =	vgt.s32 v5, $0x1F3F;
	vm4 =	vgt.s32 v6, $0x1F3F  }
0xe2: {  	vm5 =	vgt.s32 v7, $0x1F3F;
	v11 =	vadd.s32 v17, v11;
	vm6 =	vgt.s32 v8, $0x1F3F  }
0xe3: {  	v12 =	vadd.s32 v18, v12;
	v13 =	vadd.s32 v19, v13;
	v14 =	vadd.s32 v20, v14  }
0xe4: {  	v15 =	vadd.s32 v21, v15;
	v16 =	vadd.s32 v22, v16;
	v10 =	vadd.s32 v23, v10  }
0xe5: {  	v17 =	vsel vm0, $0x1, v1;
	v18 =	vsel vm1, $0x1, v1;
	v19 =	vsel vm2, $0x1, v1  }
0xe6: {  	v20 =	vsel vm3, $0x1, v1;
	v21 =	vsel vm4, $0x1, v1;
	v22 =	vsel vm5, $0x1, v1  }
0xe7: {  	v11 =	vadd.s32 v17, v11;
	v12 =	vadd.s32 v18, v12;
	v17 =	vsel vm6, $0x1, v1  }
0xe8: {  	v13 =	vadd.s32 v19, v13;
	v14 =	vadd.s32 v20, v14;
	v15 =	vadd.s32 v21, v15  }
0xe9: {  	v16 =	vadd.s32 v22, v16;
	v18 =	vmul.u32 $0xFFFFF830, v11;
	v10 =	vadd.s32 v17, v10  }
0xea: {  	v19 =	vmul.u32 $0xFFFFF830, v13;
	v20 =	vmul.u32 $0xFFFFF830, v14;
	v17 =	vmul.u32 $0xFFFFF830, v12  }
0xeb: {  	v21 =	vmul.u32 $0xFFFFF830, v15;
	v22 =	vmul.u32 $0xFFFFF830, v16;
	v23 =	vmul.u32 $0xFFFFF830, v10  }
0xec: {  	v9 =	vadd.s32 v9, v18;
	v4 =	vadd.s32 v4, v19;
	v3 =	vadd.s32 v3, v17  }
0xed: {  	v5 =	vadd.s32 v5, v20;
	v7 =	vadd.s32 v7, v22;
	v17 =	vadd.s32 v6, v21  }
0xee: {  	v11 =	vshll.u32 v11, $0x7;
	v12 =	vshll.u32 v12, $0x7;
	v18 =	vadd.s32 v8, v23  }
0xef: {  	v13 =	vshll.u32 v13, $0x7;
	v14 =	vshll.u32 v14, $0x7;
	v19 =	vshll.u32 v15, $0x7  }
0xf0: {  	v16 =	vshll.u32 v16, $0x7;
	v20 =	vand.u32 $0x7F, v9;
	v10 =	vshll.u32 v10, $0x7  }
0xf1: {  	v21 =	vshll.u32 v9, $0x3;
	v22 =	vand.u32 $0x7F, v3;
	v23 =	vshll.u32 v3, $0x3  }
0xf2: {  	v24 =	vand.u32 $0x7F, v4;
	v25 =	vshll.u32 v4, $0x3;
	v3 =	vand.u32 $0x7F, v5  }
0xf3: {  	v26 =	vshll.u32 v5, $0x3;
	v6 =	vand.u32 $0x7F, v17;
	v8 =	vshll.u32 v17, $0x3  }
0xf4: {  	v4 =	vand.u32 $0x7F, v7;
	v7 =	vshll.u32 v7, $0x3;
	v5 =	vand.u32 $0x7F, v18  }
.Ltmp10:
0xf5: {  	v11 =	vand.u32 $0x380, v11;
	v17 =	vand.u32 $0x380, v12;
	v9 =	vshll.u32 v18, $0x3;
	(pc) =	sbr.rel @p0 .LBB2_22-.Ltmp10, $4  }
0xf6: {  	v15 =	vand.u32 $0x380, v14;
	v14 =	vand.u32 $0x380, v19;
	v18 =	vand.u32 $0x380, v13  }
0xf7: {  	v10 =	vand.u32 $0x380, v10;
	v12 =	vand.u32 $0x380, v16;
	v13 =	vand.u32 $0xFFFFFC00, v21  }
0xf8: {  	v11 =	vor.u32 v11, v20;
	v16 =	vand.u32 $0xFFFFFC00, v23;
	v19 =	vor.u32 v17, v22  }
0xf9: {  	s0 =	sadd.s32 $0x80, s0;
	v17 =	vand.u32 $0xFFFFFC00, v25;
	v20 =	vor.u32 v18, v24;
	v18 =	vand.u32 $0xFFFFFC00, v26  }
0xfa: {  	v11 =	vor.u32 v13, v11  }
0xfb: {  	v57 =	vor.u32 v16, v19  }
0xfc: {  	v3 =	vor.u32 v15, v3;
	v58 =	vor.u32 v17, v20  }
0xfd: {  	v8 =	vand.u32 $0xFFFFFC00, v8;
	v6 =	vor.u32 v14, v6;
	v3 =	vor.u32 v18, v3  }
0xfe: {  	v7 =	vand.u32 $0xFFFFFC00, v7;
	v4 =	vor.u32 v12, v4;
	v6 =	vor.u32 v8, v6  }
0xff: {  	v59 =	vand.u32 $0xFFFFFC00, v9;
	v5 =	vor.u32 v10, v5;
	v4 =	vor.u32 v7, v4;
	[tilespmem:v11+s19+$0x0] =	vst.idx.add.f32.msk $0xffff, v2  }
0x100: {  	v5 =	vor.u32 v59, v5;
	[tilespmem:v57+s19+$0x0] =	vst.idx.add.f32.msk $0xffff, v2  }
0x101: {  	[tilespmem:v58+s19+$0x0] =	vst.idx.add.f32.msk $0xffff, v2  }
0x102: {  	[tilespmem:v3+s19+$0x0] =	vst.idx.add.f32.msk $0xffff, v2  }
0x103: {  	[tilespmem:v6+s19+$0x0] =	vst.idx.add.f32.msk $0xffff, v2  }
0x104: {  	[tilespmem:v4+s19+$0x0] =	vst.idx.add.f32.msk $0xffff, v2  }
0x105: {  	[tilespmem:v5+s19+$0x0] =	vst.idx.add.f32.msk $0xffff, v2  }
0x106: {  	v3 =	vld [tilespmem:$0x2700];
	_ =	sdelay $0x4  }
0x107: {  	vm0 =	vgt.s32 v3, $0x7CF;
	vm1 =	vgt.s32 v3, $0xF9F  }
0x108: {  	vm14 =	vgt.s32 v3, $0x176F;
	v60 =	vsel vm0, $0x1, v1;
	v61 =	vsel vm1, $0x1, v1  }
0x109: {  	vm15 =	vgt.s32 v3, $0x1F3F;
	v62 =	vsel vm14, $0x1, v1;
	v4 =	vadd.s32 v61, v60  }
0x10a: {  	v63 =	vsel vm15, $0x1, v1;
	v4 =	vadd.s32 v62, v4  }
0x10b: {  	v4 =	vadd.s32 v63, v4  }
0x10c: {  	v5 =	vmul.u32 $0xFFFFF830, v4;
	_ =	sdelay $0x1  }
0x10d: {  	v4 =	vshll.u32 v4, $0x7;
	v3 =	vadd.s32 v3, v5  }
0x10e: {  	v4 =	vand.u32 $0x380, v4;
	v5 =	vand.u32 $0x7F, v3;
	v3 =	vshll.u32 v3, $0x3  }
0x10f: {  	v3 =	vand.u32 $0xFFFFFC00, v3;
	v4 =	vor.u32 v4, v5  }
0x110: {  	v3 =	vor.u32 v3, v4;
	_ =	sdelay $0x4  }
0x111: {  	[tilespmem:v3+s19+$0x0] =	vst.idx.add.f32.msk $0xffff, v2  }
0x112: {  	[hbm4b:s4+s2] =	stream.linear.scatter [tilespmem:s19], [sflag:$0x1], $0x80, $0x38;
	[tilespmem:$0x6780] =	vst v63  }
0x113: {  	s0 =	sadd.s32 $0x80, s4;
	s1 =	simm.s32 $0x2B80  }
0x114: {  	[hbm4b:s0+s2] =	stream.linear.scatter [tilespmem:s1], [sflag:$0x1], $0x80, $0x38;
	[tilespmem:$0x6780] =	vst v63  }
0x115: {  	s0 =	sadd.s32 $0x100, s4;
	s1 =	simm.s32 $0x2F80  }
0x116: {  	[hbm4b:s0+s2] =	stream.linear.scatter [tilespmem:s1], [sflag:$0x1], $0x80, $0x38;
	[tilespmem:$0x6780] =	vst v63  }
0x117: {  	s0 =	sadd.s32 $0x180, s4;
	s1 =	simm.s32 $0x3380  }
0x118: {  	[hbm4b:s0+s2] =	stream.linear.scatter [tilespmem:s1], [sflag:$0x1], $0x80, $0x38;
	[tilespmem:$0x6780] =	vst v63  }
0x119: {  	s0 =	sadd.s32 $0x200, s4;
	s1 =	simm.s32 $0x3780  }
0x11a: {  	[hbm4b:s0+s2] =	stream.linear.scatter [tilespmem:s1], [sflag:$0x1], $0x80, $0x38;
	[tilespmem:$0x6780] =	vst v63  }
0x11b: {  	s0 =	sadd.s32 $0x280, s4;
	s1 =	simm.s32 $0x3B80  }
0x11c: {  	[hbm4b:s0+s2] =	stream.linear.scatter [tilespmem:s1], [sflag:$0x1], $0x80, $0x38;
	[tilespmem:$0x6780] =	vst v63  }
0x11d: {  	s0 =	sadd.s32 $0x300, s4;
	s1 =	simm.s32 $0x3F80  }
0x11e: {  	[hbm4b:s0+s2] =	stream.linear.scatter [tilespmem:s1], [sflag:$0x1], $0x80, $0x38;
	[tilespmem:$0x6780] =	vst v63  }
0x11f: {  	s0 =	sadd.s32 $0x380, s4;
	s1 =	simm.s32 $0x4380  }
0x120: {  	[hbm4b:s0+s2] =	stream.linear.scatter [tilespmem:s1], [sflag:$0x1], $0x80, $0x38;
	[tilespmem:$0x6780] =	vst v63  }
0x121: {  	s0 =	sadd.s32 $0x400, s4;
	s1 =	simm.s32 $0x4780  }
0x122: {  	[hbm4b:s0+s2] =	stream.linear.scatter [tilespmem:s1], [sflag:$0x1], $0x80, $0x38;
	[tilespmem:$0x6780] =	vst v63  }
0x123: {  	s0 =	sadd.s32 $0x480, s4;
	s1 =	simm.s32 $0x4B80  }
0x124: {  	[hbm4b:s0+s2] =	stream.linear.scatter [tilespmem:s1], [sflag:$0x1], $0x80, $0x38;
	[tilespmem:$0x6780] =	vst v63  }
0x125: {  	s0 =	sadd.s32 $0x500, s4;
	s1 =	simm.s32 $0x4F80  }
0x126: {  	[hbm4b:s0+s2] =	stream.linear.scatter [tilespmem:s1], [sflag:$0x1], $0x80, $0x38;
	[tilespmem:$0x6780] =	vst v63  }
0x127: {  	s0 =	sadd.s32 $0x580, s4;
	s1 =	simm.s32 $0x5380  }
0x128: {  	[hbm4b:s0+s2] =	stream.linear.scatter [tilespmem:s1], [sflag:$0x1], $0x80, $0x38;
	[tilespmem:$0x6780] =	vst v63  }
0x129: {  	s0 =	sadd.s32 $0x600, s4;
	s1 =	simm.s32 $0x5780  }
0x12a: {  	[hbm4b:s0+s2] =	stream.linear.scatter [tilespmem:s1], [sflag:$0x1], $0x80, $0x38;
	[tilespmem:$0x6780] =	vst v63  }
0x12b: {  	s0 =	sadd.s32 $0x680, s4;
	s1 =	simm.s32 $0x5B80  }
0x12c: {  	[hbm4b:s0+s2] =	stream.linear.scatter [tilespmem:s1], [sflag:$0x1], $0x80, $0x38;
	[tilespmem:$0x6780] =	vst v63  }
0x12d: {  	s0 =	sadd.s32 $0x700, s4;
	s1 =	simm.s32 $0x5F80  }
0x12e: {  	[hbm4b:s0+s2] =	stream.linear.scatter [tilespmem:s1], [sflag:$0x1], $0x80, $0x38;
	[tilespmem:$0x6780] =	vst v63  }
0x12f: {  	s0 =	sadd.s32 $0x780, s4;
	s1 =	simm.s32 $0x6380  }
0x130: {  	[hbm4b:s0+s2] =	stream.linear.scatter [tilespmem:s1], [sflag:$0x1], $0x80, $0x38;
	[tilespmem:$0x6780] =	vst v63  }
0x131: {  	_ =	swait.ge [sflag:s18], $0x800  }
0x132: {  	[sflag:s18] =	ssyncset.done $0x0  }
0x133: {  	s1 =	simm.s32 $0x2800;
	[sflag:s18] =	ssyncadd.s32 $0xFFFFF800  }
0x134: {  	[hbm4b:s5+s2] =	stream.linear.scatter [tilespmem:s1], [sflag:$0x1], $0x80, $0x38;
	[tilespmem:$0x6780] =	vst v63  }
0x135: {  	s0 =	sadd.s32 $0x80, s5;
	s1 =	simm.s32 $0x2C00  }
0x136: {  	[hbm4b:s0+s2] =	stream.linear.scatter [tilespmem:s1], [sflag:$0x1], $0x80, $0x38;
	[tilespmem:$0x6780] =	vst v63  }
0x137: {  	s0 =	sadd.s32 $0x100, s5;
	s1 =	simm.s32 $0x3000  }
0x138: {  	[hbm4b:s0+s2] =	stream.linear.scatter [tilespmem:s1], [sflag:$0x1], $0x80, $0x38;
	[tilespmem:$0x6780] =	vst v63  }
0x139: {  	s0 =	sadd.s32 $0x180, s5;
	s1 =	simm.s32 $0x3400  }
0x13a: {  	[hbm4b:s0+s2] =	stream.linear.scatter [tilespmem:s1], [sflag:$0x1], $0x80, $0x38;
	[tilespmem:$0x6780] =	vst v63  }
0x13b: {  	s0 =	sadd.s32 $0x200, s5;
	s1 =	simm.s32 $0x3800  }
0x13c: {  	[hbm4b:s0+s2] =	stream.linear.scatter [tilespmem:s1], [sflag:$0x1], $0x80, $0x38;
	[tilespmem:$0x6780] =	vst v63  }
0x13d: {  	s0 =	sadd.s32 $0x280, s5;
	s1 =	simm.s32 $0x3C00  }
0x13e: {  	[hbm4b:s0+s2] =	stream.linear.scatter [tilespmem:s1], [sflag:$0x1], $0x80, $0x38;
	[tilespmem:$0x6780] =	vst v63  }
0x13f: {  	s0 =	sadd.s32 $0x300, s5;
	s1 =	simm.s32 $0x4000  }
0x140: {  	[hbm4b:s0+s2] =	stream.linear.scatter [tilespmem:s1], [sflag:$0x1], $0x80, $0x38;
	[tilespmem:$0x6780] =	vst v63  }
0x141: {  	s0 =	sadd.s32 $0x380, s5;
	s1 =	simm.s32 $0x4400  }
0x142: {  	[hbm4b:s0+s2] =	stream.linear.scatter [tilespmem:s1], [sflag:$0x1], $0x80, $0x38;
	[tilespmem:$0x6780] =	vst v63  }
0x143: {  	s0 =	sadd.s32 $0x400, s5;
	s1 =	simm.s32 $0x4800  }
0x144: {  	[hbm4b:s0+s2] =	stream.linear.scatter [tilespmem:s1], [sflag:$0x1], $0x80, $0x38;
	[tilespmem:$0x6780] =	vst v63  }
0x145: {  	s0 =	sadd.s32 $0x480, s5;
	s1 =	simm.s32 $0x4C00  }
0x146: {  	[hbm4b:s0+s2] =	stream.linear.scatter [tilespmem:s1], [sflag:$0x1], $0x80, $0x38;
	[tilespmem:$0x6780] =	vst v63  }
0x147: {  	s0 =	sadd.s32 $0x500, s5;
	s1 =	simm.s32 $0x5000  }
0x148: {  	[hbm4b:s0+s2] =	stream.linear.scatter [tilespmem:s1], [sflag:$0x1], $0x80, $0x38;
	[tilespmem:$0x6780] =	vst v63  }
0x149: {  	s0 =	sadd.s32 $0x580, s5;
	s1 =	simm.s32 $0x5400  }
0x14a: {  	[hbm4b:s0+s2] =	stream.linear.scatter [tilespmem:s1], [sflag:$0x1], $0x80, $0x38;
	[tilespmem:$0x6780] =	vst v63  }
0x14b: {  	s0 =	sadd.s32 $0x600, s5;
	s1 =	simm.s32 $0x5800  }
0x14c: {  	[hbm4b:s0+s2] =	stream.linear.scatter [tilespmem:s1], [sflag:$0x1], $0x80, $0x38;
	[tilespmem:$0x6780] =	vst v63  }
0x14d: {  	s0 =	sadd.s32 $0x680, s5;
	s1 =	simm.s32 $0x5C00  }
0x14e: {  	[hbm4b:s0+s2] =	stream.linear.scatter [tilespmem:s1], [sflag:$0x1], $0x80, $0x38;
	[tilespmem:$0x6780] =	vst v63  }
0x14f: {  	s0 =	sadd.s32 $0x700, s5;
	s1 =	simm.s32 $0x6000  }
0x150: {  	[hbm4b:s0+s2] =	stream.linear.scatter [tilespmem:s1], [sflag:$0x1], $0x80, $0x38;
	[tilespmem:$0x6780] =	vst v63  }
0x151: {  	s0 =	sadd.s32 $0x780, s5;
	s1 =	simm.s32 $0x6400  }
0x152: {  	[hbm4b:s0+s2] =	stream.linear.scatter [tilespmem:s1], [sflag:$0x1], $0x80, $0x38;
	[tilespmem:$0x6780] =	vst v63  }
0x153: {  	_ =	swait.ge [sflag:s18], $0x800  }
0x154: {  	[sflag:s18] =	ssyncset.done $0x0  }
0x155: {  	s1 =	simm.s32 $0x2880;
	[sflag:s18] =	ssyncadd.s32 $0xFFFFF800  }
0x156: {  	[hbm4b:s6+s2] =	stream.linear.scatter [tilespmem:s1], [sflag:$0x1], $0x80, $0x38;
	[tilespmem:$0x6780] =	vst v63  }
0x157: {  	s0 =	sadd.s32 $0x80, s6;
	s1 =	simm.s32 $0x2C80  }
0x158: {  	[hbm4b:s0+s2] =	stream.linear.scatter [tilespmem:s1], [sflag:$0x1], $0x80, $0x38;
	[tilespmem:$0x6780] =	vst v63  }
0x159: {  	s0 =	sadd.s32 $0x100, s6;
	s1 =	simm.s32 $0x3080  }
0x15a: {  	[hbm4b:s0+s2] =	stream.linear.scatter [tilespmem:s1], [sflag:$0x1], $0x80, $0x38;
	[tilespmem:$0x6780] =	vst v63  }
0x15b: {  	s0 =	sadd.s32 $0x180, s6;
	s1 =	simm.s32 $0x3480  }
0x15c: {  	[hbm4b:s0+s2] =	stream.linear.scatter [tilespmem:s1], [sflag:$0x1], $0x80, $0x38;
	[tilespmem:$0x6780] =	vst v63  }
0x15d: {  	s0 =	sadd.s32 $0x200, s6;
	s1 =	simm.s32 $0x3880  }
0x15e: {  	[hbm4b:s0+s2] =	stream.linear.scatter [tilespmem:s1], [sflag:$0x1], $0x80, $0x38;
	[tilespmem:$0x6780] =	vst v63  }
0x15f: {  	s0 =	sadd.s32 $0x280, s6;
	s1 =	simm.s32 $0x3C80  }
0x160: {  	[hbm4b:s0+s2] =	stream.linear.scatter [tilespmem:s1], [sflag:$0x1], $0x80, $0x38;
	[tilespmem:$0x6780] =	vst v63  }
0x161: {  	s0 =	sadd.s32 $0x300, s6;
	s1 =	simm.s32 $0x4080  }
0x162: {  	[hbm4b:s0+s2] =	stream.linear.scatter [tilespmem:s1], [sflag:$0x1], $0x80, $0x38;
	[tilespmem:$0x6780] =	vst v63  }
0x163: {  	s0 =	sadd.s32 $0x380, s6;
	s1 =	simm.s32 $0x4480  }
0x164: {  	[hbm4b:s0+s2] =	stream.linear.scatter [tilespmem:s1], [sflag:$0x1], $0x80, $0x38;
	[tilespmem:$0x6780] =	vst v63  }
0x165: {  	s0 =	sadd.s32 $0x400, s6;
	s1 =	simm.s32 $0x4880  }
0x166: {  	[hbm4b:s0+s2] =	stream.linear.scatter [tilespmem:s1], [sflag:$0x1], $0x80, $0x38;
	[tilespmem:$0x6780] =	vst v63  }
0x167: {  	s0 =	sadd.s32 $0x480, s6;
	s1 =	simm.s32 $0x4C80  }
0x168: {  	[hbm4b:s0+s2] =	stream.linear.scatter [tilespmem:s1], [sflag:$0x1], $0x80, $0x38;
	[tilespmem:$0x6780] =	vst v63  }
0x169: {  	s0 =	sadd.s32 $0x500, s6;
	s1 =	simm.s32 $0x5080  }
0x16a: {  	[hbm4b:s0+s2] =	stream.linear.scatter [tilespmem:s1], [sflag:$0x1], $0x80, $0x38;
	[tilespmem:$0x6780] =	vst v63  }
0x16b: {  	s0 =	sadd.s32 $0x580, s6;
	s1 =	simm.s32 $0x5480  }
0x16c: {  	[hbm4b:s0+s2] =	stream.linear.scatter [tilespmem:s1], [sflag:$0x1], $0x80, $0x38;
	[tilespmem:$0x6780] =	vst v63  }
0x16d: {  	s0 =	sadd.s32 $0x600, s6;
	s1 =	simm.s32 $0x5880  }
0x16e: {  	[hbm4b:s0+s2] =	stream.linear.scatter [tilespmem:s1], [sflag:$0x1], $0x80, $0x38;
	[tilespmem:$0x6780] =	vst v63  }
0x16f: {  	s0 =	sadd.s32 $0x680, s6;
	s1 =	simm.s32 $0x5C80  }
0x170: {  	[hbm4b:s0+s2] =	stream.linear.scatter [tilespmem:s1], [sflag:$0x1], $0x80, $0x38;
	[tilespmem:$0x6780] =	vst v63  }
0x171: {  	s0 =	sadd.s32 $0x700, s6;
	s1 =	simm.s32 $0x6080  }
0x172: {  	[hbm4b:s0+s2] =	stream.linear.scatter [tilespmem:s1], [sflag:$0x1], $0x80, $0x38;
	[tilespmem:$0x6780] =	vst v63  }
0x173: {  	s0 =	sadd.s32 $0x780, s6;
	s1 =	simm.s32 $0x6480  }
0x174: {  	[hbm4b:s0+s2] =	stream.linear.scatter [tilespmem:s1], [sflag:$0x1], $0x80, $0x38;
	[tilespmem:$0x6780] =	vst v63  }
0x175: {  	_ =	swait.ge [sflag:s18], $0x800  }
0x176: {  	[sflag:s18] =	ssyncset.done $0x0  }
0x177: {  	s1 =	simm.s32 $0x2900;
	[sflag:s18] =	ssyncadd.s32 $0xFFFFF800  }
0x178: {  	[hbm4b:s7+s2] =	stream.linear.scatter [tilespmem:s1], [sflag:$0x1], $0x80, $0x38;
	[tilespmem:$0x6780] =	vst v63  }
0x179: {  	s0 =	sadd.s32 $0x80, s7;
	s1 =	simm.s32 $0x2D00  }
0x17a: {  	[hbm4b:s0+s2] =	stream.linear.scatter [tilespmem:s1], [sflag:$0x1], $0x80, $0x38;
	[tilespmem:$0x6780] =	vst v63  }
0x17b: {  	s0 =	sadd.s32 $0x100, s7;
	s1 =	simm.s32 $0x3100  }
0x17c: {  	[hbm4b:s0+s2] =	stream.linear.scatter [tilespmem:s1], [sflag:$0x1], $0x80, $0x38;
	[tilespmem:$0x6780] =	vst v63  }
0x17d: {  	s0 =	sadd.s32 $0x180, s7;
	s1 =	simm.s32 $0x3500  }
0x17e: {  	[hbm4b:s0+s2] =	stream.linear.scatter [tilespmem:s1], [sflag:$0x1], $0x80, $0x38;
	[tilespmem:$0x6780] =	vst v63  }
0x17f: {  	s0 =	sadd.s32 $0x200, s7;
	s1 =	simm.s32 $0x3900  }
0x180: {  	[hbm4b:s0+s2] =	stream.linear.scatter [tilespmem:s1], [sflag:$0x1], $0x80, $0x38;
	[tilespmem:$0x6780] =	vst v63  }
0x181: {  	s0 =	sadd.s32 $0x280, s7;
	s1 =	simm.s32 $0x3D00  }
0x182: {  	[hbm4b:s0+s2] =	stream.linear.scatter [tilespmem:s1], [sflag:$0x1], $0x80, $0x38;
	[tilespmem:$0x6780] =	vst v63  }
0x183: {  	s0 =	sadd.s32 $0x300, s7;
	s1 =	simm.s32 $0x4100  }
0x184: {  	[hbm4b:s0+s2] =	stream.linear.scatter [tilespmem:s1], [sflag:$0x1], $0x80, $0x38;
	[tilespmem:$0x6780] =	vst v63  }
0x185: {  	s0 =	sadd.s32 $0x380, s7;
	s1 =	simm.s32 $0x4500  }
0x186: {  	[hbm4b:s0+s2] =	stream.linear.scatter [tilespmem:s1], [sflag:$0x1], $0x80, $0x38;
	[tilespmem:$0x6780] =	vst v63  }
0x187: {  	s0 =	sadd.s32 $0x400, s7;
	s1 =	simm.s32 $0x4900  }
0x188: {  	[hbm4b:s0+s2] =	stream.linear.scatter [tilespmem:s1], [sflag:$0x1], $0x80, $0x38;
	[tilespmem:$0x6780] =	vst v63  }
0x189: {  	s0 =	sadd.s32 $0x480, s7;
	s1 =	simm.s32 $0x4D00  }
0x18a: {  	[hbm4b:s0+s2] =	stream.linear.scatter [tilespmem:s1], [sflag:$0x1], $0x80, $0x38;
	[tilespmem:$0x6780] =	vst v63  }
0x18b: {  	s0 =	sadd.s32 $0x500, s7;
	s1 =	simm.s32 $0x5100  }
0x18c: {  	[hbm4b:s0+s2] =	stream.linear.scatter [tilespmem:s1], [sflag:$0x1], $0x80, $0x38;
	[tilespmem:$0x6780] =	vst v63  }
0x18d: {  	s0 =	sadd.s32 $0x580, s7;
	s1 =	simm.s32 $0x5500  }
0x18e: {  	[hbm4b:s0+s2] =	stream.linear.scatter [tilespmem:s1], [sflag:$0x1], $0x80, $0x38;
	[tilespmem:$0x6780] =	vst v63  }
0x18f: {  	s0 =	sadd.s32 $0x600, s7;
	s1 =	simm.s32 $0x5900  }
0x190: {  	[hbm4b:s0+s2] =	stream.linear.scatter [tilespmem:s1], [sflag:$0x1], $0x80, $0x38;
	[tilespmem:$0x6780] =	vst v63  }
0x191: {  	s0 =	sadd.s32 $0x680, s7;
	s1 =	simm.s32 $0x5D00  }
0x192: {  	[hbm4b:s0+s2] =	stream.linear.scatter [tilespmem:s1], [sflag:$0x1], $0x80, $0x38;
	[tilespmem:$0x6780] =	vst v63  }
0x193: {  	s0 =	sadd.s32 $0x700, s7;
	s1 =	simm.s32 $0x6100  }
0x194: {  	[hbm4b:s0+s2] =	stream.linear.scatter [tilespmem:s1], [sflag:$0x1], $0x80, $0x38;
	[tilespmem:$0x6780] =	vst v63  }
0x195: {  	s0 =	sadd.s32 $0x780, s7;
	s1 =	simm.s32 $0x6500  }
0x196: {  	[hbm4b:s0+s2] =	stream.linear.scatter [tilespmem:s1], [sflag:$0x1], $0x80, $0x38;
	[tilespmem:$0x6780] =	vst v63  }
0x197: {  	_ =	swait.ge [sflag:s18], $0x800  }
0x198: {  	[sflag:s18] =	ssyncset.done $0x0  }
0x199: {  	s1 =	simm.s32 $0x2980;
	[sflag:s18] =	ssyncadd.s32 $0xFFFFF800  }
0x19a: {  	[hbm4b:s8+s2] =	stream.linear.scatter [tilespmem:s1], [sflag:$0x1], $0x80, $0x38;
	[tilespmem:$0x6780] =	vst v63  }
0x19b: {  	s0 =	sadd.s32 $0x80, s8;
	s1 =	simm.s32 $0x2D80  }
0x19c: {  	[hbm4b:s0+s2] =	stream.linear.scatter [tilespmem:s1], [sflag:$0x1], $0x80, $0x38;
	[tilespmem:$0x6780] =	vst v63  }
0x19d: {  	s1 =	sadd.s32 $0x100, s8  }
0x19e: {  	[hbm4b:s1+s2] =	stream.linear.scatter [tilespmem:s16], [sflag:$0x1], $0x80, $0x38;
	[tilespmem:$0x6780] =	vst v63  }
0x19f: {  	s1 =	sadd.s32 $0x180, s8  }
0x1a0: {  	[hbm4b:s1+s2] =	stream.linear.scatter [tilespmem:s17], [sflag:$0x1], $0x80, $0x38;
	[tilespmem:$0x6780] =	vst v63  }
0x1a1: {  	s1 =	sadd.s32 $0x200, s8  }
0x1a2: {  	[hbm4b:s1+s2] =	stream.linear.scatter [tilespmem:s20], [sflag:$0x1], $0x80, $0x38;
	[tilespmem:$0x6780] =	vst v63  }
0x1a3: {  	s1 =	sadd.s32 $0x280, s8  }
0x1a4: {  	[hbm4b:s1+s2] =	stream.linear.scatter [tilespmem:s21], [sflag:$0x1], $0x80, $0x38;
	[tilespmem:$0x6780] =	vst v63  }
0x1a5: {  	s1 =	sadd.s32 $0x300, s8  }
0x1a6: {  	[hbm4b:s1+s2] =	stream.linear.scatter [tilespmem:s9], [sflag:$0x1], $0x80, $0x38;
	[tilespmem:$0x6780] =	vst v63  }
0x1a7: {  	s1 =	sadd.s32 $0x380, s8  }
0x1a8: {  	[hbm4b:s1+s2] =	stream.linear.scatter [tilespmem:s22], [sflag:$0x1], $0x80, $0x38;
	[tilespmem:$0x6780] =	vst v63  }
0x1a9: {  	s1 =	sadd.s32 $0x400, s8  }
0x1aa: {  	[hbm4b:s1+s2] =	stream.linear.scatter [tilespmem:s23], [sflag:$0x1], $0x80, $0x38;
	[tilespmem:$0x6780] =	vst v63  }
0x1ab: {  	s1 =	sadd.s32 $0x480, s8  }
0x1ac: {  	[hbm4b:s1+s2] =	stream.linear.scatter [tilespmem:s24], [sflag:$0x1], $0x80, $0x38;
	[tilespmem:$0x6780] =	vst v63  }
0x1ad: {  	s1 =	sadd.s32 $0x500, s8  }
0x1ae: {  	[hbm4b:s1+s2] =	stream.linear.scatter [tilespmem:s25], [sflag:$0x1], $0x80, $0x38;
	[tilespmem:$0x6780] =	vst v63  }
0x1af: {  	s1 =	sadd.s32 $0x580, s8  }
0x1b0: {  	[hbm4b:s1+s2] =	stream.linear.scatter [tilespmem:s26], [sflag:$0x1], $0x80, $0x38;
	[tilespmem:$0x6780] =	vst v63  }
0x1b1: {  	s1 =	sadd.s32 $0x600, s8  }
0x1b2: {  	[hbm4b:s1+s2] =	stream.linear.scatter [tilespmem:s28], [sflag:$0x1], $0x80, $0x38;
	[tilespmem:$0x6780] =	vst v63  }
0x1b3: {  	s1 =	sadd.s32 $0x680, s8  }
0x1b4: {  	[hbm4b:s1+s2] =	stream.linear.scatter [tilespmem:s15], [sflag:$0x1], $0x80, $0x38;
	[tilespmem:$0x6780] =	vst v63  }
0x1b5: {  	s1 =	sadd.s32 $0x700, s8  }
0x1b6: {  	[hbm4b:s1+s2] =	stream.linear.scatter [tilespmem:s29], [sflag:$0x1], $0x80, $0x38;
	[tilespmem:$0x6780] =	vst v63  }
0x1b7: {  	s1 =	sadd.s32 $0x780, s8  }
0x1b8: {  	[hbm4b:s1+s2] =	stream.linear.scatter [tilespmem:s3], [sflag:$0x1], $0x80, $0x38;
	[tilespmem:$0x6780] =	vst v63  }
0x1b9: {  	_ =	swait.ge [sflag:s18], $0x800  }
0x1ba: {  	[sflag:s18] =	ssyncset.done $0x0  }
0x1bb: {  	s0 =	simm.s32 $0x27C0;
	[sflag:s18] =	ssyncadd.s32 $0xFFFFF800  }
0x1bc: {  	[tilespmem:s0+$0xFFFFFFC0] =	vst v0  }
0x1bd: {  	[tilespmem:s0+$0x30] =	vst v0  }
0x1be: {  	[tilespmem:s0+$0x20] =	vst v0  }
0x1bf: {  	[tilespmem:s0+$0x10] =	vst v0  }
0x1c0: {  	[tilespmem:s0+$0x0] =	vst v0  }
0x1c1: {  	[tilespmem:s0+$0xFFFFFFF0] =	vst v0  }
0x1c2: {  	s31 =	simm.s32 $0x0;
	[tilespmem:s0+$0xFFFFFFE0] =	vst v0  }
.LBB2_24:
0x1c3: {  	s31 =	sadd.s32 $0x8, s31;
	[tilespmem:s0+$0xFFFFFFD0] =	vst v0;
	s0 =	sadd.s32 $0x400, s0  }
0x1c4: {  	[tilespmem:s0+$0xFFFFFFC0] =	vst v0;
	p0 =	slt.u32 s31, $0x70  }
0x1c5: {  	[tilespmem:s0+$0x30] =	vst v0  }
.Ltmp11:
0x1c6: {  	[tilespmem:s0+$0x20] =	vst v0;
	(pc) =	sbr.rel @p0 .LBB2_24-.Ltmp11, $4  }
0x1c7: {  	[tilespmem:s0+$0x10] =	vst v0  }
0x1c8: {  	[tilespmem:s0+$0x0] =	vst v0  }
0x1c9: {  	[tilespmem:s0+$0xFFFFFFF0] =	vst v0  }
0x1ca: {  	s1 =	simm.s32 $0x2780;
	[tilespmem:s0+$0xFFFFFFE0] =	vst v0  }
0x1cb: {  	[tilespmem:s0+$0xFFFFFFD0] =	vst v0;
	s0 =	simm.s32 $0x3C00  }
.LBB2_26:
0x1cc: {  	p0 =	sne.s32 s0, $0x3E00  }
.Ltmp12:
0x1cd: {  	_ = 	snop;
	(pc) =	sbr.rel @p0 .LBB2_26-.Ltmp12, $4  }
0x1ce: {  	_ = 	snop  }
0x1cf: {  	s31 =	sand.u32 $0x3FFFFC00, s0  }
0x1d0: {  	s31 =	sadd.s32 s31, s1  }
0x1d1: {  	s0 =	sadd.s32 $0x80, s0;
	s1 =	sadd.s32 $0x10, s1;
	[tilespmem:s31+$0x0] =	vst v0  }
0x1d2: {  	s0 =	simm.s32 $0x2870  }
0x1d3: {  	[tilespmem:s0+$0xFFFFFF90] =	vst v0  }
0x1d4: {  	[tilespmem:s0+$0x0] =	vst v0  }
0x1d5: {  	[tilespmem:s0+$0xFFFFFFF0] =	vst v0  }
0x1d6: {  	[tilespmem:s0+$0xFFFFFFE0] =	vst v0  }
0x1d7: {  	[tilespmem:s0+$0xFFFFFFD0] =	vst v0  }
0x1d8: {  	[tilespmem:s0+$0xFFFFFFC0] =	vst v0  }
0x1d9: {  	s31 =	simm.s32 $0x0;
	[tilespmem:s0+$0xFFFFFFB0] =	vst v0  }
.LBB2_28:
0x1da: {  	s31 =	sadd.s32 $0x8, s31;
	[tilespmem:s0+$0xFFFFFFA0] =	vst v0;
	s0 =	sadd.s32 $0x400, s0  }
0x1db: {  	[tilespmem:s0+$0xFFFFFF90] =	vst v0;
	p0 =	slt.u32 s31, $0x70  }
0x1dc: {  	[tilespmem:s0+$0x0] =	vst v0  }
.Ltmp13:
0x1dd: {  	[tilespmem:s0+$0xFFFFFFF0] =	vst v0;
	(pc) =	sbr.rel @p0 .LBB2_28-.Ltmp13, $4  }
0x1de: {  	[tilespmem:s0+$0xFFFFFFE0] =	vst v0  }
0x1df: {  	[tilespmem:s0+$0xFFFFFFD0] =	vst v0  }
0x1e0: {  	[tilespmem:s0+$0xFFFFFFC0] =	vst v0  }
0x1e1: {  	s1 =	simm.s32 $0x2800;
	[tilespmem:s0+$0xFFFFFFB0] =	vst v0  }
0x1e2: {  	[tilespmem:s0+$0xFFFFFFA0] =	vst v0;
	s0 =	simm.s32 $0x3C00  }
.LBB2_30:
0x1e3: {  	p0 =	sne.s32 s0, $0x3E00  }
.Ltmp14:
0x1e4: {  	_ = 	snop;
	(pc) =	sbr.rel @p0 .LBB2_30-.Ltmp14, $4  }
0x1e5: {  	_ = 	snop  }
0x1e6: {  	s31 =	sand.u32 $0x3FFFFC00, s0  }
0x1e7: {  	s31 =	sadd.s32 s31, s1  }
0x1e8: {  	s0 =	sadd.s32 $0x80, s0;
	s1 =	sadd.s32 $0x10, s1;
	[tilespmem:s31+$0x0] =	vst v0  }
0x1e9: {  	s0 =	simm.s32 $0x28F0  }
0x1ea: {  	[tilespmem:s0+$0xFFFFFF90] =	vst v0  }
0x1eb: {  	[tilespmem:s0+$0x0] =	vst v0  }
0x1ec: {  	[tilespmem:s0+$0xFFFFFFF0] =	vst v0  }
0x1ed: {  	[tilespmem:s0+$0xFFFFFFE0] =	vst v0  }
0x1ee: {  	[tilespmem:s0+$0xFFFFFFD0] =	vst v0  }
0x1ef: {  	[tilespmem:s0+$0xFFFFFFC0] =	vst v0  }
0x1f0: {  	s31 =	simm.s32 $0x0;
	[tilespmem:s0+$0xFFFFFFB0] =	vst v0  }
.LBB2_32:
0x1f1: {  	s31 =	sadd.s32 $0x8, s31;
	[tilespmem:s0+$0xFFFFFFA0] =	vst v0;
	s0 =	sadd.s32 $0x400, s0  }
0x1f2: {  	[tilespmem:s0+$0xFFFFFF90] =	vst v0;
	p0 =	slt.u32 s31, $0x70  }
0x1f3: {  	[tilespmem:s0+$0x0] =	vst v0  }
.Ltmp15:
0x1f4: {  	[tilespmem:s0+$0xFFFFFFF0] =	vst v0;
	(pc) =	sbr.rel @p0 .LBB2_32-.Ltmp15, $4  }
0x1f5: {  	[tilespmem:s0+$0xFFFFFFE0] =	vst v0  }
0x1f6: {  	[tilespmem:s0+$0xFFFFFFD0] =	vst v0  }
0x1f7: {  	[tilespmem:s0+$0xFFFFFFC0] =	vst v0  }
0x1f8: {  	s1 =	simm.s32 $0x2880;
	[tilespmem:s0+$0xFFFFFFB0] =	vst v0  }
0x1f9: {  	[tilespmem:s0+$0xFFFFFFA0] =	vst v0;
	s0 =	simm.s32 $0x3C00  }
.LBB2_34:
0x1fa: {  	p0 =	sne.s32 s0, $0x3E00  }
.Ltmp16:
0x1fb: {  	_ = 	snop;
	(pc) =	sbr.rel @p0 .LBB2_34-.Ltmp16, $4  }
0x1fc: {  	_ = 	snop  }
0x1fd: {  	s31 =	sand.u32 $0x3FFFFC00, s0  }
0x1fe: {  	s31 =	sadd.s32 s31, s1  }
0x1ff: {  	s0 =	sadd.s32 $0x80, s0;
	s1 =	sadd.s32 $0x10, s1;
	[tilespmem:s31+$0x0] =	vst v0  }
0x200: {  	s0 =	simm.s32 $0x2970  }
0x201: {  	[tilespmem:s0+$0xFFFFFF90] =	vst v0  }
0x202: {  	[tilespmem:s0+$0x0] =	vst v0  }
0x203: {  	[tilespmem:s0+$0xFFFFFFF0] =	vst v0  }
0x204: {  	[tilespmem:s0+$0xFFFFFFE0] =	vst v0  }
0x205: {  	[tilespmem:s0+$0xFFFFFFD0] =	vst v0  }
0x206: {  	[tilespmem:s0+$0xFFFFFFC0] =	vst v0  }
0x207: {  	s31 =	simm.s32 $0x0;
	[tilespmem:s0+$0xFFFFFFB0] =	vst v0  }
.LBB2_36:
0x208: {  	s31 =	sadd.s32 $0x8, s31;
	[tilespmem:s0+$0xFFFFFFA0] =	vst v0;
	s0 =	sadd.s32 $0x400, s0  }
0x209: {  	[tilespmem:s0+$0xFFFFFF90] =	vst v0;
	p0 =	slt.u32 s31, $0x70  }
0x20a: {  	[tilespmem:s0+$0x0] =	vst v0  }
.Ltmp17:
0x20b: {  	[tilespmem:s0+$0xFFFFFFF0] =	vst v0;
	(pc) =	sbr.rel @p0 .LBB2_36-.Ltmp17, $4  }
0x20c: {  	[tilespmem:s0+$0xFFFFFFE0] =	vst v0  }
0x20d: {  	[tilespmem:s0+$0xFFFFFFD0] =	vst v0  }
0x20e: {  	[tilespmem:s0+$0xFFFFFFC0] =	vst v0  }
0x20f: {  	s1 =	simm.s32 $0x2900;
	[tilespmem:s0+$0xFFFFFFB0] =	vst v0  }
0x210: {  	[tilespmem:s0+$0xFFFFFFA0] =	vst v0;
	s0 =	simm.s32 $0x3C00  }
.LBB2_38:
0x211: {  	p0 =	sne.s32 s0, $0x3E00  }
.Ltmp18:
0x212: {  	_ = 	snop;
	(pc) =	sbr.rel @p0 .LBB2_38-.Ltmp18, $4  }
0x213: {  	_ = 	snop  }
0x214: {  	s31 =	sand.u32 $0x3FFFFC00, s0  }
0x215: {  	s31 =	sadd.s32 s31, s1  }
0x216: {  	s0 =	sadd.s32 $0x80, s0;
	s1 =	sadd.s32 $0x10, s1;
	[tilespmem:s31+$0x0] =	vst v0  }
0x217: {  	s0 =	simm.s32 $0x29F0  }
0x218: {  	[tilespmem:s0+$0xFFFFFF90] =	vst v0  }
0x219: {  	[tilespmem:s0+$0x0] =	vst v0  }
0x21a: {  	[tilespmem:s0+$0xFFFFFFF0] =	vst v0  }
0x21b: {  	[tilespmem:s0+$0xFFFFFFE0] =	vst v0  }
0x21c: {  	[tilespmem:s0+$0xFFFFFFD0] =	vst v0  }
0x21d: {  	[tilespmem:s0+$0xFFFFFFC0] =	vst v0  }
0x21e: {  	s31 =	simm.s32 $0x0;
	[tilespmem:s0+$0xFFFFFFB0] =	vst v0  }
.LBB2_40:
0x21f: {  	s31 =	sadd.s32 $0x8, s31;
	[tilespmem:s0+$0xFFFFFFA0] =	vst v0;
	s0 =	sadd.s32 $0x400, s0  }
0x220: {  	[tilespmem:s0+$0xFFFFFF90] =	vst v0;
	p0 =	slt.u32 s31, $0x70  }
0x221: {  	[tilespmem:s0+$0x0] =	vst v0  }
.Ltmp19:
0x222: {  	[tilespmem:s0+$0xFFFFFFF0] =	vst v0;
	(pc) =	sbr.rel @p0 .LBB2_40-.Ltmp19, $4  }
0x223: {  	[tilespmem:s0+$0xFFFFFFE0] =	vst v0  }
0x224: {  	[tilespmem:s0+$0xFFFFFFD0] =	vst v0  }
0x225: {  	[tilespmem:s0+$0xFFFFFFC0] =	vst v0  }
0x226: {  	s1 =	simm.s32 $0x2980;
	[tilespmem:s0+$0xFFFFFFB0] =	vst v0  }
0x227: {  	[tilespmem:s0+$0xFFFFFFA0] =	vst v0;
	s0 =	simm.s32 $0x3C00  }
.LBB2_42:
0x228: {  	p0 =	sne.s32 s0, $0x3E00  }
.Ltmp20:
0x229: {  	_ = 	snop;
	(pc) =	sbr.rel @p0 .LBB2_42-.Ltmp20, $4  }
0x22a: {  	_ = 	snop  }
0x22b: {  	s31 =	sand.u32 $0x3FFFFC00, s0  }
0x22c: {  	s31 =	sadd.s32 s31, s1  }
0x22d: {  	s0 =	sadd.s32 $0x80, s0;
	s1 =	sadd.s32 $0x10, s1;
	[tilespmem:s31+$0x0] =	vst v0  }
0x22e: {  	s0 =	rddreg [dreg:$0x3];
	s1 =	simm.s32 $0x80;
	s31 =	simm.s32 $0x400  }
0x22f: {  	[tilespmem:s2], [sflag:$0x1] =	stream.strided.gather [hbm4b:s0+s1], $0x2780, s31, s1, $0x38;
	[tilespmem:$0x6780] =	vst v63  }
0x230: {  	_ =	swait.ge [sflag:s18], $0x2780  }
0x231: {  	[sflag:s18] =	ssyncset.done $0x0  }
0x232: {  	s1 =	simm.s32 $0x40;
	[sflag:s18] =	ssyncadd.s32 $0xFFFFD880  }
0x233: {  	v3 =	vld [tilespmem:s1+$0x30]  }
0x234: {  	v5 =	vld [tilespmem:s1+$0xFFFFFFE0]  }
0x235: {  	v6 =	vld [tilespmem:s1+$0xFFFFFFF0]  }
0x236: {  	v7 =	vld [tilespmem:s1+$0x0]  }
0x237: {  	v10 =	vld [tilespmem:s1+$0xFFFFFFC0]  }
0x238: {  	v12 =	vld [tilespmem:s1+$0x20];
	_ =	sdelay $0x1  }
0x239: {  	vm0 =	vgt.s32 v3, $0x7CF;
	vm1 =	vgt.s32 v3, $0xF9F  }
0x23a: {  	v4 =	vld [tilespmem:s1+$0xFFFFFFD0];
	vm7 =	vgt.s32 v3, $0x176F;
	vm8 =	vgt.s32 v3, $0x1F3F;
	vm2 =	vgt.s32 v5, $0x7CF  }
0x23b: {  	vm3 =	vgt.s32 v5, $0xF9F;
	vm4 =	vgt.s32 v6, $0x7CF;
	vm5 =	vgt.s32 v6, $0xF9F  }
0x23c: {  	vm6 =	vgt.s32 v7, $0x7CF;
	vm9 =	vgt.s32 v10, $0xF9F;
	vm12 =	vgt.s32 v12, $0xF9F  }
0x23d: {  	vm13 =	vgt.s32 v7, $0x176F;
	v8 =	vsel vm0, $0x1, v1;
	v9 =	vsel vm1, $0x1, v1  }
0x23e: {  	vm15 =	vgt.s32 v12, $0x176F;
	v8 =	vadd.s32 v9, v8;
	v9 =	vsel vm7, $0x1, v1  }
0x23f: {  	vm1 =	vgt.s32 v4, $0x7CF;
	v8 =	vadd.s32 v9, v8;
	v9 =	vsel vm8, $0x1, v1  }
0x240: {  	vm0 =	vgt.s32 v4, $0xF9F;
	v14 =	vsel vm2, $0x1, v1;
	v8 =	vadd.s32 v9, v8  }
0x241: {  	v15 =	vsel vm3, $0x1, v1;
	v16 =	vsel vm4, $0x1, v1;
	v9 =	vld [tilespmem:s1+$0x10];
	v11 =	vmul.u32 $0xFFFFF830, v8  }
0x242: {  	v18 =	vsel vm5, $0x1, v1;
	v19 =	vsel vm6, $0x1, v1;
	vm7 =	vgt.s32 v7, $0xF9F  }
0x243: {  	v13 =	vsel vm0, $0x1, v1;
	vm8 =	vgt.s32 v10, $0x7CF;
	v3 =	vadd.s32 v3, v11  }
0x244: {  	v8 =	vshll.u32 v8, $0x7;
	v11 =	vand.u32 $0x7F, v3;
	v3 =	vshll.u32 v3, $0x3  }
0x245: {  	v20 =	vsel vm7, $0x1, v1;
	v8 =	vand.u32 $0x380, v8;
	v3 =	vand.u32 $0xFFFFFC00, v3  }
0x246: {  	v8 =	vor.u32 v8, v11;
	vm10 =	vgt.s32 v9, $0x7CF;
	vm11 =	vgt.s32 v9, $0xF9F  }
0x247: {  	v11 =	vsel vm1, $0x1, v1;
	vm14 =	vgt.s32 v9, $0x176F;
	v17 =	vor.u32 v3, v8  }
0x248: {  	v3 =	vsel vm8, $0x1, v1;
	vm8 =	vgt.s32 v12, $0x7CF;
	v8 =	vsel vm9, $0x1, v1  }
0x249: {  	v21 =	vsel vm10, $0x1, v1;
	v22 =	vsel vm11, $0x1, v1;
	vm9 =	vgt.s32 v10, $0x176F  }
0x24a: {  	vm10 =	vgt.s32 v4, $0x176F;
	vm11 =	vgt.s32 v5, $0x176F;
	v11 =	vadd.s32 v13, v11  }
0x24b: {  	v13 =	vadd.s32 v15, v14;
	v14 =	vadd.s32 v18, v16;
	v15 =	vadd.s32 v20, v19  }
0x24c: {  	v23 =	vsel vm8, $0x1, v1;
	v3 =	vadd.s32 v8, v3;
	v8 =	vsel vm12, $0x1, v1  }
0x24d: {  	vm12 =	vgt.s32 v6, $0x176F;
	v16 =	vadd.s32 v22, v21;
	v18 =	vsel vm9, $0x1, v1  }
0x24e: {  	v19 =	vsel vm10, $0x1, v1;
	v20 =	vsel vm11, $0x1, v1;
	v22 =	vsel vm13, $0x1, v1  }
0x24f: {  	vm9 =	vgt.s32 v10, $0x1F3F;
	vm10 =	vgt.s32 v4, $0x1F3F;
	vm11 =	vgt.s32 v5, $0x1F3F  }
0x250: {  	vm13 =	vgt.s32 v7, $0x1F3F;
	v8 =	vadd.s32 v8, v23;
	v21 =	vsel vm12, $0x1, v1  }
0x251: {  	v23 =	vsel vm14, $0x1, v1;
	v3 =	vadd.s32 v18, v3;
	v18 =	vsel vm15, $0x1, v1  }
0x252: {  	vm12 =	vgt.s32 v6, $0x1F3F;
	vm14 =	vgt.s32 v9, $0x1F3F;
	v11 =	vadd.s32 v19, v11  }
0x253: {  	vm15 =	vgt.s32 v12, $0x1F3F;
	v13 =	vadd.s32 v20, v13;
	v15 =	vadd.s32 v22, v15  }
0x254: {  	v19 =	vsel vm10, $0x1, v1;
	v20 =	vsel vm11, $0x1, v1;
	v22 =	vsel vm13, $0x1, v1  }
0x255: {  	v14 =	vadd.s32 v21, v14;
	v16 =	vadd.s32 v23, v16;
	v8 =	vadd.s32 v18, v8  }
0x256: {  	v18 =	vsel vm9, $0x1, v1;
	v21 =	vsel vm12, $0x1, v1;
	v23 =	vsel vm14, $0x1, v1  }
0x257: {  	v11 =	vadd.s32 v19, v11;
	v13 =	vadd.s32 v20, v13;
	v15 =	vadd.s32 v22, v15  }
0x258: {  	v3 =	vadd.s32 v18, v3;
	v18 =	vsel vm15, $0x1, v1;
	v14 =	vadd.s32 v21, v14  }
0x259: {  	v16 =	vadd.s32 v23, v16;
	v20 =	vmul.u32 $0xFFFFF830, v13;
	v22 =	vmul.u32 $0xFFFFF830, v15  }
0x25a: {  	v13 =	vshll.u32 v13, $0x7;
	v19 =	vmul.u32 $0xFFFFF830, v3;
	v8 =	vadd.s32 v18, v8  }
0x25b: {  	v18 =	vmul.u32 $0xFFFFF830, v11;
	v21 =	vmul.u32 $0xFFFFF830, v14;
	v23 =	vmul.u32 $0xFFFFF830, v16  }
0x25c: {  	v14 =	vshll.u32 v14, $0x7;
	v16 =	vshll.u32 v16, $0x7;
	v5 =	vadd.s32 v5, v20  }
0x25d: {  	v7 =	vadd.s32 v7, v22;
	v20 =	vshll.u32 v11, $0x7;
	v10 =	vadd.s32 v10, v19  }
0x25e: {  	v19 =	vmul.u32 $0xFFFFF830, v8;
	v4 =	vadd.s32 v4, v18;
	v6 =	vadd.s32 v6, v21  }
0x25f: {  	v9 =	vadd.s32 v9, v23;
	v18 =	vshll.u32 v3, $0x7;
	v21 =	vshll.u32 v8, $0x7  }
0x260: {  	v24 =	vand.u32 $0x7F, v5;
	v25 =	vshll.u32 v5, $0x3;
	v8 =	vshll.u32 v7, $0x3  }
0x261: {  	v11 =	vand.u32 $0x7F, v10;
	v10 =	vshll.u32 v10, $0x3;
	v22 =	vand.u32 $0x7F, v4  }
0x262: {  	v23 =	vshll.u32 v4, $0x3;
	v3 =	vand.u32 $0x7F, v6;
	v26 =	vshll.u32 v6, $0x3  }
0x263: {  	v6 =	vand.u32 $0x7F, v7;
	v4 =	vand.u32 $0x7F, v9;
	v7 =	vshll.u32 v9, $0x3  }
0x264: {  	v5 =	vand.u32 $0x380, v18;
	v18 =	vand.u32 $0x380, v20;
	v20 =	vand.u32 $0x380, v13  }
0x265: {  	[tilespmem:v17+s19+$0x0] =	vst.idx.add.f32.msk $0xffff, v2;
	v17 =	vand.u32 $0xFFFFFC00, v25;
	v12 =	vadd.s32 v12, v19;
	v19 =	vshll.u32 v15, $0x7  }
0x266: {  	v11 =	vor.u32 v5, v11;
	v15 =	vand.u32 $0x380, v14;
	v13 =	vand.u32 $0xFFFFFC00, v10  }
0x267: {  	v10 =	vand.u32 $0x380, v21;
	v20 =	vor.u32 v20, v24;
	v5 =	vand.u32 $0x7F, v12  }
0x268: {  	v9 =	vshll.u32 v12, $0x3;
	v14 =	vand.u32 $0x380, v19;
	v12 =	vand.u32 $0x380, v16  }
0x269: {  	s31 =	simm.s32 $0x0;
	s0 =	simm.s32 $0xC0;
	v16 =	vand.u32 $0xFFFFFC00, v23;
	v19 =	vor.u32 v18, v22;
	v18 =	vand.u32 $0xFFFFFC00, v26  }
.LBB2_44:
0x26a: {  	v21 =	vld [tilespmem:s0+$0x30];
	s31 =	sadd.s32 $0x8, s31;
	v15 =	vor.u32 v15, v3;
	v8 =	vand.u32 $0xFFFFFC00, v8;
	v6 =	vor.u32 v14, v6  }
0x26b: {  	v7 =	vand.u32 $0xFFFFFC00, v7;
	v12 =	vor.u32 v12, v4;
	v9 =	vand.u32 $0xFFFFFC00, v9;
	v3 =	vld [tilespmem:s0+$0xFFFFFFD0];
	p0 =	slt.u32 s31, $0x268  }
0x26c: {  	v11 =	vor.u32 v13, v11;
	v13 =	vor.u32 v16, v19;
	v10 =	vor.u32 v10, v5;
	v4 =	vld [tilespmem:s0+$0xFFFFFFE0]  }
0x26d: {  	v14 =	vor.u32 v17, v20;
	v15 =	vor.u32 v18, v15;
	v16 =	vor.u32 v8, v6;
	v5 =	vld [tilespmem:s0+$0xFFFFFFF0]  }
0x26e: {  	v12 =	vor.u32 v7, v12;
	v10 =	vor.u32 v9, v10;
	v6 =	vld [tilespmem:s0+$0x0]  }
0x26f: {  	v7 =	vld [tilespmem:s0+$0x10];
	vm0 =	vgt.s32 v21, $0x7CF;
	vm1 =	vgt.s32 v21, $0xF9F  }
0x270: {  	v8 =	vld [tilespmem:s0+$0x20];
	v17 =	vsel vm0, $0x1, v1;
	v18 =	vsel vm1, $0x1, v1;
	vm0 =	vgt.s32 v21, $0x176F  }
0x271: {  	vm1 =	vgt.s32 v21, $0x1F3F;
	v9 =	vld [tilespmem:s0+$0xFFFFFFC0];
	v17 =	vadd.s32 v18, v17;
	v18 =	vsel vm0, $0x1, v1  }
0x272: {  	vm0 =	vgt.s32 v3, $0x7CF;
	v17 =	vadd.s32 v18, v17;
	v18 =	vsel vm1, $0x1, v1;
	[tilespmem:v11+s19+$0x0] =	vst.idx.add.f32.msk $0xffff, v2  }
0x273: {  	vm2 =	vgt.s32 v3, $0xF9F;
	vm1 =	vgt.s32 v4, $0x7CF;
	v11 =	vadd.s32 v18, v17;
	[tilespmem:v13+s19+$0x0] =	vst.idx.add.f32.msk $0xffff, v2  }
0x274: {  	vm3 =	vgt.s32 v4, $0xF9F;
	vm4 =	vgt.s32 v5, $0x7CF;
	v13 =	vmul.u32 $0xFFFFF830, v11;
	[tilespmem:v14+s19+$0x0] =	vst.idx.add.f32.msk $0xffff, v2  }
0x275: {  	vm5 =	vgt.s32 v5, $0xF9F;
	vm6 =	vgt.s32 v6, $0x7CF;
	vm7 =	vgt.s32 v6, $0xF9F;
	[tilespmem:v15+s19+$0x0] =	vst.idx.add.f32.msk $0xffff, v2  }
0x276: {  	v11 =	vshll.u32 v11, $0x7;
	vm8 =	vgt.s32 v9, $0x7CF;
	v13 =	vadd.s32 v21, v13;
	[tilespmem:v16+s19+$0x0] =	vst.idx.add.f32.msk $0xffff, v2  }
0x277: {  	v11 =	vand.u32 $0x380, v11;
	v14 =	vand.u32 $0x7F, v13;
	v13 =	vshll.u32 v13, $0x3;
	[tilespmem:v12+s19+$0x0] =	vst.idx.add.f32.msk $0xffff, v2  }
0x278: {  	vm9 =	vgt.s32 v9, $0xF9F;
	v12 =	vand.u32 $0xFFFFFC00, v13;
	v11 =	vor.u32 v11, v14;
	[tilespmem:v10+s19+$0x0] =	vst.idx.add.f32.msk $0xffff, v2  }
0x279: {  	vm10 =	vgt.s32 v7, $0x7CF;
	vm11 =	vgt.s32 v7, $0xF9F;
	v10 =	vor.u32 v12, v11  }
0x27a: {  	vm12 =	vgt.s32 v8, $0xF9F;
	v11 =	vsel vm8, $0x1, v1;
	vm8 =	vgt.s32 v8, $0x7CF  }
0x27b: {  	v13 =	vsel vm0, $0x1, v1;
	v14 =	vsel vm2, $0x1, v1;
	v12 =	vsel vm9, $0x1, v1  }
0x27c: {  	v17 =	vsel vm4, $0x1, v1;
	v15 =	vsel vm1, $0x1, v1;
	v16 =	vsel vm3, $0x1, v1  }
0x27d: {  	v18 =	vsel vm5, $0x1, v1;
	v19 =	vsel vm6, $0x1, v1;
	v20 =	vsel vm7, $0x1, v1  }
0x27e: {  	v22 =	vsel vm11, $0x1, v1;
	v21 =	vsel vm10, $0x1, v1;
	v23 =	vsel vm8, $0x1, v1;
	[tilespmem:v10+s19+$0x0] =	vst.idx.add.f32.msk $0xffff, v2  }
0x27f: {  	vm1 =	vgt.s32 v3, $0x176F;
	vm0 =	vgt.s32 v9, $0x176F;
	v10 =	vsel vm12, $0x1, v1  }
0x280: {  	vm4 =	vgt.s32 v6, $0x176F;
	vm3 =	vgt.s32 v5, $0x176F;
	vm2 =	vgt.s32 v4, $0x176F  }
0x281: {  	vm5 =	vgt.s32 v7, $0x176F;
	vm6 =	vgt.s32 v8, $0x176F;
	v11 =	vadd.s32 v12, v11  }
0x282: {  	v12 =	vadd.s32 v14, v13;
	v13 =	vadd.s32 v16, v15;
	v14 =	vadd.s32 v18, v17  }
0x283: {  	v15 =	vadd.s32 v20, v19;
	v16 =	vadd.s32 v22, v21;
	v10 =	vadd.s32 v10, v23  }
0x284: {  	v17 =	vsel vm0, $0x1, v1;
	v18 =	vsel vm1, $0x1, v1;
	v19 =	vsel vm2, $0x1, v1  }
0x285: {  	v20 =	vsel vm3, $0x1, v1;
	v21 =	vsel vm4, $0x1, v1;
	v22 =	vsel vm5, $0x1, v1  }
0x286: {  	vm0 =	vgt.s32 v9, $0x1F3F;
	vm1 =	vgt.s32 v3, $0x1F3F;
	v23 =	vsel vm6, $0x1, v1  }
0x287: {  	vm2 =	vgt.s32 v4, $0x1F3F;
	vm3 =	vgt.s32 v5, $0x1F3F;
	vm4 =	vgt.s32 v6, $0x1F3F  }
0x288: {  	vm5 =	vgt.s32 v7, $0x1F3F;
	v11 =	vadd.s32 v17, v11;
	vm6 =	vgt.s32 v8, $0x1F3F  }
0x289: {  	v12 =	vadd.s32 v18, v12;
	v13 =	vadd.s32 v19, v13;
	v14 =	vadd.s32 v20, v14  }
0x28a: {  	v15 =	vadd.s32 v21, v15;
	v16 =	vadd.s32 v22, v16;
	v10 =	vadd.s32 v23, v10  }
0x28b: {  	v17 =	vsel vm0, $0x1, v1;
	v18 =	vsel vm1, $0x1, v1;
	v19 =	vsel vm2, $0x1, v1  }
0x28c: {  	v20 =	vsel vm3, $0x1, v1;
	v21 =	vsel vm4, $0x1, v1;
	v22 =	vsel vm5, $0x1, v1  }
0x28d: {  	v11 =	vadd.s32 v17, v11;
	v12 =	vadd.s32 v18, v12;
	v17 =	vsel vm6, $0x1, v1  }
0x28e: {  	v13 =	vadd.s32 v19, v13;
	v14 =	vadd.s32 v20, v14;
	v15 =	vadd.s32 v21, v15  }
0x28f: {  	v16 =	vadd.s32 v22, v16;
	v18 =	vmul.u32 $0xFFFFF830, v11;
	v10 =	vadd.s32 v17, v10  }
0x290: {  	v19 =	vmul.u32 $0xFFFFF830, v13;
	v20 =	vmul.u32 $0xFFFFF830, v14;
	v17 =	vmul.u32 $0xFFFFF830, v12  }
0x291: {  	v21 =	vmul.u32 $0xFFFFF830, v15;
	v22 =	vmul.u32 $0xFFFFF830, v16;
	v23 =	vmul.u32 $0xFFFFF830, v10  }
0x292: {  	v9 =	vadd.s32 v9, v18;
	v4 =	vadd.s32 v4, v19;
	v3 =	vadd.s32 v3, v17  }
0x293: {  	v5 =	vadd.s32 v5, v20;
	v7 =	vadd.s32 v7, v22;
	v17 =	vadd.s32 v6, v21  }
0x294: {  	v11 =	vshll.u32 v11, $0x7;
	v12 =	vshll.u32 v12, $0x7;
	v18 =	vadd.s32 v8, v23  }
0x295: {  	v13 =	vshll.u32 v13, $0x7;
	v14 =	vshll.u32 v14, $0x7;
	v19 =	vshll.u32 v15, $0x7  }
0x296: {  	v16 =	vshll.u32 v16, $0x7;
	v20 =	vand.u32 $0x7F, v9;
	v10 =	vshll.u32 v10, $0x7  }
0x297: {  	v21 =	vshll.u32 v9, $0x3;
	v22 =	vand.u32 $0x7F, v3;
	v23 =	vshll.u32 v3, $0x3  }
0x298: {  	v24 =	vand.u32 $0x7F, v4;
	v25 =	vshll.u32 v4, $0x3;
	v3 =	vand.u32 $0x7F, v5  }
0x299: {  	v26 =	vshll.u32 v5, $0x3;
	v6 =	vand.u32 $0x7F, v17;
	v8 =	vshll.u32 v17, $0x3  }
0x29a: {  	v4 =	vand.u32 $0x7F, v7;
	v7 =	vshll.u32 v7, $0x3;
	v5 =	vand.u32 $0x7F, v18  }
.Ltmp21:
0x29b: {  	v11 =	vand.u32 $0x380, v11;
	v17 =	vand.u32 $0x380, v12;
	v9 =	vshll.u32 v18, $0x3;
	(pc) =	sbr.rel @p0 .LBB2_44-.Ltmp21, $4  }
0x29c: {  	v15 =	vand.u32 $0x380, v14;
	v14 =	vand.u32 $0x380, v19;
	v18 =	vand.u32 $0x380, v13  }
0x29d: {  	v10 =	vand.u32 $0x380, v10;
	v12 =	vand.u32 $0x380, v16;
	v13 =	vand.u32 $0xFFFFFC00, v21  }
0x29e: {  	v11 =	vor.u32 v11, v20;
	v16 =	vand.u32 $0xFFFFFC00, v23;
	v19 =	vor.u32 v17, v22  }
0x29f: {  	s0 =	sadd.s32 $0x80, s0;
	v17 =	vand.u32 $0xFFFFFC00, v25;
	v20 =	vor.u32 v18, v24;
	v18 =	vand.u32 $0xFFFFFC00, v26  }
0x2a0: {  	v11 =	vor.u32 v13, v11  }
0x2a1: {  	v57 =	vor.u32 v16, v19  }
0x2a2: {  	v3 =	vor.u32 v15, v3;
	v58 =	vor.u32 v17, v20  }
0x2a3: {  	v8 =	vand.u32 $0xFFFFFC00, v8;
	v6 =	vor.u32 v14, v6;
	v3 =	vor.u32 v18, v3  }
0x2a4: {  	v7 =	vand.u32 $0xFFFFFC00, v7;
	v4 =	vor.u32 v12, v4;
	v6 =	vor.u32 v8, v6  }
0x2a5: {  	v59 =	vand.u32 $0xFFFFFC00, v9;
	v5 =	vor.u32 v10, v5;
	v4 =	vor.u32 v7, v4;
	[tilespmem:v11+s19+$0x0] =	vst.idx.add.f32.msk $0xffff, v2  }
0x2a6: {  	v5 =	vor.u32 v59, v5;
	[tilespmem:v57+s19+$0x0] =	vst.idx.add.f32.msk $0xffff, v2  }
0x2a7: {  	[tilespmem:v58+s19+$0x0] =	vst.idx.add.f32.msk $0xffff, v2  }
0x2a8: {  	[tilespmem:v3+s19+$0x0] =	vst.idx.add.f32.msk $0xffff, v2  }
0x2a9: {  	[tilespmem:v6+s19+$0x0] =	vst.idx.add.f32.msk $0xffff, v2  }
0x2aa: {  	[tilespmem:v4+s19+$0x0] =	vst.idx.add.f32.msk $0xffff, v2  }
0x2ab: {  	[tilespmem:v5+s19+$0x0] =	vst.idx.add.f32.msk $0xffff, v2  }
0x2ac: {  	v3 =	vld [tilespmem:$0x2700];
	_ =	sdelay $0x4  }
0x2ad: {  	vm0 =	vgt.s32 v3, $0x7CF;
	vm1 =	vgt.s32 v3, $0xF9F  }
0x2ae: {  	vm14 =	vgt.s32 v3, $0x176F;
	v60 =	vsel vm0, $0x1, v1;
	v61 =	vsel vm1, $0x1, v1  }
0x2af: {  	vm15 =	vgt.s32 v3, $0x1F3F;
	v62 =	vsel vm14, $0x1, v1;
	v4 =	vadd.s32 v61, v60  }
0x2b0: {  	v63 =	vsel vm15, $0x1, v1;
	v4 =	vadd.s32 v62, v4  }
0x2b1: {  	v4 =	vadd.s32 v63, v4  }
0x2b2: {  	v5 =	vmul.u32 $0xFFFFF830, v4;
	_ =	sdelay $0x1  }
0x2b3: {  	v4 =	vshll.u32 v4, $0x7;
	v3 =	vadd.s32 v3, v5  }
0x2b4: {  	v4 =	vand.u32 $0x380, v4;
	v5 =	vand.u32 $0x7F, v3;
	v3 =	vshll.u32 v3, $0x3  }
0x2b5: {  	v3 =	vand.u32 $0xFFFFFC00, v3;
	v4 =	vor.u32 v4, v5  }
0x2b6: {  	v3 =	vor.u32 v3, v4;
	_ =	sdelay $0x4  }
0x2b7: {  	[tilespmem:v3+s19+$0x0] =	vst.idx.add.f32.msk $0xffff, v2  }
0x2b8: {  	[hbm4b:s10+s2] =	stream.linear.scatter [tilespmem:s19], [sflag:$0x1], $0x80, $0x38;
	[tilespmem:$0x6780] =	vst v63  }
0x2b9: {  	s0 =	sadd.s32 $0x80, s10;
	s1 =	simm.s32 $0x2B80  }
0x2ba: {  	[hbm4b:s0+s2] =	stream.linear.scatter [tilespmem:s1], [sflag:$0x1], $0x80, $0x38;
	[tilespmem:$0x6780] =	vst v63  }
0x2bb: {  	s31 =	simm.s32 $0x2F80;
	s1 =	sadd.s32 $0x100, s10  }
0x2bc: {  	[hbm4b:s1+s2] =	stream.linear.scatter [tilespmem:s31], [sflag:$0x1], $0x80, $0x38;
	[tilespmem:$0x6780] =	vst v63  }
0x2bd: {  	s1 =	sadd.s32 $0x180, s10;
	s31 =	simm.s32 $0x3380  }
0x2be: {  	[hbm4b:s1+s2] =	stream.linear.scatter [tilespmem:s31], [sflag:$0x1], $0x80, $0x38;
	[tilespmem:$0x6780] =	vst v63  }
0x2bf: {  	s1 =	sadd.s32 $0x200, s10;
	s31 =	simm.s32 $0x3780  }
0x2c0: {  	[hbm4b:s1+s2] =	stream.linear.scatter [tilespmem:s31], [sflag:$0x1], $0x80, $0x38;
	[tilespmem:$0x6780] =	vst v63  }
0x2c1: {  	s1 =	sadd.s32 $0x280, s10;
	s31 =	simm.s32 $0x3B80  }
0x2c2: {  	[hbm4b:s1+s2] =	stream.linear.scatter [tilespmem:s31], [sflag:$0x1], $0x80, $0x38;
	[tilespmem:$0x6780] =	vst v63  }
0x2c3: {  	s1 =	sadd.s32 $0x300, s10;
	s31 =	simm.s32 $0x3F80  }
0x2c4: {  	[hbm4b:s1+s2] =	stream.linear.scatter [tilespmem:s31], [sflag:$0x1], $0x80, $0x38;
	[tilespmem:$0x6780] =	vst v63  }
0x2c5: {  	s1 =	sadd.s32 $0x380, s10;
	s31 =	simm.s32 $0x4380  }
0x2c6: {  	[hbm4b:s1+s2] =	stream.linear.scatter [tilespmem:s31], [sflag:$0x1], $0x80, $0x38;
	[tilespmem:$0x6780] =	vst v63  }
0x2c7: {  	s1 =	sadd.s32 $0x400, s10;
	s31 =	simm.s32 $0x4780  }
0x2c8: {  	[hbm4b:s1+s2] =	stream.linear.scatter [tilespmem:s31], [sflag:$0x1], $0x80, $0x38;
	[tilespmem:$0x6780] =	vst v63  }
0x2c9: {  	s1 =	sadd.s32 $0x480, s10;
	s31 =	simm.s32 $0x4B80  }
0x2ca: {  	[hbm4b:s1+s2] =	stream.linear.scatter [tilespmem:s31], [sflag:$0x1], $0x80, $0x38;
	[tilespmem:$0x6780] =	vst v63  }
0x2cb: {  	s1 =	sadd.s32 $0x500, s10;
	s31 =	simm.s32 $0x4F80  }
0x2cc: {  	[hbm4b:s1+s2] =	stream.linear.scatter [tilespmem:s31], [sflag:$0x1], $0x80, $0x38;
	[tilespmem:$0x6780] =	vst v63  }
0x2cd: {  	s1 =	sadd.s32 $0x580, s10;
	s31 =	simm.s32 $0x5380  }
0x2ce: {  	[hbm4b:s1+s2] =	stream.linear.scatter [tilespmem:s31], [sflag:$0x1], $0x80, $0x38;
	[tilespmem:$0x6780] =	vst v63  }
0x2cf: {  	s1 =	sadd.s32 $0x600, s10;
	s31 =	simm.s32 $0x5780  }
0x2d0: {  	[hbm4b:s1+s2] =	stream.linear.scatter [tilespmem:s31], [sflag:$0x1], $0x80, $0x38;
	[tilespmem:$0x6780] =	vst v63  }
0x2d1: {  	s1 =	sadd.s32 $0x680, s10;
	s31 =	simm.s32 $0x5B80  }
0x2d2: {  	[hbm4b:s1+s2] =	stream.linear.scatter [tilespmem:s31], [sflag:$0x1], $0x80, $0x38;
	[tilespmem:$0x6780] =	vst v63  }
0x2d3: {  	s1 =	sadd.s32 $0x700, s10;
	s31 =	simm.s32 $0x5F80  }
0x2d4: {  	[hbm4b:s1+s2] =	stream.linear.scatter [tilespmem:s31], [sflag:$0x1], $0x80, $0x38;
	[tilespmem:$0x6780] =	vst v63  }
0x2d5: {  	s1 =	sadd.s32 $0x780, s10;
	s31 =	simm.s32 $0x6380  }
0x2d6: {  	[hbm4b:s1+s2] =	stream.linear.scatter [tilespmem:s31], [sflag:$0x1], $0x80, $0x38;
	[tilespmem:$0x6780] =	vst v63  }
0x2d7: {  	_ =	swait.ge [sflag:s18], $0x800  }
0x2d8: {  	[sflag:s18] =	ssyncset.done $0x0  }
0x2d9: {  	s31 =	simm.s32 $0x2800;
	[sflag:s18] =	ssyncadd.s32 $0xFFFFF800  }
0x2da: {  	[hbm4b:s11+s2] =	stream.linear.scatter [tilespmem:s31], [sflag:$0x1], $0x80, $0x38;
	[tilespmem:$0x6780] =	vst v63  }
0x2db: {  	s1 =	sadd.s32 $0x80, s11;
	s31 =	simm.s32 $0x2C00  }
0x2dc: {  	[hbm4b:s1+s2] =	stream.linear.scatter [tilespmem:s31], [sflag:$0x1], $0x80, $0x38;
	[tilespmem:$0x6780] =	vst v63  }
0x2dd: {  	s1 =	sadd.s32 $0x100, s11;
	s31 =	simm.s32 $0x3000  }
0x2de: {  	[hbm4b:s1+s2] =	stream.linear.scatter [tilespmem:s31], [sflag:$0x1], $0x80, $0x38;
	[tilespmem:$0x6780] =	vst v63  }
0x2df: {  	s1 =	sadd.s32 $0x180, s11;
	s31 =	simm.s32 $0x3400  }
0x2e0: {  	[hbm4b:s1+s2] =	stream.linear.scatter [tilespmem:s31], [sflag:$0x1], $0x80, $0x38;
	[tilespmem:$0x6780] =	vst v63  }
0x2e1: {  	s1 =	sadd.s32 $0x200, s11;
	s31 =	simm.s32 $0x3800  }
0x2e2: {  	[hbm4b:s1+s2] =	stream.linear.scatter [tilespmem:s31], [sflag:$0x1], $0x80, $0x38;
	[tilespmem:$0x6780] =	vst v63  }
0x2e3: {  	s1 =	sadd.s32 $0x280, s11;
	s31 =	simm.s32 $0x3C00  }
0x2e4: {  	[hbm4b:s1+s2] =	stream.linear.scatter [tilespmem:s31], [sflag:$0x1], $0x80, $0x38;
	[tilespmem:$0x6780] =	vst v63  }
0x2e5: {  	s1 =	sadd.s32 $0x300, s11;
	s31 =	simm.s32 $0x4000  }
0x2e6: {  	[hbm4b:s1+s2] =	stream.linear.scatter [tilespmem:s31], [sflag:$0x1], $0x80, $0x38;
	[tilespmem:$0x6780] =	vst v63  }
0x2e7: {  	s1 =	sadd.s32 $0x380, s11;
	s31 =	simm.s32 $0x4400  }
0x2e8: {  	[hbm4b:s1+s2] =	stream.linear.scatter [tilespmem:s31], [sflag:$0x1], $0x80, $0x38;
	[tilespmem:$0x6780] =	vst v63  }
0x2e9: {  	s1 =	sadd.s32 $0x400, s11;
	s31 =	simm.s32 $0x4800  }
0x2ea: {  	[hbm4b:s1+s2] =	stream.linear.scatter [tilespmem:s31], [sflag:$0x1], $0x80, $0x38;
	[tilespmem:$0x6780] =	vst v63  }
0x2eb: {  	s1 =	sadd.s32 $0x480, s11;
	s31 =	simm.s32 $0x4C00  }
0x2ec: {  	[hbm4b:s1+s2] =	stream.linear.scatter [tilespmem:s31], [sflag:$0x1], $0x80, $0x38;
	[tilespmem:$0x6780] =	vst v63  }
0x2ed: {  	s1 =	sadd.s32 $0x500, s11;
	s31 =	simm.s32 $0x5000  }
0x2ee: {  	[hbm4b:s1+s2] =	stream.linear.scatter [tilespmem:s31], [sflag:$0x1], $0x80, $0x38;
	[tilespmem:$0x6780] =	vst v63  }
0x2ef: {  	s1 =	sadd.s32 $0x580, s11;
	s31 =	simm.s32 $0x5400  }
0x2f0: {  	[hbm4b:s1+s2] =	stream.linear.scatter [tilespmem:s31], [sflag:$0x1], $0x80, $0x38;
	[tilespmem:$0x6780] =	vst v63  }
0x2f1: {  	s1 =	sadd.s32 $0x600, s11;
	s31 =	simm.s32 $0x5800  }
0x2f2: {  	[hbm4b:s1+s2] =	stream.linear.scatter [tilespmem:s31], [sflag:$0x1], $0x80, $0x38;
	[tilespmem:$0x6780] =	vst v63  }
0x2f3: {  	s1 =	sadd.s32 $0x680, s11;
	s31 =	simm.s32 $0x5C00  }
0x2f4: {  	[hbm4b:s1+s2] =	stream.linear.scatter [tilespmem:s31], [sflag:$0x1], $0x80, $0x38;
	[tilespmem:$0x6780] =	vst v63  }
0x2f5: {  	s1 =	sadd.s32 $0x700, s11;
	s31 =	simm.s32 $0x6000  }
0x2f6: {  	[hbm4b:s1+s2] =	stream.linear.scatter [tilespmem:s31], [sflag:$0x1], $0x80, $0x38;
	[tilespmem:$0x6780] =	vst v63  }
0x2f7: {  	s1 =	sadd.s32 $0x780, s11;
	s31 =	simm.s32 $0x6400  }
0x2f8: {  	[hbm4b:s1+s2] =	stream.linear.scatter [tilespmem:s31], [sflag:$0x1], $0x80, $0x38;
	[tilespmem:$0x6780] =	vst v63  }
0x2f9: {  	_ =	swait.ge [sflag:s18], $0x800  }
0x2fa: {  	[sflag:s18] =	ssyncset.done $0x0  }
0x2fb: {  	s31 =	simm.s32 $0x2880;
	[sflag:s18] =	ssyncadd.s32 $0xFFFFF800  }
0x2fc: {  	[hbm4b:s12+s2] =	stream.linear.scatter [tilespmem:s31], [sflag:$0x1], $0x80, $0x38;
	[tilespmem:$0x6780] =	vst v63  }
0x2fd: {  	s1 =	sadd.s32 $0x80, s12;
	s31 =	simm.s32 $0x2C80  }
0x2fe: {  	[hbm4b:s1+s2] =	stream.linear.scatter [tilespmem:s31], [sflag:$0x1], $0x80, $0x38;
	[tilespmem:$0x6780] =	vst v63  }
0x2ff: {  	s1 =	sadd.s32 $0x100, s12;
	s31 =	simm.s32 $0x3080  }
0x300: {  	[hbm4b:s1+s2] =	stream.linear.scatter [tilespmem:s31], [sflag:$0x1], $0x80, $0x38;
	[tilespmem:$0x6780] =	vst v63  }
0x301: {  	s1 =	sadd.s32 $0x180, s12;
	s31 =	simm.s32 $0x3480  }
0x302: {  	[hbm4b:s1+s2] =	stream.linear.scatter [tilespmem:s31], [sflag:$0x1], $0x80, $0x38;
	[tilespmem:$0x6780] =	vst v63  }
0x303: {  	s1 =	sadd.s32 $0x200, s12;
	s31 =	simm.s32 $0x3880  }
0x304: {  	[hbm4b:s1+s2] =	stream.linear.scatter [tilespmem:s31], [sflag:$0x1], $0x80, $0x38;
	[tilespmem:$0x6780] =	vst v63  }
0x305: {  	s1 =	sadd.s32 $0x280, s12;
	s31 =	simm.s32 $0x3C80  }
0x306: {  	[hbm4b:s1+s2] =	stream.linear.scatter [tilespmem:s31], [sflag:$0x1], $0x80, $0x38;
	[tilespmem:$0x6780] =	vst v63  }
0x307: {  	s1 =	sadd.s32 $0x300, s12;
	s31 =	simm.s32 $0x4080  }
0x308: {  	[hbm4b:s1+s2] =	stream.linear.scatter [tilespmem:s31], [sflag:$0x1], $0x80, $0x38;
	[tilespmem:$0x6780] =	vst v63  }
0x309: {  	s1 =	sadd.s32 $0x380, s12;
	s31 =	simm.s32 $0x4480  }
0x30a: {  	[hbm4b:s1+s2] =	stream.linear.scatter [tilespmem:s31], [sflag:$0x1], $0x80, $0x38;
	[tilespmem:$0x6780] =	vst v63  }
0x30b: {  	s1 =	sadd.s32 $0x400, s12;
	s31 =	simm.s32 $0x4880  }
0x30c: {  	[hbm4b:s1+s2] =	stream.linear.scatter [tilespmem:s31], [sflag:$0x1], $0x80, $0x38;
	[tilespmem:$0x6780] =	vst v63  }
0x30d: {  	s1 =	sadd.s32 $0x480, s12;
	s31 =	simm.s32 $0x4C80  }
0x30e: {  	[hbm4b:s1+s2] =	stream.linear.scatter [tilespmem:s31], [sflag:$0x1], $0x80, $0x38;
	[tilespmem:$0x6780] =	vst v63  }
0x30f: {  	s1 =	sadd.s32 $0x500, s12;
	s31 =	simm.s32 $0x5080  }
0x310: {  	[hbm4b:s1+s2] =	stream.linear.scatter [tilespmem:s31], [sflag:$0x1], $0x80, $0x38;
	[tilespmem:$0x6780] =	vst v63  }
0x311: {  	s1 =	sadd.s32 $0x580, s12;
	s31 =	simm.s32 $0x5480  }
0x312: {  	[hbm4b:s1+s2] =	stream.linear.scatter [tilespmem:s31], [sflag:$0x1], $0x80, $0x38;
	[tilespmem:$0x6780] =	vst v63  }
0x313: {  	s1 =	sadd.s32 $0x600, s12;
	s31 =	simm.s32 $0x5880  }
0x314: {  	[hbm4b:s1+s2] =	stream.linear.scatter [tilespmem:s31], [sflag:$0x1], $0x80, $0x38;
	[tilespmem:$0x6780] =	vst v63  }
0x315: {  	s1 =	sadd.s32 $0x680, s12;
	s31 =	simm.s32 $0x5C80  }
0x316: {  	[hbm4b:s1+s2] =	stream.linear.scatter [tilespmem:s31], [sflag:$0x1], $0x80, $0x38;
	[tilespmem:$0x6780] =	vst v63  }
0x317: {  	s1 =	sadd.s32 $0x700, s12;
	s31 =	simm.s32 $0x6080  }
0x318: {  	[hbm4b:s1+s2] =	stream.linear.scatter [tilespmem:s31], [sflag:$0x1], $0x80, $0x38;
	[tilespmem:$0x6780] =	vst v63  }
0x319: {  	s1 =	sadd.s32 $0x780, s12;
	s31 =	simm.s32 $0x6480  }
0x31a: {  	[hbm4b:s1+s2] =	stream.linear.scatter [tilespmem:s31], [sflag:$0x1], $0x80, $0x38;
	[tilespmem:$0x6780] =	vst v63  }
0x31b: {  	_ =	swait.ge [sflag:s18], $0x800  }
0x31c: {  	[sflag:s18] =	ssyncset.done $0x0  }
0x31d: {  	s31 =	simm.s32 $0x2900;
	[sflag:s18] =	ssyncadd.s32 $0xFFFFF800  }
0x31e: {  	[hbm4b:s13+s2] =	stream.linear.scatter [tilespmem:s31], [sflag:$0x1], $0x80, $0x38;
	[tilespmem:$0x6780] =	vst v63  }
0x31f: {  	s1 =	sadd.s32 $0x80, s13;
	s31 =	simm.s32 $0x2D00  }
0x320: {  	[hbm4b:s1+s2] =	stream.linear.scatter [tilespmem:s31], [sflag:$0x1], $0x80, $0x38;
	[tilespmem:$0x6780] =	vst v63  }
0x321: {  	s1 =	sadd.s32 $0x100, s13;
	s31 =	simm.s32 $0x3100  }
0x322: {  	[hbm4b:s1+s2] =	stream.linear.scatter [tilespmem:s31], [sflag:$0x1], $0x80, $0x38;
	[tilespmem:$0x6780] =	vst v63  }
0x323: {  	s1 =	sadd.s32 $0x180, s13;
	s31 =	simm.s32 $0x3500  }
0x324: {  	[hbm4b:s1+s2] =	stream.linear.scatter [tilespmem:s31], [sflag:$0x1], $0x80, $0x38;
	[tilespmem:$0x6780] =	vst v63  }
0x325: {  	s1 =	sadd.s32 $0x200, s13;
	s31 =	simm.s32 $0x3900  }
0x326: {  	[hbm4b:s1+s2] =	stream.linear.scatter [tilespmem:s31], [sflag:$0x1], $0x80, $0x38;
	[tilespmem:$0x6780] =	vst v63  }
0x327: {  	s1 =	sadd.s32 $0x280, s13;
	s31 =	simm.s32 $0x3D00  }
0x328: {  	[hbm4b:s1+s2] =	stream.linear.scatter [tilespmem:s31], [sflag:$0x1], $0x80, $0x38;
	[tilespmem:$0x6780] =	vst v63  }
0x329: {  	s1 =	sadd.s32 $0x300, s13;
	s31 =	simm.s32 $0x4100  }
0x32a: {  	[hbm4b:s1+s2] =	stream.linear.scatter [tilespmem:s31], [sflag:$0x1], $0x80, $0x38;
	[tilespmem:$0x6780] =	vst v63  }
0x32b: {  	s1 =	sadd.s32 $0x380, s13;
	s31 =	simm.s32 $0x4500  }
0x32c: {  	[hbm4b:s1+s2] =	stream.linear.scatter [tilespmem:s31], [sflag:$0x1], $0x80, $0x38;
	[tilespmem:$0x6780] =	vst v63  }
0x32d: {  	s1 =	sadd.s32 $0x400, s13;
	s31 =	simm.s32 $0x4900  }
0x32e: {  	[hbm4b:s1+s2] =	stream.linear.scatter [tilespmem:s31], [sflag:$0x1], $0x80, $0x38;
	[tilespmem:$0x6780] =	vst v63  }
0x32f: {  	s1 =	sadd.s32 $0x480, s13;
	s31 =	simm.s32 $0x4D00  }
0x330: {  	[hbm4b:s1+s2] =	stream.linear.scatter [tilespmem:s31], [sflag:$0x1], $0x80, $0x38;
	[tilespmem:$0x6780] =	vst v63  }
0x331: {  	s1 =	sadd.s32 $0x500, s13;
	s31 =	simm.s32 $0x5100  }
0x332: {  	[hbm4b:s1+s2] =	stream.linear.scatter [tilespmem:s31], [sflag:$0x1], $0x80, $0x38;
	[tilespmem:$0x6780] =	vst v63  }
0x333: {  	s1 =	sadd.s32 $0x580, s13;
	s31 =	simm.s32 $0x5500  }
0x334: {  	[hbm4b:s1+s2] =	stream.linear.scatter [tilespmem:s31], [sflag:$0x1], $0x80, $0x38;
	[tilespmem:$0x6780] =	vst v63  }
0x335: {  	s1 =	sadd.s32 $0x600, s13;
	s31 =	simm.s32 $0x5900  }
0x336: {  	[hbm4b:s1+s2] =	stream.linear.scatter [tilespmem:s31], [sflag:$0x1], $0x80, $0x38;
	[tilespmem:$0x6780] =	vst v63  }
0x337: {  	s1 =	sadd.s32 $0x680, s13;
	s31 =	simm.s32 $0x5D00  }
0x338: {  	[hbm4b:s1+s2] =	stream.linear.scatter [tilespmem:s31], [sflag:$0x1], $0x80, $0x38;
	[tilespmem:$0x6780] =	vst v63  }
0x339: {  	s1 =	sadd.s32 $0x700, s13;
	s31 =	simm.s32 $0x6100  }
0x33a: {  	[hbm4b:s1+s2] =	stream.linear.scatter [tilespmem:s31], [sflag:$0x1], $0x80, $0x38;
	[tilespmem:$0x6780] =	vst v63  }
0x33b: {  	s1 =	sadd.s32 $0x780, s13;
	s31 =	simm.s32 $0x6500  }
0x33c: {  	[hbm4b:s1+s2] =	stream.linear.scatter [tilespmem:s31], [sflag:$0x1], $0x80, $0x38;
	[tilespmem:$0x6780] =	vst v63  }
0x33d: {  	_ =	swait.ge [sflag:s18], $0x800  }
0x33e: {  	[sflag:s18] =	ssyncset.done $0x0  }
0x33f: {  	s31 =	simm.s32 $0x2980;
	[sflag:s18] =	ssyncadd.s32 $0xFFFFF800  }
0x340: {  	[hbm4b:s14+s2] =	stream.linear.scatter [tilespmem:s31], [sflag:$0x1], $0x80, $0x38;
	[tilespmem:$0x6780] =	vst v63  }
0x341: {  	s1 =	sadd.s32 $0x80, s14;
	s31 =	simm.s32 $0x2D80  }
0x342: {  	[hbm4b:s1+s2] =	stream.linear.scatter [tilespmem:s31], [sflag:$0x1], $0x80, $0x38;
	[tilespmem:$0x6780] =	vst v63  }
0x343: {  	s31 =	sadd.s32 $0x100, s14  }
0x344: {  	[hbm4b:s31+s2] =	stream.linear.scatter [tilespmem:s16], [sflag:$0x1], $0x80, $0x38;
	[tilespmem:$0x6780] =	vst v63  }
0x345: {  	s1 =	sadd.s32 $0x180, s14  }
0x346: {  	[hbm4b:s1+s2] =	stream.linear.scatter [tilespmem:s17], [sflag:$0x1], $0x80, $0x38;
	[tilespmem:$0x6780] =	vst v63  }
0x347: {  	s31 =	sadd.s32 $0x200, s14  }
0x348: {  	[hbm4b:s31+s2] =	stream.linear.scatter [tilespmem:s20], [sflag:$0x1], $0x80, $0x38;
	[tilespmem:$0x6780] =	vst v63  }
0x349: {  	s1 =	sadd.s32 $0x280, s14  }
0x34a: {  	[hbm4b:s1+s2] =	stream.linear.scatter [tilespmem:s21], [sflag:$0x1], $0x80, $0x38;
	[tilespmem:$0x6780] =	vst v63  }
0x34b: {  	s31 =	sadd.s32 $0x300, s14  }
0x34c: {  	[hbm4b:s31+s2] =	stream.linear.scatter [tilespmem:s9], [sflag:$0x1], $0x80, $0x38;
	[tilespmem:$0x6780] =	vst v63  }
0x34d: {  	s1 =	sadd.s32 $0x380, s14  }
0x34e: {  	[hbm4b:s1+s2] =	stream.linear.scatter [tilespmem:s22], [sflag:$0x1], $0x80, $0x38;
	[tilespmem:$0x6780] =	vst v63  }
0x34f: {  	s31 =	sadd.s32 $0x400, s14  }
0x350: {  	[hbm4b:s31+s2] =	stream.linear.scatter [tilespmem:s23], [sflag:$0x1], $0x80, $0x38;
	[tilespmem:$0x6780] =	vst v63  }
0x351: {  	s1 =	sadd.s32 $0x480, s14  }
0x352: {  	[hbm4b:s1+s2] =	stream.linear.scatter [tilespmem:s24], [sflag:$0x1], $0x80, $0x38;
	[tilespmem:$0x6780] =	vst v63  }
0x353: {  	s31 =	sadd.s32 $0x500, s14  }
0x354: {  	[hbm4b:s31+s2] =	stream.linear.scatter [tilespmem:s25], [sflag:$0x1], $0x80, $0x38;
	[tilespmem:$0x6780] =	vst v63  }
0x355: {  	s1 =	sadd.s32 $0x580, s14  }
0x356: {  	[hbm4b:s1+s2] =	stream.linear.scatter [tilespmem:s26], [sflag:$0x1], $0x80, $0x38;
	[tilespmem:$0x6780] =	vst v63  }
0x357: {  	s31 =	sadd.s32 $0x600, s14  }
0x358: {  	[hbm4b:s31+s2] =	stream.linear.scatter [tilespmem:s28], [sflag:$0x1], $0x80, $0x38;
	[tilespmem:$0x6780] =	vst v63  }
0x359: {  	s1 =	sadd.s32 $0x680, s14  }
0x35a: {  	[hbm4b:s1+s2] =	stream.linear.scatter [tilespmem:s15], [sflag:$0x1], $0x80, $0x38;
	[tilespmem:$0x6780] =	vst v63  }
0x35b: {  	s31 =	sadd.s32 $0x700, s14  }
0x35c: {  	[hbm4b:s31+s2] =	stream.linear.scatter [tilespmem:s29], [sflag:$0x1], $0x80, $0x38;
	[tilespmem:$0x6780] =	vst v63  }
0x35d: {  	s1 =	sadd.s32 $0x780, s14  }
0x35e: {  	[hbm4b:s1+s2] =	stream.linear.scatter [tilespmem:s3], [sflag:$0x1], $0x80, $0x38;
	[tilespmem:$0x6780] =	vst v63  }
0x35f: {  	_ =	swait.ge [sflag:s18], $0x800  }
0x360: {  	s30 =	sadd.s32 $0x1, s30;
	s31 =	rddreg [dreg:$0x4]  }
0x361: {  	p0 =	sne.s32 s30, s31  }
.Ltmp22:
0x362: {  	_ = 	snop;
	(pc) =	sbr.rel @p0 .LBB2_1-.Ltmp22, $3  }
0x363: {  	_ =	sdelay $0x1  }
0x364: {  	[sflag:s18] =	ssyncset.done $0x0  }
0x365: {  	[sflag:s18] =	ssyncadd.s32 $0xFFFFF800  }
0x366: {  	_ =	sfence.sel $0x180000  }
0x367: {  	[bflag:$0x0] =	sbarrier.arrive $0xFFFF  }
0x368: {  	_ =	strace $0x90000047  }
0x369: {  	s0 =	stileid.u32;
	[bflag:$0x2] =	sbarrier.arrive $0xFFFF  }
0x36a: {  	p0 =	sne.s32 s0, $0x0;
	s0 =	rddreg [dreg:$0x1]  }
0x36b: {  	s0 =	sadd.s32 @!p0 $0x100000, s0  }
0x36c: {  	[sflag:s0] =	ssyncadd.tile.s32 @!p0 $0x1;
	_ =	shalt  }
.Lfunc_end2:
_tile_overlayer_lowered:
.L_overlay_start_2:
0x36d: {  	(tag) =	ssettag $0x2  }
0x36e: {  	s0 =	rddreg [dreg:$0x0];
	s2 =	stileid.u32  }
0x36f: {  	s1 =	rddreg [dreg:$0x1];
	p0 =	sne.s32 s2, $0x0  }
0x370: {  	s3 =	rddreg [dreg:$0x2];
	[bflag:$0x3] =	sbarrier.arrive $0xFFFF;
	s2 =	simm.s32 @!p0 $0x1C01  }
0x371: {  	[timem:s3], [sflag:s2] =	dma.local @!p0 [hbm:s0], s1  }
0x372: {  	s0 =	simm.s32 @!p0 $0x1  }
0x373: {  	_ =	swait.ge @!p0 [sflag:s0], s1  }
0x374: {  	s1 =	ssub.s32 @!p0 $0x0, s1;
	[sflag:s0] =	ssyncset.done @!p0 $0x0  }
0x375: {  	[sflag:s0] =	ssyncadd.s32 @!p0 s1  }
0x376: {  	[bflag:$0x3] =	sbarrier.arrive $0xFFFF  }
0x377: {  	_ =	shalt  }

// kernel: kernel.9.cloned.1.call-start
scs
__scs_entry_jumppad:
0x0: {  	(pc) =	sbr.rel $0x88, $3  }
0x1: {  	(tag) =	ssettag $0x0;
	lr =	simm.s32 $0x1  }
0x2: {  	[smem:$0x3F98] =	sst lr;
	_ =	strace $0xD0000000  }
0x3: {  	_ = 	snop  }
0x4: {  	_ = 	snop  }
0x5: {  	_ = 	snop  }
0x6: {  	_ = 	snop  }
0x7: {  	_ = 	snop  }
__scs_overlays_trampoline_lowered:
0x8: {  	[smem:$0x3FA7] =	sst s0  }
0x9: {  	[smem:$0x3FA8] =	sst s1  }
0xa: {  	[smem:$0x3FA9] =	sst s2  }
0xb: {  	[smem:$0x3FAA] =	sst s3  }
0xc: {  	[smem:$0x3FAB] =	sst s4  }
0xd: {  	[smem:$0x3FAC] =	sst s5  }
0xe: {  	[smem:$0x3FAD] =	sst s6  }
0xf: {  	[smem:$0x3FAE] =	sst s7  }
0x10: {  	[smem:$0x3FAF] =	sst s8  }
0x11: {  	[smem:$0x3FB0] =	sst s9;
	s0 =	simm.s32 @!p0 $0x0  }
0x12: {  	s1 =	sld [smem:$0x3F96];
	s0 =	simm.s32 @p0 $0x1  }
0x13: {  	[smem:$0x3FB1] =	sst s0;
	s0 =	simm.s32 @!p1 $0x0  }
0x14: {  	s2 =	sld [smem:$0x3F95];
	s0 =	simm.s32 @p1 $0x1  }
0x15: {  	[smem:$0x3FB2] =	sst s0;
	s0 =	simm.s32 @!p2 $0x0  }
0x16: {  	s3 =	sld [smem:$0x3FDB];
	s0 =	simm.s32 @p2 $0x1  }
0x17: {  	s4 =	simm.s32 $0x1BF5;
	[smem:$0x3FB4] =	sst s0  }
0x18: {  	s0 =	sld [smem:$0x3F97];
	_ =	swait.ge [sflag:s4], $0x0  }
0x19: {  	s7 =	sld [smem:$0x3F98]  }
0x1a: {  	s8 =	sadd.s32 $0xFFFFE003, lr  }
0x1b: {  	s9 =	sadd.s32 $0xFFFFFEF7, lr;
	s5 =	simm.s32 $0xFFFFFFFF;
	p2 =	slt.u32 s8, $0xFFFFF086  }
0x1c: {  	p1 =	slt.u32 s9, $0xF7A;
	s5 =	simm.s32 @!p2 $0x0  }
0x1d: {  	s5 =	simm.s32 @p1 $0x1;
	p0 =	seq.s32 s7, s2  }
0x1e: {  	s7 =	smul.u32 @!p0 $0xF7A, s2;
	p2 =	seq.s32 @!p0 s5, $0x0  }
0x1f: {  	s9 =	smul.u32 $0xF7A, s1;
	s8 =	simm.s32 @!p0 $0x1BF5;
	p2 =	por !p2, p0  }
0x20: {  	[sflag:s8] =	ssyncset.s32 @!p0 $0xFFFFF086;
	s6 =	sadd.s32 @!p0 s3, s7;
	s7 =	simm.s32 @!p0 $0x108  }
0x21: {  	s3 =	sadd.s32 s3, s9;
	s6 =	sadd.s32 @!p0 $0x88, s6;
	s7 =	simm.s32 @p2 $0x1082  }
0x22: {  	[simem:s7], [sflag:s8] =	dma.local @!p0 [hbm:s6], $0xF7A  }
0x23: {  	s9 =	sor.u32 $0xD0000000, s2;
	s6 =	simm.s32 $0x108;
	_ =	swait.ge @!p0 [sflag:s8], $0x0  }
0x24: {  	s3 =	sadd.s32 $0x88, s3;
	s6 =	simm.s32 @!p1 $0x1082;
	[sflag:s4] =	ssyncset.s32 $0xFFFFF086  }
0x25: {  	[simem:s6], [sflag:s4] =	dma.local [hbm:s3], $0xF7A  }
0x26: {  	[smem:$0x3F98] =	sst s1;
	(tag) =	ssettag s2;
	_ =	strace s9  }
0x27: {  	s1 =	sld [smem:$0x3FA8]  }
0x28: {  	s2 =	sld [smem:$0x3FA9]  }
0x29: {  	s4 =	sld [smem:$0x3FAB]  }
0x2a: {  	p0 =	seq.s32 s5, $0x0;
	s5 =	sld [smem:$0x3FAC]  }
0x2b: {  	s6 =	sld [smem:$0x3FAD]  }
0x2c: {  	s7 =	sld [smem:$0x3FAE]  }
0x2d: {  	s3 =	simm.s32 $0x108;
	s8 =	sld [smem:$0x3FAF]  }
0x2e: {  	s3 =	simm.s32 @!p0 $0x1082;
	s9 =	sld [smem:$0x3FB0]  }
0x2f: {  	lr =	sadd.s32 s0, s3;
	s0 =	sld [smem:$0x3FA7]  }
0x30: {  	s3 =	sld [smem:$0x3FAA]  }
0x31: {  	[smem:$0x3FB3] =	sst s10  }
0x32: {  	s10 =	sld [smem:$0x3FB1];
	_ =	sdelay $0x3  }
0x33: {  	p0 =	seq.s32 s10, $0x1;
	s10 =	sld [smem:$0x3FB3];
	_ =	sdelay $0x3  }
0x34: {  	[smem:$0x3FB3] =	sst s10  }
0x35: {  	s10 =	sld [smem:$0x3FB2];
	_ =	sdelay $0x3  }
0x36: {  	p1 =	seq.s32 s10, $0x1;
	s10 =	sld [smem:$0x3FB3];
	_ =	sdelay $0x3  }
0x37: {  	[smem:$0x3FB3] =	sst s10  }
0x38: {  	s10 =	sld [smem:$0x3FB4]  }
0x39: {  	_ = 	snop;
	(pc) =	sbr.ind lr, $3  }
0x3a: {  	_ = 	snop  }
0x3b: {  	_ = 	snop  }
0x3c: {  	p2 =	seq.s32 s10, $0x1;
	s10 =	sld [smem:$0x3FB3]  }
0x3d: {  	_ =	shalt  }
0x3e: {  	_ =	shalt  }
0x3f: {  	_ =	shalt  }
0x40: {  	_ =	shalt  }
0x41: {  	_ =	shalt  }
0x42: {  	_ =	shalt  }
0x43: {  	_ =	shalt  }
0x44: {  	_ =	shalt  }
0x45: {  	_ =	shalt  }
0x46: {  	_ =	shalt  }
0x47: {  	_ =	shalt  }
0x48: {  	_ =	shalt  }
0x49: {  	_ =	shalt  }
0x4a: {  	_ =	shalt  }
0x4b: {  	_ =	shalt  }
0x4c: {  	_ =	shalt  }
0x4d: {  	_ =	shalt  }
0x4e: {  	_ =	shalt  }
0x4f: {  	_ =	shalt  }
0x50: {  	_ =	shalt  }
0x51: {  	_ =	shalt  }
0x52: {  	_ =	shalt  }
0x53: {  	_ =	shalt  }
0x54: {  	_ =	shalt  }
0x55: {  	_ =	shalt  }
0x56: {  	_ =	shalt  }
0x57: {  	_ =	shalt  }
0x58: {  	_ =	shalt  }
0x59: {  	_ =	shalt  }
0x5a: {  	_ =	shalt  }
0x5b: {  	_ =	shalt  }
0x5c: {  	_ =	shalt  }
0x5d: {  	_ =	shalt  }
0x5e: {  	_ =	shalt  }
0x5f: {  	_ =	shalt  }
0x60: {  	_ =	shalt  }
0x61: {  	_ =	shalt  }
0x62: {  	_ =	shalt  }
0x63: {  	_ =	shalt  }
0x64: {  	_ =	shalt  }
0x65: {  	_ =	shalt  }
0x66: {  	_ =	shalt  }
0x67: {  	_ =	shalt  }
0x68: {  	_ =	shalt  }
0x69: {  	_ =	shalt  }
0x6a: {  	_ =	shalt  }
0x6b: {  	_ =	shalt  }
0x6c: {  	_ =	shalt  }
0x6d: {  	_ =	shalt  }
0x6e: {  	_ =	shalt  }
0x6f: {  	_ =	shalt  }
0x70: {  	_ =	shalt  }
0x71: {  	_ =	shalt  }
0x72: {  	_ =	shalt  }
0x73: {  	_ =	shalt  }
0x74: {  	_ =	shalt  }
0x75: {  	_ =	shalt  }
0x76: {  	_ =	shalt  }
0x77: {  	_ =	shalt  }
0x78: {  	_ =	shalt  }
0x79: {  	_ =	shalt  }
0x7a: {  	_ =	shalt  }
0x7b: {  	_ =	shalt  }
0x7c: {  	_ =	shalt  }
0x7d: {  	_ =	shalt  }
0x7e: {  	_ =	shalt  }
0x7f: {  	_ =	shalt  }
0x80: {  	_ =	shalt  }
0x81: {  	_ =	shalt  }
0x82: {  	_ =	shalt  }
0x83: {  	_ =	shalt  }
0x84: {  	_ =	shalt  }
0x85: {  	_ =	shalt  }
0x86: {  	_ =	shalt  }
0x87: {  	_ =	shalt  }
.Lfunc_end0:
.L_simem_size_0:
called_computation.1_lowered:
.L_overlay_start_0:
0x88: {  	s2 =	sld [smem:$0x3FD9]  }
0x89: {  	s3 =	sld [smem:$0x3FFE];
	_ =	sdelay $0x1  }
0x8a: {  	s1 =	srdreg.scid  }
0x8b: {  	s0 =	sand.u32 $0x1, s1  }
0x8c: {  	s16 =	sshll.u32 s0, $0xA;
	s2 =	sadd.s32 s3, s2  }
0x8d: {  	s2 =	sadd.s32 s2, s16  }
0x8e: {  	[smem:$0x3FBF] =	sst s2  }
0x8f: {  	_ = 	snop  }
0x90: {  	(tm) =	ssettm $0x1  }
0x91: {  	s17 =	sld [smem:$0x3FFB];
	_ =	sdelay $0x3  }
0x92: {  	_ =	strace s17  }
0x93: {  	s2 =	sld [smem:$0x3FFC];
	_ =	sdelay $0x3  }
0x94: {  	_ =	strace s2  }
0x95: {  	s2 =	sld [smem:$0x3FFD];
	_ =	sdelay $0x3  }
0x96: {  	_ =	strace s2  }
0x97: {  	_ =	strace $0x8FFFFFFF  }
0x98: {  	s18 =	sld [smem:$0x3FDB];
	_ =	sdelay $0x1  }
0x99: {  	s19 =	simm.s32 $_scs_section_size  }
0x9a: {  	s4 =	simm.s32 $_size__tile_overlayer_lowered;
	s5 =	simm.s32 $_tile_overlayer_lowered  }
0x9b: {  	s22 =	simm.s32 $0x1BFF;
	s21 =	sshll.u32 s5, $0x1;
	s2 =	sadd.s32 s19, s18  }
0x9c: {  	s6 =	simm.s32 $0x0;
	s20 =	sshll.u32 s4, $0x1;
	s4 =	sadd.s32 s21, s2  }
0x9d: {  	[timem:s6], [sflag:s22] =	dma.local [hbm:s4], s20  }
0x9e: {  	_ =	swait.ge [sflag:s22], s20  }
0x9f: {  	s3 =	ssub.s32 $0x0, s20;
	[sflag:s22] =	ssyncset.done $0x0  }
0xa0: {  	[sflag:s22] =	ssyncadd.s32 s3;
	_ =	sdelay $0x1  }
0xa1: {  	s23 =	simm.s32 $0x1B8B  }
0xa2: {  	_ =	swait.ge [sflag:s23], $0x1  }
0xa3: {  	[sflag:s23] =	ssyncset.done $0x0  }
0xa4: {  	s25 =	simm.s32 $0x1B8E;
	s24 =	sld [smem:$0x3FFE];
	[sflag:s23] =	ssyncadd.s32 $0xFFFFFFFF  }
0xa5: {  	s26 =	simm.s32 $execute0_lowered;
	[smem:$0x3FD2] =	sst s25  }
0xa6: {  	s4 =	sshll.u32 s26, $0x1;
	_ =	strace $0x80000049;
	[dreg:$0x1] =	wrdreg $0xFFFFFFFF  }
0xa7: {  	s28 =	simm.s32 $_size_execute0_lowered;
	s2 =	sadd.s32 s2, s4;
	[dreg:$0x0] =	wrdreg $0x0  }
0xa8: {  	s4 =	sshll.u32 s28, $0x1;
	[dreg:$0x2] =	wrdreg s2  }
0xa9: {  	[dreg:$0x3] =	wrdreg s4  }
0xaa: {  	[dreg:$0x4] =	wrdreg $0xC0  }
0xab: {  	_ =	task [dreg:s6], $0x5FFFF  }
0xac: {  	[dreg:$0x1] =	wrdreg $0xFFFFFFFF  }
0xad: {  	[dreg:$0x0] =	wrdreg $0x60  }
0xae: {  	[dreg:$0x2] =	wrdreg s24  }
0xaf: {  	[dreg:$0x3] =	wrdreg $0x0  }
0xb0: {  	[dreg:$0x4] =	wrdreg $0x4E200  }
0xb1: {  	[dreg:$0x5] =	wrdreg $0x9  }
0xb2: {  	_ =	task.clear_ibuf [dreg:s6], $0x6FFFF;
	_ =	strace $0x90000049  }
0xb3: {  	s29 =	simm.s32 $0x9;
	_ =	strace $0x8000004B  }
0xb4: {  	_ =	swait.ge [sflag:s29], $0x1  }
0xb5: {  	[sflag:s29] =	ssyncadd.s32 $0xFFFFFFFF  }
0xb6: {  	_ =	strace $0x9000004B  }
0xb7: {  	_ =	sfence  }
0xb8: {  	s30 =	sld [smem:$0x0];
	_ =	sdelay $0x2  }
0xb9: {  	s31 =	sshll.u32 s1, $0xD;
	s1 =	sshrl.u32 s1, $0x2  }
0xba: {  	s3 =	sand.u32 $0x4000, s31;
	s1 =	sadd.s32 s1, s30  }
0xbb: {  	s0 =	sor.u32 s3, s0;
	s1 =	sshll.u32 s1, $0x11  }
0xbc: {  	s0 =	sor.u32 s1, s0  }
0xbd: {  	s0 =	sadd.s32 $0x8F2B, s0  }
0xbe: {  	[sflag:s0] =	ssyncadd.remote.s32 $0x1  }
0xbf: {  	_ =	sfence.sel $0xFFFF  }
0xc0: {  	[dreg:$0x0] =	wrdreg $0xFFFFFFFF;
	(pc) =	sbr.abs _section_cstart, $3  }
0xc1: {  	[dreg:$0x1] =	wrdreg $0xFFFFFFFF  }
0xc2: {  	_ =	task.clear_ibuf [dreg:s6], $0x2FFFF;
	_ =	strace $0x9FFFFFFF  }
0xc3: {  	(tm) =	ssettm $0x7FFFFFFF  }
tec
execute0_lowered:
.L_overlay_start_1:
0x0: {  	(tag) =	ssettag $0x1  }
0x1: {  	s0 =	rddreg [dreg:$0x0]  }
0x2: {  	s1 =	rddreg [dreg:$0x1]  }
0x3: {  	s3 =	rddreg [dreg:$0x2]  }
0x4: {  	s4 =	simm.s32 $0x0;
	s2 =	srdreg.scid;
	s12 =	stileid.u32  }
0x5: {  	s28 =	simm.s32 $0x12AC0;
	s30 =	simm.s32 $0x14A00;
	s31 =	simm.s32 $0x1  }
0x6: {  	s18 =	simm.s32 $0x0;
	[smem:$0x7FF] =	sst s4;
	s2 =	sand.u32 $0x1, s2  }
0x7: {  	s19 =	smul.u32 $0x7D00, s12;
	s5 =	sadd.s32 $0x2200, s0;
	s6 =	sadd.s32 $0xC000, s0  }
0x8: {  	s8 =	sadd.s32 $0x29E00, s0;
	s9 =	sadd.s32 $0x3DE00, s0;
	s10 =	sshll.u32 s12, $0x1  }
0x9: {  	p0 =	sgt.u32 s12, $0x9;
	_ =	strace $0x8000004A;
	s11 =	ssub.s32 $0x2, s2  }
0xa: {  	s7 =	smul.u32 $0x9C400, s2;
	s2 =	sor.u32 s2, s10;
	s20 =	sshrl.u32 s11, $0x1  }
0xb: {  	s2 =	smul.u32 $0x2800, s2;
	s10 =	sadd.s32 s19, s1;
	s21 =	sshrl.u32 s19, $0x3  }
0xc: {  	s4 =	sadd.s32 s19, s3;
	s7 =	sadd.s32 s19, s7;
	s13 =	sadd.s32 s5, s21  }
0xd: {  	s17 =	sshrl.u32 @!p0 s10, $0x3;
	s19 =	sshrl.u32 @!p0 s4, $0x3;
	[dreg:$0x4] =	wrdreg s13  }
0xe: {  	s4 =	simm.s32 $0x18880;
	s10 =	simm.s32 $0x1C700;
	[dreg:$0xd] =	wrdreg s17  }
0xf: {  	s7 =	sshrl.u32 s7, $0x3;
	s2 =	sshrl.u32 s2, $0x3;
	[dreg:$0xe] =	wrdreg s19  }
0x10: {  	s0 =	sadd.s32 s7, s0;
	s7 =	ssub.s32 s11, s20;
	s11 =	sadd.s32 s6, s21  }
0x11: {  	s13 =	simm.s32 $0x8;
	s22 =	sadd.s32 s8, s2;
	[dreg:$0x5] =	wrdreg s11  }
0x12: {  	s23 =	sadd.s32 $0xA000, s2;
	s2 =	sadd.s32 s9, s2;
	[dreg:$0x6] =	wrdreg s22  }
0x13: {  	s20 =	simm.s32 $0x11;
	s21 =	simm.s32 $0xB;
	[dreg:$0x7] =	wrdreg s2  }
0x14: {  	s24 =	sadd.s32 s8, s23;
	s25 =	sadd.s32 s9, s23;
	s26 =	sadd.s32 $0x51E00, s0  }
0x15: {  	s2 =	sshll.u32 @!p0 s12, $0x6;
	s0 =	sadd.s32 $0x5BA40, s0;
	s29 =	smax.u32 s7, $0x1  }
0x16: {  	s22 =	simm.s32 $0xFA;
	s23 =	simm.s32 $0xEC40;
	[dreg:$0x8] =	wrdreg s24  }
.Ltmp0:
0x17: {  	s7 =	simm.s32 $0x3;
	[dreg:$0x9] =	wrdreg s25;
	(pc) =	sbr.rel .LBB2_1-.Ltmp0, $4  }
0x18: {  	s8 =	simm.s32 $0x1A7C0;
	s9 =	simm.s32 $0x4;
	[dreg:$0xa] =	wrdreg s26  }
0x19: {  	s11 =	simm.s32 $0x5;
	s12 =	simm.s32 $0x7;
	[dreg:$0xb] =	wrdreg s0  }
0x1a: {  	[dreg:$0xc] =	wrdreg s29;
	s16 =	sor.u32 @!p0 $0x1C11, s2;
	s25 =	simm.s32 $0x10B80  }
0x1b: {  	s0 =	simm.s32 $0x16940;
	s2 =	simm.s32 $0x2;
	s24 =	simm.s32 $0xC  }
.LBB2_7:
0x1c: {  	_ =	swait.ge [sflag:s13], $0x1F40  }
0x1d: {  	[sflag:s13] =	ssyncset.done $0x0  }
0x1e: {  	s14 =	simm.s32 $0x9;
	[sflag:s13] =	ssyncadd.s32 $0xFFFFE0C0  }
0x1f: {  	[spmem:s3] =	stream.indirect.scatter.add.f32 [tilespmem:s10], [sflag:$0x10], $0x20, s26, s22, $0xb8;
	[tilespmem:$0x1E640] =	vst v63  }
0x20: {  	_ =	swait.ge [sflag:s14], $0x1F40  }
0x21: {  	[sflag:s14] =	ssyncset.done $0x0  }
0x22: {  	s29 =	simm.s32 $0xA;
	[sflag:s14] =	ssyncadd.s32 $0xFFFFE0C0  }
0x23: {  	_ =	swait.ge [sflag:s29], $0x1F40  }
0x24: {  	[sflag:s29] =	ssyncset.done $0x0  }
0x25: {  	[sflag:s29] =	ssyncadd.s32 $0xFFFFE0C0  }
0x26: {  	_ =	swait.ge [sflag:s21], $0x1F40  }
0x27: {  	[sflag:s21] =	ssyncset.done $0x0  }
0x28: {  	[sflag:s21] =	ssyncadd.s32 $0xFFFFE0C0  }
0x29: {  	_ =	swait.ge [sflag:s24], $0x1F40  }
0x2a: {  	[sflag:s24] =	ssyncset.done $0x0  }
0x2b: {  	s15 =	simm.s32 $0xD;
	[sflag:s24] =	ssyncadd.s32 $0xFFFFE0C0  }
0x2c: {  	_ =	swait.ge [sflag:s15], $0x1F40  }
0x2d: {  	[sflag:s15] =	ssyncset.done $0x0  }
0x2e: {  	s17 =	simm.s32 $0xE;
	[sflag:s15] =	ssyncadd.s32 $0xFFFFE0C0  }
0x2f: {  	_ =	swait.ge [sflag:s17], $0x1F40  }
0x30: {  	[sflag:s17] =	ssyncset.done $0x0  }
0x31: {  	s19 =	simm.s32 $0xF;
	[sflag:s17] =	ssyncadd.s32 $0xFFFFE0C0  }
0x32: {  	_ =	swait.ge [sflag:s19], $0x1F40  }
0x33: {  	[sflag:s19] =	ssyncset.done $0x0  }
0x34: {  	s26 =	simm.s32 $0x10;
	[sflag:s19] =	ssyncadd.s32 $0xFFFFE0C0  }
0x35: {  	_ =	swait.ge [sflag:s26], $0x1F40  }
0x36: {  	[sflag:s26] =	ssyncset.done $0x0  }
0x37: {  	[sflag:s26] =	ssyncadd.s32 $0xFFFFE0C0  }
0x38: {  	[bflag:$0x0] =	sbarrier.arrive $0xFFFF  }
0x39: {  	s14 =	rddreg [dreg:$0xa]  }
0x3a: {  	s17 =	rddreg [dreg:$0xd]  }
0x3b: {  	[hbm:s14], [sflag:s16] =	dma.local @!p0 [spmem:s17], $0xFA0  }
0x3c: {  	s14 =	simm.s32 @!p0 $0x11  }
0x3d: {  	_ =	swait.ge @!p0 [sflag:s14], $0xFA0  }
0x3e: {  	[sflag:s14] =	ssyncset.done @!p0 $0x0;
	s15 =	rddreg [dreg:$0xb]  }
0x3f: {  	s19 =	rddreg [dreg:$0xe];
	[sflag:s14] =	ssyncadd.s32 @!p0 $0xFFFFF060  }
0x40: {  	[hbm:s15], [sflag:s16] =	dma.local @!p0 [spmem:s19], $0xFA0  }
0x41: {  	_ =	swait.ge @!p0 [sflag:s14], $0xFA0  }
0x42: {  	s18 =	sadd.s32 $0x1, s18;
	s29 =	rddreg [dreg:$0xc]  }
0x43: {  	p1 =	sne.s32 s18, s29  }
.Ltmp1:
0x44: {  	_ = 	snop;
	(pc) =	sbr.rel @!p1 .LBB2_8-.Ltmp1, $3  }
0x45: {  	_ =	sdelay $0x1  }
0x46: {  	[sflag:s14] =	ssyncset.done @!p0 $0x0  }
0x47: {  	[sflag:s14] =	ssyncadd.s32 @!p0 $0xFFFFF060  }
.LBB2_1:
0x48: {  	s14 =	rddreg [dreg:$0x4]  }
0x49: {  	[spmem:s17], [sflag:s16] =	dma.local @!p0 [hbm:s14], $0xFA0  }
0x4a: {  	s14 =	simm.s32 @!p0 $0x11  }
0x4b: {  	_ =	swait.ge @!p0 [sflag:s14], $0xFA0  }
0x4c: {  	[sflag:s14] =	ssyncset.done @!p0 $0x0  }
0x4d: {  	s15 =	rddreg [dreg:$0x5];
	[sflag:s14] =	ssyncadd.s32 @!p0 $0xFFFFF060  }
0x4e: {  	[spmem:s19], [sflag:s16] =	dma.local @!p0 [hbm:s15], $0xFA0  }
0x4f: {  	_ =	swait.ge @!p0 [sflag:s14], $0xFA0  }
0x50: {  	[sflag:s14] =	ssyncset.done @!p0 $0x0  }
0x51: {  	[sflag:s14] =	ssyncadd.s32 @!p0 $0xFFFFF060  }
0x52: {  	[bflag:$0x0] =	sbarrier.arrive $0xFFFF  }
0x53: {  	s17 =	simm.s32 $0x9C40;
	s14 =	simm.s32 $0x0;
	s19 =	rddreg [dreg:$0x6]  }
0x54: {  	[tilespmem:s17], [sflag:$0x11] =	stream.linear.gather [hbm4b:s19+s14], $0x2800, $0x38;
	[tilespmem:$0x1E640] =	vst v63  }
0x55: {  	_ =	swait.ge [sflag:s20], $0x2800  }
0x56: {  	[sflag:s20] =	ssyncset.done $0x0  }
0x57: {  	s29 =	simm.s32 $0xC440;
	s26 =	rddreg [dreg:$0x7];
	[sflag:s20] =	ssyncadd.s32 $0xFFFFD800  }
0x58: {  	[tilespmem:s29], [sflag:$0x11] =	stream.linear.gather [hbm4b:s26+s14], $0x2800, $0x38;
	[tilespmem:$0x1E640] =	vst v63  }
0x59: {  	_ =	swait.ge [sflag:s20], $0x2800  }
0x5a: {  	[sflag:s20] =	ssyncset.done $0x0  }
0x5b: {  	[sflag:s20] =	ssyncadd.s32 $0xFFFFD800  }
0x5c: {  	[tilespmem:s23], [sflag:$0x1] =	stream.indirect.gather [hbm4b:s5+s22], $0x20, s17, s22, $0xb8;
	[tilespmem:$0x1E640] =	vst v63  }
0x5d: {  	s19 =	simm.s32 $0x9D40  }
0x5e: {  	[tilespmem:s25], [sflag:$0x2] =	stream.indirect.gather [hbm4b:s5+s22], $0x20, s19, s22, $0xb8;
	[tilespmem:$0x1E640] =	vst v63  }
0x5f: {  	s26 =	simm.s32 $0x9E40  }
0x60: {  	[tilespmem:s28], [sflag:$0x3] =	stream.indirect.gather [hbm4b:s5+s22], $0x20, s26, s22, $0xb8;
	[tilespmem:$0x1E640] =	vst v63  }
0x61: {  	s29 =	simm.s32 $0x9F40;
	s14 =	simm.s32 $0x0  }
0x62: {  	[tilespmem:s30], [sflag:$0x4] =	stream.indirect.gather [hbm4b:s5+s22], $0x20, s29, s22, $0xb8;
	[tilespmem:$0x1E640] =	vst v63  }
.LBB2_2:
0x63: {  	_ =	swait.ge [sflag:s31], $0x1F40  }
0x64: {  	s15 =	sshra.s32 s14, $0x2;
	[sflag:s31] =	ssyncset.done $0x0  }
0x65: {  	p1 =	seq.s32 s14, $0x0;
	s26 =	sadd.s32 $0xC440, s15;
	[sflag:s31] =	ssyncadd.s32 $0xFFFFE0C0  }
0x66: {  	[spmem:s1] =	stream.indirect.scatter.add.f32 [tilespmem:s23], [sflag:$0x9], $0x20, s26, s22, $0xb8;
	[tilespmem:$0x1E640] =	vst v63  }
0x67: {  	s26 =	simm.s32 @!p1 $0xD  }
0x68: {  	_ =	swait.ge @!p1 [sflag:s26], $0x1F40  }
0x69: {  	[sflag:s26] =	ssyncset.done @!p1 $0x0  }
0x6a: {  	s17 =	sadd.s32 $0xA040, s15;
	[sflag:s26] =	ssyncadd.s32 @!p1 $0xFFFFE0C0  }
0x6b: {  	[tilespmem:s0], [sflag:$0x5] =	stream.indirect.gather [hbm4b:s5+s22], $0x20, s17, s22, $0xb8;
	[tilespmem:$0x1E640] =	vst v63  }
0x6c: {  	_ =	swait.ge [sflag:s2], $0x1F40  }
0x6d: {  	[sflag:s2] =	ssyncset.done $0x0  }
0x6e: {  	s19 =	sadd.s32 $0xC540, s15;
	s26 =	simm.s32 @!p1 $0xE;
	[sflag:s2] =	ssyncadd.s32 $0xFFFFE0C0  }
0x6f: {  	[spmem:s1] =	stream.indirect.scatter.add.f32 [tilespmem:s25], [sflag:$0xA], $0x20, s19, s22, $0xb8;
	[tilespmem:$0x1E640] =	vst v63  }
0x70: {  	_ =	swait.ge @!p1 [sflag:s26], $0x1F40  }
0x71: {  	[sflag:s26] =	ssyncset.done @!p1 $0x0  }
0x72: {  	s29 =	sadd.s32 $0xA140, s15;
	[sflag:s26] =	ssyncadd.s32 @!p1 $0xFFFFE0C0  }
0x73: {  	[tilespmem:s4], [sflag:$0x6] =	stream.indirect.gather [hbm4b:s5+s22], $0x20, s29, s22, $0xb8;
	[tilespmem:$0x1E640] =	vst v63  }
0x74: {  	_ =	swait.ge [sflag:s7], $0x1F40  }
0x75: {  	[sflag:s7] =	ssyncset.done $0x0  }
0x76: {  	s17 =	sadd.s32 $0xC640, s15;
	s26 =	simm.s32 @!p1 $0xF;
	[sflag:s7] =	ssyncadd.s32 $0xFFFFE0C0  }
0x77: {  	[spmem:s1] =	stream.indirect.scatter.add.f32 [tilespmem:s28], [sflag:$0xB], $0x20, s17, s22, $0xb8;
	[tilespmem:$0x1E640] =	vst v63  }
0x78: {  	_ =	swait.ge @!p1 [sflag:s26], $0x1F40  }
0x79: {  	[sflag:s26] =	ssyncset.done @!p1 $0x0  }
0x7a: {  	s19 =	sadd.s32 $0xA240, s15;
	[sflag:s26] =	ssyncadd.s32 @!p1 $0xFFFFE0C0  }
0x7b: {  	[tilespmem:s8], [sflag:$0x7] =	stream.indirect.gather [hbm4b:s5+s22], $0x20, s19, s22, $0xb8;
	[tilespmem:$0x1E640] =	vst v63  }
0x7c: {  	_ =	swait.ge [sflag:s9], $0x1F40  }
0x7d: {  	[sflag:s9] =	ssyncset.done $0x0  }
0x7e: {  	s29 =	sadd.s32 $0xC740, s15;
	s26 =	simm.s32 @!p1 $0x10;
	[sflag:s9] =	ssyncadd.s32 $0xFFFFE0C0  }
0x7f: {  	[spmem:s1] =	stream.indirect.scatter.add.f32 [tilespmem:s30], [sflag:$0xC], $0x20, s29, s22, $0xb8;
	[tilespmem:$0x1E640] =	vst v63  }
0x80: {  	_ =	swait.ge @!p1 [sflag:s26], $0x1F40  }
0x81: {  	[sflag:s26] =	ssyncset.done @!p1 $0x0  }
0x82: {  	s17 =	sadd.s32 $0xA340, s15;
	[sflag:s26] =	ssyncadd.s32 @!p1 $0xFFFFE0C0  }
0x83: {  	[tilespmem:s10], [sflag:$0x8] =	stream.indirect.gather [hbm4b:s5+s22], $0x20, s17, s22, $0xb8;
	[tilespmem:$0x1E640] =	vst v63  }
0x84: {  	_ =	swait.ge [sflag:s11], $0x1F40  }
0x85: {  	p1 =	seq.s32 s14, $0x8000;
	[sflag:s11] =	ssyncset.done $0x0  }
0x86: {  	s19 =	sadd.s32 $0xC840, s15;
	s26 =	simm.s32 @p1 $0x6;
	[sflag:s11] =	ssyncadd.s32 $0xFFFFE0C0  }
0x87: {  	[spmem:s1] =	stream.indirect.scatter.add.f32 [tilespmem:s0], [sflag:$0xD], $0x20, s19, s22, $0xb8;
	[tilespmem:$0x1E640] =	vst v63  }
0x88: {  	_ =	swait.ge @p1 [sflag:s26], $0x1F40  }
0x89: {  	[sflag:s26] =	ssyncset.done @p1 $0x0  }
0x8a: {  	[sflag:s26] =	ssyncadd.s32 @p1 $0xFFFFE0C0;
	s26 =	sshra.s32 @p1 s14, $0x2  }
0x8b: {  	s29 =	simm.s32 @p1 $0xFA;
	s19 =	simm.s32 @p1 $0x18880;
	s26 =	sadd.s32 @p1 $0xC940, s26  }
0x8c: {  	[spmem:s1] =	stream.indirect.scatter.add.f32 @p1 [tilespmem:s19], [sflag:$0xE], $0x20, s26, s29, $0xb8;
	[tilespmem:$0x1E640] =	vst v63  }
0x8d: {  	s19 =	simm.s32 @!p1 $0x9  }
0x8e: {  	_ =	swait.ge @!p1 [sflag:s19], $0x1F40  }
0x8f: {  	[sflag:s19] =	ssyncset.done @!p1 $0x0  }
0x90: {  	[sflag:s19] =	ssyncadd.s32 @!p1 $0xFFFFE0C0;
	s19 =	sshra.s32 @!p1 s14, $0x2  }
0x91: {  	s17 =	simm.s32 @!p1 $0xEC40;
	s29 =	simm.s32 @!p1 $0xFA;
	s26 =	sadd.s32 @!p1 $0xA440, s19  }
0x92: {  	[tilespmem:s17], [sflag:$0x1] =	stream.indirect.gather @!p1 [hbm4b:s5+s29], $0x20, s26, s29, $0xb8;
	[tilespmem:$0x1E640] =	vst v63  }
0x93: {  	s17 =	simm.s32 @!p1 $0x6  }
0x94: {  	_ =	swait.ge @!p1 [sflag:s17], $0x1F40  }
0x95: {  	[sflag:s17] =	ssyncset.done @!p1 $0x0  }
0x96: {  	s26 =	simm.s32 @!p1 $0x18880;
	[sflag:s17] =	ssyncadd.s32 @!p1 $0xFFFFE0C0;
	s17 =	sadd.s32 @!p1 $0xC940, s19  }
0x97: {  	[spmem:s1] =	stream.indirect.scatter.add.f32 @!p1 [tilespmem:s26], [sflag:$0xE], $0x20, s17, s29, $0xb8;
	[tilespmem:$0x1E640] =	vst v63  }
0x98: {  	s17 =	simm.s32 @!p1 $0xA  }
0x99: {  	_ =	swait.ge @!p1 [sflag:s17], $0x1F40  }
0x9a: {  	[sflag:s17] =	ssyncset.done @!p1 $0x0  }
0x9b: {  	[sflag:s17] =	ssyncadd.s32 @!p1 $0xFFFFE0C0;
	s17 =	sadd.s32 @!p1 $0xA540, s19;
	s19 =	simm.s32 @!p1 $0x10B80  }
0x9c: {  	[tilespmem:s19], [sflag:$0x2] =	stream.indirect.gather @!p1 [hbm4b:s5+s29], $0x20, s17, s29, $0xb8;
	[tilespmem:$0x1E640] =	vst v63  }
.Ltmp2:
0x9d: {  	_ = 	snop;
	(pc) =	sbr.rel @p1 .LBB2_4-.Ltmp2, $4  }
0x9e: {  	_ =	swait.ge [sflag:s12], $0x1F40  }
0x9f: {  	[sflag:s12] =	ssyncset.done $0x0  }
0xa0: {  	s26 =	sadd.s32 $0xCB40, s15;
	s29 =	sadd.s32 $0xCA40, s15;
	[sflag:s12] =	ssyncadd.s32 $0xFFFFE0C0  }
0xa1: {  	[spmem:s1] =	stream.indirect.scatter.add.f32 [tilespmem:s8], [sflag:$0xF], $0x20, s29, s22, $0xb8;
	[tilespmem:$0x1E640] =	vst v63  }
0xa2: {  	_ =	swait.ge [sflag:s21], $0x1F40  }
0xa3: {  	[sflag:s21] =	ssyncset.done $0x0  }
0xa4: {  	s17 =	sadd.s32 $0xA640, s15;
	[sflag:s21] =	ssyncadd.s32 $0xFFFFE0C0  }
0xa5: {  	[tilespmem:s28], [sflag:$0x3] =	stream.indirect.gather [hbm4b:s5+s22], $0x20, s17, s22, $0xb8;
	[tilespmem:$0x1E640] =	vst v63  }
0xa6: {  	_ =	swait.ge [sflag:s13], $0x1F40  }
0xa7: {  	[sflag:s13] =	ssyncset.done $0x0  }
0xa8: {  	[sflag:s13] =	ssyncadd.s32 $0xFFFFE0C0  }
0xa9: {  	[spmem:s1] =	stream.indirect.scatter.add.f32 [tilespmem:s10], [sflag:$0x10], $0x20, s26, s22, $0xb8;
	[tilespmem:$0x1E640] =	vst v63  }
.Ltmp3:
0xaa: {  	_ = 	snop;
	(pc) =	sbr.rel .LBB2_2-.Ltmp3, $4  }
0xab: {  	_ =	swait.ge [sflag:s24], $0x1F40  }
0xac: {  	[sflag:s24] =	ssyncset.done $0x0  }
0xad: {  	s29 =	sadd.s32 $0xA740, s15;
	s14 =	sadd.s32 $0x2000, s14;
	[sflag:s24] =	ssyncadd.s32 $0xFFFFE0C0  }
0xae: {  	[tilespmem:s30], [sflag:$0x4] =	stream.indirect.gather [hbm4b:s5+s22], $0x20, s29, s22, $0xb8;
	[tilespmem:$0x1E640] =	vst v63  }
.LBB2_4:
0xaf: {  	_ =	swait.ge [sflag:s13], $0x1F40  }
0xb0: {  	[sflag:s13] =	ssyncset.done $0x0  }
0xb1: {  	s14 =	simm.s32 $0x9;
	[sflag:s13] =	ssyncadd.s32 $0xFFFFE0C0  }
0xb2: {  	[spmem:s1] =	stream.indirect.scatter.add.f32 [tilespmem:s10], [sflag:$0x10], $0x20, s26, s22, $0xb8;
	[tilespmem:$0x1E640] =	vst v63  }
0xb3: {  	_ =	swait.ge [sflag:s14], $0x1F40  }
0xb4: {  	[sflag:s14] =	ssyncset.done $0x0  }
0xb5: {  	s29 =	simm.s32 $0xA;
	[sflag:s14] =	ssyncadd.s32 $0xFFFFE0C0  }
0xb6: {  	_ =	swait.ge [sflag:s29], $0x1F40  }
0xb7: {  	[sflag:s29] =	ssyncset.done $0x0  }
0xb8: {  	[sflag:s29] =	ssyncadd.s32 $0xFFFFE0C0  }
0xb9: {  	_ =	swait.ge [sflag:s21], $0x1F40  }
0xba: {  	[sflag:s21] =	ssyncset.done $0x0  }
0xbb: {  	[sflag:s21] =	ssyncadd.s32 $0xFFFFE0C0  }
0xbc: {  	_ =	swait.ge [sflag:s24], $0x1F40  }
0xbd: {  	[sflag:s24] =	ssyncset.done $0x0  }
0xbe: {  	s15 =	simm.s32 $0xD;
	[sflag:s24] =	ssyncadd.s32 $0xFFFFE0C0  }
0xbf: {  	_ =	swait.ge [sflag:s15], $0x1F40  }
0xc0: {  	[sflag:s15] =	ssyncset.done $0x0  }
0xc1: {  	s17 =	simm.s32 $0xE;
	[sflag:s15] =	ssyncadd.s32 $0xFFFFE0C0  }
0xc2: {  	_ =	swait.ge [sflag:s17], $0x1F40  }
0xc3: {  	[sflag:s17] =	ssyncset.done $0x0  }
0xc4: {  	s19 =	simm.s32 $0xF;
	[sflag:s17] =	ssyncadd.s32 $0xFFFFE0C0  }
0xc5: {  	_ =	swait.ge [sflag:s19], $0x1F40  }
0xc6: {  	[sflag:s19] =	ssyncset.done $0x0  }
0xc7: {  	s26 =	simm.s32 $0x10;
	[sflag:s19] =	ssyncadd.s32 $0xFFFFE0C0  }
0xc8: {  	_ =	swait.ge [sflag:s26], $0x1F40  }
0xc9: {  	s14 =	simm.s32 $0x0;
	[sflag:s26] =	ssyncset.done $0x0  }
0xca: {  	s17 =	simm.s32 $0x9C40;
	s15 =	rddreg [dreg:$0x8];
	[sflag:s26] =	ssyncadd.s32 $0xFFFFE0C0  }
0xcb: {  	[tilespmem:s17], [sflag:$0x11] =	stream.linear.gather [hbm4b:s15+s14], $0x2800, $0x38;
	[tilespmem:$0x1E640] =	vst v63  }
0xcc: {  	_ =	swait.ge [sflag:s20], $0x2800  }
0xcd: {  	[sflag:s20] =	ssyncset.done $0x0  }
0xce: {  	s19 =	simm.s32 $0xC440;
	s29 =	rddreg [dreg:$0x9];
	[sflag:s20] =	ssyncadd.s32 $0xFFFFD800  }
0xcf: {  	[tilespmem:s19], [sflag:$0x11] =	stream.linear.gather [hbm4b:s29+s14], $0x2800, $0x38;
	[tilespmem:$0x1E640] =	vst v63  }
0xd0: {  	_ =	swait.ge [sflag:s20], $0x2800  }
0xd1: {  	[sflag:s20] =	ssyncset.done $0x0  }
0xd2: {  	[sflag:s20] =	ssyncadd.s32 $0xFFFFD800  }
0xd3: {  	[tilespmem:s23], [sflag:$0x1] =	stream.indirect.gather [hbm4b:s6+s22], $0x20, s17, s22, $0xb8;
	[tilespmem:$0x1E640] =	vst v63  }
0xd4: {  	s19 =	simm.s32 $0x9D40  }
0xd5: {  	[tilespmem:s25], [sflag:$0x2] =	stream.indirect.gather [hbm4b:s6+s22], $0x20, s19, s22, $0xb8;
	[tilespmem:$0x1E640] =	vst v63  }
0xd6: {  	s26 =	simm.s32 $0x9E40  }
0xd7: {  	[tilespmem:s28], [sflag:$0x3] =	stream.indirect.gather [hbm4b:s6+s22], $0x20, s26, s22, $0xb8;
	[tilespmem:$0x1E640] =	vst v63  }
0xd8: {  	s29 =	simm.s32 $0x9F40  }
0xd9: {  	[tilespmem:s30], [sflag:$0x4] =	stream.indirect.gather [hbm4b:s6+s22], $0x20, s29, s22, $0xb8;
	[tilespmem:$0x1E640] =	vst v63  }
.LBB2_5:
0xda: {  	_ =	swait.ge [sflag:s31], $0x1F40  }
0xdb: {  	s15 =	sshra.s32 s14, $0x2;
	[sflag:s31] =	ssyncset.done $0x0  }
0xdc: {  	p1 =	seq.s32 s14, $0x0;
	s17 =	sadd.s32 $0xC440, s15;
	[sflag:s31] =	ssyncadd.s32 $0xFFFFE0C0  }
0xdd: {  	[spmem:s3] =	stream.indirect.scatter.add.f32 [tilespmem:s23], [sflag:$0x9], $0x20, s17, s22, $0xb8;
	[tilespmem:$0x1E640] =	vst v63  }
0xde: {  	s17 =	simm.s32 @!p1 $0xD  }
0xdf: {  	_ =	swait.ge @!p1 [sflag:s17], $0x1F40  }
0xe0: {  	[sflag:s17] =	ssyncset.done @!p1 $0x0  }
0xe1: {  	s19 =	sadd.s32 $0xA040, s15;
	[sflag:s17] =	ssyncadd.s32 @!p1 $0xFFFFE0C0  }
0xe2: {  	[tilespmem:s0], [sflag:$0x5] =	stream.indirect.gather [hbm4b:s6+s22], $0x20, s19, s22, $0xb8;
	[tilespmem:$0x1E640] =	vst v63  }
0xe3: {  	_ =	swait.ge [sflag:s2], $0x1F40  }
0xe4: {  	[sflag:s2] =	ssyncset.done $0x0  }
0xe5: {  	s26 =	sadd.s32 $0xC540, s15;
	s17 =	simm.s32 @!p1 $0xE;
	[sflag:s2] =	ssyncadd.s32 $0xFFFFE0C0  }
0xe6: {  	[spmem:s3] =	stream.indirect.scatter.add.f32 [tilespmem:s25], [sflag:$0xA], $0x20, s26, s22, $0xb8;
	[tilespmem:$0x1E640] =	vst v63  }
0xe7: {  	_ =	swait.ge @!p1 [sflag:s17], $0x1F40  }
0xe8: {  	[sflag:s17] =	ssyncset.done @!p1 $0x0  }
0xe9: {  	s29 =	sadd.s32 $0xA140, s15;
	[sflag:s17] =	ssyncadd.s32 @!p1 $0xFFFFE0C0  }
0xea: {  	[tilespmem:s4], [sflag:$0x6] =	stream.indirect.gather [hbm4b:s6+s22], $0x20, s29, s22, $0xb8;
	[tilespmem:$0x1E640] =	vst v63  }
0xeb: {  	_ =	swait.ge [sflag:s7], $0x1F40  }
0xec: {  	[sflag:s7] =	ssyncset.done $0x0  }
0xed: {  	s19 =	sadd.s32 $0xC640, s15;
	s17 =	simm.s32 @!p1 $0xF;
	[sflag:s7] =	ssyncadd.s32 $0xFFFFE0C0  }
0xee: {  	[spmem:s3] =	stream.indirect.scatter.add.f32 [tilespmem:s28], [sflag:$0xB], $0x20, s19, s22, $0xb8;
	[tilespmem:$0x1E640] =	vst v63  }
0xef: {  	_ =	swait.ge @!p1 [sflag:s17], $0x1F40  }
0xf0: {  	[sflag:s17] =	ssyncset.done @!p1 $0x0  }
0xf1: {  	s26 =	sadd.s32 $0xA240, s15;
	[sflag:s17] =	ssyncadd.s32 @!p1 $0xFFFFE0C0  }
0xf2: {  	[tilespmem:s8], [sflag:$0x7] =	stream.indirect.gather [hbm4b:s6+s22], $0x20, s26, s22, $0xb8;
	[tilespmem:$0x1E640] =	vst v63  }
0xf3: {  	_ =	swait.ge [sflag:s9], $0x1F40  }
0xf4: {  	[sflag:s9] =	ssyncset.done $0x0  }
0xf5: {  	s29 =	sadd.s32 $0xC740, s15;
	s17 =	simm.s32 @!p1 $0x10;
	[sflag:s9] =	ssyncadd.s32 $0xFFFFE0C0  }
0xf6: {  	[spmem:s3] =	stream.indirect.scatter.add.f32 [tilespmem:s30], [sflag:$0xC], $0x20, s29, s22, $0xb8;
	[tilespmem:$0x1E640] =	vst v63  }
0xf7: {  	_ =	swait.ge @!p1 [sflag:s17], $0x1F40  }
0xf8: {  	[sflag:s17] =	ssyncset.done @!p1 $0x0  }
0xf9: {  	s19 =	sadd.s32 $0xA340, s15;
	[sflag:s17] =	ssyncadd.s32 @!p1 $0xFFFFE0C0  }
0xfa: {  	[tilespmem:s10], [sflag:$0x8] =	stream.indirect.gather [hbm4b:s6+s22], $0x20, s19, s22, $0xb8;
	[tilespmem:$0x1E640] =	vst v63  }
0xfb: {  	_ =	swait.ge [sflag:s11], $0x1F40  }
0xfc: {  	p1 =	seq.s32 s14, $0x8000;
	[sflag:s11] =	ssyncset.done $0x0  }
0xfd: {  	s26 =	sadd.s32 $0xC840, s15;
	s17 =	simm.s32 @p1 $0x6;
	[sflag:s11] =	ssyncadd.s32 $0xFFFFE0C0  }
0xfe: {  	[spmem:s3] =	stream.indirect.scatter.add.f32 [tilespmem:s0], [sflag:$0xD], $0x20, s26, s22, $0xb8;
	[tilespmem:$0x1E640] =	vst v63  }
0xff: {  	_ =	swait.ge @p1 [sflag:s17], $0x1F40  }
0x100: {  	[sflag:s17] =	ssyncset.done @p1 $0x0  }
0x101: {  	[sflag:s17] =	ssyncadd.s32 @p1 $0xFFFFE0C0;
	s17 =	sshra.s32 @p1 s14, $0x2  }
0x102: {  	s19 =	simm.s32 @p1 $0xFA;
	s26 =	simm.s32 @p1 $0x18880;
	s17 =	sadd.s32 @p1 $0xC940, s17  }
0x103: {  	[spmem:s3] =	stream.indirect.scatter.add.f32 @p1 [tilespmem:s26], [sflag:$0xE], $0x20, s17, s19, $0xb8;
	[tilespmem:$0x1E640] =	vst v63  }
0x104: {  	s17 =	simm.s32 @!p1 $0x9  }
0x105: {  	_ =	swait.ge @!p1 [sflag:s17], $0x1F40  }
0x106: {  	[sflag:s17] =	ssyncset.done @!p1 $0x0  }
0x107: {  	[sflag:s17] =	ssyncadd.s32 @!p1 $0xFFFFE0C0;
	s17 =	sshra.s32 @!p1 s14, $0x2  }
0x108: {  	s29 =	simm.s32 @!p1 $0xEC40;
	s26 =	simm.s32 @!p1 $0xFA;
	s19 =	sadd.s32 @!p1 $0xA440, s17  }
0x109: {  	[tilespmem:s29], [sflag:$0x1] =	stream.indirect.gather @!p1 [hbm4b:s6+s26], $0x20, s19, s26, $0xb8;
	[tilespmem:$0x1E640] =	vst v63  }
0x10a: {  	s19 =	simm.s32 @!p1 $0x6  }
0x10b: {  	_ =	swait.ge @!p1 [sflag:s19], $0x1F40  }
0x10c: {  	[sflag:s19] =	ssyncset.done @!p1 $0x0  }
0x10d: {  	s29 =	simm.s32 @!p1 $0x18880;
	[sflag:s19] =	ssyncadd.s32 @!p1 $0xFFFFE0C0;
	s19 =	sadd.s32 @!p1 $0xC940, s17  }
0x10e: {  	[spmem:s3] =	stream.indirect.scatter.add.f32 @!p1 [tilespmem:s29], [sflag:$0xE], $0x20, s19, s26, $0xb8;
	[tilespmem:$0x1E640] =	vst v63  }
0x10f: {  	s19 =	simm.s32 @!p1 $0xA  }
0x110: {  	_ =	swait.ge @!p1 [sflag:s19], $0x1F40  }
0x111: {  	[sflag:s19] =	ssyncset.done @!p1 $0x0  }
0x112: {  	s17 =	sadd.s32 @!p1 $0xA540, s17;
	[sflag:s19] =	ssyncadd.s32 @!p1 $0xFFFFE0C0;
	s19 =	simm.s32 @!p1 $0x10B80  }
0x113: {  	[tilespmem:s19], [sflag:$0x2] =	stream.indirect.gather @!p1 [hbm4b:s6+s26], $0x20, s17, s26, $0xb8;
	[tilespmem:$0x1E640] =	vst v63  }
.Ltmp4:
0x114: {  	_ = 	snop;
	(pc) =	sbr.rel @p1 .LBB2_7-.Ltmp4, $4  }
0x115: {  	_ =	swait.ge [sflag:s12], $0x1F40  }
0x116: {  	[sflag:s12] =	ssyncset.done $0x0  }
0x117: {  	s29 =	sadd.s32 $0xCA40, s15;
	s26 =	sadd.s32 $0xCB40, s15;
	[sflag:s12] =	ssyncadd.s32 $0xFFFFE0C0  }
0x118: {  	[spmem:s3] =	stream.indirect.scatter.add.f32 [tilespmem:s8], [sflag:$0xF], $0x20, s29, s22, $0xb8;
	[tilespmem:$0x1E640] =	vst v63  }
0x119: {  	_ =	swait.ge [sflag:s21], $0x1F40  }
0x11a: {  	[sflag:s21] =	ssyncset.done $0x0  }
0x11b: {  	s17 =	sadd.s32 $0xA640, s15;
	[sflag:s21] =	ssyncadd.s32 $0xFFFFE0C0  }
0x11c: {  	[tilespmem:s28], [sflag:$0x3] =	stream.indirect.gather [hbm4b:s6+s22], $0x20, s17, s22, $0xb8;
	[tilespmem:$0x1E640] =	vst v63  }
0x11d: {  	_ =	swait.ge [sflag:s13], $0x1F40  }
0x11e: {  	[sflag:s13] =	ssyncset.done $0x0  }
0x11f: {  	[sflag:s13] =	ssyncadd.s32 $0xFFFFE0C0  }
0x120: {  	[spmem:s3] =	stream.indirect.scatter.add.f32 [tilespmem:s10], [sflag:$0x10], $0x20, s26, s22, $0xb8;
	[tilespmem:$0x1E640] =	vst v63  }
.Ltmp5:
0x121: {  	_ = 	snop;
	(pc) =	sbr.rel .LBB2_5-.Ltmp5, $4  }
0x122: {  	_ =	swait.ge [sflag:s24], $0x1F40  }
0x123: {  	[sflag:s24] =	ssyncset.done $0x0  }
0x124: {  	s29 =	sadd.s32 $0xA740, s15;
	s14 =	sadd.s32 $0x2000, s14;
	[sflag:s24] =	ssyncadd.s32 $0xFFFFE0C0  }
0x125: {  	[tilespmem:s30], [sflag:$0x4] =	stream.indirect.gather [hbm4b:s6+s22], $0x20, s29, s22, $0xb8;
	[tilespmem:$0x1E640] =	vst v63  }
.LBB2_8:
0x126: {  	_ =	sfence.sel $0x180000  }
0x127: {  	[bflag:$0x0] =	sbarrier.arrive $0xFFFF  }
0x128: {  	_ =	strace $0x9000004A  }
0x129: {  	s0 =	stileid.u32;
	[bflag:$0x2] =	sbarrier.arrive $0xFFFF  }
0x12a: {  	p0 =	sne.s32 s0, $0x0;
	s0 =	rddreg [dreg:$0x3]  }
0x12b: {  	s0 =	sadd.s32 @!p0 $0x100000, s0  }
0x12c: {  	[sflag:s0] =	ssyncadd.tile.s32 @!p0 $0x1;
	_ =	shalt  }
.Lfunc_end2:
_tile_overlayer_lowered:
.L_overlay_start_2:
0x12d: {  	(tag) =	ssettag $0x2  }
0x12e: {  	s0 =	rddreg [dreg:$0x0];
	s2 =	stileid.u32  }
0x12f: {  	s1 =	rddreg [dreg:$0x1];
	p0 =	sne.s32 s2, $0x0  }
0x130: {  	s3 =	rddreg [dreg:$0x2];
	[bflag:$0x3] =	sbarrier.arrive $0xFFFF;
	s2 =	simm.s32 @!p0 $0x1C11  }
0x131: {  	[timem:s3], [sflag:s2] =	dma.local @!p0 [hbm:s0], s1  }
0x132: {  	s0 =	simm.s32 @!p0 $0x11  }
0x133: {  	_ =	swait.ge @!p0 [sflag:s0], s1  }
0x134: {  	s1 =	ssub.s32 @!p0 $0x0, s1;
	[sflag:s0] =	ssyncset.done @!p0 $0x0  }
0x135: {  	[sflag:s0] =	ssyncadd.s32 @!p0 s1  }
0x136: {  	[bflag:$0x3] =	sbarrier.arrive $0xFFFF  }
0x137: {  	_ =	shalt  }

</sc_bundles>
